<compile_context>
chip_gen: v7x
topology: tpu7x:2x2x1
jax: 0.10.2.dev20260603
libtpu: 0.0.44.dev20260713+nightly
codegen_flags: <defaults>
</compile_context>

<pallas_src>
import jax
import jax.numpy as jnp
from jax import lax
from jax.experimental import pallas as pl
from jax.experimental.pallas import tpu as pltpu
from jax.experimental.pallas import tpu_sc as plsc

NUM_TX = 4
NUM_STREAMS = 2
NUM_SYM = 14
FFT = 2048
PILOT_SYMS = (2, 11)
PILOT_STRIDE = 4
PILOTS_PER_SYM = FFT // PILOT_STRIDE
PILOTS_PER_STREAM = PILOTS_PER_SYM * 2
DATA_PER_STREAM = NUM_SYM * FFT - PILOTS_PER_STREAM
GRID_PER_STREAM = NUM_SYM * FFT

LANES = 16
BLK = 128
PAIR_IN = NUM_STREAMS * DATA_PER_STREAM
PAIR_OUT = NUM_STREAMS * GRID_PER_STREAM
SYM_OUT = NUM_STREAMS * FFT
SYM_DATA = NUM_STREAMS * (FFT - PILOTS_PER_SYM)
N_PILOTS = NUM_TX * NUM_STREAMS * PILOTS_PER_STREAM
N_SLICE_BUFS = 4
PIL_BASE = N_SLICE_BUFS * SYM_DATA
GROUPS = FFT // LANES

_PSYM_DATA_OFF = []
_src = 0
for _s in range(NUM_SYM):
    if _s in PILOT_SYMS:
        _PSYM_DATA_OFF.append(NUM_STREAMS * _src)
        _src += FFT - PILOTS_PER_SYM
    else:
        _src += FFT


def _sc_pilot_rows(flat_in, flat_pilots, *, pairs, pairs_per_worker):
    mesh = plsc.VectorSubcoreMesh(core_axis_name="c", subcore_axis_name="s")
    info = plsc.get_sparse_core_info()
    nc = info.num_cores
    n_psym = len(PILOT_SYMS)

    @pl.kernel(
        mesh=mesh,
        out_type=jax.ShapeDtypeStruct((pairs * n_psym * SYM_OUT,), jnp.float32),
        scratch_types=[
            pltpu.VMEM((PIL_BASE + N_PILOTS,), jnp.float32),
            pltpu.VMEM((2 * SYM_OUT,), jnp.float32),
            pltpu.VMEM((GROUPS * LANES,), jnp.int32),
            pltpu.SemaphoreType.DMA,
            pltpu.SemaphoreType.DMA,
            pltpu.SemaphoreType.DMA,
        ],
        compiler_params=pltpu.CompilerParams(needs_layout_passes=False),
    )
    def pilot_builder(in_hbm, pil_hbm, out_hbm, big_v, row_v, idx_v,
                      sem_in, sem_r0, sem_r1):
        row_sems = (sem_r0, sem_r1)
        wid = lax.axis_index("s") * nc + lax.axis_index("c")
        lanes = lax.iota(jnp.int32, LANES)
        is_pilot_lane = (lanes & (PILOT_STRIDE - 1)) == 0

        pltpu.sync_copy(pil_hbm, big_v.at[pl.ds(PIL_BASE, N_PILOTS)])

        @plsc.parallel_loop(0, GROUPS, unroll=4)
        def build_idx(gt):
            k = gt * LANES + lanes
            h = k - (k >> 2) - 1
            kq = k >> 2
            dpat = ((h >> 7) << 8) + (h & (BLK - 1))
            ppat = ((kq >> 7) << 8) + (kq & (BLK - 1))
            idx_v[pl.ds(gt * LANES, LANES)] = jnp.where(
                is_pilot_lane, ppat, dpat)

        tasks = []
        for u in range(pairs_per_worker):
            for j in range(n_psym):
                tasks.append((u, j))

        def start_slice(t):
            u, j = tasks[t]
            q = wid * pairs_per_worker + u
            return pltpu.async_copy(
                in_hbm.at[pl.ds(q * PAIR_IN + _PSYM_DATA_OFF[j], SYM_DATA)],
                big_v.at[pl.ds((t % N_SLICE_BUFS) * SYM_DATA, SYM_DATA)],
                sem_in)

        slice_descs = {0: start_slice(0), 1: start_slice(1)}
        row_descs = {}
        for t, (u, j) in enumerate(tasks):
            if t + 2 < len(tasks):
                slice_descs[t + 2] = start_slice(t + 2)
            slice_descs.pop(t).wait()

            q = wid * pairs_per_worker + u
            tx = q & (NUM_TX - 1)
            sbase = (t % N_SLICE_BUFS) * SYM_DATA
            rs = t % 2
            if t - 2 in row_descs:
                row_descs.pop(t - 2).wait()
            pil_off = (PIL_BASE + tx * NUM_STREAMS * PILOTS_PER_STREAM
                       + j * NUM_STREAMS * PILOTS_PER_SYM)
            for s in range(NUM_STREAMS):
                offv = jnp.where(
                    is_pilot_lane,
                    jnp.full((LANES,), pil_off + s * BLK, jnp.int32),
                    jnp.full((LANES,), sbase + s * BLK, jnp.int32))
                rbase = rs * SYM_OUT + s * BLK

                @plsc.parallel_loop(0, GROUPS, unroll=8)
                def gather_group(g, offv=offv, rbase=rbase):
                    iv = idx_v[pl.ds(g * LANES, LANES)] + offv
                    dest = rbase + ((g >> 3) << 8) + ((g & 7) << 4)
                    row_v[pl.ds(dest, LANES)] = (
                        plsc.load_gather(big_v, [iv]))

            row_descs[t] = pltpu.async_copy(
                row_v.at[pl.ds(rs * SYM_OUT, SYM_OUT)],
                out_hbm.at[pl.ds((q * n_psym + j) * SYM_OUT, SYM_OUT)],
                row_sems[rs])

        for d in row_descs.values():
            d.wait()

    return pilot_builder(flat_in, flat_pilots)


def _tc_assemble(in3, pil4, *, pairs):
    in_blocks = DATA_PER_STREAM * NUM_STREAMS // BLK
    out_blocks = GRID_PER_STREAM * NUM_STREAMS // BLK
    sym_blocks = SYM_OUT // BLK

    dense_runs = []
    pilot_dst = []
    src = 0
    for s in range(NUM_SYM):
        if s in PILOT_SYMS:
            pilot_dst.append(s * sym_blocks)
            src += (FFT - PILOTS_PER_SYM) * NUM_STREAMS // BLK
        else:
            so, do = src, s * sym_blocks
            if dense_runs and dense_runs[-1][0] + dense_runs[-1][2] == so:
                a, b, n = dense_runs[-1]
                dense_runs[-1] = (a, b, n + sym_blocks)
            else:
                dense_runs.append((so, do, sym_blocks))
            src += sym_blocks

    pb = 16

    def body(in_ref, pil_ref, out_ref):
        for p in range(pb):
            for so, do, n in dense_runs:
                out_ref[p, pl.ds(do, n), :] = in_ref[p, pl.ds(so, n), :]
            for j, do in enumerate(pilot_dst):
                out_ref[p, pl.ds(do, sym_blocks), :] = pil_ref[p, j]

    return pl.pallas_call(
        body,
        grid=(pairs // pb,),
        in_specs=[
            pl.BlockSpec((pb, in_blocks, BLK), lambda i: (i, 0, 0)),
            pl.BlockSpec((pb, 2, sym_blocks, BLK), lambda i: (i, 0, 0, 0)),
        ],
        out_specs=pl.BlockSpec((pb, out_blocks, BLK), lambda i: (i, 0, 0)),
        out_shape=jax.ShapeDtypeStruct((pairs, out_blocks, BLK), jnp.float32),
    )(in3, pil4)


def kernel(inputs, pilots):
    batch, num_tx, num_streams, dps = inputs.shape
    pairs = batch * num_tx
    flat_in = inputs.reshape(
        batch, num_tx, num_streams, dps // BLK, BLK).transpose(
        0, 1, 3, 2, 4).reshape(-1)
    flat_pil = pilots.reshape(
        num_tx, num_streams, PILOTS_PER_STREAM // BLK, BLK).transpose(
        0, 2, 1, 3).reshape(-1)

    pilot_rows = _sc_pilot_rows(
        flat_in, flat_pil, pairs=pairs, pairs_per_worker=pairs // 32)

    out3 = _tc_assemble(
        flat_in.reshape(pairs, PAIR_IN // BLK, BLK),
        pilot_rows.reshape(pairs, len(PILOT_SYMS), SYM_OUT // BLK, BLK),
        pairs=pairs)

    out = out3.reshape(
        batch, num_tx, NUM_SYM, FFT // BLK, num_streams, BLK).transpose(
        0, 1, 4, 2, 3, 5).reshape(
        batch, num_tx, num_streams, NUM_SYM, FFT)
    return out

# --- scband reference (transcript-rebuilt; emitter-appended) ---
"""Pipeline reference for scband-resource-grid-mapper-83107617178073 (READ-ONLY COPY).

The authoritative reference and input builder live on the scoring server;
editing this copy changes nothing except your own understanding.
"""

import jax, jax.numpy as jnp
import numpy as np

NUM_TX = 4
NUM_STREAMS = 2
NUM_OFDM_SYMBOLS = 14
FFT_SIZE = 2048
PILOT_SYMS = [2, 11]
PILOT_STRIDE = 4
BATCH = 64


def _build_rg_type():
    # 0 = data RE, 1 = pilot RE
    t = np.zeros((NUM_TX, NUM_STREAMS, NUM_OFDM_SYMBOLS, FFT_SIZE), dtype=np.int32)
    for s in PILOT_SYMS:
        t[:, :, s, ::PILOT_STRIDE] = 1
    return t


def setup_inputs(seed: int = 0) -> dict:
    key = jax.random.key(seed)
    k1, k2 = jax.random.split(key)
    rg_type = _build_rg_type()
    num_pilots_per_stream = int((rg_type[0, 0] == 1).sum())
    num_data_per_stream = NUM_OFDM_SYMBOLS * FFT_SIZE - num_pilots_per_stream
    inputs = jax.random.normal(
        k1, (BATCH, NUM_TX, NUM_STREAMS, num_data_per_stream), dtype=jnp.float32)
    pilots = jax.random.normal(
        k2, (NUM_TX, NUM_STREAMS, num_pilots_per_stream), dtype=jnp.float32)
    return {"inputs": inputs, "pilots": pilots}


def reference(inputs, pilots):
    rg_type = _build_rg_type()
    # static scatter indices (np.argwhere is row-major, matching torch.where order)
    pilot_ind = np.argwhere(rg_type == 1)  # [P, 4]
    data_ind = np.argwhere(rg_type == 0)   # [D, 4]

    # template prefilled with pilots (flatten_last_dims(pilots, 3))
    template = jnp.zeros(rg_type.shape, dtype=pilots.dtype)
    template = template.at[tuple(pilot_ind.T)].set(pilots.reshape(-1))

    batch_size = inputs.shape[0]
    # broadcast template to [..., batch]
    template = jnp.broadcast_to(
        template[..., None], rg_type.shape + (batch_size,))

    # flatten_last_dims(inputs, 3).T -> [D, batch]
    flat = inputs.reshape(batch_size, -1).T

    # scatter-overwrite data symbols into the grid
    rg = template.at[tuple(data_ind.T)].set(flat)

    # [num_tx, ns, nsym, fft, batch] -> [batch, num_tx, ns, nsym, fft]
    rg = jnp.transpose(rg, (4, 0, 1, 2, 3))
    return rg

if __name__ == "__main__":
    import jax
    _d = setup_inputs()
    print(jax.jit(kernel)(*tuple(_d.values())))

</pallas_src>

<mosaic_0001>
#map = affine_map<(d0, d1) -> (0)>
module attributes {stable_mosaic.version = 14 : i64} {
  func.func @pilot_builder(%arg0: i32, %arg1: i32, %arg2: memref<14155776xf32, #tpu.memory_space<hbm>>, %arg3: memref<8192xf32, #tpu.memory_space<hbm>>, %arg4: memref<2097152xf32, #tpu.memory_space<hbm>>, %arg5: memref<20480xf32, #tpu.memory_space<vmem>>, %arg6: memref<8192xf32, #tpu.memory_space<vmem>>, %arg7: memref<2048xi32, #tpu.memory_space<vmem>>, %arg8: memref<!tpu.dma_semaphore, #tpu.memory_space<semaphore_mem>>, %arg9: memref<!tpu.dma_semaphore, #tpu.memory_space<semaphore_mem>>, %arg10: memref<!tpu.dma_semaphore, #tpu.memory_space<semaphore_mem>>) attributes {dimension_semantics = [#tpu.dimension_semantics<core_parallel>, #tpu.dimension_semantics<subcore_parallel>], iteration_bounds = array<i64: 2, 16>, scalar_prefetch = 0 : i64, scratch_operands = 6 : i64, tpu.core_type = #tpu.core_type<sc_vector_subcore>, window_params = [{transform_indices = #map}, {transform_indices = #map}, {transform_indices = #map}]} {
    %mul3A = arith.constant 2 : i32
    %mul3A_0 = arith.muli %arg1, %mul3A : i32
    %add3A = arith.addi %mul3A_0, %arg0 : i32
    %iota3A = tpu.iota {dimensions = array<i32: 0>} : vector<16xi32>
    %and3A = arith.constant 3 : i32
    %and3A_1 = vector.broadcast %and3A : i32 to vector<16xi32>
    %and3A_2 = arith.andi %iota3A, %and3A_1 : vector<16xi32>
    %eq3A = arith.constant 0 : i32
    %eq3A_3 = vector.broadcast %eq3A : i32 to vector<16xi32>
    %eq3A_4 = arith.cmpi eq, %and3A_2, %eq3A_3 : vector<16xi32>
    "tpu.region"() ({
      %run_scoped3A = tpu.sem_alloc : memref<!tpu.dma_semaphore, #tpu.memory_space<semaphore_mem>>
      %dma_start3A_1123 = arith.constant 12288 : i32
      %dma_start3A_1124 = tpu.memref_slice %arg5[%dma_start3A_1123] : memref<20480xf32, #tpu.memory_space<vmem>> -> memref<8192xf32, #tpu.memory_space<vmem>>
      %dma_start3A_1125 = arith.constant 12288 : i32
      %dma_start3A_1126 = tpu.memref_slice %arg5[%dma_start3A_1125] : memref<20480xf32, #tpu.memory_space<vmem>> -> memref<8192xf32, #tpu.memory_space<vmem>>
      tpu.enqueue_dma source(%arg3 : memref<8192xf32, #tpu.memory_space<hbm>>) target(%dma_start3A_1126 : memref<8192xf32, #tpu.memory_space<vmem>>) target_semaphore(%run_scoped3A : memref<!tpu.dma_semaphore, #tpu.memory_space<semaphore_mem>>)
      %dma_wait3A_1127 = arith.constant 12288 : i32
      %dma_wait3A_1128 = tpu.memref_slice %arg5[%dma_wait3A_1127] : memref<20480xf32, #tpu.memory_space<vmem>> -> memref<8192xf32, #tpu.memory_space<vmem>>
      %dma_wait3A_1129 = arith.constant 12288 : i32
      %dma_wait3A_1130 = tpu.memref_slice %arg5[%dma_wait3A_1129] : memref<20480xf32, #tpu.memory_space<vmem>> -> memref<8192xf32, #tpu.memory_space<vmem>>
      tpu.wait_dma2 semaphore(%run_scoped3A : memref<!tpu.dma_semaphore, #tpu.memory_space<semaphore_mem>>) src(%arg3 : memref<8192xf32, #tpu.memory_space<hbm>>) dst(%dma_wait3A_1130 : memref<8192xf32, #tpu.memory_space<vmem>>)
      tpu.yield
    }) : () -> ()
    %parallel_loop3A = arith.constant 0 : i32
    %parallel_loop3A_5 = arith.constant 128 : i32
    %parallel_loop3A_6 = arith.constant 1 : i32
    scf.for %parallel_loop3A_1123 = %parallel_loop3A to %parallel_loop3A_5 step %parallel_loop3A_6  : i32 {
      %parallel_loop3A_1124 = arith.constant 16 : i32
      %parallel_loop3A_1125 = arith.muli %parallel_loop3A_1123, %parallel_loop3A_1124 : i32
      %parallel_loop3A_1126 = vector.broadcast %parallel_loop3A_1125 : i32 to vector<16xi32>
      %parallel_loop3A_1127 = arith.addi %parallel_loop3A_1126, %iota3A : vector<16xi32>
      %parallel_loop3A_1128 = arith.constant 2 : i32
      %parallel_loop3A_1129 = vector.broadcast %parallel_loop3A_1128 : i32 to vector<16xi32>
      %parallel_loop3A_1130 = arith.shrsi %parallel_loop3A_1127, %parallel_loop3A_1129 : vector<16xi32>
      %parallel_loop3A_1131 = arith.subi %parallel_loop3A_1127, %parallel_loop3A_1130 : vector<16xi32>
      %parallel_loop3A_1132 = arith.constant 1 : i32
      %parallel_loop3A_1133 = vector.broadcast %parallel_loop3A_1132 : i32 to vector<16xi32>
      %parallel_loop3A_1134 = arith.subi %parallel_loop3A_1131, %parallel_loop3A_1133 : vector<16xi32>
      %parallel_loop3A_1135 = arith.constant 2 : i32
      %parallel_loop3A_1136 = vector.broadcast %parallel_loop3A_1135 : i32 to vector<16xi32>
      %parallel_loop3A_1137 = arith.shrsi %parallel_loop3A_1127, %parallel_loop3A_1136 : vector<16xi32>
      %parallel_loop3A_1138 = arith.constant 7 : i32
      %parallel_loop3A_1139 = vector.broadcast %parallel_loop3A_1138 : i32 to vector<16xi32>
      %parallel_loop3A_1140 = arith.shrsi %parallel_loop3A_1134, %parallel_loop3A_1139 : vector<16xi32>
      %parallel_loop3A_1141 = arith.constant 8 : i32
      %parallel_loop3A_1142 = vector.broadcast %parallel_loop3A_1141 : i32 to vector<16xi32>
      %parallel_loop3A_1143 = arith.shli %parallel_loop3A_1140, %parallel_loop3A_1142 : vector<16xi32>
      %parallel_loop3A_1144 = arith.constant 127 : i32
      %parallel_loop3A_1145 = vector.broadcast %parallel_loop3A_1144 : i32 to vector<16xi32>
      %parallel_loop3A_1146 = arith.andi %parallel_loop3A_1134, %parallel_loop3A_1145 : vector<16xi32>
      %parallel_loop3A_1147 = arith.addi %parallel_loop3A_1143, %parallel_loop3A_1146 : vector<16xi32>
      %parallel_loop3A_1148 = arith.constant 7 : i32
      %parallel_loop3A_1149 = vector.broadcast %parallel_loop3A_1148 : i32 to vector<16xi32>
      %parallel_loop3A_1150 = arith.shrsi %parallel_loop3A_1137, %parallel_loop3A_1149 : vector<16xi32>
      %parallel_loop3A_1151 = arith.constant 8 : i32
      %parallel_loop3A_1152 = vector.broadcast %parallel_loop3A_1151 : i32 to vector<16xi32>
      %parallel_loop3A_1153 = arith.shli %parallel_loop3A_1150, %parallel_loop3A_1152 : vector<16xi32>
      %parallel_loop3A_1154 = arith.constant 127 : i32
      %parallel_loop3A_1155 = vector.broadcast %parallel_loop3A_1154 : i32 to vector<16xi32>
      %parallel_loop3A_1156 = arith.andi %parallel_loop3A_1137, %parallel_loop3A_1155 : vector<16xi32>
      %parallel_loop3A_1157 = arith.addi %parallel_loop3A_1153, %parallel_loop3A_1156 : vector<16xi32>
      %parallel_loop3A_1158 = arith.select %eq3A_4, %parallel_loop3A_1157, %parallel_loop3A_1147 : vector<16xi1>, vector<16xi32>
      %parallel_loop3A_1159 = arith.constant 16 : i32
      %parallel_loop3A_1160 = arith.muli %parallel_loop3A_1123, %parallel_loop3A_1159 : i32
      %parallel_loop3A_1161 = arith.index_cast %parallel_loop3A_1160 : i32 to index
      %parallel_loop3A_1162 = tpu.vector_load %arg7[%parallel_loop3A_1161] {strides = array<i32>} : memref<2048xi32, #tpu.memory_space<vmem>>, vector<16xi32>,
      tpu.vector_store %arg7[%parallel_loop3A_1161], %parallel_loop3A_1158 {strides = array<i32>} : memref<2048xi32, #tpu.memory_space<vmem>>, vector<16xi32>,
    } {sc.loop_unroll_factor = 4 : i64, sc.parallel_access}
    %mul3A_7 = arith.constant 8 : i32
    %mul3A_8 = arith.muli %add3A, %mul3A_7 : i32
    %add3A_9 = arith.constant 0 : i32
    %add3A_10 = arith.addi %mul3A_8, %add3A_9 : i32
    %mul3A_11 = arith.constant 55296 : i32
    %mul3A_12 = arith.muli %add3A_10, %mul3A_11 : i32
    %add3A_13 = arith.constant 8192 : i32
    %add3A_14 = arith.addi %mul3A_12, %add3A_13 : i32
    %dma_start3A = arith.constant 0 : i32
    %dma_start3A_15 = tpu.memref_slice %arg5[%dma_start3A] : memref<20480xf32, #tpu.memory_space<vmem>> -> memref<3072xf32, #tpu.memory_space<vmem>>
    %dma_start3A_16 = tpu.memref_slice %arg2[%add3A_14] : memref<14155776xf32, #tpu.memory_space<hbm>> -> memref<3072xf32, #tpu.memory_space<hbm>>
    %dma_start3A_17 = arith.constant 0 : i32
    %dma_start3A_18 = tpu.memref_slice %arg5[%dma_start3A_17] : memref<20480xf32, #tpu.memory_space<vmem>> -> memref<3072xf32, #tpu.memory_space<vmem>>
    %dma_start3A_19 = tpu.memref_slice %arg2[%add3A_14] : memref<14155776xf32, #tpu.memory_space<hbm>> -> memref<3072xf32, #tpu.memory_space<hbm>>
    tpu.enqueue_dma source(%dma_start3A_19 : memref<3072xf32, #tpu.memory_space<hbm>>) target(%dma_start3A_18 : memref<3072xf32, #tpu.memory_space<vmem>>) target_semaphore(%arg8 : memref<!tpu.dma_semaphore, #tpu.memory_space<semaphore_mem>>)
    %mul3A_20 = arith.constant 8 : i32
    %mul3A_21 = arith.muli %add3A, %mul3A_20 : i32
    %add3A_22 = arith.constant 0 : i32
    %add3A_23 = arith.addi %mul3A_21, %add3A_22 : i32
    %mul3A_24 = arith.constant 55296 : i32
    %mul3A_25 = arith.muli %add3A_23, %mul3A_24 : i32
    %add3A_26 = arith.constant 44032 : i32
    %add3A_27 = arith.addi %mul3A_25, %add3A_26 : i32
    %dma_start3A_28 = arith.constant 3072 : i32
    %dma_start3A_29 = tpu.memref_slice %arg5[%dma_start3A_28] : memref<20480xf32, #tpu.memory_space<vmem>> -> memref<3072xf32, #tpu.memory_space<vmem>>
    %dma_start3A_30 = tpu.memref_slice %arg2[%add3A_27] : memref<14155776xf32, #tpu.memory_space<hbm>> -> memref<3072xf32, #tpu.memory_space<hbm>>
    %dma_start3A_31 = arith.constant 3072 : i32
    %dma_start3A_32 = tpu.memref_slice %arg5[%dma_start3A_31] : memref<20480xf32, #tpu.memory_space<vmem>> -> memref<3072xf32, #tpu.memory_space<vmem>>
    %dma_start3A_33 = tpu.memref_slice %arg2[%add3A_27] : memref<14155776xf32, #tpu.memory_space<hbm>> -> memref<3072xf32, #tpu.memory_space<hbm>>
    tpu.enqueue_dma source(%dma_start3A_33 : memref<3072xf32, #tpu.memory_space<hbm>>) target(%dma_start3A_32 : memref<3072xf32, #tpu.memory_space<vmem>>) target_semaphore(%arg8 : memref<!tpu.dma_semaphore, #tpu.memory_space<semaphore_mem>>)
    %mul3A_34 = arith.constant 8 : i32
    %mul3A_35 = arith.muli %add3A, %mul3A_34 : i32
    %add3A_36 = arith.constant 1 : i32
    %add3A_37 = arith.addi %mul3A_35, %add3A_36 : i32
    %mul3A_38 = arith.constant 55296 : i32
    %mul3A_39 = arith.muli %add3A_37, %mul3A_38 : i32
    %add3A_40 = arith.constant 8192 : i32
    %add3A_41 = arith.addi %mul3A_39, %add3A_40 : i32
    %dma_start3A_42 = arith.constant 6144 : i32
    %dma_start3A_43 = tpu.memref_slice %arg5[%dma_start3A_42] : memref<20480xf32, #tpu.memory_space<vmem>> -> memref<3072xf32, #tpu.memory_space<vmem>>
    %dma_start3A_44 = tpu.memref_slice %arg2[%add3A_41] : memref<14155776xf32, #tpu.memory_space<hbm>> -> memref<3072xf32, #tpu.memory_space<hbm>>
    %dma_start3A_45 = arith.constant 6144 : i32
    %dma_start3A_46 = tpu.memref_slice %arg5[%dma_start3A_45] : memref<20480xf32, #tpu.memory_space<vmem>> -> memref<3072xf32, #tpu.memory_space<vmem>>
    %dma_start3A_47 = tpu.memref_slice %arg2[%add3A_41] : memref<14155776xf32, #tpu.memory_space<hbm>> -> memref<3072xf32, #tpu.memory_space<hbm>>
    tpu.enqueue_dma source(%dma_start3A_47 : memref<3072xf32, #tpu.memory_space<hbm>>) target(%dma_start3A_46 : memref<3072xf32, #tpu.memory_space<vmem>>) target_semaphore(%arg8 : memref<!tpu.dma_semaphore, #tpu.memory_space<semaphore_mem>>)
    %dma_wait3A = arith.constant 0 : i32
    %dma_wait3A_48 = tpu.memref_slice %arg5[%dma_wait3A] : memref<20480xf32, #tpu.memory_space<vmem>> -> memref<3072xf32, #tpu.memory_space<vmem>>
    %dma_wait3A_49 = tpu.memref_slice %arg2[%add3A_14] : memref<14155776xf32, #tpu.memory_space<hbm>> -> memref<3072xf32, #tpu.memory_space<hbm>>
    %dma_wait3A_50 = arith.constant 0 : i32
    %dma_wait3A_51 = tpu.memref_slice %arg5[%dma_wait3A_50] : memref<20480xf32, #tpu.memory_space<vmem>> -> memref<3072xf32, #tpu.memory_space<vmem>>
    %dma_wait3A_52 = tpu.memref_slice %arg2[%add3A_14] : memref<14155776xf32, #tpu.memory_space<hbm>> -> memref<3072xf32, #tpu.memory_space<hbm>>
    tpu.wait_dma2 semaphore(%arg8 : memref<!tpu.dma_semaphore, #tpu.memory_space<semaphore_mem>>) src(%dma_wait3A_52 : memref<3072xf32, #tpu.memory_space<hbm>>) dst(%dma_wait3A_51 : memref<3072xf32, #tpu.memory_space<vmem>>)
    %mul3A_53 = arith.constant 8 : i32
    %mul3A_54 = arith.muli %add3A, %mul3A_53 : i32
    %add3A_55 = arith.constant 0 : i32
    %add3A_56 = arith.addi %mul3A_54, %add3A_55 : i32
    %and3A_57 = arith.constant 3 : i32
    %and3A_58 = arith.andi %add3A_56, %and3A_57 : i32
    %mul3A_59 = arith.constant 2 : i32
    %mul3A_60 = arith.muli %and3A_58, %mul3A_59 : i32
    %mul3A_61 = arith.constant 1024 : i32
    %mul3A_62 = arith.muli %mul3A_60, %mul3A_61 : i32
    %add3A_63 = arith.constant 12288 : i32
    %add3A_64 = arith.addi %add3A_63, %mul3A_62 : i32
    %add3A_65 = arith.constant 0 : i32
    %add3A_66 = arith.addi %add3A_64, %add3A_65 : i32
    %add3A_67 = arith.constant 0 : i32
    %add3A_68 = arith.addi %add3A_66, %add3A_67 : i32
    %broadcast_in_dim3A = vector.broadcast %add3A_68 : i32 to vector<16xi32>
    %broadcast_in_dim3A_69 = arith.constant 0 : i32
    %broadcast_in_dim3A_70 = vector.broadcast %broadcast_in_dim3A_69 : i32 to vector<16xi32>
    %select_n3A = arith.select %eq3A_4, %broadcast_in_dim3A, %broadcast_in_dim3A_70 : vector<16xi1>, vector<16xi32>
    %parallel_loop3A_71 = arith.constant 0 : i32
    %parallel_loop3A_72 = arith.constant 128 : i32
    %parallel_loop3A_73 = arith.constant 1 : i32
    scf.for %parallel_loop3A_1123 = %parallel_loop3A_71 to %parallel_loop3A_72 step %parallel_loop3A_73  : i32 {
      %parallel_loop3A_1124 = arith.constant 16 : i32
      %parallel_loop3A_1125 = arith.muli %parallel_loop3A_1123, %parallel_loop3A_1124 : i32
      %parallel_loop3A_1126 = arith.index_cast %parallel_loop3A_1125 : i32 to index
      %parallel_loop3A_1127 = tpu.vector_load %arg7[%parallel_loop3A_1126] {strides = array<i32>} : memref<2048xi32, #tpu.memory_space<vmem>>, vector<16xi32>,
      %parallel_loop3A_1128 = arith.addi %parallel_loop3A_1127, %select_n3A : vector<16xi32>
      %parallel_loop3A_1129 = arith.constant 3 : i32
      %parallel_loop3A_1130 = arith.shrsi %parallel_loop3A_1123, %parallel_loop3A_1129 : i32
      %parallel_loop3A_1131 = arith.constant 8 : i32
      %parallel_loop3A_1132 = arith.shli %parallel_loop3A_1130, %parallel_loop3A_1131 : i32
      %parallel_loop3A_1133 = arith.constant 0 : i32
      %parallel_loop3A_1134 = arith.addi %parallel_loop3A_1133, %parallel_loop3A_1132 : i32
      %parallel_loop3A_1135 = arith.constant 7 : i32
      %parallel_loop3A_1136 = arith.andi %parallel_loop3A_1123, %parallel_loop3A_1135 : i32
      %parallel_loop3A_1137 = arith.constant 4 : i32
      %parallel_loop3A_1138 = arith.shli %parallel_loop3A_1136, %parallel_loop3A_1137 : i32
      %parallel_loop3A_1139 = arith.addi %parallel_loop3A_1134, %parallel_loop3A_1138 : i32
      %parallel_loop3A_1140 = tpu.vector_load_idx %arg5[%parallel_loop3A_1128] : memref<20480xf32, #tpu.memory_space<vmem>>[vector<16xi32>], vector<16xf32>,
      %parallel_loop3A_1141 = arith.index_cast %parallel_loop3A_1139 : i32 to index
      %parallel_loop3A_1142 = tpu.vector_load %arg6[%parallel_loop3A_1141] {strides = array<i32>} : memref<8192xf32, #tpu.memory_space<vmem>>, vector<16xf32>,
      tpu.vector_store %arg6[%parallel_loop3A_1141], %parallel_loop3A_1140 {strides = array<i32>} : memref<8192xf32, #tpu.memory_space<vmem>>, vector<16xf32>,
    } {sc.loop_unroll_factor = 8 : i64, sc.parallel_access}
    %add3A_74 = arith.constant 128 : i32
    %add3A_75 = arith.addi %add3A_66, %add3A_74 : i32
    %broadcast_in_dim3A_76 = vector.broadcast %add3A_75 : i32 to vector<16xi32>
    %broadcast_in_dim3A_77 = arith.constant 128 : i32
    %broadcast_in_dim3A_78 = vector.broadcast %broadcast_in_dim3A_77 : i32 to vector<16xi32>
    %select_n3A_79 = arith.select %eq3A_4, %broadcast_in_dim3A_76, %broadcast_in_dim3A_78 : vector<16xi1>, vector<16xi32>
    %parallel_loop3A_80 = arith.constant 0 : i32
    %parallel_loop3A_81 = arith.constant 128 : i32
    %parallel_loop3A_82 = arith.constant 1 : i32
    scf.for %parallel_loop3A_1123 = %parallel_loop3A_80 to %parallel_loop3A_81 step %parallel_loop3A_82  : i32 {
      %parallel_loop3A_1124 = arith.constant 16 : i32
      %parallel_loop3A_1125 = arith.muli %parallel_loop3A_1123, %parallel_loop3A_1124 : i32
      %parallel_loop3A_1126 = arith.index_cast %parallel_loop3A_1125 : i32 to index
      %parallel_loop3A_1127 = tpu.vector_load %arg7[%parallel_loop3A_1126] {strides = array<i32>} : memref<2048xi32, #tpu.memory_space<vmem>>, vector<16xi32>,
      %parallel_loop3A_1128 = arith.addi %parallel_loop3A_1127, %select_n3A_79 : vector<16xi32>
      %parallel_loop3A_1129 = arith.constant 3 : i32
      %parallel_loop3A_1130 = arith.shrsi %parallel_loop3A_1123, %parallel_loop3A_1129 : i32
      %parallel_loop3A_1131 = arith.constant 8 : i32
      %parallel_loop3A_1132 = arith.shli %parallel_loop3A_1130, %parallel_loop3A_1131 : i32
      %parallel_loop3A_1133 = arith.constant 128 : i32
      %parallel_loop3A_1134 = arith.addi %parallel_loop3A_1133, %parallel_loop3A_1132 : i32
      %parallel_loop3A_1135 = arith.constant 7 : i32
      %parallel_loop3A_1136 = arith.andi %parallel_loop3A_1123, %parallel_loop3A_1135 : i32
      %parallel_loop3A_1137 = arith.constant 4 : i32
      %parallel_loop3A_1138 = arith.shli %parallel_loop3A_1136, %parallel_loop3A_1137 : i32
      %parallel_loop3A_1139 = arith.addi %parallel_loop3A_1134, %parallel_loop3A_1138 : i32
      %parallel_loop3A_1140 = tpu.vector_load_idx %arg5[%parallel_loop3A_1128] : memref<20480xf32, #tpu.memory_space<vmem>>[vector<16xi32>], vector<16xf32>,
      %parallel_loop3A_1141 = arith.index_cast %parallel_loop3A_1139 : i32 to index
      %parallel_loop3A_1142 = tpu.vector_load %arg6[%parallel_loop3A_1141] {strides = array<i32>} : memref<8192xf32, #tpu.memory_space<vmem>>, vector<16xf32>,
      tpu.vector_store %arg6[%parallel_loop3A_1141], %parallel_loop3A_1140 {strides = array<i32>} : memref<8192xf32, #tpu.memory_space<vmem>>, vector<16xf32>,
    } {sc.loop_unroll_factor = 8 : i64, sc.parallel_access}
    %mul3A_83 = arith.constant 2 : i32
    %mul3A_84 = arith.muli %add3A_56, %mul3A_83 : i32
    %add3A_85 = arith.constant 0 : i32
    %add3A_86 = arith.addi %mul3A_84, %add3A_85 : i32
    %mul3A_87 = arith.constant 4096 : i32
    %mul3A_88 = arith.muli %add3A_86, %mul3A_87 : i32
    %dma_start3A_89 = arith.constant 0 : i32
    %dma_start3A_90 = tpu.memref_slice %arg6[%dma_start3A_89] : memref<8192xf32, #tpu.memory_space<vmem>> -> memref<4096xf32, #tpu.memory_space<vmem>>
    %dma_start3A_91 = tpu.memref_slice %arg4[%mul3A_88] : memref<2097152xf32, #tpu.memory_space<hbm>> -> memref<4096xf32, #tpu.memory_space<hbm>>
    %dma_start3A_92 = tpu.memref_slice %arg4[%mul3A_88] : memref<2097152xf32, #tpu.memory_space<hbm>> -> memref<4096xf32, #tpu.memory_space<hbm>>
    %dma_start3A_93 = arith.constant 0 : i32
    %dma_start3A_94 = tpu.memref_slice %arg6[%dma_start3A_93] : memref<8192xf32, #tpu.memory_space<vmem>> -> memref<4096xf32, #tpu.memory_space<vmem>>
    tpu.enqueue_dma source(%dma_start3A_94 : memref<4096xf32, #tpu.memory_space<vmem>>) target(%dma_start3A_92 : memref<4096xf32, #tpu.memory_space<hbm>>) target_semaphore(%arg9 : memref<!tpu.dma_semaphore, #tpu.memory_space<semaphore_mem>>)
    %mul3A_95 = arith.constant 8 : i32
    %mul3A_96 = arith.muli %add3A, %mul3A_95 : i32
    %add3A_97 = arith.constant 1 : i32
    %add3A_98 = arith.addi %mul3A_96, %add3A_97 : i32
    %mul3A_99 = arith.constant 55296 : i32
    %mul3A_100 = arith.muli %add3A_98, %mul3A_99 : i32
    %add3A_101 = arith.constant 44032 : i32
    %add3A_102 = arith.addi %mul3A_100, %add3A_101 : i32
    %dma_start3A_103 = arith.constant 9216 : i32
    %dma_start3A_104 = tpu.memref_slice %arg5[%dma_start3A_103] : memref<20480xf32, #tpu.memory_space<vmem>> -> memref<3072xf32, #tpu.memory_space<vmem>>
    %dma_start3A_105 = tpu.memref_slice %arg2[%add3A_102] : memref<14155776xf32, #tpu.memory_space<hbm>> -> memref<3072xf32, #tpu.memory_space<hbm>>
    %dma_start3A_106 = arith.constant 9216 : i32
    %dma_start3A_107 = tpu.memref_slice %arg5[%dma_start3A_106] : memref<20480xf32, #tpu.memory_space<vmem>> -> memref<3072xf32, #tpu.memory_space<vmem>>
    %dma_start3A_108 = tpu.memref_slice %arg2[%add3A_102] : memref<14155776xf32, #tpu.memory_space<hbm>> -> memref<3072xf32, #tpu.memory_space<hbm>>
    tpu.enqueue_dma source(%dma_start3A_108 : memref<3072xf32, #tpu.memory_space<hbm>>) target(%dma_start3A_107 : memref<3072xf32, #tpu.memory_space<vmem>>) target_semaphore(%arg8 : memref<!tpu.dma_semaphore, #tpu.memory_space<semaphore_mem>>)
    %dma_wait3A_109 = arith.constant 3072 : i32
    %dma_wait3A_110 = tpu.memref_slice %arg5[%dma_wait3A_109] : memref<20480xf32, #tpu.memory_space<vmem>> -> memref<3072xf32, #tpu.memory_space<vmem>>
    %dma_wait3A_111 = tpu.memref_slice %arg2[%add3A_27] : memref<14155776xf32, #tpu.memory_space<hbm>> -> memref<3072xf32, #tpu.memory_space<hbm>>
    %dma_wait3A_112 = arith.constant 3072 : i32
    %dma_wait3A_113 = tpu.memref_slice %arg5[%dma_wait3A_112] : memref<20480xf32, #tpu.memory_space<vmem>> -> memref<3072xf32, #tpu.memory_space<vmem>>
    %dma_wait3A_114 = tpu.memref_slice %arg2[%add3A_27] : memref<14155776xf32, #tpu.memory_space<hbm>> -> memref<3072xf32, #tpu.memory_space<hbm>>
    tpu.wait_dma2 semaphore(%arg8 : memref<!tpu.dma_semaphore, #tpu.memory_space<semaphore_mem>>) src(%dma_wait3A_114 : memref<3072xf32, #tpu.memory_space<hbm>>) dst(%dma_wait3A_113 : memref<3072xf32, #tpu.memory_space<vmem>>)
    %mul3A_115 = arith.constant 8 : i32
    %mul3A_116 = arith.muli %add3A, %mul3A_115 : i32
    %add3A_117 = arith.constant 0 : i32
    %add3A_118 = arith.addi %mul3A_116, %add3A_117 : i32
    %and3A_119 = arith.constant 3 : i32
    %and3A_120 = arith.andi %add3A_118, %and3A_119 : i32
    %mul3A_121 = arith.constant 2 : i32
    %mul3A_122 = arith.muli %and3A_120, %mul3A_121 : i32
    %mul3A_123 = arith.constant 1024 : i32
    %mul3A_124 = arith.muli %mul3A_122, %mul3A_123 : i32
    %add3A_125 = arith.constant 12288 : i32
    %add3A_126 = arith.addi %add3A_125, %mul3A_124 : i32
    %add3A_127 = arith.constant 1024 : i32
    %add3A_128 = arith.addi %add3A_126, %add3A_127 : i32
    %add3A_129 = arith.constant 0 : i32
    %add3A_130 = arith.addi %add3A_128, %add3A_129 : i32
    %broadcast_in_dim3A_131 = vector.broadcast %add3A_130 : i32 to vector<16xi32>
    %broadcast_in_dim3A_132 = arith.constant 3072 : i32
    %broadcast_in_dim3A_133 = vector.broadcast %broadcast_in_dim3A_132 : i32 to vector<16xi32>
    %select_n3A_134 = arith.select %eq3A_4, %broadcast_in_dim3A_131, %broadcast_in_dim3A_133 : vector<16xi1>, vector<16xi32>
    %parallel_loop3A_135 = arith.constant 0 : i32
    %parallel_loop3A_136 = arith.constant 128 : i32
    %parallel_loop3A_137 = arith.constant 1 : i32
    scf.for %parallel_loop3A_1123 = %parallel_loop3A_135 to %parallel_loop3A_136 step %parallel_loop3A_137  : i32 {
      %parallel_loop3A_1124 = arith.constant 16 : i32
      %parallel_loop3A_1125 = arith.muli %parallel_loop3A_1123, %parallel_loop3A_1124 : i32
      %parallel_loop3A_1126 = arith.index_cast %parallel_loop3A_1125 : i32 to index
      %parallel_loop3A_1127 = tpu.vector_load %arg7[%parallel_loop3A_1126] {strides = array<i32>} : memref<2048xi32, #tpu.memory_space<vmem>>, vector<16xi32>,
      %parallel_loop3A_1128 = arith.addi %parallel_loop3A_1127, %select_n3A_134 : vector<16xi32>
      %parallel_loop3A_1129 = arith.constant 3 : i32
      %parallel_loop3A_1130 = arith.shrsi %parallel_loop3A_1123, %parallel_loop3A_1129 : i32
      %parallel_loop3A_1131 = arith.constant 8 : i32
      %parallel_loop3A_1132 = arith.shli %parallel_loop3A_1130, %parallel_loop3A_1131 : i32
      %parallel_loop3A_1133 = arith.constant 4096 : i32
      %parallel_loop3A_1134 = arith.addi %parallel_loop3A_1133, %parallel_loop3A_1132 : i32
      %parallel_loop3A_1135 = arith.constant 7 : i32
      %parallel_loop3A_1136 = arith.andi %parallel_loop3A_1123, %parallel_loop3A_1135 : i32
      %parallel_loop3A_1137 = arith.constant 4 : i32
      %parallel_loop3A_1138 = arith.shli %parallel_loop3A_1136, %parallel_loop3A_1137 : i32
      %parallel_loop3A_1139 = arith.addi %parallel_loop3A_1134, %parallel_loop3A_1138 : i32
      %parallel_loop3A_1140 = tpu.vector_load_idx %arg5[%parallel_loop3A_1128] : memref<20480xf32, #tpu.memory_space<vmem>>[vector<16xi32>], vector<16xf32>,
      %parallel_loop3A_1141 = arith.index_cast %parallel_loop3A_1139 : i32 to index
      %parallel_loop3A_1142 = tpu.vector_load %arg6[%parallel_loop3A_1141] {strides = array<i32>} : memref<8192xf32, #tpu.memory_space<vmem>>, vector<16xf32>,
      tpu.vector_store %arg6[%parallel_loop3A_1141], %parallel_loop3A_1140 {strides = array<i32>} : memref<8192xf32, #tpu.memory_space<vmem>>, vector<16xf32>,
    } {sc.loop_unroll_factor = 8 : i64, sc.parallel_access}
    %add3A_138 = arith.constant 128 : i32
    %add3A_139 = arith.addi %add3A_128, %add3A_138 : i32
    %broadcast_in_dim3A_140 = vector.broadcast %add3A_139 : i32 to vector<16xi32>
    %broadcast_in_dim3A_141 = arith.constant 3200 : i32
    %broadcast_in_dim3A_142 = vector.broadcast %broadcast_in_dim3A_141 : i32 to vector<16xi32>
    %select_n3A_143 = arith.select %eq3A_4, %broadcast_in_dim3A_140, %broadcast_in_dim3A_142 : vector<16xi1>, vector<16xi32>
    %parallel_loop3A_144 = arith.constant 0 : i32
    %parallel_loop3A_145 = arith.constant 128 : i32
    %parallel_loop3A_146 = arith.constant 1 : i32
    scf.for %parallel_loop3A_1123 = %parallel_loop3A_144 to %parallel_loop3A_145 step %parallel_loop3A_146  : i32 {
      %parallel_loop3A_1124 = arith.constant 16 : i32
      %parallel_loop3A_1125 = arith.muli %parallel_loop3A_1123, %parallel_loop3A_1124 : i32
      %parallel_loop3A_1126 = arith.index_cast %parallel_loop3A_1125 : i32 to index
      %parallel_loop3A_1127 = tpu.vector_load %arg7[%parallel_loop3A_1126] {strides = array<i32>} : memref<2048xi32, #tpu.memory_space<vmem>>, vector<16xi32>,
      %parallel_loop3A_1128 = arith.addi %parallel_loop3A_1127, %select_n3A_143 : vector<16xi32>
      %parallel_loop3A_1129 = arith.constant 3 : i32
      %parallel_loop3A_1130 = arith.shrsi %parallel_loop3A_1123, %parallel_loop3A_1129 : i32
      %parallel_loop3A_1131 = arith.constant 8 : i32
      %parallel_loop3A_1132 = arith.shli %parallel_loop3A_1130, %parallel_loop3A_1131 : i32
      %parallel_loop3A_1133 = arith.constant 4224 : i32
      %parallel_loop3A_1134 = arith.addi %parallel_loop3A_1133, %parallel_loop3A_1132 : i32
      %parallel_loop3A_1135 = arith.constant 7 : i32
      %parallel_loop3A_1136 = arith.andi %parallel_loop3A_1123, %parallel_loop3A_1135 : i32
      %parallel_loop3A_1137 = arith.constant 4 : i32
      %parallel_loop3A_1138 = arith.shli %parallel_loop3A_1136, %parallel_loop3A_1137 : i32
      %parallel_loop3A_1139 = arith.addi %parallel_loop3A_1134, %parallel_loop3A_1138 : i32
      %parallel_loop3A_1140 = tpu.vector_load_idx %arg5[%parallel_loop3A_1128] : memref<20480xf32, #tpu.memory_space<vmem>>[vector<16xi32>], vector<16xf32>,
      %parallel_loop3A_1141 = arith.index_cast %parallel_loop3A_1139 : i32 to index
      %parallel_loop3A_1142 = tpu.vector_load %arg6[%parallel_loop3A_1141] {strides = array<i32>} : memref<8192xf32, #tpu.memory_space<vmem>>, vector<16xf32>,
      tpu.vector_store %arg6[%parallel_loop3A_1141], %parallel_loop3A_1140 {strides = array<i32>} : memref<8192xf32, #tpu.memory_space<vmem>>, vector<16xf32>,
    } {sc.loop_unroll_factor = 8 : i64, sc.parallel_access}
    %mul3A_147 = arith.constant 2 : i32
    %mul3A_148 = arith.muli %add3A_118, %mul3A_147 : i32
    %add3A_149 = arith.constant 1 : i32
    %add3A_150 = arith.addi %mul3A_148, %add3A_149 : i32
    %mul3A_151 = arith.constant 4096 : i32
    %mul3A_152 = arith.muli %add3A_150, %mul3A_151 : i32
    %dma_start3A_153 = arith.constant 4096 : i32
    %dma_start3A_154 = tpu.memref_slice %arg6[%dma_start3A_153] : memref<8192xf32, #tpu.memory_space<vmem>> -> memref<4096xf32, #tpu.memory_space<vmem>>
    %dma_start3A_155 = tpu.memref_slice %arg4[%mul3A_152] : memref<2097152xf32, #tpu.memory_space<hbm>> -> memref<4096xf32, #tpu.memory_space<hbm>>
    %dma_start3A_156 = tpu.memref_slice %arg4[%mul3A_152] : memref<2097152xf32, #tpu.memory_space<hbm>> -> memref<4096xf32, #tpu.memory_space<hbm>>
    %dma_start3A_157 = arith.constant 4096 : i32
    %dma_start3A_158 = tpu.memref_slice %arg6[%dma_start3A_157] : memref<8192xf32, #tpu.memory_space<vmem>> -> memref<4096xf32, #tpu.memory_space<vmem>>
    tpu.enqueue_dma source(%dma_start3A_158 : memref<4096xf32, #tpu.memory_space<vmem>>) target(%dma_start3A_156 : memref<4096xf32, #tpu.memory_space<hbm>>) target_semaphore(%arg10 : memref<!tpu.dma_semaphore, #tpu.memory_space<semaphore_mem>>)
    %mul3A_159 = arith.constant 8 : i32
    %mul3A_160 = arith.muli %add3A, %mul3A_159 : i32
    %add3A_161 = arith.constant 2 : i32
    %add3A_162 = arith.addi %mul3A_160, %add3A_161 : i32
    %mul3A_163 = arith.constant 55296 : i32
    %mul3A_164 = arith.muli %add3A_162, %mul3A_163 : i32
    %add3A_165 = arith.constant 8192 : i32
    %add3A_166 = arith.addi %mul3A_164, %add3A_165 : i32
    %dma_start3A_167 = arith.constant 0 : i32
    %dma_start3A_168 = tpu.memref_slice %arg5[%dma_start3A_167] : memref<20480xf32, #tpu.memory_space<vmem>> -> memref<3072xf32, #tpu.memory_space<vmem>>
    %dma_start3A_169 = tpu.memref_slice %arg2[%add3A_166] : memref<14155776xf32, #tpu.memory_space<hbm>> -> memref<3072xf32, #tpu.memory_space<hbm>>
    %dma_start3A_170 = arith.constant 0 : i32
    %dma_start3A_171 = tpu.memref_slice %arg5[%dma_start3A_170] : memref<20480xf32, #tpu.memory_space<vmem>> -> memref<3072xf32, #tpu.memory_space<vmem>>
    %dma_start3A_172 = tpu.memref_slice %arg2[%add3A_166] : memref<14155776xf32, #tpu.memory_space<hbm>> -> memref<3072xf32, #tpu.memory_space<hbm>>
    tpu.enqueue_dma source(%dma_start3A_172 : memref<3072xf32, #tpu.memory_space<hbm>>) target(%dma_start3A_171 : memref<3072xf32, #tpu.memory_space<vmem>>) target_semaphore(%arg8 : memref<!tpu.dma_semaphore, #tpu.memory_space<semaphore_mem>>)
    %dma_wait3A_173 = arith.constant 6144 : i32
    %dma_wait3A_174 = tpu.memref_slice %arg5[%dma_wait3A_173] : memref<20480xf32, #tpu.memory_space<vmem>> -> memref<3072xf32, #tpu.memory_space<vmem>>
    %dma_wait3A_175 = tpu.memref_slice %arg2[%add3A_41] : memref<14155776xf32, #tpu.memory_space<hbm>> -> memref<3072xf32, #tpu.memory_space<hbm>>
    %dma_wait3A_176 = arith.constant 6144 : i32
    %dma_wait3A_177 = tpu.memref_slice %arg5[%dma_wait3A_176] : memref<20480xf32, #tpu.memory_space<vmem>> -> memref<3072xf32, #tpu.memory_space<vmem>>
    %dma_wait3A_178 = tpu.memref_slice %arg2[%add3A_41] : memref<14155776xf32, #tpu.memory_space<hbm>> -> memref<3072xf32, #tpu.memory_space<hbm>>
    tpu.wait_dma2 semaphore(%arg8 : memref<!tpu.dma_semaphore, #tpu.memory_space<semaphore_mem>>) src(%dma_wait3A_178 : memref<3072xf32, #tpu.memory_space<hbm>>) dst(%dma_wait3A_177 : memref<3072xf32, #tpu.memory_space<vmem>>)
    %mul3A_179 = arith.constant 8 : i32
    %mul3A_180 = arith.muli %add3A, %mul3A_179 : i32
    %add3A_181 = arith.constant 1 : i32
    %add3A_182 = arith.addi %mul3A_180, %add3A_181 : i32
    %and3A_183 = arith.constant 3 : i32
    %and3A_184 = arith.andi %add3A_182, %and3A_183 : i32
    %dma_wait3A_185 = arith.constant 0 : i32
    %dma_wait3A_186 = tpu.memref_slice %arg6[%dma_wait3A_185] : memref<8192xf32, #tpu.memory_space<vmem>> -> memref<4096xf32, #tpu.memory_space<vmem>>
    %dma_wait3A_187 = tpu.memref_slice %arg4[%mul3A_88] : memref<2097152xf32, #tpu.memory_space<hbm>> -> memref<4096xf32, #tpu.memory_space<hbm>>
    %dma_wait3A_188 = tpu.memref_slice %arg4[%mul3A_88] : memref<2097152xf32, #tpu.memory_space<hbm>> -> memref<4096xf32, #tpu.memory_space<hbm>>
    %dma_wait3A_189 = arith.constant 0 : i32
    %dma_wait3A_190 = tpu.memref_slice %arg6[%dma_wait3A_189] : memref<8192xf32, #tpu.memory_space<vmem>> -> memref<4096xf32, #tpu.memory_space<vmem>>
    tpu.wait_dma2 semaphore(%arg9 : memref<!tpu.dma_semaphore, #tpu.memory_space<semaphore_mem>>) src(%dma_wait3A_190 : memref<4096xf32, #tpu.memory_space<vmem>>) dst(%dma_wait3A_188 : memref<4096xf32, #tpu.memory_space<hbm>>)
    %mul3A_191 = arith.constant 2 : i32
    %mul3A_192 = arith.muli %and3A_184, %mul3A_191 : i32
    %mul3A_193 = arith.constant 1024 : i32
    %mul3A_194 = arith.muli %mul3A_192, %mul3A_193 : i32
    %add3A_195 = arith.constant 12288 : i32
    %add3A_196 = arith.addi %add3A_195, %mul3A_194 : i32
    %add3A_197 = arith.constant 0 : i32
    %add3A_198 = arith.addi %add3A_196, %add3A_197 : i32
    %add3A_199 = arith.constant 0 : i32
    %add3A_200 = arith.addi %add3A_198, %add3A_199 : i32
    %broadcast_in_dim3A_201 = vector.broadcast %add3A_200 : i32 to vector<16xi32>
    %broadcast_in_dim3A_202 = arith.constant 6144 : i32
    %broadcast_in_dim3A_203 = vector.broadcast %broadcast_in_dim3A_202 : i32 to vector<16xi32>
    %select_n3A_204 = arith.select %eq3A_4, %broadcast_in_dim3A_201, %broadcast_in_dim3A_203 : vector<16xi1>, vector<16xi32>
    %parallel_loop3A_205 = arith.constant 0 : i32
    %parallel_loop3A_206 = arith.constant 128 : i32
    %parallel_loop3A_207 = arith.constant 1 : i32
    scf.for %parallel_loop3A_1123 = %parallel_loop3A_205 to %parallel_loop3A_206 step %parallel_loop3A_207  : i32 {
      %parallel_loop3A_1124 = arith.constant 16 : i32
      %parallel_loop3A_1125 = arith.muli %parallel_loop3A_1123, %parallel_loop3A_1124 : i32
      %parallel_loop3A_1126 = arith.index_cast %parallel_loop3A_1125 : i32 to index
      %parallel_loop3A_1127 = tpu.vector_load %arg7[%parallel_loop3A_1126] {strides = array<i32>} : memref<2048xi32, #tpu.memory_space<vmem>>, vector<16xi32>,
      %parallel_loop3A_1128 = arith.addi %parallel_loop3A_1127, %select_n3A_204 : vector<16xi32>
      %parallel_loop3A_1129 = arith.constant 3 : i32
      %parallel_loop3A_1130 = arith.shrsi %parallel_loop3A_1123, %parallel_loop3A_1129 : i32
      %parallel_loop3A_1131 = arith.constant 8 : i32
      %parallel_loop3A_1132 = arith.shli %parallel_loop3A_1130, %parallel_loop3A_1131 : i32
      %parallel_loop3A_1133 = arith.constant 0 : i32
      %parallel_loop3A_1134 = arith.addi %parallel_loop3A_1133, %parallel_loop3A_1132 : i32
      %parallel_loop3A_1135 = arith.constant 7 : i32
      %parallel_loop3A_1136 = arith.andi %parallel_loop3A_1123, %parallel_loop3A_1135 : i32
      %parallel_loop3A_1137 = arith.constant 4 : i32
      %parallel_loop3A_1138 = arith.shli %parallel_loop3A_1136, %parallel_loop3A_1137 : i32
      %parallel_loop3A_1139 = arith.addi %parallel_loop3A_1134, %parallel_loop3A_1138 : i32
      %parallel_loop3A_1140 = tpu.vector_load_idx %arg5[%parallel_loop3A_1128] : memref<20480xf32, #tpu.memory_space<vmem>>[vector<16xi32>], vector<16xf32>,
      %parallel_loop3A_1141 = arith.index_cast %parallel_loop3A_1139 : i32 to index
      %parallel_loop3A_1142 = tpu.vector_load %arg6[%parallel_loop3A_1141] {strides = array<i32>} : memref<8192xf32, #tpu.memory_space<vmem>>, vector<16xf32>,
      tpu.vector_store %arg6[%parallel_loop3A_1141], %parallel_loop3A_1140 {strides = array<i32>} : memref<8192xf32, #tpu.memory_space<vmem>>, vector<16xf32>,
    } {sc.loop_unroll_factor = 8 : i64, sc.parallel_access}
    %add3A_208 = arith.constant 128 : i32
    %add3A_209 = arith.addi %add3A_198, %add3A_208 : i32
    %broadcast_in_dim3A_210 = vector.broadcast %add3A_209 : i32 to vector<16xi32>
    %broadcast_in_dim3A_211 = arith.constant 6272 : i32
    %broadcast_in_dim3A_212 = vector.broadcast %broadcast_in_dim3A_211 : i32 to vector<16xi32>
    %select_n3A_213 = arith.select %eq3A_4, %broadcast_in_dim3A_210, %broadcast_in_dim3A_212 : vector<16xi1>, vector<16xi32>
    %parallel_loop3A_214 = arith.constant 0 : i32
    %parallel_loop3A_215 = arith.constant 128 : i32
    %parallel_loop3A_216 = arith.constant 1 : i32
    scf.for %parallel_loop3A_1123 = %parallel_loop3A_214 to %parallel_loop3A_215 step %parallel_loop3A_216  : i32 {
      %parallel_loop3A_1124 = arith.constant 16 : i32
      %parallel_loop3A_1125 = arith.muli %parallel_loop3A_1123, %parallel_loop3A_1124 : i32
      %parallel_loop3A_1126 = arith.index_cast %parallel_loop3A_1125 : i32 to index
      %parallel_loop3A_1127 = tpu.vector_load %arg7[%parallel_loop3A_1126] {strides = array<i32>} : memref<2048xi32, #tpu.memory_space<vmem>>, vector<16xi32>,
      %parallel_loop3A_1128 = arith.addi %parallel_loop3A_1127, %select_n3A_213 : vector<16xi32>
      %parallel_loop3A_1129 = arith.constant 3 : i32
      %parallel_loop3A_1130 = arith.shrsi %parallel_loop3A_1123, %parallel_loop3A_1129 : i32
      %parallel_loop3A_1131 = arith.constant 8 : i32
      %parallel_loop3A_1132 = arith.shli %parallel_loop3A_1130, %parallel_loop3A_1131 : i32
      %parallel_loop3A_1133 = arith.constant 128 : i32
      %parallel_loop3A_1134 = arith.addi %parallel_loop3A_1133, %parallel_loop3A_1132 : i32
      %parallel_loop3A_1135 = arith.constant 7 : i32
      %parallel_loop3A_1136 = arith.andi %parallel_loop3A_1123, %parallel_loop3A_1135 : i32
      %parallel_loop3A_1137 = arith.constant 4 : i32
      %parallel_loop3A_1138 = arith.shli %parallel_loop3A_1136, %parallel_loop3A_1137 : i32
      %parallel_loop3A_1139 = arith.addi %parallel_loop3A_1134, %parallel_loop3A_1138 : i32
      %parallel_loop3A_1140 = tpu.vector_load_idx %arg5[%parallel_loop3A_1128] : memref<20480xf32, #tpu.memory_space<vmem>>[vector<16xi32>], vector<16xf32>,
      %parallel_loop3A_1141 = arith.index_cast %parallel_loop3A_1139 : i32 to index
      %parallel_loop3A_1142 = tpu.vector_load %arg6[%parallel_loop3A_1141] {strides = array<i32>} : memref<8192xf32, #tpu.memory_space<vmem>>, vector<16xf32>,
      tpu.vector_store %arg6[%parallel_loop3A_1141], %parallel_loop3A_1140 {strides = array<i32>} : memref<8192xf32, #tpu.memory_space<vmem>>, vector<16xf32>,
    } {sc.loop_unroll_factor = 8 : i64, sc.parallel_access}
    %mul3A_217 = arith.constant 2 : i32
    %mul3A_218 = arith.muli %add3A_182, %mul3A_217 : i32
    %add3A_219 = arith.constant 0 : i32
    %add3A_220 = arith.addi %mul3A_218, %add3A_219 : i32
    %mul3A_221 = arith.constant 4096 : i32
    %mul3A_222 = arith.muli %add3A_220, %mul3A_221 : i32
    %dma_start3A_223 = arith.constant 0 : i32
    %dma_start3A_224 = tpu.memref_slice %arg6[%dma_start3A_223] : memref<8192xf32, #tpu.memory_space<vmem>> -> memref<4096xf32, #tpu.memory_space<vmem>>
    %dma_start3A_225 = tpu.memref_slice %arg4[%mul3A_222] : memref<2097152xf32, #tpu.memory_space<hbm>> -> memref<4096xf32, #tpu.memory_space<hbm>>
    %dma_start3A_226 = tpu.memref_slice %arg4[%mul3A_222] : memref<2097152xf32, #tpu.memory_space<hbm>> -> memref<4096xf32, #tpu.memory_space<hbm>>
    %dma_start3A_227 = arith.constant 0 : i32
    %dma_start3A_228 = tpu.memref_slice %arg6[%dma_start3A_227] : memref<8192xf32, #tpu.memory_space<vmem>> -> memref<4096xf32, #tpu.memory_space<vmem>>
    tpu.enqueue_dma source(%dma_start3A_228 : memref<4096xf32, #tpu.memory_space<vmem>>) target(%dma_start3A_226 : memref<4096xf32, #tpu.memory_space<hbm>>) target_semaphore(%arg9 : memref<!tpu.dma_semaphore, #tpu.memory_space<semaphore_mem>>)
    %mul3A_229 = arith.constant 8 : i32
    %mul3A_230 = arith.muli %add3A, %mul3A_229 : i32
    %add3A_231 = arith.constant 2 : i32
    %add3A_232 = arith.addi %mul3A_230, %add3A_231 : i32
    %mul3A_233 = arith.constant 55296 : i32
    %mul3A_234 = arith.muli %add3A_232, %mul3A_233 : i32
    %add3A_235 = arith.constant 44032 : i32
    %add3A_236 = arith.addi %mul3A_234, %add3A_235 : i32
    %dma_start3A_237 = arith.constant 3072 : i32
    %dma_start3A_238 = tpu.memref_slice %arg5[%dma_start3A_237] : memref<20480xf32, #tpu.memory_space<vmem>> -> memref<3072xf32, #tpu.memory_space<vmem>>
    %dma_start3A_239 = tpu.memref_slice %arg2[%add3A_236] : memref<14155776xf32, #tpu.memory_space<hbm>> -> memref<3072xf32, #tpu.memory_space<hbm>>
    %dma_start3A_240 = arith.constant 3072 : i32
    %dma_start3A_241 = tpu.memref_slice %arg5[%dma_start3A_240] : memref<20480xf32, #tpu.memory_space<vmem>> -> memref<3072xf32, #tpu.memory_space<vmem>>
    %dma_start3A_242 = tpu.memref_slice %arg2[%add3A_236] : memref<14155776xf32, #tpu.memory_space<hbm>> -> memref<3072xf32, #tpu.memory_space<hbm>>
    tpu.enqueue_dma source(%dma_start3A_242 : memref<3072xf32, #tpu.memory_space<hbm>>) target(%dma_start3A_241 : memref<3072xf32, #tpu.memory_space<vmem>>) target_semaphore(%arg8 : memref<!tpu.dma_semaphore, #tpu.memory_space<semaphore_mem>>)
    %dma_wait3A_243 = arith.constant 9216 : i32
    %dma_wait3A_244 = tpu.memref_slice %arg5[%dma_wait3A_243] : memref<20480xf32, #tpu.memory_space<vmem>> -> memref<3072xf32, #tpu.memory_space<vmem>>
    %dma_wait3A_245 = tpu.memref_slice %arg2[%add3A_102] : memref<14155776xf32, #tpu.memory_space<hbm>> -> memref<3072xf32, #tpu.memory_space<hbm>>
    %dma_wait3A_246 = arith.constant 9216 : i32
    %dma_wait3A_247 = tpu.memref_slice %arg5[%dma_wait3A_246] : memref<20480xf32, #tpu.memory_space<vmem>> -> memref<3072xf32, #tpu.memory_space<vmem>>
    %dma_wait3A_248 = tpu.memref_slice %arg2[%add3A_102] : memref<14155776xf32, #tpu.memory_space<hbm>> -> memref<3072xf32, #tpu.memory_space<hbm>>
    tpu.wait_dma2 semaphore(%arg8 : memref<!tpu.dma_semaphore, #tpu.memory_space<semaphore_mem>>) src(%dma_wait3A_248 : memref<3072xf32, #tpu.memory_space<hbm>>) dst(%dma_wait3A_247 : memref<3072xf32, #tpu.memory_space<vmem>>)
    %mul3A_249 = arith.constant 8 : i32
    %mul3A_250 = arith.muli %add3A, %mul3A_249 : i32
    %add3A_251 = arith.constant 1 : i32
    %add3A_252 = arith.addi %mul3A_250, %add3A_251 : i32
    %and3A_253 = arith.constant 3 : i32
    %and3A_254 = arith.andi %add3A_252, %and3A_253 : i32
    %dma_wait3A_255 = arith.constant 4096 : i32
    %dma_wait3A_256 = tpu.memref_slice %arg6[%dma_wait3A_255] : memref<8192xf32, #tpu.memory_space<vmem>> -> memref<4096xf32, #tpu.memory_space<vmem>>
    %dma_wait3A_257 = tpu.memref_slice %arg4[%mul3A_152] : memref<2097152xf32, #tpu.memory_space<hbm>> -> memref<4096xf32, #tpu.memory_space<hbm>>
    %dma_wait3A_258 = tpu.memref_slice %arg4[%mul3A_152] : memref<2097152xf32, #tpu.memory_space<hbm>> -> memref<4096xf32, #tpu.memory_space<hbm>>
    %dma_wait3A_259 = arith.constant 4096 : i32
    %dma_wait3A_260 = tpu.memref_slice %arg6[%dma_wait3A_259] : memref<8192xf32, #tpu.memory_space<vmem>> -> memref<4096xf32, #tpu.memory_space<vmem>>
    tpu.wait_dma2 semaphore(%arg10 : memref<!tpu.dma_semaphore, #tpu.memory_space<semaphore_mem>>) src(%dma_wait3A_260 : memref<4096xf32, #tpu.memory_space<vmem>>) dst(%dma_wait3A_258 : memref<4096xf32, #tpu.memory_space<hbm>>)
    %mul3A_261 = arith.constant 2 : i32
    %mul3A_262 = arith.muli %and3A_254, %mul3A_261 : i32
    %mul3A_263 = arith.constant 1024 : i32
    %mul3A_264 = arith.muli %mul3A_262, %mul3A_263 : i32
    %add3A_265 = arith.constant 12288 : i32
    %add3A_266 = arith.addi %add3A_265, %mul3A_264 : i32
    %add3A_267 = arith.constant 1024 : i32
    %add3A_268 = arith.addi %add3A_266, %add3A_267 : i32
    %add3A_269 = arith.constant 0 : i32
    %add3A_270 = arith.addi %add3A_268, %add3A_269 : i32
    %broadcast_in_dim3A_271 = vector.broadcast %add3A_270 : i32 to vector<16xi32>
    %broadcast_in_dim3A_272 = arith.constant 9216 : i32
    %broadcast_in_dim3A_273 = vector.broadcast %broadcast_in_dim3A_272 : i32 to vector<16xi32>
    %select_n3A_274 = arith.select %eq3A_4, %broadcast_in_dim3A_271, %broadcast_in_dim3A_273 : vector<16xi1>, vector<16xi32>
    %parallel_loop3A_275 = arith.constant 0 : i32
    %parallel_loop3A_276 = arith.constant 128 : i32
    %parallel_loop3A_277 = arith.constant 1 : i32
    scf.for %parallel_loop3A_1123 = %parallel_loop3A_275 to %parallel_loop3A_276 step %parallel_loop3A_277  : i32 {
      %parallel_loop3A_1124 = arith.constant 16 : i32
      %parallel_loop3A_1125 = arith.muli %parallel_loop3A_1123, %parallel_loop3A_1124 : i32
      %parallel_loop3A_1126 = arith.index_cast %parallel_loop3A_1125 : i32 to index
      %parallel_loop3A_1127 = tpu.vector_load %arg7[%parallel_loop3A_1126] {strides = array<i32>} : memref<2048xi32, #tpu.memory_space<vmem>>, vector<16xi32>,
      %parallel_loop3A_1128 = arith.addi %parallel_loop3A_1127, %select_n3A_274 : vector<16xi32>
      %parallel_loop3A_1129 = arith.constant 3 : i32
      %parallel_loop3A_1130 = arith.shrsi %parallel_loop3A_1123, %parallel_loop3A_1129 : i32
      %parallel_loop3A_1131 = arith.constant 8 : i32
      %parallel_loop3A_1132 = arith.shli %parallel_loop3A_1130, %parallel_loop3A_1131 : i32
      %parallel_loop3A_1133 = arith.constant 4096 : i32
      %parallel_loop3A_1134 = arith.addi %parallel_loop3A_1133, %parallel_loop3A_1132 : i32
      %parallel_loop3A_1135 = arith.constant 7 : i32
      %parallel_loop3A_1136 = arith.andi %parallel_loop3A_1123, %parallel_loop3A_1135 : i32
      %parallel_loop3A_1137 = arith.constant 4 : i32
      %parallel_loop3A_1138 = arith.shli %parallel_loop3A_1136, %parallel_loop3A_1137 : i32
      %parallel_loop3A_1139 = arith.addi %parallel_loop3A_1134, %parallel_loop3A_1138 : i32
      %parallel_loop3A_1140 = tpu.vector_load_idx %arg5[%parallel_loop3A_1128] : memref<20480xf32, #tpu.memory_space<vmem>>[vector<16xi32>], vector<16xf32>,
      %parallel_loop3A_1141 = arith.index_cast %parallel_loop3A_1139 : i32 to index
      %parallel_loop3A_1142 = tpu.vector_load %arg6[%parallel_loop3A_1141] {strides = array<i32>} : memref<8192xf32, #tpu.memory_space<vmem>>, vector<16xf32>,
      tpu.vector_store %arg6[%parallel_loop3A_1141], %parallel_loop3A_1140 {strides = array<i32>} : memref<8192xf32, #tpu.memory_space<vmem>>, vector<16xf32>,
    } {sc.loop_unroll_factor = 8 : i64, sc.parallel_access}
    %add3A_278 = arith.constant 128 : i32
    %add3A_279 = arith.addi %add3A_268, %add3A_278 : i32
    %broadcast_in_dim3A_280 = vector.broadcast %add3A_279 : i32 to vector<16xi32>
    %broadcast_in_dim3A_281 = arith.constant 9344 : i32
    %broadcast_in_dim3A_282 = vector.broadcast %broadcast_in_dim3A_281 : i32 to vector<16xi32>
    %select_n3A_283 = arith.select %eq3A_4, %broadcast_in_dim3A_280, %broadcast_in_dim3A_282 : vector<16xi1>, vector<16xi32>
    %parallel_loop3A_284 = arith.constant 0 : i32
    %parallel_loop3A_285 = arith.constant 128 : i32
    %parallel_loop3A_286 = arith.constant 1 : i32
    scf.for %parallel_loop3A_1123 = %parallel_loop3A_284 to %parallel_loop3A_285 step %parallel_loop3A_286  : i32 {
      %parallel_loop3A_1124 = arith.constant 16 : i32
      %parallel_loop3A_1125 = arith.muli %parallel_loop3A_1123, %parallel_loop3A_1124 : i32
      %parallel_loop3A_1126 = arith.index_cast %parallel_loop3A_1125 : i32 to index
      %parallel_loop3A_1127 = tpu.vector_load %arg7[%parallel_loop3A_1126] {strides = array<i32>} : memref<2048xi32, #tpu.memory_space<vmem>>, vector<16xi32>,
      %parallel_loop3A_1128 = arith.addi %parallel_loop3A_1127, %select_n3A_283 : vector<16xi32>
      %parallel_loop3A_1129 = arith.constant 3 : i32
      %parallel_loop3A_1130 = arith.shrsi %parallel_loop3A_1123, %parallel_loop3A_1129 : i32
      %parallel_loop3A_1131 = arith.constant 8 : i32
      %parallel_loop3A_1132 = arith.shli %parallel_loop3A_1130, %parallel_loop3A_1131 : i32
      %parallel_loop3A_1133 = arith.constant 4224 : i32
      %parallel_loop3A_1134 = arith.addi %parallel_loop3A_1133, %parallel_loop3A_1132 : i32
      %parallel_loop3A_1135 = arith.constant 7 : i32
      %parallel_loop3A_1136 = arith.andi %parallel_loop3A_1123, %parallel_loop3A_1135 : i32
      %parallel_loop3A_1137 = arith.constant 4 : i32
      %parallel_loop3A_1138 = arith.shli %parallel_loop3A_1136, %parallel_loop3A_1137 : i32
      %parallel_loop3A_1139 = arith.addi %parallel_loop3A_1134, %parallel_loop3A_1138 : i32
      %parallel_loop3A_1140 = tpu.vector_load_idx %arg5[%parallel_loop3A_1128] : memref<20480xf32, #tpu.memory_space<vmem>>[vector<16xi32>], vector<16xf32>,
      %parallel_loop3A_1141 = arith.index_cast %parallel_loop3A_1139 : i32 to index
      %parallel_loop3A_1142 = tpu.vector_load %arg6[%parallel_loop3A_1141] {strides = array<i32>} : memref<8192xf32, #tpu.memory_space<vmem>>, vector<16xf32>,
      tpu.vector_store %arg6[%parallel_loop3A_1141], %parallel_loop3A_1140 {strides = array<i32>} : memref<8192xf32, #tpu.memory_space<vmem>>, vector<16xf32>,
    } {sc.loop_unroll_factor = 8 : i64, sc.parallel_access}
    %mul3A_287 = arith.constant 2 : i32
    %mul3A_288 = arith.muli %add3A_252, %mul3A_287 : i32
    %add3A_289 = arith.constant 1 : i32
    %add3A_290 = arith.addi %mul3A_288, %add3A_289 : i32
    %mul3A_291 = arith.constant 4096 : i32
    %mul3A_292 = arith.muli %add3A_290, %mul3A_291 : i32
    %dma_start3A_293 = arith.constant 4096 : i32
    %dma_start3A_294 = tpu.memref_slice %arg6[%dma_start3A_293] : memref<8192xf32, #tpu.memory_space<vmem>> -> memref<4096xf32, #tpu.memory_space<vmem>>
    %dma_start3A_295 = tpu.memref_slice %arg4[%mul3A_292] : memref<2097152xf32, #tpu.memory_space<hbm>> -> memref<4096xf32, #tpu.memory_space<hbm>>
    %dma_start3A_296 = tpu.memref_slice %arg4[%mul3A_292] : memref<2097152xf32, #tpu.memory_space<hbm>> -> memref<4096xf32, #tpu.memory_space<hbm>>
    %dma_start3A_297 = arith.constant 4096 : i32
    %dma_start3A_298 = tpu.memref_slice %arg6[%dma_start3A_297] : memref<8192xf32, #tpu.memory_space<vmem>> -> memref<4096xf32, #tpu.memory_space<vmem>>
    tpu.enqueue_dma source(%dma_start3A_298 : memref<4096xf32, #tpu.memory_space<vmem>>) target(%dma_start3A_296 : memref<4096xf32, #tpu.memory_space<hbm>>) target_semaphore(%arg10 : memref<!tpu.dma_semaphore, #tpu.memory_space<semaphore_mem>>)
    %mul3A_299 = arith.constant 8 : i32
    %mul3A_300 = arith.muli %add3A, %mul3A_299 : i32
    %add3A_301 = arith.constant 3 : i32
    %add3A_302 = arith.addi %mul3A_300, %add3A_301 : i32
    %mul3A_303 = arith.constant 55296 : i32
    %mul3A_304 = arith.muli %add3A_302, %mul3A_303 : i32
    %add3A_305 = arith.constant 8192 : i32
    %add3A_306 = arith.addi %mul3A_304, %add3A_305 : i32
    %dma_start3A_307 = arith.constant 6144 : i32
    %dma_start3A_308 = tpu.memref_slice %arg5[%dma_start3A_307] : memref<20480xf32, #tpu.memory_space<vmem>> -> memref<3072xf32, #tpu.memory_space<vmem>>
    %dma_start3A_309 = tpu.memref_slice %arg2[%add3A_306] : memref<14155776xf32, #tpu.memory_space<hbm>> -> memref<3072xf32, #tpu.memory_space<hbm>>
    %dma_start3A_310 = arith.constant 6144 : i32
    %dma_start3A_311 = tpu.memref_slice %arg5[%dma_start3A_310] : memref<20480xf32, #tpu.memory_space<vmem>> -> memref<3072xf32, #tpu.memory_space<vmem>>
    %dma_start3A_312 = tpu.memref_slice %arg2[%add3A_306] : memref<14155776xf32, #tpu.memory_space<hbm>> -> memref<3072xf32, #tpu.memory_space<hbm>>
    tpu.enqueue_dma source(%dma_start3A_312 : memref<3072xf32, #tpu.memory_space<hbm>>) target(%dma_start3A_311 : memref<3072xf32, #tpu.memory_space<vmem>>) target_semaphore(%arg8 : memref<!tpu.dma_semaphore, #tpu.memory_space<semaphore_mem>>)
    %dma_wait3A_313 = arith.constant 0 : i32
    %dma_wait3A_314 = tpu.memref_slice %arg5[%dma_wait3A_313] : memref<20480xf32, #tpu.memory_space<vmem>> -> memref<3072xf32, #tpu.memory_space<vmem>>
    %dma_wait3A_315 = tpu.memref_slice %arg2[%add3A_166] : memref<14155776xf32, #tpu.memory_space<hbm>> -> memref<3072xf32, #tpu.memory_space<hbm>>
    %dma_wait3A_316 = arith.constant 0 : i32
    %dma_wait3A_317 = tpu.memref_slice %arg5[%dma_wait3A_316] : memref<20480xf32, #tpu.memory_space<vmem>> -> memref<3072xf32, #tpu.memory_space<vmem>>
    %dma_wait3A_318 = tpu.memref_slice %arg2[%add3A_166] : memref<14155776xf32, #tpu.memory_space<hbm>> -> memref<3072xf32, #tpu.memory_space<hbm>>
    tpu.wait_dma2 semaphore(%arg8 : memref<!tpu.dma_semaphore, #tpu.memory_space<semaphore_mem>>) src(%dma_wait3A_318 : memref<3072xf32, #tpu.memory_space<hbm>>) dst(%dma_wait3A_317 : memref<3072xf32, #tpu.memory_space<vmem>>)
    %mul3A_319 = arith.constant 8 : i32
    %mul3A_320 = arith.muli %add3A, %mul3A_319 : i32
    %add3A_321 = arith.constant 2 : i32
    %add3A_322 = arith.addi %mul3A_320, %add3A_321 : i32
    %and3A_323 = arith.constant 3 : i32
    %and3A_324 = arith.andi %add3A_322, %and3A_323 : i32
    %dma_wait3A_325 = arith.constant 0 : i32
    %dma_wait3A_326 = tpu.memref_slice %arg6[%dma_wait3A_325] : memref<8192xf32, #tpu.memory_space<vmem>> -> memref<4096xf32, #tpu.memory_space<vmem>>
    %dma_wait3A_327 = tpu.memref_slice %arg4[%mul3A_222] : memref<2097152xf32, #tpu.memory_space<hbm>> -> memref<4096xf32, #tpu.memory_space<hbm>>
    %dma_wait3A_328 = tpu.memref_slice %arg4[%mul3A_222] : memref<2097152xf32, #tpu.memory_space<hbm>> -> memref<4096xf32, #tpu.memory_space<hbm>>
    %dma_wait3A_329 = arith.constant 0 : i32
    %dma_wait3A_330 = tpu.memref_slice %arg6[%dma_wait3A_329] : memref<8192xf32, #tpu.memory_space<vmem>> -> memref<4096xf32, #tpu.memory_space<vmem>>
    tpu.wait_dma2 semaphore(%arg9 : memref<!tpu.dma_semaphore, #tpu.memory_space<semaphore_mem>>) src(%dma_wait3A_330 : memref<4096xf32, #tpu.memory_space<vmem>>) dst(%dma_wait3A_328 : memref<4096xf32, #tpu.memory_space<hbm>>)
    %mul3A_331 = arith.constant 2 : i32
    %mul3A_332 = arith.muli %and3A_324, %mul3A_331 : i32
    %mul3A_333 = arith.constant 1024 : i32
    %mul3A_334 = arith.muli %mul3A_332, %mul3A_333 : i32
    %add3A_335 = arith.constant 12288 : i32
    %add3A_336 = arith.addi %add3A_335, %mul3A_334 : i32
    %add3A_337 = arith.constant 0 : i32
    %add3A_338 = arith.addi %add3A_336, %add3A_337 : i32
    %add3A_339 = arith.constant 0 : i32
    %add3A_340 = arith.addi %add3A_338, %add3A_339 : i32
    %broadcast_in_dim3A_341 = vector.broadcast %add3A_340 : i32 to vector<16xi32>
    %broadcast_in_dim3A_342 = arith.constant 0 : i32
    %broadcast_in_dim3A_343 = vector.broadcast %broadcast_in_dim3A_342 : i32 to vector<16xi32>
    %select_n3A_344 = arith.select %eq3A_4, %broadcast_in_dim3A_341, %broadcast_in_dim3A_343 : vector<16xi1>, vector<16xi32>
    %parallel_loop3A_345 = arith.constant 0 : i32
    %parallel_loop3A_346 = arith.constant 128 : i32
    %parallel_loop3A_347 = arith.constant 1 : i32
    scf.for %parallel_loop3A_1123 = %parallel_loop3A_345 to %parallel_loop3A_346 step %parallel_loop3A_347  : i32 {
      %parallel_loop3A_1124 = arith.constant 16 : i32
      %parallel_loop3A_1125 = arith.muli %parallel_loop3A_1123, %parallel_loop3A_1124 : i32
      %parallel_loop3A_1126 = arith.index_cast %parallel_loop3A_1125 : i32 to index
      %parallel_loop3A_1127 = tpu.vector_load %arg7[%parallel_loop3A_1126] {strides = array<i32>} : memref<2048xi32, #tpu.memory_space<vmem>>, vector<16xi32>,
      %parallel_loop3A_1128 = arith.addi %parallel_loop3A_1127, %select_n3A_344 : vector<16xi32>
      %parallel_loop3A_1129 = arith.constant 3 : i32
      %parallel_loop3A_1130 = arith.shrsi %parallel_loop3A_1123, %parallel_loop3A_1129 : i32
      %parallel_loop3A_1131 = arith.constant 8 : i32
      %parallel_loop3A_1132 = arith.shli %parallel_loop3A_1130, %parallel_loop3A_1131 : i32
      %parallel_loop3A_1133 = arith.constant 0 : i32
      %parallel_loop3A_1134 = arith.addi %parallel_loop3A_1133, %parallel_loop3A_1132 : i32
      %parallel_loop3A_1135 = arith.constant 7 : i32
      %parallel_loop3A_1136 = arith.andi %parallel_loop3A_1123, %parallel_loop3A_1135 : i32
      %parallel_loop3A_1137 = arith.constant 4 : i32
      %parallel_loop3A_1138 = arith.shli %parallel_loop3A_1136, %parallel_loop3A_1137 : i32
      %parallel_loop3A_1139 = arith.addi %parallel_loop3A_1134, %parallel_loop3A_1138 : i32
      %parallel_loop3A_1140 = tpu.vector_load_idx %arg5[%parallel_loop3A_1128] : memref<20480xf32, #tpu.memory_space<vmem>>[vector<16xi32>], vector<16xf32>,
      %parallel_loop3A_1141 = arith.index_cast %parallel_loop3A_1139 : i32 to index
      %parallel_loop3A_1142 = tpu.vector_load %arg6[%parallel_loop3A_1141] {strides = array<i32>} : memref<8192xf32, #tpu.memory_space<vmem>>, vector<16xf32>,
      tpu.vector_store %arg6[%parallel_loop3A_1141], %parallel_loop3A_1140 {strides = array<i32>} : memref<8192xf32, #tpu.memory_space<vmem>>, vector<16xf32>,
    } {sc.loop_unroll_factor = 8 : i64, sc.parallel_access}
    %add3A_348 = arith.constant 128 : i32
    %add3A_349 = arith.addi %add3A_338, %add3A_348 : i32
    %broadcast_in_dim3A_350 = vector.broadcast %add3A_349 : i32 to vector<16xi32>
    %broadcast_in_dim3A_351 = arith.constant 128 : i32
    %broadcast_in_dim3A_352 = vector.broadcast %broadcast_in_dim3A_351 : i32 to vector<16xi32>
    %select_n3A_353 = arith.select %eq3A_4, %broadcast_in_dim3A_350, %broadcast_in_dim3A_352 : vector<16xi1>, vector<16xi32>
    %parallel_loop3A_354 = arith.constant 0 : i32
    %parallel_loop3A_355 = arith.constant 128 : i32
    %parallel_loop3A_356 = arith.constant 1 : i32
    scf.for %parallel_loop3A_1123 = %parallel_loop3A_354 to %parallel_loop3A_355 step %parallel_loop3A_356  : i32 {
      %parallel_loop3A_1124 = arith.constant 16 : i32
      %parallel_loop3A_1125 = arith.muli %parallel_loop3A_1123, %parallel_loop3A_1124 : i32
      %parallel_loop3A_1126 = arith.index_cast %parallel_loop3A_1125 : i32 to index
      %parallel_loop3A_1127 = tpu.vector_load %arg7[%parallel_loop3A_1126] {strides = array<i32>} : memref<2048xi32, #tpu.memory_space<vmem>>, vector<16xi32>,
      %parallel_loop3A_1128 = arith.addi %parallel_loop3A_1127, %select_n3A_353 : vector<16xi32>
      %parallel_loop3A_1129 = arith.constant 3 : i32
      %parallel_loop3A_1130 = arith.shrsi %parallel_loop3A_1123, %parallel_loop3A_1129 : i32
      %parallel_loop3A_1131 = arith.constant 8 : i32
      %parallel_loop3A_1132 = arith.shli %parallel_loop3A_1130, %parallel_loop3A_1131 : i32
      %parallel_loop3A_1133 = arith.constant 128 : i32
      %parallel_loop3A_1134 = arith.addi %parallel_loop3A_1133, %parallel_loop3A_1132 : i32
      %parallel_loop3A_1135 = arith.constant 7 : i32
      %parallel_loop3A_1136 = arith.andi %parallel_loop3A_1123, %parallel_loop3A_1135 : i32
      %parallel_loop3A_1137 = arith.constant 4 : i32
      %parallel_loop3A_1138 = arith.shli %parallel_loop3A_1136, %parallel_loop3A_1137 : i32
      %parallel_loop3A_1139 = arith.addi %parallel_loop3A_1134, %parallel_loop3A_1138 : i32
      %parallel_loop3A_1140 = tpu.vector_load_idx %arg5[%parallel_loop3A_1128] : memref<20480xf32, #tpu.memory_space<vmem>>[vector<16xi32>], vector<16xf32>,
      %parallel_loop3A_1141 = arith.index_cast %parallel_loop3A_1139 : i32 to index
      %parallel_loop3A_1142 = tpu.vector_load %arg6[%parallel_loop3A_1141] {strides = array<i32>} : memref<8192xf32, #tpu.memory_space<vmem>>, vector<16xf32>,
      tpu.vector_store %arg6[%parallel_loop3A_1141], %parallel_loop3A_1140 {strides = array<i32>} : memref<8192xf32, #tpu.memory_space<vmem>>, vector<16xf32>,
    } {sc.loop_unroll_factor = 8 : i64, sc.parallel_access}
    %mul3A_357 = arith.constant 2 : i32
    %mul3A_358 = arith.muli %add3A_322, %mul3A_357 : i32
    %add3A_359 = arith.constant 0 : i32
    %add3A_360 = arith.addi %mul3A_358, %add3A_359 : i32
    %mul3A_361 = arith.constant 4096 : i32
    %mul3A_362 = arith.muli %add3A_360, %mul3A_361 : i32
    %dma_start3A_363 = arith.constant 0 : i32
    %dma_start3A_364 = tpu.memref_slice %arg6[%dma_start3A_363] : memref<8192xf32, #tpu.memory_space<vmem>> -> memref<4096xf32, #tpu.memory_space<vmem>>
    %dma_start3A_365 = tpu.memref_slice %arg4[%mul3A_362] : memref<2097152xf32, #tpu.memory_space<hbm>> -> memref<4096xf32, #tpu.memory_space<hbm>>
    %dma_start3A_366 = tpu.memref_slice %arg4[%mul3A_362] : memref<2097152xf32, #tpu.memory_space<hbm>> -> memref<4096xf32, #tpu.memory_space<hbm>>
    %dma_start3A_367 = arith.constant 0 : i32
    %dma_start3A_368 = tpu.memref_slice %arg6[%dma_start3A_367] : memref<8192xf32, #tpu.memory_space<vmem>> -> memref<4096xf32, #tpu.memory_space<vmem>>
    tpu.enqueue_dma source(%dma_start3A_368 : memref<4096xf32, #tpu.memory_space<vmem>>) target(%dma_start3A_366 : memref<4096xf32, #tpu.memory_space<hbm>>) target_semaphore(%arg9 : memref<!tpu.dma_semaphore, #tpu.memory_space<semaphore_mem>>)
    %mul3A_369 = arith.constant 8 : i32
    %mul3A_370 = arith.muli %add3A, %mul3A_369 : i32
    %add3A_371 = arith.constant 3 : i32
    %add3A_372 = arith.addi %mul3A_370, %add3A_371 : i32
    %mul3A_373 = arith.constant 55296 : i32
    %mul3A_374 = arith.muli %add3A_372, %mul3A_373 : i32
    %add3A_375 = arith.constant 44032 : i32
    %add3A_376 = arith.addi %mul3A_374, %add3A_375 : i32
    %dma_start3A_377 = arith.constant 9216 : i32
    %dma_start3A_378 = tpu.memref_slice %arg5[%dma_start3A_377] : memref<20480xf32, #tpu.memory_space<vmem>> -> memref<3072xf32, #tpu.memory_space<vmem>>
    %dma_start3A_379 = tpu.memref_slice %arg2[%add3A_376] : memref<14155776xf32, #tpu.memory_space<hbm>> -> memref<3072xf32, #tpu.memory_space<hbm>>
    %dma_start3A_380 = arith.constant 9216 : i32
    %dma_start3A_381 = tpu.memref_slice %arg5[%dma_start3A_380] : memref<20480xf32, #tpu.memory_space<vmem>> -> memref<3072xf32, #tpu.memory_space<vmem>>
    %dma_start3A_382 = tpu.memref_slice %arg2[%add3A_376] : memref<14155776xf32, #tpu.memory_space<hbm>> -> memref<3072xf32, #tpu.memory_space<hbm>>
    tpu.enqueue_dma source(%dma_start3A_382 : memref<3072xf32, #tpu.memory_space<hbm>>) target(%dma_start3A_381 : memref<3072xf32, #tpu.memory_space<vmem>>) target_semaphore(%arg8 : memref<!tpu.dma_semaphore, #tpu.memory_space<semaphore_mem>>)
    %dma_wait3A_383 = arith.constant 3072 : i32
    %dma_wait3A_384 = tpu.memref_slice %arg5[%dma_wait3A_383] : memref<20480xf32, #tpu.memory_space<vmem>> -> memref<3072xf32, #tpu.memory_space<vmem>>
    %dma_wait3A_385 = tpu.memref_slice %arg2[%add3A_236] : memref<14155776xf32, #tpu.memory_space<hbm>> -> memref<3072xf32, #tpu.memory_space<hbm>>
    %dma_wait3A_386 = arith.constant 3072 : i32
    %dma_wait3A_387 = tpu.memref_slice %arg5[%dma_wait3A_386] : memref<20480xf32, #tpu.memory_space<vmem>> -> memref<3072xf32, #tpu.memory_space<vmem>>
    %dma_wait3A_388 = tpu.memref_slice %arg2[%add3A_236] : memref<14155776xf32, #tpu.memory_space<hbm>> -> memref<3072xf32, #tpu.memory_space<hbm>>
    tpu.wait_dma2 semaphore(%arg8 : memref<!tpu.dma_semaphore, #tpu.memory_space<semaphore_mem>>) src(%dma_wait3A_388 : memref<3072xf32, #tpu.memory_space<hbm>>) dst(%dma_wait3A_387 : memref<3072xf32, #tpu.memory_space<vmem>>)
    %mul3A_389 = arith.constant 8 : i32
    %mul3A_390 = arith.muli %add3A, %mul3A_389 : i32
    %add3A_391 = arith.constant 2 : i32
    %add3A_392 = arith.addi %mul3A_390, %add3A_391 : i32
    %and3A_393 = arith.constant 3 : i32
    %and3A_394 = arith.andi %add3A_392, %and3A_393 : i32
    %dma_wait3A_395 = arith.constant 4096 : i32
    %dma_wait3A_396 = tpu.memref_slice %arg6[%dma_wait3A_395] : memref<8192xf32, #tpu.memory_space<vmem>> -> memref<4096xf32, #tpu.memory_space<vmem>>
    %dma_wait3A_397 = tpu.memref_slice %arg4[%mul3A_292] : memref<2097152xf32, #tpu.memory_space<hbm>> -> memref<4096xf32, #tpu.memory_space<hbm>>
    %dma_wait3A_398 = tpu.memref_slice %arg4[%mul3A_292] : memref<2097152xf32, #tpu.memory_space<hbm>> -> memref<4096xf32, #tpu.memory_space<hbm>>
    %dma_wait3A_399 = arith.constant 4096 : i32
    %dma_wait3A_400 = tpu.memref_slice %arg6[%dma_wait3A_399] : memref<8192xf32, #tpu.memory_space<vmem>> -> memref<4096xf32, #tpu.memory_space<vmem>>
    tpu.wait_dma2 semaphore(%arg10 : memref<!tpu.dma_semaphore, #tpu.memory_space<semaphore_mem>>) src(%dma_wait3A_400 : memref<4096xf32, #tpu.memory_space<vmem>>) dst(%dma_wait3A_398 : memref<4096xf32, #tpu.memory_space<hbm>>)
    %mul3A_401 = arith.constant 2 : i32
    %mul3A_402 = arith.muli %and3A_394, %mul3A_401 : i32
    %mul3A_403 = arith.constant 1024 : i32
    %mul3A_404 = arith.muli %mul3A_402, %mul3A_403 : i32
    %add3A_405 = arith.constant 12288 : i32
    %add3A_406 = arith.addi %add3A_405, %mul3A_404 : i32
    %add3A_407 = arith.constant 1024 : i32
    %add3A_408 = arith.addi %add3A_406, %add3A_407 : i32
    %add3A_409 = arith.constant 0 : i32
    %add3A_410 = arith.addi %add3A_408, %add3A_409 : i32
    %broadcast_in_dim3A_411 = vector.broadcast %add3A_410 : i32 to vector<16xi32>
    %broadcast_in_dim3A_412 = arith.constant 3072 : i32
    %broadcast_in_dim3A_413 = vector.broadcast %broadcast_in_dim3A_412 : i32 to vector<16xi32>
    %select_n3A_414 = arith.select %eq3A_4, %broadcast_in_dim3A_411, %broadcast_in_dim3A_413 : vector<16xi1>, vector<16xi32>
    %parallel_loop3A_415 = arith.constant 0 : i32
    %parallel_loop3A_416 = arith.constant 128 : i32
    %parallel_loop3A_417 = arith.constant 1 : i32
    scf.for %parallel_loop3A_1123 = %parallel_loop3A_415 to %parallel_loop3A_416 step %parallel_loop3A_417  : i32 {
      %parallel_loop3A_1124 = arith.constant 16 : i32
      %parallel_loop3A_1125 = arith.muli %parallel_loop3A_1123, %parallel_loop3A_1124 : i32
      %parallel_loop3A_1126 = arith.index_cast %parallel_loop3A_1125 : i32 to index
      %parallel_loop3A_1127 = tpu.vector_load %arg7[%parallel_loop3A_1126] {strides = array<i32>} : memref<2048xi32, #tpu.memory_space<vmem>>, vector<16xi32>,
      %parallel_loop3A_1128 = arith.addi %parallel_loop3A_1127, %select_n3A_414 : vector<16xi32>
      %parallel_loop3A_1129 = arith.constant 3 : i32
      %parallel_loop3A_1130 = arith.shrsi %parallel_loop3A_1123, %parallel_loop3A_1129 : i32
      %parallel_loop3A_1131 = arith.constant 8 : i32
      %parallel_loop3A_1132 = arith.shli %parallel_loop3A_1130, %parallel_loop3A_1131 : i32
      %parallel_loop3A_1133 = arith.constant 4096 : i32
      %parallel_loop3A_1134 = arith.addi %parallel_loop3A_1133, %parallel_loop3A_1132 : i32
      %parallel_loop3A_1135 = arith.constant 7 : i32
      %parallel_loop3A_1136 = arith.andi %parallel_loop3A_1123, %parallel_loop3A_1135 : i32
      %parallel_loop3A_1137 = arith.constant 4 : i32
      %parallel_loop3A_1138 = arith.shli %parallel_loop3A_1136, %parallel_loop3A_1137 : i32
      %parallel_loop3A_1139 = arith.addi %parallel_loop3A_1134, %parallel_loop3A_1138 : i32
      %parallel_loop3A_1140 = tpu.vector_load_idx %arg5[%parallel_loop3A_1128] : memref<20480xf32, #tpu.memory_space<vmem>>[vector<16xi32>], vector<16xf32>,
      %parallel_loop3A_1141 = arith.index_cast %parallel_loop3A_1139 : i32 to index
      %parallel_loop3A_1142 = tpu.vector_load %arg6[%parallel_loop3A_1141] {strides = array<i32>} : memref<8192xf32, #tpu.memory_space<vmem>>, vector<16xf32>,
      tpu.vector_store %arg6[%parallel_loop3A_1141], %parallel_loop3A_1140 {strides = array<i32>} : memref<8192xf32, #tpu.memory_space<vmem>>, vector<16xf32>,
    } {sc.loop_unroll_factor = 8 : i64, sc.parallel_access}
    %add3A_418 = arith.constant 128 : i32
    %add3A_419 = arith.addi %add3A_408, %add3A_418 : i32
    %broadcast_in_dim3A_420 = vector.broadcast %add3A_419 : i32 to vector<16xi32>
    %broadcast_in_dim3A_421 = arith.constant 3200 : i32
    %broadcast_in_dim3A_422 = vector.broadcast %broadcast_in_dim3A_421 : i32 to vector<16xi32>
    %select_n3A_423 = arith.select %eq3A_4, %broadcast_in_dim3A_420, %broadcast_in_dim3A_422 : vector<16xi1>, vector<16xi32>
    %parallel_loop3A_424 = arith.constant 0 : i32
    %parallel_loop3A_425 = arith.constant 128 : i32
    %parallel_loop3A_426 = arith.constant 1 : i32
    scf.for %parallel_loop3A_1123 = %parallel_loop3A_424 to %parallel_loop3A_425 step %parallel_loop3A_426  : i32 {
      %parallel_loop3A_1124 = arith.constant 16 : i32
      %parallel_loop3A_1125 = arith.muli %parallel_loop3A_1123, %parallel_loop3A_1124 : i32
      %parallel_loop3A_1126 = arith.index_cast %parallel_loop3A_1125 : i32 to index
      %parallel_loop3A_1127 = tpu.vector_load %arg7[%parallel_loop3A_1126] {strides = array<i32>} : memref<2048xi32, #tpu.memory_space<vmem>>, vector<16xi32>,
      %parallel_loop3A_1128 = arith.addi %parallel_loop3A_1127, %select_n3A_423 : vector<16xi32>
      %parallel_loop3A_1129 = arith.constant 3 : i32
      %parallel_loop3A_1130 = arith.shrsi %parallel_loop3A_1123, %parallel_loop3A_1129 : i32
      %parallel_loop3A_1131 = arith.constant 8 : i32
      %parallel_loop3A_1132 = arith.shli %parallel_loop3A_1130, %parallel_loop3A_1131 : i32
      %parallel_loop3A_1133 = arith.constant 4224 : i32
      %parallel_loop3A_1134 = arith.addi %parallel_loop3A_1133, %parallel_loop3A_1132 : i32
      %parallel_loop3A_1135 = arith.constant 7 : i32
      %parallel_loop3A_1136 = arith.andi %parallel_loop3A_1123, %parallel_loop3A_1135 : i32
      %parallel_loop3A_1137 = arith.constant 4 : i32
      %parallel_loop3A_1138 = arith.shli %parallel_loop3A_1136, %parallel_loop3A_1137 : i32
      %parallel_loop3A_1139 = arith.addi %parallel_loop3A_1134, %parallel_loop3A_1138 : i32
      %parallel_loop3A_1140 = tpu.vector_load_idx %arg5[%parallel_loop3A_1128] : memref<20480xf32, #tpu.memory_space<vmem>>[vector<16xi32>], vector<16xf32>,
      %parallel_loop3A_1141 = arith.index_cast %parallel_loop3A_1139 : i32 to index
      %parallel_loop3A_1142 = tpu.vector_load %arg6[%parallel_loop3A_1141] {strides = array<i32>} : memref<8192xf32, #tpu.memory_space<vmem>>, vector<16xf32>,
      tpu.vector_store %arg6[%parallel_loop3A_1141], %parallel_loop3A_1140 {strides = array<i32>} : memref<8192xf32, #tpu.memory_space<vmem>>, vector<16xf32>,
    } {sc.loop_unroll_factor = 8 : i64, sc.parallel_access}
    %mul3A_427 = arith.constant 2 : i32
    %mul3A_428 = arith.muli %add3A_392, %mul3A_427 : i32
    %add3A_429 = arith.constant 1 : i32
    %add3A_430 = arith.addi %mul3A_428, %add3A_429 : i32
    %mul3A_431 = arith.constant 4096 : i32
    %mul3A_432 = arith.muli %add3A_430, %mul3A_431 : i32
    %dma_start3A_433 = arith.constant 4096 : i32
    %dma_start3A_434 = tpu.memref_slice %arg6[%dma_start3A_433] : memref<8192xf32, #tpu.memory_space<vmem>> -> memref<4096xf32, #tpu.memory_space<vmem>>
    %dma_start3A_435 = tpu.memref_slice %arg4[%mul3A_432] : memref<2097152xf32, #tpu.memory_space<hbm>> -> memref<4096xf32, #tpu.memory_space<hbm>>
    %dma_start3A_436 = tpu.memref_slice %arg4[%mul3A_432] : memref<2097152xf32, #tpu.memory_space<hbm>> -> memref<4096xf32, #tpu.memory_space<hbm>>
    %dma_start3A_437 = arith.constant 4096 : i32
    %dma_start3A_438 = tpu.memref_slice %arg6[%dma_start3A_437] : memref<8192xf32, #tpu.memory_space<vmem>> -> memref<4096xf32, #tpu.memory_space<vmem>>
    tpu.enqueue_dma source(%dma_start3A_438 : memref<4096xf32, #tpu.memory_space<vmem>>) target(%dma_start3A_436 : memref<4096xf32, #tpu.memory_space<hbm>>) target_semaphore(%arg10 : memref<!tpu.dma_semaphore, #tpu.memory_space<semaphore_mem>>)
    %mul3A_439 = arith.constant 8 : i32
    %mul3A_440 = arith.muli %add3A, %mul3A_439 : i32
    %add3A_441 = arith.constant 4 : i32
    %add3A_442 = arith.addi %mul3A_440, %add3A_441 : i32
    %mul3A_443 = arith.constant 55296 : i32
    %mul3A_444 = arith.muli %add3A_442, %mul3A_443 : i32
    %add3A_445 = arith.constant 8192 : i32
    %add3A_446 = arith.addi %mul3A_444, %add3A_445 : i32
    %dma_start3A_447 = arith.constant 0 : i32
    %dma_start3A_448 = tpu.memref_slice %arg5[%dma_start3A_447] : memref<20480xf32, #tpu.memory_space<vmem>> -> memref<3072xf32, #tpu.memory_space<vmem>>
    %dma_start3A_449 = tpu.memref_slice %arg2[%add3A_446] : memref<14155776xf32, #tpu.memory_space<hbm>> -> memref<3072xf32, #tpu.memory_space<hbm>>
    %dma_start3A_450 = arith.constant 0 : i32
    %dma_start3A_451 = tpu.memref_slice %arg5[%dma_start3A_450] : memref<20480xf32, #tpu.memory_space<vmem>> -> memref<3072xf32, #tpu.memory_space<vmem>>
    %dma_start3A_452 = tpu.memref_slice %arg2[%add3A_446] : memref<14155776xf32, #tpu.memory_space<hbm>> -> memref<3072xf32, #tpu.memory_space<hbm>>
    tpu.enqueue_dma source(%dma_start3A_452 : memref<3072xf32, #tpu.memory_space<hbm>>) target(%dma_start3A_451 : memref<3072xf32, #tpu.memory_space<vmem>>) target_semaphore(%arg8 : memref<!tpu.dma_semaphore, #tpu.memory_space<semaphore_mem>>)
    %dma_wait3A_453 = arith.constant 6144 : i32
    %dma_wait3A_454 = tpu.memref_slice %arg5[%dma_wait3A_453] : memref<20480xf32, #tpu.memory_space<vmem>> -> memref<3072xf32, #tpu.memory_space<vmem>>
    %dma_wait3A_455 = tpu.memref_slice %arg2[%add3A_306] : memref<14155776xf32, #tpu.memory_space<hbm>> -> memref<3072xf32, #tpu.memory_space<hbm>>
    %dma_wait3A_456 = arith.constant 6144 : i32
    %dma_wait3A_457 = tpu.memref_slice %arg5[%dma_wait3A_456] : memref<20480xf32, #tpu.memory_space<vmem>> -> memref<3072xf32, #tpu.memory_space<vmem>>
    %dma_wait3A_458 = tpu.memref_slice %arg2[%add3A_306] : memref<14155776xf32, #tpu.memory_space<hbm>> -> memref<3072xf32, #tpu.memory_space<hbm>>
    tpu.wait_dma2 semaphore(%arg8 : memref<!tpu.dma_semaphore, #tpu.memory_space<semaphore_mem>>) src(%dma_wait3A_458 : memref<3072xf32, #tpu.memory_space<hbm>>) dst(%dma_wait3A_457 : memref<3072xf32, #tpu.memory_space<vmem>>)
    %mul3A_459 = arith.constant 8 : i32
    %mul3A_460 = arith.muli %add3A, %mul3A_459 : i32
    %add3A_461 = arith.constant 3 : i32
    %add3A_462 = arith.addi %mul3A_460, %add3A_461 : i32
    %and3A_463 = arith.constant 3 : i32
    %and3A_464 = arith.andi %add3A_462, %and3A_463 : i32
    %dma_wait3A_465 = arith.constant 0 : i32
    %dma_wait3A_466 = tpu.memref_slice %arg6[%dma_wait3A_465] : memref<8192xf32, #tpu.memory_space<vmem>> -> memref<4096xf32, #tpu.memory_space<vmem>>
    %dma_wait3A_467 = tpu.memref_slice %arg4[%mul3A_362] : memref<2097152xf32, #tpu.memory_space<hbm>> -> memref<4096xf32, #tpu.memory_space<hbm>>
    %dma_wait3A_468 = tpu.memref_slice %arg4[%mul3A_362] : memref<2097152xf32, #tpu.memory_space<hbm>> -> memref<4096xf32, #tpu.memory_space<hbm>>
    %dma_wait3A_469 = arith.constant 0 : i32
    %dma_wait3A_470 = tpu.memref_slice %arg6[%dma_wait3A_469] : memref<8192xf32, #tpu.memory_space<vmem>> -> memref<4096xf32, #tpu.memory_space<vmem>>
    tpu.wait_dma2 semaphore(%arg9 : memref<!tpu.dma_semaphore, #tpu.memory_space<semaphore_mem>>) src(%dma_wait3A_470 : memref<4096xf32, #tpu.memory_space<vmem>>) dst(%dma_wait3A_468 : memref<4096xf32, #tpu.memory_space<hbm>>)
    %mul3A_471 = arith.constant 2 : i32
    %mul3A_472 = arith.muli %and3A_464, %mul3A_471 : i32
    %mul3A_473 = arith.constant 1024 : i32
    %mul3A_474 = arith.muli %mul3A_472, %mul3A_473 : i32
    %add3A_475 = arith.constant 12288 : i32
    %add3A_476 = arith.addi %add3A_475, %mul3A_474 : i32
    %add3A_477 = arith.constant 0 : i32
    %add3A_478 = arith.addi %add3A_476, %add3A_477 : i32
    %add3A_479 = arith.constant 0 : i32
    %add3A_480 = arith.addi %add3A_478, %add3A_479 : i32
    %broadcast_in_dim3A_481 = vector.broadcast %add3A_480 : i32 to vector<16xi32>
    %broadcast_in_dim3A_482 = arith.constant 6144 : i32
    %broadcast_in_dim3A_483 = vector.broadcast %broadcast_in_dim3A_482 : i32 to vector<16xi32>
    %select_n3A_484 = arith.select %eq3A_4, %broadcast_in_dim3A_481, %broadcast_in_dim3A_483 : vector<16xi1>, vector<16xi32>
    %parallel_loop3A_485 = arith.constant 0 : i32
    %parallel_loop3A_486 = arith.constant 128 : i32
    %parallel_loop3A_487 = arith.constant 1 : i32
    scf.for %parallel_loop3A_1123 = %parallel_loop3A_485 to %parallel_loop3A_486 step %parallel_loop3A_487  : i32 {
      %parallel_loop3A_1124 = arith.constant 16 : i32
      %parallel_loop3A_1125 = arith.muli %parallel_loop3A_1123, %parallel_loop3A_1124 : i32
      %parallel_loop3A_1126 = arith.index_cast %parallel_loop3A_1125 : i32 to index
      %parallel_loop3A_1127 = tpu.vector_load %arg7[%parallel_loop3A_1126] {strides = array<i32>} : memref<2048xi32, #tpu.memory_space<vmem>>, vector<16xi32>,
      %parallel_loop3A_1128 = arith.addi %parallel_loop3A_1127, %select_n3A_484 : vector<16xi32>
      %parallel_loop3A_1129 = arith.constant 3 : i32
      %parallel_loop3A_1130 = arith.shrsi %parallel_loop3A_1123, %parallel_loop3A_1129 : i32
      %parallel_loop3A_1131 = arith.constant 8 : i32
      %parallel_loop3A_1132 = arith.shli %parallel_loop3A_1130, %parallel_loop3A_1131 : i32
      %parallel_loop3A_1133 = arith.constant 0 : i32
      %parallel_loop3A_1134 = arith.addi %parallel_loop3A_1133, %parallel_loop3A_1132 : i32
      %parallel_loop3A_1135 = arith.constant 7 : i32
      %parallel_loop3A_1136 = arith.andi %parallel_loop3A_1123, %parallel_loop3A_1135 : i32
      %parallel_loop3A_1137 = arith.constant 4 : i32
      %parallel_loop3A_1138 = arith.shli %parallel_loop3A_1136, %parallel_loop3A_1137 : i32
      %parallel_loop3A_1139 = arith.addi %parallel_loop3A_1134, %parallel_loop3A_1138 : i32
      %parallel_loop3A_1140 = tpu.vector_load_idx %arg5[%parallel_loop3A_1128] : memref<20480xf32, #tpu.memory_space<vmem>>[vector<16xi32>], vector<16xf32>,
      %parallel_loop3A_1141 = arith.index_cast %parallel_loop3A_1139 : i32 to index
      %parallel_loop3A_1142 = tpu.vector_load %arg6[%parallel_loop3A_1141] {strides = array<i32>} : memref<8192xf32, #tpu.memory_space<vmem>>, vector<16xf32>,
      tpu.vector_store %arg6[%parallel_loop3A_1141], %parallel_loop3A_1140 {strides = array<i32>} : memref<8192xf32, #tpu.memory_space<vmem>>, vector<16xf32>,
    } {sc.loop_unroll_factor = 8 : i64, sc.parallel_access}
    %add3A_488 = arith.constant 128 : i32
    %add3A_489 = arith.addi %add3A_478, %add3A_488 : i32
    %broadcast_in_dim3A_490 = vector.broadcast %add3A_489 : i32 to vector<16xi32>
    %broadcast_in_dim3A_491 = arith.constant 6272 : i32
    %broadcast_in_dim3A_492 = vector.broadcast %broadcast_in_dim3A_491 : i32 to vector<16xi32>
    %select_n3A_493 = arith.select %eq3A_4, %broadcast_in_dim3A_490, %broadcast_in_dim3A_492 : vector<16xi1>, vector<16xi32>
    %parallel_loop3A_494 = arith.constant 0 : i32
    %parallel_loop3A_495 = arith.constant 128 : i32
    %parallel_loop3A_496 = arith.constant 1 : i32
    scf.for %parallel_loop3A_1123 = %parallel_loop3A_494 to %parallel_loop3A_495 step %parallel_loop3A_496  : i32 {
      %parallel_loop3A_1124 = arith.constant 16 : i32
      %parallel_loop3A_1125 = arith.muli %parallel_loop3A_1123, %parallel_loop3A_1124 : i32
      %parallel_loop3A_1126 = arith.index_cast %parallel_loop3A_1125 : i32 to index
      %parallel_loop3A_1127 = tpu.vector_load %arg7[%parallel_loop3A_1126] {strides = array<i32>} : memref<2048xi32, #tpu.memory_space<vmem>>, vector<16xi32>,
      %parallel_loop3A_1128 = arith.addi %parallel_loop3A_1127, %select_n3A_493 : vector<16xi32>
      %parallel_loop3A_1129 = arith.constant 3 : i32
      %parallel_loop3A_1130 = arith.shrsi %parallel_loop3A_1123, %parallel_loop3A_1129 : i32
      %parallel_loop3A_1131 = arith.constant 8 : i32
      %parallel_loop3A_1132 = arith.shli %parallel_loop3A_1130, %parallel_loop3A_1131 : i32
      %parallel_loop3A_1133 = arith.constant 128 : i32
      %parallel_loop3A_1134 = arith.addi %parallel_loop3A_1133, %parallel_loop3A_1132 : i32
      %parallel_loop3A_1135 = arith.constant 7 : i32
      %parallel_loop3A_1136 = arith.andi %parallel_loop3A_1123, %parallel_loop3A_1135 : i32
      %parallel_loop3A_1137 = arith.constant 4 : i32
      %parallel_loop3A_1138 = arith.shli %parallel_loop3A_1136, %parallel_loop3A_1137 : i32
      %parallel_loop3A_1139 = arith.addi %parallel_loop3A_1134, %parallel_loop3A_1138 : i32
      %parallel_loop3A_1140 = tpu.vector_load_idx %arg5[%parallel_loop3A_1128] : memref<20480xf32, #tpu.memory_space<vmem>>[vector<16xi32>], vector<16xf32>,
      %parallel_loop3A_1141 = arith.index_cast %parallel_loop3A_1139 : i32 to index
      %parallel_loop3A_1142 = tpu.vector_load %arg6[%parallel_loop3A_1141] {strides = array<i32>} : memref<8192xf32, #tpu.memory_space<vmem>>, vector<16xf32>,
      tpu.vector_store %arg6[%parallel_loop3A_1141], %parallel_loop3A_1140 {strides = array<i32>} : memref<8192xf32, #tpu.memory_space<vmem>>, vector<16xf32>,
    } {sc.loop_unroll_factor = 8 : i64, sc.parallel_access}
    %mul3A_497 = arith.constant 2 : i32
    %mul3A_498 = arith.muli %add3A_462, %mul3A_497 : i32
    %add3A_499 = arith.constant 0 : i32
    %add3A_500 = arith.addi %mul3A_498, %add3A_499 : i32
    %mul3A_501 = arith.constant 4096 : i32
    %mul3A_502 = arith.muli %add3A_500, %mul3A_501 : i32
    %dma_start3A_503 = arith.constant 0 : i32
    %dma_start3A_504 = tpu.memref_slice %arg6[%dma_start3A_503] : memref<8192xf32, #tpu.memory_space<vmem>> -> memref<4096xf32, #tpu.memory_space<vmem>>
    %dma_start3A_505 = tpu.memref_slice %arg4[%mul3A_502] : memref<2097152xf32, #tpu.memory_space<hbm>> -> memref<4096xf32, #tpu.memory_space<hbm>>
    %dma_start3A_506 = tpu.memref_slice %arg4[%mul3A_502] : memref<2097152xf32, #tpu.memory_space<hbm>> -> memref<4096xf32, #tpu.memory_space<hbm>>
    %dma_start3A_507 = arith.constant 0 : i32
    %dma_start3A_508 = tpu.memref_slice %arg6[%dma_start3A_507] : memref<8192xf32, #tpu.memory_space<vmem>> -> memref<4096xf32, #tpu.memory_space<vmem>>
    tpu.enqueue_dma source(%dma_start3A_508 : memref<4096xf32, #tpu.memory_space<vmem>>) target(%dma_start3A_506 : memref<4096xf32, #tpu.memory_space<hbm>>) target_semaphore(%arg9 : memref<!tpu.dma_semaphore, #tpu.memory_space<semaphore_mem>>)
    %mul3A_509 = arith.constant 8 : i32
    %mul3A_510 = arith.muli %add3A, %mul3A_509 : i32
    %add3A_511 = arith.constant 4 : i32
    %add3A_512 = arith.addi %mul3A_510, %add3A_511 : i32
    %mul3A_513 = arith.constant 55296 : i32
    %mul3A_514 = arith.muli %add3A_512, %mul3A_513 : i32
    %add3A_515 = arith.constant 44032 : i32
    %add3A_516 = arith.addi %mul3A_514, %add3A_515 : i32
    %dma_start3A_517 = arith.constant 3072 : i32
    %dma_start3A_518 = tpu.memref_slice %arg5[%dma_start3A_517] : memref<20480xf32, #tpu.memory_space<vmem>> -> memref<3072xf32, #tpu.memory_space<vmem>>
    %dma_start3A_519 = tpu.memref_slice %arg2[%add3A_516] : memref<14155776xf32, #tpu.memory_space<hbm>> -> memref<3072xf32, #tpu.memory_space<hbm>>
    %dma_start3A_520 = arith.constant 3072 : i32
    %dma_start3A_521 = tpu.memref_slice %arg5[%dma_start3A_520] : memref<20480xf32, #tpu.memory_space<vmem>> -> memref<3072xf32, #tpu.memory_space<vmem>>
    %dma_start3A_522 = tpu.memref_slice %arg2[%add3A_516] : memref<14155776xf32, #tpu.memory_space<hbm>> -> memref<3072xf32, #tpu.memory_space<hbm>>
    tpu.enqueue_dma source(%dma_start3A_522 : memref<3072xf32, #tpu.memory_space<hbm>>) target(%dma_start3A_521 : memref<3072xf32, #tpu.memory_space<vmem>>) target_semaphore(%arg8 : memref<!tpu.dma_semaphore, #tpu.memory_space<semaphore_mem>>)
    %dma_wait3A_523 = arith.constant 9216 : i32
    %dma_wait3A_524 = tpu.memref_slice %arg5[%dma_wait3A_523] : memref<20480xf32, #tpu.memory_space<vmem>> -> memref<3072xf32, #tpu.memory_space<vmem>>
    %dma_wait3A_525 = tpu.memref_slice %arg2[%add3A_376] : memref<14155776xf32, #tpu.memory_space<hbm>> -> memref<3072xf32, #tpu.memory_space<hbm>>
    %dma_wait3A_526 = arith.constant 9216 : i32
    %dma_wait3A_527 = tpu.memref_slice %arg5[%dma_wait3A_526] : memref<20480xf32, #tpu.memory_space<vmem>> -> memref<3072xf32, #tpu.memory_space<vmem>>
    %dma_wait3A_528 = tpu.memref_slice %arg2[%add3A_376] : memref<14155776xf32, #tpu.memory_space<hbm>> -> memref<3072xf32, #tpu.memory_space<hbm>>
    tpu.wait_dma2 semaphore(%arg8 : memref<!tpu.dma_semaphore, #tpu.memory_space<semaphore_mem>>) src(%dma_wait3A_528 : memref<3072xf32, #tpu.memory_space<hbm>>) dst(%dma_wait3A_527 : memref<3072xf32, #tpu.memory_space<vmem>>)
    %mul3A_529 = arith.constant 8 : i32
    %mul3A_530 = arith.muli %add3A, %mul3A_529 : i32
    %add3A_531 = arith.constant 3 : i32
    %add3A_532 = arith.addi %mul3A_530, %add3A_531 : i32
    %and3A_533 = arith.constant 3 : i32
    %and3A_534 = arith.andi %add3A_532, %and3A_533 : i32
    %dma_wait3A_535 = arith.constant 4096 : i32
    %dma_wait3A_536 = tpu.memref_slice %arg6[%dma_wait3A_535] : memref<8192xf32, #tpu.memory_space<vmem>> -> memref<4096xf32, #tpu.memory_space<vmem>>
    %dma_wait3A_537 = tpu.memref_slice %arg4[%mul3A_432] : memref<2097152xf32, #tpu.memory_space<hbm>> -> memref<4096xf32, #tpu.memory_space<hbm>>
    %dma_wait3A_538 = tpu.memref_slice %arg4[%mul3A_432] : memref<2097152xf32, #tpu.memory_space<hbm>> -> memref<4096xf32, #tpu.memory_space<hbm>>
    %dma_wait3A_539 = arith.constant 4096 : i32
    %dma_wait3A_540 = tpu.memref_slice %arg6[%dma_wait3A_539] : memref<8192xf32, #tpu.memory_space<vmem>> -> memref<4096xf32, #tpu.memory_space<vmem>>
    tpu.wait_dma2 semaphore(%arg10 : memref<!tpu.dma_semaphore, #tpu.memory_space<semaphore_mem>>) src(%dma_wait3A_540 : memref<4096xf32, #tpu.memory_space<vmem>>) dst(%dma_wait3A_538 : memref<4096xf32, #tpu.memory_space<hbm>>)
    %mul3A_541 = arith.constant 2 : i32
    %mul3A_542 = arith.muli %and3A_534, %mul3A_541 : i32
    %mul3A_543 = arith.constant 1024 : i32
    %mul3A_544 = arith.muli %mul3A_542, %mul3A_543 : i32
    %add3A_545 = arith.constant 12288 : i32
    %add3A_546 = arith.addi %add3A_545, %mul3A_544 : i32
    %add3A_547 = arith.constant 1024 : i32
    %add3A_548 = arith.addi %add3A_546, %add3A_547 : i32
    %add3A_549 = arith.constant 0 : i32
    %add3A_550 = arith.addi %add3A_548, %add3A_549 : i32
    %broadcast_in_dim3A_551 = vector.broadcast %add3A_550 : i32 to vector<16xi32>
    %broadcast_in_dim3A_552 = arith.constant 9216 : i32
    %broadcast_in_dim3A_553 = vector.broadcast %broadcast_in_dim3A_552 : i32 to vector<16xi32>
    %select_n3A_554 = arith.select %eq3A_4, %broadcast_in_dim3A_551, %broadcast_in_dim3A_553 : vector<16xi1>, vector<16xi32>
    %parallel_loop3A_555 = arith.constant 0 : i32
    %parallel_loop3A_556 = arith.constant 128 : i32
    %parallel_loop3A_557 = arith.constant 1 : i32
    scf.for %parallel_loop3A_1123 = %parallel_loop3A_555 to %parallel_loop3A_556 step %parallel_loop3A_557  : i32 {
      %parallel_loop3A_1124 = arith.constant 16 : i32
      %parallel_loop3A_1125 = arith.muli %parallel_loop3A_1123, %parallel_loop3A_1124 : i32
      %parallel_loop3A_1126 = arith.index_cast %parallel_loop3A_1125 : i32 to index
      %parallel_loop3A_1127 = tpu.vector_load %arg7[%parallel_loop3A_1126] {strides = array<i32>} : memref<2048xi32, #tpu.memory_space<vmem>>, vector<16xi32>,
      %parallel_loop3A_1128 = arith.addi %parallel_loop3A_1127, %select_n3A_554 : vector<16xi32>
      %parallel_loop3A_1129 = arith.constant 3 : i32
      %parallel_loop3A_1130 = arith.shrsi %parallel_loop3A_1123, %parallel_loop3A_1129 : i32
      %parallel_loop3A_1131 = arith.constant 8 : i32
      %parallel_loop3A_1132 = arith.shli %parallel_loop3A_1130, %parallel_loop3A_1131 : i32
      %parallel_loop3A_1133 = arith.constant 4096 : i32
      %parallel_loop3A_1134 = arith.addi %parallel_loop3A_1133, %parallel_loop3A_1132 : i32
      %parallel_loop3A_1135 = arith.constant 7 : i32
      %parallel_loop3A_1136 = arith.andi %parallel_loop3A_1123, %parallel_loop3A_1135 : i32
      %parallel_loop3A_1137 = arith.constant 4 : i32
      %parallel_loop3A_1138 = arith.shli %parallel_loop3A_1136, %parallel_loop3A_1137 : i32
      %parallel_loop3A_1139 = arith.addi %parallel_loop3A_1134, %parallel_loop3A_1138 : i32
      %parallel_loop3A_1140 = tpu.vector_load_idx %arg5[%parallel_loop3A_1128] : memref<20480xf32, #tpu.memory_space<vmem>>[vector<16xi32>], vector<16xf32>,
      %parallel_loop3A_1141 = arith.index_cast %parallel_loop3A_1139 : i32 to index
      %parallel_loop3A_1142 = tpu.vector_load %arg6[%parallel_loop3A_1141] {strides = array<i32>} : memref<8192xf32, #tpu.memory_space<vmem>>, vector<16xf32>,
      tpu.vector_store %arg6[%parallel_loop3A_1141], %parallel_loop3A_1140 {strides = array<i32>} : memref<8192xf32, #tpu.memory_space<vmem>>, vector<16xf32>,
    } {sc.loop_unroll_factor = 8 : i64, sc.parallel_access}
    %add3A_558 = arith.constant 128 : i32
    %add3A_559 = arith.addi %add3A_548, %add3A_558 : i32
    %broadcast_in_dim3A_560 = vector.broadcast %add3A_559 : i32 to vector<16xi32>
    %broadcast_in_dim3A_561 = arith.constant 9344 : i32
    %broadcast_in_dim3A_562 = vector.broadcast %broadcast_in_dim3A_561 : i32 to vector<16xi32>
    %select_n3A_563 = arith.select %eq3A_4, %broadcast_in_dim3A_560, %broadcast_in_dim3A_562 : vector<16xi1>, vector<16xi32>
    %parallel_loop3A_564 = arith.constant 0 : i32
    %parallel_loop3A_565 = arith.constant 128 : i32
    %parallel_loop3A_566 = arith.constant 1 : i32
    scf.for %parallel_loop3A_1123 = %parallel_loop3A_564 to %parallel_loop3A_565 step %parallel_loop3A_566  : i32 {
      %parallel_loop3A_1124 = arith.constant 16 : i32
      %parallel_loop3A_1125 = arith.muli %parallel_loop3A_1123, %parallel_loop3A_1124 : i32
      %parallel_loop3A_1126 = arith.index_cast %parallel_loop3A_1125 : i32 to index
      %parallel_loop3A_1127 = tpu.vector_load %arg7[%parallel_loop3A_1126] {strides = array<i32>} : memref<2048xi32, #tpu.memory_space<vmem>>, vector<16xi32>,
      %parallel_loop3A_1128 = arith.addi %parallel_loop3A_1127, %select_n3A_563 : vector<16xi32>
      %parallel_loop3A_1129 = arith.constant 3 : i32
      %parallel_loop3A_1130 = arith.shrsi %parallel_loop3A_1123, %parallel_loop3A_1129 : i32
      %parallel_loop3A_1131 = arith.constant 8 : i32
      %parallel_loop3A_1132 = arith.shli %parallel_loop3A_1130, %parallel_loop3A_1131 : i32
      %parallel_loop3A_1133 = arith.constant 4224 : i32
      %parallel_loop3A_1134 = arith.addi %parallel_loop3A_1133, %parallel_loop3A_1132 : i32
      %parallel_loop3A_1135 = arith.constant 7 : i32
      %parallel_loop3A_1136 = arith.andi %parallel_loop3A_1123, %parallel_loop3A_1135 : i32
      %parallel_loop3A_1137 = arith.constant 4 : i32
      %parallel_loop3A_1138 = arith.shli %parallel_loop3A_1136, %parallel_loop3A_1137 : i32
      %parallel_loop3A_1139 = arith.addi %parallel_loop3A_1134, %parallel_loop3A_1138 : i32
      %parallel_loop3A_1140 = tpu.vector_load_idx %arg5[%parallel_loop3A_1128] : memref<20480xf32, #tpu.memory_space<vmem>>[vector<16xi32>], vector<16xf32>,
      %parallel_loop3A_1141 = arith.index_cast %parallel_loop3A_1139 : i32 to index
      %parallel_loop3A_1142 = tpu.vector_load %arg6[%parallel_loop3A_1141] {strides = array<i32>} : memref<8192xf32, #tpu.memory_space<vmem>>, vector<16xf32>,
      tpu.vector_store %arg6[%parallel_loop3A_1141], %parallel_loop3A_1140 {strides = array<i32>} : memref<8192xf32, #tpu.memory_space<vmem>>, vector<16xf32>,
    } {sc.loop_unroll_factor = 8 : i64, sc.parallel_access}
    %mul3A_567 = arith.constant 2 : i32
    %mul3A_568 = arith.muli %add3A_532, %mul3A_567 : i32
    %add3A_569 = arith.constant 1 : i32
    %add3A_570 = arith.addi %mul3A_568, %add3A_569 : i32
    %mul3A_571 = arith.constant 4096 : i32
    %mul3A_572 = arith.muli %add3A_570, %mul3A_571 : i32
    %dma_start3A_573 = arith.constant 4096 : i32
    %dma_start3A_574 = tpu.memref_slice %arg6[%dma_start3A_573] : memref<8192xf32, #tpu.memory_space<vmem>> -> memref<4096xf32, #tpu.memory_space<vmem>>
    %dma_start3A_575 = tpu.memref_slice %arg4[%mul3A_572] : memref<2097152xf32, #tpu.memory_space<hbm>> -> memref<4096xf32, #tpu.memory_space<hbm>>
    %dma_start3A_576 = tpu.memref_slice %arg4[%mul3A_572] : memref<2097152xf32, #tpu.memory_space<hbm>> -> memref<4096xf32, #tpu.memory_space<hbm>>
    %dma_start3A_577 = arith.constant 4096 : i32
    %dma_start3A_578 = tpu.memref_slice %arg6[%dma_start3A_577] : memref<8192xf32, #tpu.memory_space<vmem>> -> memref<4096xf32, #tpu.memory_space<vmem>>
    tpu.enqueue_dma source(%dma_start3A_578 : memref<4096xf32, #tpu.memory_space<vmem>>) target(%dma_start3A_576 : memref<4096xf32, #tpu.memory_space<hbm>>) target_semaphore(%arg10 : memref<!tpu.dma_semaphore, #tpu.memory_space<semaphore_mem>>)
    %mul3A_579 = arith.constant 8 : i32
    %mul3A_580 = arith.muli %add3A, %mul3A_579 : i32
    %add3A_581 = arith.constant 5 : i32
    %add3A_582 = arith.addi %mul3A_580, %add3A_581 : i32
    %mul3A_583 = arith.constant 55296 : i32
    %mul3A_584 = arith.muli %add3A_582, %mul3A_583 : i32
    %add3A_585 = arith.constant 8192 : i32
    %add3A_586 = arith.addi %mul3A_584, %add3A_585 : i32
    %dma_start3A_587 = arith.constant 6144 : i32
    %dma_start3A_588 = tpu.memref_slice %arg5[%dma_start3A_587] : memref<20480xf32, #tpu.memory_space<vmem>> -> memref<3072xf32, #tpu.memory_space<vmem>>
    %dma_start3A_589 = tpu.memref_slice %arg2[%add3A_586] : memref<14155776xf32, #tpu.memory_space<hbm>> -> memref<3072xf32, #tpu.memory_space<hbm>>
    %dma_start3A_590 = arith.constant 6144 : i32
    %dma_start3A_591 = tpu.memref_slice %arg5[%dma_start3A_590] : memref<20480xf32, #tpu.memory_space<vmem>> -> memref<3072xf32, #tpu.memory_space<vmem>>
    %dma_start3A_592 = tpu.memref_slice %arg2[%add3A_586] : memref<14155776xf32, #tpu.memory_space<hbm>> -> memref<3072xf32, #tpu.memory_space<hbm>>
    tpu.enqueue_dma source(%dma_start3A_592 : memref<3072xf32, #tpu.memory_space<hbm>>) target(%dma_start3A_591 : memref<3072xf32, #tpu.memory_space<vmem>>) target_semaphore(%arg8 : memref<!tpu.dma_semaphore, #tpu.memory_space<semaphore_mem>>)
    %dma_wait3A_593 = arith.constant 0 : i32
    %dma_wait3A_594 = tpu.memref_slice %arg5[%dma_wait3A_593] : memref<20480xf32, #tpu.memory_space<vmem>> -> memref<3072xf32, #tpu.memory_space<vmem>>
    %dma_wait3A_595 = tpu.memref_slice %arg2[%add3A_446] : memref<14155776xf32, #tpu.memory_space<hbm>> -> memref<3072xf32, #tpu.memory_space<hbm>>
    %dma_wait3A_596 = arith.constant 0 : i32
    %dma_wait3A_597 = tpu.memref_slice %arg5[%dma_wait3A_596] : memref<20480xf32, #tpu.memory_space<vmem>> -> memref<3072xf32, #tpu.memory_space<vmem>>
    %dma_wait3A_598 = tpu.memref_slice %arg2[%add3A_446] : memref<14155776xf32, #tpu.memory_space<hbm>> -> memref<3072xf32, #tpu.memory_space<hbm>>
    tpu.wait_dma2 semaphore(%arg8 : memref<!tpu.dma_semaphore, #tpu.memory_space<semaphore_mem>>) src(%dma_wait3A_598 : memref<3072xf32, #tpu.memory_space<hbm>>) dst(%dma_wait3A_597 : memref<3072xf32, #tpu.memory_space<vmem>>)
    %mul3A_599 = arith.constant 8 : i32
    %mul3A_600 = arith.muli %add3A, %mul3A_599 : i32
    %add3A_601 = arith.constant 4 : i32
    %add3A_602 = arith.addi %mul3A_600, %add3A_601 : i32
    %and3A_603 = arith.constant 3 : i32
    %and3A_604 = arith.andi %add3A_602, %and3A_603 : i32
    %dma_wait3A_605 = arith.constant 0 : i32
    %dma_wait3A_606 = tpu.memref_slice %arg6[%dma_wait3A_605] : memref<8192xf32, #tpu.memory_space<vmem>> -> memref<4096xf32, #tpu.memory_space<vmem>>
    %dma_wait3A_607 = tpu.memref_slice %arg4[%mul3A_502] : memref<2097152xf32, #tpu.memory_space<hbm>> -> memref<4096xf32, #tpu.memory_space<hbm>>
    %dma_wait3A_608 = tpu.memref_slice %arg4[%mul3A_502] : memref<2097152xf32, #tpu.memory_space<hbm>> -> memref<4096xf32, #tpu.memory_space<hbm>>
    %dma_wait3A_609 = arith.constant 0 : i32
    %dma_wait3A_610 = tpu.memref_slice %arg6[%dma_wait3A_609] : memref<8192xf32, #tpu.memory_space<vmem>> -> memref<4096xf32, #tpu.memory_space<vmem>>
    tpu.wait_dma2 semaphore(%arg9 : memref<!tpu.dma_semaphore, #tpu.memory_space<semaphore_mem>>) src(%dma_wait3A_610 : memref<4096xf32, #tpu.memory_space<vmem>>) dst(%dma_wait3A_608 : memref<4096xf32, #tpu.memory_space<hbm>>)
    %mul3A_611 = arith.constant 2 : i32
    %mul3A_612 = arith.muli %and3A_604, %mul3A_611 : i32
    %mul3A_613 = arith.constant 1024 : i32
    %mul3A_614 = arith.muli %mul3A_612, %mul3A_613 : i32
    %add3A_615 = arith.constant 12288 : i32
    %add3A_616 = arith.addi %add3A_615, %mul3A_614 : i32
    %add3A_617 = arith.constant 0 : i32
    %add3A_618 = arith.addi %add3A_616, %add3A_617 : i32
    %add3A_619 = arith.constant 0 : i32
    %add3A_620 = arith.addi %add3A_618, %add3A_619 : i32
    %broadcast_in_dim3A_621 = vector.broadcast %add3A_620 : i32 to vector<16xi32>
    %broadcast_in_dim3A_622 = arith.constant 0 : i32
    %broadcast_in_dim3A_623 = vector.broadcast %broadcast_in_dim3A_622 : i32 to vector<16xi32>
    %select_n3A_624 = arith.select %eq3A_4, %broadcast_in_dim3A_621, %broadcast_in_dim3A_623 : vector<16xi1>, vector<16xi32>
    %parallel_loop3A_625 = arith.constant 0 : i32
    %parallel_loop3A_626 = arith.constant 128 : i32
    %parallel_loop3A_627 = arith.constant 1 : i32
    scf.for %parallel_loop3A_1123 = %parallel_loop3A_625 to %parallel_loop3A_626 step %parallel_loop3A_627  : i32 {
      %parallel_loop3A_1124 = arith.constant 16 : i32
      %parallel_loop3A_1125 = arith.muli %parallel_loop3A_1123, %parallel_loop3A_1124 : i32
      %parallel_loop3A_1126 = arith.index_cast %parallel_loop3A_1125 : i32 to index
      %parallel_loop3A_1127 = tpu.vector_load %arg7[%parallel_loop3A_1126] {strides = array<i32>} : memref<2048xi32, #tpu.memory_space<vmem>>, vector<16xi32>,
      %parallel_loop3A_1128 = arith.addi %parallel_loop3A_1127, %select_n3A_624 : vector<16xi32>
      %parallel_loop3A_1129 = arith.constant 3 : i32
      %parallel_loop3A_1130 = arith.shrsi %parallel_loop3A_1123, %parallel_loop3A_1129 : i32
      %parallel_loop3A_1131 = arith.constant 8 : i32
      %parallel_loop3A_1132 = arith.shli %parallel_loop3A_1130, %parallel_loop3A_1131 : i32
      %parallel_loop3A_1133 = arith.constant 0 : i32
      %parallel_loop3A_1134 = arith.addi %parallel_loop3A_1133, %parallel_loop3A_1132 : i32
      %parallel_loop3A_1135 = arith.constant 7 : i32
      %parallel_loop3A_1136 = arith.andi %parallel_loop3A_1123, %parallel_loop3A_1135 : i32
      %parallel_loop3A_1137 = arith.constant 4 : i32
      %parallel_loop3A_1138 = arith.shli %parallel_loop3A_1136, %parallel_loop3A_1137 : i32
      %parallel_loop3A_1139 = arith.addi %parallel_loop3A_1134, %parallel_loop3A_1138 : i32
      %parallel_loop3A_1140 = tpu.vector_load_idx %arg5[%parallel_loop3A_1128] : memref<20480xf32, #tpu.memory_space<vmem>>[vector<16xi32>], vector<16xf32>,
      %parallel_loop3A_1141 = arith.index_cast %parallel_loop3A_1139 : i32 to index
      %parallel_loop3A_1142 = tpu.vector_load %arg6[%parallel_loop3A_1141] {strides = array<i32>} : memref<8192xf32, #tpu.memory_space<vmem>>, vector<16xf32>,
      tpu.vector_store %arg6[%parallel_loop3A_1141], %parallel_loop3A_1140 {strides = array<i32>} : memref<8192xf32, #tpu.memory_space<vmem>>, vector<16xf32>,
    } {sc.loop_unroll_factor = 8 : i64, sc.parallel_access}
    %add3A_628 = arith.constant 128 : i32
    %add3A_629 = arith.addi %add3A_618, %add3A_628 : i32
    %broadcast_in_dim3A_630 = vector.broadcast %add3A_629 : i32 to vector<16xi32>
    %broadcast_in_dim3A_631 = arith.constant 128 : i32
    %broadcast_in_dim3A_632 = vector.broadcast %broadcast_in_dim3A_631 : i32 to vector<16xi32>
    %select_n3A_633 = arith.select %eq3A_4, %broadcast_in_dim3A_630, %broadcast_in_dim3A_632 : vector<16xi1>, vector<16xi32>
    %parallel_loop3A_634 = arith.constant 0 : i32
    %parallel_loop3A_635 = arith.constant 128 : i32
    %parallel_loop3A_636 = arith.constant 1 : i32
    scf.for %parallel_loop3A_1123 = %parallel_loop3A_634 to %parallel_loop3A_635 step %parallel_loop3A_636  : i32 {
      %parallel_loop3A_1124 = arith.constant 16 : i32
      %parallel_loop3A_1125 = arith.muli %parallel_loop3A_1123, %parallel_loop3A_1124 : i32
      %parallel_loop3A_1126 = arith.index_cast %parallel_loop3A_1125 : i32 to index
      %parallel_loop3A_1127 = tpu.vector_load %arg7[%parallel_loop3A_1126] {strides = array<i32>} : memref<2048xi32, #tpu.memory_space<vmem>>, vector<16xi32>,
      %parallel_loop3A_1128 = arith.addi %parallel_loop3A_1127, %select_n3A_633 : vector<16xi32>
      %parallel_loop3A_1129 = arith.constant 3 : i32
      %parallel_loop3A_1130 = arith.shrsi %parallel_loop3A_1123, %parallel_loop3A_1129 : i32
      %parallel_loop3A_1131 = arith.constant 8 : i32
      %parallel_loop3A_1132 = arith.shli %parallel_loop3A_1130, %parallel_loop3A_1131 : i32
      %parallel_loop3A_1133 = arith.constant 128 : i32
      %parallel_loop3A_1134 = arith.addi %parallel_loop3A_1133, %parallel_loop3A_1132 : i32
      %parallel_loop3A_1135 = arith.constant 7 : i32
      %parallel_loop3A_1136 = arith.andi %parallel_loop3A_1123, %parallel_loop3A_1135 : i32
      %parallel_loop3A_1137 = arith.constant 4 : i32
      %parallel_loop3A_1138 = arith.shli %parallel_loop3A_1136, %parallel_loop3A_1137 : i32
      %parallel_loop3A_1139 = arith.addi %parallel_loop3A_1134, %parallel_loop3A_1138 : i32
      %parallel_loop3A_1140 = tpu.vector_load_idx %arg5[%parallel_loop3A_1128] : memref<20480xf32, #tpu.memory_space<vmem>>[vector<16xi32>], vector<16xf32>,
      %parallel_loop3A_1141 = arith.index_cast %parallel_loop3A_1139 : i32 to index
      %parallel_loop3A_1142 = tpu.vector_load %arg6[%parallel_loop3A_1141] {strides = array<i32>} : memref<8192xf32, #tpu.memory_space<vmem>>, vector<16xf32>,
      tpu.vector_store %arg6[%parallel_loop3A_1141], %parallel_loop3A_1140 {strides = array<i32>} : memref<8192xf32, #tpu.memory_space<vmem>>, vector<16xf32>,
    } {sc.loop_unroll_factor = 8 : i64, sc.parallel_access}
    %mul3A_637 = arith.constant 2 : i32
    %mul3A_638 = arith.muli %add3A_602, %mul3A_637 : i32
    %add3A_639 = arith.constant 0 : i32
    %add3A_640 = arith.addi %mul3A_638, %add3A_639 : i32
    %mul3A_641 = arith.constant 4096 : i32
    %mul3A_642 = arith.muli %add3A_640, %mul3A_641 : i32
    %dma_start3A_643 = arith.constant 0 : i32
    %dma_start3A_644 = tpu.memref_slice %arg6[%dma_start3A_643] : memref<8192xf32, #tpu.memory_space<vmem>> -> memref<4096xf32, #tpu.memory_space<vmem>>
    %dma_start3A_645 = tpu.memref_slice %arg4[%mul3A_642] : memref<2097152xf32, #tpu.memory_space<hbm>> -> memref<4096xf32, #tpu.memory_space<hbm>>
    %dma_start3A_646 = tpu.memref_slice %arg4[%mul3A_642] : memref<2097152xf32, #tpu.memory_space<hbm>> -> memref<4096xf32, #tpu.memory_space<hbm>>
    %dma_start3A_647 = arith.constant 0 : i32
    %dma_start3A_648 = tpu.memref_slice %arg6[%dma_start3A_647] : memref<8192xf32, #tpu.memory_space<vmem>> -> memref<4096xf32, #tpu.memory_space<vmem>>
    tpu.enqueue_dma source(%dma_start3A_648 : memref<4096xf32, #tpu.memory_space<vmem>>) target(%dma_start3A_646 : memref<4096xf32, #tpu.memory_space<hbm>>) target_semaphore(%arg9 : memref<!tpu.dma_semaphore, #tpu.memory_space<semaphore_mem>>)
    %mul3A_649 = arith.constant 8 : i32
    %mul3A_650 = arith.muli %add3A, %mul3A_649 : i32
    %add3A_651 = arith.constant 5 : i32
    %add3A_652 = arith.addi %mul3A_650, %add3A_651 : i32
    %mul3A_653 = arith.constant 55296 : i32
    %mul3A_654 = arith.muli %add3A_652, %mul3A_653 : i32
    %add3A_655 = arith.constant 44032 : i32
    %add3A_656 = arith.addi %mul3A_654, %add3A_655 : i32
    %dma_start3A_657 = arith.constant 9216 : i32
    %dma_start3A_658 = tpu.memref_slice %arg5[%dma_start3A_657] : memref<20480xf32, #tpu.memory_space<vmem>> -> memref<3072xf32, #tpu.memory_space<vmem>>
    %dma_start3A_659 = tpu.memref_slice %arg2[%add3A_656] : memref<14155776xf32, #tpu.memory_space<hbm>> -> memref<3072xf32, #tpu.memory_space<hbm>>
    %dma_start3A_660 = arith.constant 9216 : i32
    %dma_start3A_661 = tpu.memref_slice %arg5[%dma_start3A_660] : memref<20480xf32, #tpu.memory_space<vmem>> -> memref<3072xf32, #tpu.memory_space<vmem>>
    %dma_start3A_662 = tpu.memref_slice %arg2[%add3A_656] : memref<14155776xf32, #tpu.memory_space<hbm>> -> memref<3072xf32, #tpu.memory_space<hbm>>
    tpu.enqueue_dma source(%dma_start3A_662 : memref<3072xf32, #tpu.memory_space<hbm>>) target(%dma_start3A_661 : memref<3072xf32, #tpu.memory_space<vmem>>) target_semaphore(%arg8 : memref<!tpu.dma_semaphore, #tpu.memory_space<semaphore_mem>>)
    %dma_wait3A_663 = arith.constant 3072 : i32
    %dma_wait3A_664 = tpu.memref_slice %arg5[%dma_wait3A_663] : memref<20480xf32, #tpu.memory_space<vmem>> -> memref<3072xf32, #tpu.memory_space<vmem>>
    %dma_wait3A_665 = tpu.memref_slice %arg2[%add3A_516] : memref<14155776xf32, #tpu.memory_space<hbm>> -> memref<3072xf32, #tpu.memory_space<hbm>>
    %dma_wait3A_666 = arith.constant 3072 : i32
    %dma_wait3A_667 = tpu.memref_slice %arg5[%dma_wait3A_666] : memref<20480xf32, #tpu.memory_space<vmem>> -> memref<3072xf32, #tpu.memory_space<vmem>>
    %dma_wait3A_668 = tpu.memref_slice %arg2[%add3A_516] : memref<14155776xf32, #tpu.memory_space<hbm>> -> memref<3072xf32, #tpu.memory_space<hbm>>
    tpu.wait_dma2 semaphore(%arg8 : memref<!tpu.dma_semaphore, #tpu.memory_space<semaphore_mem>>) src(%dma_wait3A_668 : memref<3072xf32, #tpu.memory_space<hbm>>) dst(%dma_wait3A_667 : memref<3072xf32, #tpu.memory_space<vmem>>)
    %mul3A_669 = arith.constant 8 : i32
    %mul3A_670 = arith.muli %add3A, %mul3A_669 : i32
    %add3A_671 = arith.constant 4 : i32
    %add3A_672 = arith.addi %mul3A_670, %add3A_671 : i32
    %and3A_673 = arith.constant 3 : i32
    %and3A_674 = arith.andi %add3A_672, %and3A_673 : i32
    %dma_wait3A_675 = arith.constant 4096 : i32
    %dma_wait3A_676 = tpu.memref_slice %arg6[%dma_wait3A_675] : memref<8192xf32, #tpu.memory_space<vmem>> -> memref<4096xf32, #tpu.memory_space<vmem>>
    %dma_wait3A_677 = tpu.memref_slice %arg4[%mul3A_572] : memref<2097152xf32, #tpu.memory_space<hbm>> -> memref<4096xf32, #tpu.memory_space<hbm>>
    %dma_wait3A_678 = tpu.memref_slice %arg4[%mul3A_572] : memref<2097152xf32, #tpu.memory_space<hbm>> -> memref<4096xf32, #tpu.memory_space<hbm>>
    %dma_wait3A_679 = arith.constant 4096 : i32
    %dma_wait3A_680 = tpu.memref_slice %arg6[%dma_wait3A_679] : memref<8192xf32, #tpu.memory_space<vmem>> -> memref<4096xf32, #tpu.memory_space<vmem>>
    tpu.wait_dma2 semaphore(%arg10 : memref<!tpu.dma_semaphore, #tpu.memory_space<semaphore_mem>>) src(%dma_wait3A_680 : memref<4096xf32, #tpu.memory_space<vmem>>) dst(%dma_wait3A_678 : memref<4096xf32, #tpu.memory_space<hbm>>)
    %mul3A_681 = arith.constant 2 : i32
    %mul3A_682 = arith.muli %and3A_674, %mul3A_681 : i32
    %mul3A_683 = arith.constant 1024 : i32
    %mul3A_684 = arith.muli %mul3A_682, %mul3A_683 : i32
    %add3A_685 = arith.constant 12288 : i32
    %add3A_686 = arith.addi %add3A_685, %mul3A_684 : i32
    %add3A_687 = arith.constant 1024 : i32
    %add3A_688 = arith.addi %add3A_686, %add3A_687 : i32
    %add3A_689 = arith.constant 0 : i32
    %add3A_690 = arith.addi %add3A_688, %add3A_689 : i32
    %broadcast_in_dim3A_691 = vector.broadcast %add3A_690 : i32 to vector<16xi32>
    %broadcast_in_dim3A_692 = arith.constant 3072 : i32
    %broadcast_in_dim3A_693 = vector.broadcast %broadcast_in_dim3A_692 : i32 to vector<16xi32>
    %select_n3A_694 = arith.select %eq3A_4, %broadcast_in_dim3A_691, %broadcast_in_dim3A_693 : vector<16xi1>, vector<16xi32>
    %parallel_loop3A_695 = arith.constant 0 : i32
    %parallel_loop3A_696 = arith.constant 128 : i32
    %parallel_loop3A_697 = arith.constant 1 : i32
    scf.for %parallel_loop3A_1123 = %parallel_loop3A_695 to %parallel_loop3A_696 step %parallel_loop3A_697  : i32 {
      %parallel_loop3A_1124 = arith.constant 16 : i32
      %parallel_loop3A_1125 = arith.muli %parallel_loop3A_1123, %parallel_loop3A_1124 : i32
      %parallel_loop3A_1126 = arith.index_cast %parallel_loop3A_1125 : i32 to index
      %parallel_loop3A_1127 = tpu.vector_load %arg7[%parallel_loop3A_1126] {strides = array<i32>} : memref<2048xi32, #tpu.memory_space<vmem>>, vector<16xi32>,
      %parallel_loop3A_1128 = arith.addi %parallel_loop3A_1127, %select_n3A_694 : vector<16xi32>
      %parallel_loop3A_1129 = arith.constant 3 : i32
      %parallel_loop3A_1130 = arith.shrsi %parallel_loop3A_1123, %parallel_loop3A_1129 : i32
      %parallel_loop3A_1131 = arith.constant 8 : i32
      %parallel_loop3A_1132 = arith.shli %parallel_loop3A_1130, %parallel_loop3A_1131 : i32
      %parallel_loop3A_1133 = arith.constant 4096 : i32
      %parallel_loop3A_1134 = arith.addi %parallel_loop3A_1133, %parallel_loop3A_1132 : i32
      %parallel_loop3A_1135 = arith.constant 7 : i32
      %parallel_loop3A_1136 = arith.andi %parallel_loop3A_1123, %parallel_loop3A_1135 : i32
      %parallel_loop3A_1137 = arith.constant 4 : i32
      %parallel_loop3A_1138 = arith.shli %parallel_loop3A_1136, %parallel_loop3A_1137 : i32
      %parallel_loop3A_1139 = arith.addi %parallel_loop3A_1134, %parallel_loop3A_1138 : i32
      %parallel_loop3A_1140 = tpu.vector_load_idx %arg5[%parallel_loop3A_1128] : memref<20480xf32, #tpu.memory_space<vmem>>[vector<16xi32>], vector<16xf32>,
      %parallel_loop3A_1141 = arith.index_cast %parallel_loop3A_1139 : i32 to index
      %parallel_loop3A_1142 = tpu.vector_load %arg6[%parallel_loop3A_1141] {strides = array<i32>} : memref<8192xf32, #tpu.memory_space<vmem>>, vector<16xf32>,
      tpu.vector_store %arg6[%parallel_loop3A_1141], %parallel_loop3A_1140 {strides = array<i32>} : memref<8192xf32, #tpu.memory_space<vmem>>, vector<16xf32>,
    } {sc.loop_unroll_factor = 8 : i64, sc.parallel_access}
    %add3A_698 = arith.constant 128 : i32
    %add3A_699 = arith.addi %add3A_688, %add3A_698 : i32
    %broadcast_in_dim3A_700 = vector.broadcast %add3A_699 : i32 to vector<16xi32>
    %broadcast_in_dim3A_701 = arith.constant 3200 : i32
    %broadcast_in_dim3A_702 = vector.broadcast %broadcast_in_dim3A_701 : i32 to vector<16xi32>
    %select_n3A_703 = arith.select %eq3A_4, %broadcast_in_dim3A_700, %broadcast_in_dim3A_702 : vector<16xi1>, vector<16xi32>
    %parallel_loop3A_704 = arith.constant 0 : i32
    %parallel_loop3A_705 = arith.constant 128 : i32
    %parallel_loop3A_706 = arith.constant 1 : i32
    scf.for %parallel_loop3A_1123 = %parallel_loop3A_704 to %parallel_loop3A_705 step %parallel_loop3A_706  : i32 {
      %parallel_loop3A_1124 = arith.constant 16 : i32
      %parallel_loop3A_1125 = arith.muli %parallel_loop3A_1123, %parallel_loop3A_1124 : i32
      %parallel_loop3A_1126 = arith.index_cast %parallel_loop3A_1125 : i32 to index
      %parallel_loop3A_1127 = tpu.vector_load %arg7[%parallel_loop3A_1126] {strides = array<i32>} : memref<2048xi32, #tpu.memory_space<vmem>>, vector<16xi32>,
      %parallel_loop3A_1128 = arith.addi %parallel_loop3A_1127, %select_n3A_703 : vector<16xi32>
      %parallel_loop3A_1129 = arith.constant 3 : i32
      %parallel_loop3A_1130 = arith.shrsi %parallel_loop3A_1123, %parallel_loop3A_1129 : i32
      %parallel_loop3A_1131 = arith.constant 8 : i32
      %parallel_loop3A_1132 = arith.shli %parallel_loop3A_1130, %parallel_loop3A_1131 : i32
      %parallel_loop3A_1133 = arith.constant 4224 : i32
      %parallel_loop3A_1134 = arith.addi %parallel_loop3A_1133, %parallel_loop3A_1132 : i32
      %parallel_loop3A_1135 = arith.constant 7 : i32
      %parallel_loop3A_1136 = arith.andi %parallel_loop3A_1123, %parallel_loop3A_1135 : i32
      %parallel_loop3A_1137 = arith.constant 4 : i32
      %parallel_loop3A_1138 = arith.shli %parallel_loop3A_1136, %parallel_loop3A_1137 : i32
      %parallel_loop3A_1139 = arith.addi %parallel_loop3A_1134, %parallel_loop3A_1138 : i32
      %parallel_loop3A_1140 = tpu.vector_load_idx %arg5[%parallel_loop3A_1128] : memref<20480xf32, #tpu.memory_space<vmem>>[vector<16xi32>], vector<16xf32>,
      %parallel_loop3A_1141 = arith.index_cast %parallel_loop3A_1139 : i32 to index
      %parallel_loop3A_1142 = tpu.vector_load %arg6[%parallel_loop3A_1141] {strides = array<i32>} : memref<8192xf32, #tpu.memory_space<vmem>>, vector<16xf32>,
      tpu.vector_store %arg6[%parallel_loop3A_1141], %parallel_loop3A_1140 {strides = array<i32>} : memref<8192xf32, #tpu.memory_space<vmem>>, vector<16xf32>,
    } {sc.loop_unroll_factor = 8 : i64, sc.parallel_access}
    %mul3A_707 = arith.constant 2 : i32
    %mul3A_708 = arith.muli %add3A_672, %mul3A_707 : i32
    %add3A_709 = arith.constant 1 : i32
    %add3A_710 = arith.addi %mul3A_708, %add3A_709 : i32
    %mul3A_711 = arith.constant 4096 : i32
    %mul3A_712 = arith.muli %add3A_710, %mul3A_711 : i32
    %dma_start3A_713 = arith.constant 4096 : i32
    %dma_start3A_714 = tpu.memref_slice %arg6[%dma_start3A_713] : memref<8192xf32, #tpu.memory_space<vmem>> -> memref<4096xf32, #tpu.memory_space<vmem>>
    %dma_start3A_715 = tpu.memref_slice %arg4[%mul3A_712] : memref<2097152xf32, #tpu.memory_space<hbm>> -> memref<4096xf32, #tpu.memory_space<hbm>>
    %dma_start3A_716 = tpu.memref_slice %arg4[%mul3A_712] : memref<2097152xf32, #tpu.memory_space<hbm>> -> memref<4096xf32, #tpu.memory_space<hbm>>
    %dma_start3A_717 = arith.constant 4096 : i32
    %dma_start3A_718 = tpu.memref_slice %arg6[%dma_start3A_717] : memref<8192xf32, #tpu.memory_space<vmem>> -> memref<4096xf32, #tpu.memory_space<vmem>>
    tpu.enqueue_dma source(%dma_start3A_718 : memref<4096xf32, #tpu.memory_space<vmem>>) target(%dma_start3A_716 : memref<4096xf32, #tpu.memory_space<hbm>>) target_semaphore(%arg10 : memref<!tpu.dma_semaphore, #tpu.memory_space<semaphore_mem>>)
    %mul3A_719 = arith.constant 8 : i32
    %mul3A_720 = arith.muli %add3A, %mul3A_719 : i32
    %add3A_721 = arith.constant 6 : i32
    %add3A_722 = arith.addi %mul3A_720, %add3A_721 : i32
    %mul3A_723 = arith.constant 55296 : i32
    %mul3A_724 = arith.muli %add3A_722, %mul3A_723 : i32
    %add3A_725 = arith.constant 8192 : i32
    %add3A_726 = arith.addi %mul3A_724, %add3A_725 : i32
    %dma_start3A_727 = arith.constant 0 : i32
    %dma_start3A_728 = tpu.memref_slice %arg5[%dma_start3A_727] : memref<20480xf32, #tpu.memory_space<vmem>> -> memref<3072xf32, #tpu.memory_space<vmem>>
    %dma_start3A_729 = tpu.memref_slice %arg2[%add3A_726] : memref<14155776xf32, #tpu.memory_space<hbm>> -> memref<3072xf32, #tpu.memory_space<hbm>>
    %dma_start3A_730 = arith.constant 0 : i32
    %dma_start3A_731 = tpu.memref_slice %arg5[%dma_start3A_730] : memref<20480xf32, #tpu.memory_space<vmem>> -> memref<3072xf32, #tpu.memory_space<vmem>>
    %dma_start3A_732 = tpu.memref_slice %arg2[%add3A_726] : memref<14155776xf32, #tpu.memory_space<hbm>> -> memref<3072xf32, #tpu.memory_space<hbm>>
    tpu.enqueue_dma source(%dma_start3A_732 : memref<3072xf32, #tpu.memory_space<hbm>>) target(%dma_start3A_731 : memref<3072xf32, #tpu.memory_space<vmem>>) target_semaphore(%arg8 : memref<!tpu.dma_semaphore, #tpu.memory_space<semaphore_mem>>)
    %dma_wait3A_733 = arith.constant 6144 : i32
    %dma_wait3A_734 = tpu.memref_slice %arg5[%dma_wait3A_733] : memref<20480xf32, #tpu.memory_space<vmem>> -> memref<3072xf32, #tpu.memory_space<vmem>>
    %dma_wait3A_735 = tpu.memref_slice %arg2[%add3A_586] : memref<14155776xf32, #tpu.memory_space<hbm>> -> memref<3072xf32, #tpu.memory_space<hbm>>
    %dma_wait3A_736 = arith.constant 6144 : i32
    %dma_wait3A_737 = tpu.memref_slice %arg5[%dma_wait3A_736] : memref<20480xf32, #tpu.memory_space<vmem>> -> memref<3072xf32, #tpu.memory_space<vmem>>
    %dma_wait3A_738 = tpu.memref_slice %arg2[%add3A_586] : memref<14155776xf32, #tpu.memory_space<hbm>> -> memref<3072xf32, #tpu.memory_space<hbm>>
    tpu.wait_dma2 semaphore(%arg8 : memref<!tpu.dma_semaphore, #tpu.memory_space<semaphore_mem>>) src(%dma_wait3A_738 : memref<3072xf32, #tpu.memory_space<hbm>>) dst(%dma_wait3A_737 : memref<3072xf32, #tpu.memory_space<vmem>>)
    %mul3A_739 = arith.constant 8 : i32
    %mul3A_740 = arith.muli %add3A, %mul3A_739 : i32
    %add3A_741 = arith.constant 5 : i32
    %add3A_742 = arith.addi %mul3A_740, %add3A_741 : i32
    %and3A_743 = arith.constant 3 : i32
    %and3A_744 = arith.andi %add3A_742, %and3A_743 : i32
    %dma_wait3A_745 = arith.constant 0 : i32
    %dma_wait3A_746 = tpu.memref_slice %arg6[%dma_wait3A_745] : memref<8192xf32, #tpu.memory_space<vmem>> -> memref<4096xf32, #tpu.memory_space<vmem>>
    %dma_wait3A_747 = tpu.memref_slice %arg4[%mul3A_642] : memref<2097152xf32, #tpu.memory_space<hbm>> -> memref<4096xf32, #tpu.memory_space<hbm>>
    %dma_wait3A_748 = tpu.memref_slice %arg4[%mul3A_642] : memref<2097152xf32, #tpu.memory_space<hbm>> -> memref<4096xf32, #tpu.memory_space<hbm>>
    %dma_wait3A_749 = arith.constant 0 : i32
    %dma_wait3A_750 = tpu.memref_slice %arg6[%dma_wait3A_749] : memref<8192xf32, #tpu.memory_space<vmem>> -> memref<4096xf32, #tpu.memory_space<vmem>>
    tpu.wait_dma2 semaphore(%arg9 : memref<!tpu.dma_semaphore, #tpu.memory_space<semaphore_mem>>) src(%dma_wait3A_750 : memref<4096xf32, #tpu.memory_space<vmem>>) dst(%dma_wait3A_748 : memref<4096xf32, #tpu.memory_space<hbm>>)
    %mul3A_751 = arith.constant 2 : i32
    %mul3A_752 = arith.muli %and3A_744, %mul3A_751 : i32
    %mul3A_753 = arith.constant 1024 : i32
    %mul3A_754 = arith.muli %mul3A_752, %mul3A_753 : i32
    %add3A_755 = arith.constant 12288 : i32
    %add3A_756 = arith.addi %add3A_755, %mul3A_754 : i32
    %add3A_757 = arith.constant 0 : i32
    %add3A_758 = arith.addi %add3A_756, %add3A_757 : i32
    %add3A_759 = arith.constant 0 : i32
    %add3A_760 = arith.addi %add3A_758, %add3A_759 : i32
    %broadcast_in_dim3A_761 = vector.broadcast %add3A_760 : i32 to vector<16xi32>
    %broadcast_in_dim3A_762 = arith.constant 6144 : i32
    %broadcast_in_dim3A_763 = vector.broadcast %broadcast_in_dim3A_762 : i32 to vector<16xi32>
    %select_n3A_764 = arith.select %eq3A_4, %broadcast_in_dim3A_761, %broadcast_in_dim3A_763 : vector<16xi1>, vector<16xi32>
    %parallel_loop3A_765 = arith.constant 0 : i32
    %parallel_loop3A_766 = arith.constant 128 : i32
    %parallel_loop3A_767 = arith.constant 1 : i32
    scf.for %parallel_loop3A_1123 = %parallel_loop3A_765 to %parallel_loop3A_766 step %parallel_loop3A_767  : i32 {
      %parallel_loop3A_1124 = arith.constant 16 : i32
      %parallel_loop3A_1125 = arith.muli %parallel_loop3A_1123, %parallel_loop3A_1124 : i32
      %parallel_loop3A_1126 = arith.index_cast %parallel_loop3A_1125 : i32 to index
      %parallel_loop3A_1127 = tpu.vector_load %arg7[%parallel_loop3A_1126] {strides = array<i32>} : memref<2048xi32, #tpu.memory_space<vmem>>, vector<16xi32>,
      %parallel_loop3A_1128 = arith.addi %parallel_loop3A_1127, %select_n3A_764 : vector<16xi32>
      %parallel_loop3A_1129 = arith.constant 3 : i32
      %parallel_loop3A_1130 = arith.shrsi %parallel_loop3A_1123, %parallel_loop3A_1129 : i32
      %parallel_loop3A_1131 = arith.constant 8 : i32
      %parallel_loop3A_1132 = arith.shli %parallel_loop3A_1130, %parallel_loop3A_1131 : i32
      %parallel_loop3A_1133 = arith.constant 0 : i32
      %parallel_loop3A_1134 = arith.addi %parallel_loop3A_1133, %parallel_loop3A_1132 : i32
      %parallel_loop3A_1135 = arith.constant 7 : i32
      %parallel_loop3A_1136 = arith.andi %parallel_loop3A_1123, %parallel_loop3A_1135 : i32
      %parallel_loop3A_1137 = arith.constant 4 : i32
      %parallel_loop3A_1138 = arith.shli %parallel_loop3A_1136, %parallel_loop3A_1137 : i32
      %parallel_loop3A_1139 = arith.addi %parallel_loop3A_1134, %parallel_loop3A_1138 : i32
      %parallel_loop3A_1140 = tpu.vector_load_idx %arg5[%parallel_loop3A_1128] : memref<20480xf32, #tpu.memory_space<vmem>>[vector<16xi32>], vector<16xf32>,
      %parallel_loop3A_1141 = arith.index_cast %parallel_loop3A_1139 : i32 to index
      %parallel_loop3A_1142 = tpu.vector_load %arg6[%parallel_loop3A_1141] {strides = array<i32>} : memref<8192xf32, #tpu.memory_space<vmem>>, vector<16xf32>,
      tpu.vector_store %arg6[%parallel_loop3A_1141], %parallel_loop3A_1140 {strides = array<i32>} : memref<8192xf32, #tpu.memory_space<vmem>>, vector<16xf32>,
    } {sc.loop_unroll_factor = 8 : i64, sc.parallel_access}
    %add3A_768 = arith.constant 128 : i32
    %add3A_769 = arith.addi %add3A_758, %add3A_768 : i32
    %broadcast_in_dim3A_770 = vector.broadcast %add3A_769 : i32 to vector<16xi32>
    %broadcast_in_dim3A_771 = arith.constant 6272 : i32
    %broadcast_in_dim3A_772 = vector.broadcast %broadcast_in_dim3A_771 : i32 to vector<16xi32>
    %select_n3A_773 = arith.select %eq3A_4, %broadcast_in_dim3A_770, %broadcast_in_dim3A_772 : vector<16xi1>, vector<16xi32>
    %parallel_loop3A_774 = arith.constant 0 : i32
    %parallel_loop3A_775 = arith.constant 128 : i32
    %parallel_loop3A_776 = arith.constant 1 : i32
    scf.for %parallel_loop3A_1123 = %parallel_loop3A_774 to %parallel_loop3A_775 step %parallel_loop3A_776  : i32 {
      %parallel_loop3A_1124 = arith.constant 16 : i32
      %parallel_loop3A_1125 = arith.muli %parallel_loop3A_1123, %parallel_loop3A_1124 : i32
      %parallel_loop3A_1126 = arith.index_cast %parallel_loop3A_1125 : i32 to index
      %parallel_loop3A_1127 = tpu.vector_load %arg7[%parallel_loop3A_1126] {strides = array<i32>} : memref<2048xi32, #tpu.memory_space<vmem>>, vector<16xi32>,
      %parallel_loop3A_1128 = arith.addi %parallel_loop3A_1127, %select_n3A_773 : vector<16xi32>
      %parallel_loop3A_1129 = arith.constant 3 : i32
      %parallel_loop3A_1130 = arith.shrsi %parallel_loop3A_1123, %parallel_loop3A_1129 : i32
      %parallel_loop3A_1131 = arith.constant 8 : i32
      %parallel_loop3A_1132 = arith.shli %parallel_loop3A_1130, %parallel_loop3A_1131 : i32
      %parallel_loop3A_1133 = arith.constant 128 : i32
      %parallel_loop3A_1134 = arith.addi %parallel_loop3A_1133, %parallel_loop3A_1132 : i32
      %parallel_loop3A_1135 = arith.constant 7 : i32
      %parallel_loop3A_1136 = arith.andi %parallel_loop3A_1123, %parallel_loop3A_1135 : i32
      %parallel_loop3A_1137 = arith.constant 4 : i32
      %parallel_loop3A_1138 = arith.shli %parallel_loop3A_1136, %parallel_loop3A_1137 : i32
      %parallel_loop3A_1139 = arith.addi %parallel_loop3A_1134, %parallel_loop3A_1138 : i32
      %parallel_loop3A_1140 = tpu.vector_load_idx %arg5[%parallel_loop3A_1128] : memref<20480xf32, #tpu.memory_space<vmem>>[vector<16xi32>], vector<16xf32>,
      %parallel_loop3A_1141 = arith.index_cast %parallel_loop3A_1139 : i32 to index
      %parallel_loop3A_1142 = tpu.vector_load %arg6[%parallel_loop3A_1141] {strides = array<i32>} : memref<8192xf32, #tpu.memory_space<vmem>>, vector<16xf32>,
      tpu.vector_store %arg6[%parallel_loop3A_1141], %parallel_loop3A_1140 {strides = array<i32>} : memref<8192xf32, #tpu.memory_space<vmem>>, vector<16xf32>,
    } {sc.loop_unroll_factor = 8 : i64, sc.parallel_access}
    %mul3A_777 = arith.constant 2 : i32
    %mul3A_778 = arith.muli %add3A_742, %mul3A_777 : i32
    %add3A_779 = arith.constant 0 : i32
    %add3A_780 = arith.addi %mul3A_778, %add3A_779 : i32
    %mul3A_781 = arith.constant 4096 : i32
    %mul3A_782 = arith.muli %add3A_780, %mul3A_781 : i32
    %dma_start3A_783 = arith.constant 0 : i32
    %dma_start3A_784 = tpu.memref_slice %arg6[%dma_start3A_783] : memref<8192xf32, #tpu.memory_space<vmem>> -> memref<4096xf32, #tpu.memory_space<vmem>>
    %dma_start3A_785 = tpu.memref_slice %arg4[%mul3A_782] : memref<2097152xf32, #tpu.memory_space<hbm>> -> memref<4096xf32, #tpu.memory_space<hbm>>
    %dma_start3A_786 = tpu.memref_slice %arg4[%mul3A_782] : memref<2097152xf32, #tpu.memory_space<hbm>> -> memref<4096xf32, #tpu.memory_space<hbm>>
    %dma_start3A_787 = arith.constant 0 : i32
    %dma_start3A_788 = tpu.memref_slice %arg6[%dma_start3A_787] : memref<8192xf32, #tpu.memory_space<vmem>> -> memref<4096xf32, #tpu.memory_space<vmem>>
    tpu.enqueue_dma source(%dma_start3A_788 : memref<4096xf32, #tpu.memory_space<vmem>>) target(%dma_start3A_786 : memref<4096xf32, #tpu.memory_space<hbm>>) target_semaphore(%arg9 : memref<!tpu.dma_semaphore, #tpu.memory_space<semaphore_mem>>)
    %mul3A_789 = arith.constant 8 : i32
    %mul3A_790 = arith.muli %add3A, %mul3A_789 : i32
    %add3A_791 = arith.constant 6 : i32
    %add3A_792 = arith.addi %mul3A_790, %add3A_791 : i32
    %mul3A_793 = arith.constant 55296 : i32
    %mul3A_794 = arith.muli %add3A_792, %mul3A_793 : i32
    %add3A_795 = arith.constant 44032 : i32
    %add3A_796 = arith.addi %mul3A_794, %add3A_795 : i32
    %dma_start3A_797 = arith.constant 3072 : i32
    %dma_start3A_798 = tpu.memref_slice %arg5[%dma_start3A_797] : memref<20480xf32, #tpu.memory_space<vmem>> -> memref<3072xf32, #tpu.memory_space<vmem>>
    %dma_start3A_799 = tpu.memref_slice %arg2[%add3A_796] : memref<14155776xf32, #tpu.memory_space<hbm>> -> memref<3072xf32, #tpu.memory_space<hbm>>
    %dma_start3A_800 = arith.constant 3072 : i32
    %dma_start3A_801 = tpu.memref_slice %arg5[%dma_start3A_800] : memref<20480xf32, #tpu.memory_space<vmem>> -> memref<3072xf32, #tpu.memory_space<vmem>>
    %dma_start3A_802 = tpu.memref_slice %arg2[%add3A_796] : memref<14155776xf32, #tpu.memory_space<hbm>> -> memref<3072xf32, #tpu.memory_space<hbm>>
    tpu.enqueue_dma source(%dma_start3A_802 : memref<3072xf32, #tpu.memory_space<hbm>>) target(%dma_start3A_801 : memref<3072xf32, #tpu.memory_space<vmem>>) target_semaphore(%arg8 : memref<!tpu.dma_semaphore, #tpu.memory_space<semaphore_mem>>)
    %dma_wait3A_803 = arith.constant 9216 : i32
    %dma_wait3A_804 = tpu.memref_slice %arg5[%dma_wait3A_803] : memref<20480xf32, #tpu.memory_space<vmem>> -> memref<3072xf32, #tpu.memory_space<vmem>>
    %dma_wait3A_805 = tpu.memref_slice %arg2[%add3A_656] : memref<14155776xf32, #tpu.memory_space<hbm>> -> memref<3072xf32, #tpu.memory_space<hbm>>
    %dma_wait3A_806 = arith.constant 9216 : i32
    %dma_wait3A_807 = tpu.memref_slice %arg5[%dma_wait3A_806] : memref<20480xf32, #tpu.memory_space<vmem>> -> memref<3072xf32, #tpu.memory_space<vmem>>
    %dma_wait3A_808 = tpu.memref_slice %arg2[%add3A_656] : memref<14155776xf32, #tpu.memory_space<hbm>> -> memref<3072xf32, #tpu.memory_space<hbm>>
    tpu.wait_dma2 semaphore(%arg8 : memref<!tpu.dma_semaphore, #tpu.memory_space<semaphore_mem>>) src(%dma_wait3A_808 : memref<3072xf32, #tpu.memory_space<hbm>>) dst(%dma_wait3A_807 : memref<3072xf32, #tpu.memory_space<vmem>>)
    %mul3A_809 = arith.constant 8 : i32
    %mul3A_810 = arith.muli %add3A, %mul3A_809 : i32
    %add3A_811 = arith.constant 5 : i32
    %add3A_812 = arith.addi %mul3A_810, %add3A_811 : i32
    %and3A_813 = arith.constant 3 : i32
    %and3A_814 = arith.andi %add3A_812, %and3A_813 : i32
    %dma_wait3A_815 = arith.constant 4096 : i32
    %dma_wait3A_816 = tpu.memref_slice %arg6[%dma_wait3A_815] : memref<8192xf32, #tpu.memory_space<vmem>> -> memref<4096xf32, #tpu.memory_space<vmem>>
    %dma_wait3A_817 = tpu.memref_slice %arg4[%mul3A_712] : memref<2097152xf32, #tpu.memory_space<hbm>> -> memref<4096xf32, #tpu.memory_space<hbm>>
    %dma_wait3A_818 = tpu.memref_slice %arg4[%mul3A_712] : memref<2097152xf32, #tpu.memory_space<hbm>> -> memref<4096xf32, #tpu.memory_space<hbm>>
    %dma_wait3A_819 = arith.constant 4096 : i32
    %dma_wait3A_820 = tpu.memref_slice %arg6[%dma_wait3A_819] : memref<8192xf32, #tpu.memory_space<vmem>> -> memref<4096xf32, #tpu.memory_space<vmem>>
    tpu.wait_dma2 semaphore(%arg10 : memref<!tpu.dma_semaphore, #tpu.memory_space<semaphore_mem>>) src(%dma_wait3A_820 : memref<4096xf32, #tpu.memory_space<vmem>>) dst(%dma_wait3A_818 : memref<4096xf32, #tpu.memory_space<hbm>>)
    %mul3A_821 = arith.constant 2 : i32
    %mul3A_822 = arith.muli %and3A_814, %mul3A_821 : i32
    %mul3A_823 = arith.constant 1024 : i32
    %mul3A_824 = arith.muli %mul3A_822, %mul3A_823 : i32
    %add3A_825 = arith.constant 12288 : i32
    %add3A_826 = arith.addi %add3A_825, %mul3A_824 : i32
    %add3A_827 = arith.constant 1024 : i32
    %add3A_828 = arith.addi %add3A_826, %add3A_827 : i32
    %add3A_829 = arith.constant 0 : i32
    %add3A_830 = arith.addi %add3A_828, %add3A_829 : i32
    %broadcast_in_dim3A_831 = vector.broadcast %add3A_830 : i32 to vector<16xi32>
    %broadcast_in_dim3A_832 = arith.constant 9216 : i32
    %broadcast_in_dim3A_833 = vector.broadcast %broadcast_in_dim3A_832 : i32 to vector<16xi32>
    %select_n3A_834 = arith.select %eq3A_4, %broadcast_in_dim3A_831, %broadcast_in_dim3A_833 : vector<16xi1>, vector<16xi32>
    %parallel_loop3A_835 = arith.constant 0 : i32
    %parallel_loop3A_836 = arith.constant 128 : i32
    %parallel_loop3A_837 = arith.constant 1 : i32
    scf.for %parallel_loop3A_1123 = %parallel_loop3A_835 to %parallel_loop3A_836 step %parallel_loop3A_837  : i32 {
      %parallel_loop3A_1124 = arith.constant 16 : i32
      %parallel_loop3A_1125 = arith.muli %parallel_loop3A_1123, %parallel_loop3A_1124 : i32
      %parallel_loop3A_1126 = arith.index_cast %parallel_loop3A_1125 : i32 to index
      %parallel_loop3A_1127 = tpu.vector_load %arg7[%parallel_loop3A_1126] {strides = array<i32>} : memref<2048xi32, #tpu.memory_space<vmem>>, vector<16xi32>,
      %parallel_loop3A_1128 = arith.addi %parallel_loop3A_1127, %select_n3A_834 : vector<16xi32>
      %parallel_loop3A_1129 = arith.constant 3 : i32
      %parallel_loop3A_1130 = arith.shrsi %parallel_loop3A_1123, %parallel_loop3A_1129 : i32
      %parallel_loop3A_1131 = arith.constant 8 : i32
      %parallel_loop3A_1132 = arith.shli %parallel_loop3A_1130, %parallel_loop3A_1131 : i32
      %parallel_loop3A_1133 = arith.constant 4096 : i32
      %parallel_loop3A_1134 = arith.addi %parallel_loop3A_1133, %parallel_loop3A_1132 : i32
      %parallel_loop3A_1135 = arith.constant 7 : i32
      %parallel_loop3A_1136 = arith.andi %parallel_loop3A_1123, %parallel_loop3A_1135 : i32
      %parallel_loop3A_1137 = arith.constant 4 : i32
      %parallel_loop3A_1138 = arith.shli %parallel_loop3A_1136, %parallel_loop3A_1137 : i32
      %parallel_loop3A_1139 = arith.addi %parallel_loop3A_1134, %parallel_loop3A_1138 : i32
      %parallel_loop3A_1140 = tpu.vector_load_idx %arg5[%parallel_loop3A_1128] : memref<20480xf32, #tpu.memory_space<vmem>>[vector<16xi32>], vector<16xf32>,
      %parallel_loop3A_1141 = arith.index_cast %parallel_loop3A_1139 : i32 to index
      %parallel_loop3A_1142 = tpu.vector_load %arg6[%parallel_loop3A_1141] {strides = array<i32>} : memref<8192xf32, #tpu.memory_space<vmem>>, vector<16xf32>,
      tpu.vector_store %arg6[%parallel_loop3A_1141], %parallel_loop3A_1140 {strides = array<i32>} : memref<8192xf32, #tpu.memory_space<vmem>>, vector<16xf32>,
    } {sc.loop_unroll_factor = 8 : i64, sc.parallel_access}
    %add3A_838 = arith.constant 128 : i32
    %add3A_839 = arith.addi %add3A_828, %add3A_838 : i32
    %broadcast_in_dim3A_840 = vector.broadcast %add3A_839 : i32 to vector<16xi32>
    %broadcast_in_dim3A_841 = arith.constant 9344 : i32
    %broadcast_in_dim3A_842 = vector.broadcast %broadcast_in_dim3A_841 : i32 to vector<16xi32>
    %select_n3A_843 = arith.select %eq3A_4, %broadcast_in_dim3A_840, %broadcast_in_dim3A_842 : vector<16xi1>, vector<16xi32>
    %parallel_loop3A_844 = arith.constant 0 : i32
    %parallel_loop3A_845 = arith.constant 128 : i32
    %parallel_loop3A_846 = arith.constant 1 : i32
    scf.for %parallel_loop3A_1123 = %parallel_loop3A_844 to %parallel_loop3A_845 step %parallel_loop3A_846  : i32 {
      %parallel_loop3A_1124 = arith.constant 16 : i32
      %parallel_loop3A_1125 = arith.muli %parallel_loop3A_1123, %parallel_loop3A_1124 : i32
      %parallel_loop3A_1126 = arith.index_cast %parallel_loop3A_1125 : i32 to index
      %parallel_loop3A_1127 = tpu.vector_load %arg7[%parallel_loop3A_1126] {strides = array<i32>} : memref<2048xi32, #tpu.memory_space<vmem>>, vector<16xi32>,
      %parallel_loop3A_1128 = arith.addi %parallel_loop3A_1127, %select_n3A_843 : vector<16xi32>
      %parallel_loop3A_1129 = arith.constant 3 : i32
      %parallel_loop3A_1130 = arith.shrsi %parallel_loop3A_1123, %parallel_loop3A_1129 : i32
      %parallel_loop3A_1131 = arith.constant 8 : i32
      %parallel_loop3A_1132 = arith.shli %parallel_loop3A_1130, %parallel_loop3A_1131 : i32
      %parallel_loop3A_1133 = arith.constant 4224 : i32
      %parallel_loop3A_1134 = arith.addi %parallel_loop3A_1133, %parallel_loop3A_1132 : i32
      %parallel_loop3A_1135 = arith.constant 7 : i32
      %parallel_loop3A_1136 = arith.andi %parallel_loop3A_1123, %parallel_loop3A_1135 : i32
      %parallel_loop3A_1137 = arith.constant 4 : i32
      %parallel_loop3A_1138 = arith.shli %parallel_loop3A_1136, %parallel_loop3A_1137 : i32
      %parallel_loop3A_1139 = arith.addi %parallel_loop3A_1134, %parallel_loop3A_1138 : i32
      %parallel_loop3A_1140 = tpu.vector_load_idx %arg5[%parallel_loop3A_1128] : memref<20480xf32, #tpu.memory_space<vmem>>[vector<16xi32>], vector<16xf32>,
      %parallel_loop3A_1141 = arith.index_cast %parallel_loop3A_1139 : i32 to index
      %parallel_loop3A_1142 = tpu.vector_load %arg6[%parallel_loop3A_1141] {strides = array<i32>} : memref<8192xf32, #tpu.memory_space<vmem>>, vector<16xf32>,
      tpu.vector_store %arg6[%parallel_loop3A_1141], %parallel_loop3A_1140 {strides = array<i32>} : memref<8192xf32, #tpu.memory_space<vmem>>, vector<16xf32>,
    } {sc.loop_unroll_factor = 8 : i64, sc.parallel_access}
    %mul3A_847 = arith.constant 2 : i32
    %mul3A_848 = arith.muli %add3A_812, %mul3A_847 : i32
    %add3A_849 = arith.constant 1 : i32
    %add3A_850 = arith.addi %mul3A_848, %add3A_849 : i32
    %mul3A_851 = arith.constant 4096 : i32
    %mul3A_852 = arith.muli %add3A_850, %mul3A_851 : i32
    %dma_start3A_853 = arith.constant 4096 : i32
    %dma_start3A_854 = tpu.memref_slice %arg6[%dma_start3A_853] : memref<8192xf32, #tpu.memory_space<vmem>> -> memref<4096xf32, #tpu.memory_space<vmem>>
    %dma_start3A_855 = tpu.memref_slice %arg4[%mul3A_852] : memref<2097152xf32, #tpu.memory_space<hbm>> -> memref<4096xf32, #tpu.memory_space<hbm>>
    %dma_start3A_856 = tpu.memref_slice %arg4[%mul3A_852] : memref<2097152xf32, #tpu.memory_space<hbm>> -> memref<4096xf32, #tpu.memory_space<hbm>>
    %dma_start3A_857 = arith.constant 4096 : i32
    %dma_start3A_858 = tpu.memref_slice %arg6[%dma_start3A_857] : memref<8192xf32, #tpu.memory_space<vmem>> -> memref<4096xf32, #tpu.memory_space<vmem>>
    tpu.enqueue_dma source(%dma_start3A_858 : memref<4096xf32, #tpu.memory_space<vmem>>) target(%dma_start3A_856 : memref<4096xf32, #tpu.memory_space<hbm>>) target_semaphore(%arg10 : memref<!tpu.dma_semaphore, #tpu.memory_space<semaphore_mem>>)
    %mul3A_859 = arith.constant 8 : i32
    %mul3A_860 = arith.muli %add3A, %mul3A_859 : i32
    %add3A_861 = arith.constant 7 : i32
    %add3A_862 = arith.addi %mul3A_860, %add3A_861 : i32
    %mul3A_863 = arith.constant 55296 : i32
    %mul3A_864 = arith.muli %add3A_862, %mul3A_863 : i32
    %add3A_865 = arith.constant 8192 : i32
    %add3A_866 = arith.addi %mul3A_864, %add3A_865 : i32
    %dma_start3A_867 = arith.constant 6144 : i32
    %dma_start3A_868 = tpu.memref_slice %arg5[%dma_start3A_867] : memref<20480xf32, #tpu.memory_space<vmem>> -> memref<3072xf32, #tpu.memory_space<vmem>>
    %dma_start3A_869 = tpu.memref_slice %arg2[%add3A_866] : memref<14155776xf32, #tpu.memory_space<hbm>> -> memref<3072xf32, #tpu.memory_space<hbm>>
    %dma_start3A_870 = arith.constant 6144 : i32
    %dma_start3A_871 = tpu.memref_slice %arg5[%dma_start3A_870] : memref<20480xf32, #tpu.memory_space<vmem>> -> memref<3072xf32, #tpu.memory_space<vmem>>
    %dma_start3A_872 = tpu.memref_slice %arg2[%add3A_866] : memref<14155776xf32, #tpu.memory_space<hbm>> -> memref<3072xf32, #tpu.memory_space<hbm>>
    tpu.enqueue_dma source(%dma_start3A_872 : memref<3072xf32, #tpu.memory_space<hbm>>) target(%dma_start3A_871 : memref<3072xf32, #tpu.memory_space<vmem>>) target_semaphore(%arg8 : memref<!tpu.dma_semaphore, #tpu.memory_space<semaphore_mem>>)
    %dma_wait3A_873 = arith.constant 0 : i32
    %dma_wait3A_874 = tpu.memref_slice %arg5[%dma_wait3A_873] : memref<20480xf32, #tpu.memory_space<vmem>> -> memref<3072xf32, #tpu.memory_space<vmem>>
    %dma_wait3A_875 = tpu.memref_slice %arg2[%add3A_726] : memref<14155776xf32, #tpu.memory_space<hbm>> -> memref<3072xf32, #tpu.memory_space<hbm>>
    %dma_wait3A_876 = arith.constant 0 : i32
    %dma_wait3A_877 = tpu.memref_slice %arg5[%dma_wait3A_876] : memref<20480xf32, #tpu.memory_space<vmem>> -> memref<3072xf32, #tpu.memory_space<vmem>>
    %dma_wait3A_878 = tpu.memref_slice %arg2[%add3A_726] : memref<14155776xf32, #tpu.memory_space<hbm>> -> memref<3072xf32, #tpu.memory_space<hbm>>
    tpu.wait_dma2 semaphore(%arg8 : memref<!tpu.dma_semaphore, #tpu.memory_space<semaphore_mem>>) src(%dma_wait3A_878 : memref<3072xf32, #tpu.memory_space<hbm>>) dst(%dma_wait3A_877 : memref<3072xf32, #tpu.memory_space<vmem>>)
    %mul3A_879 = arith.constant 8 : i32
    %mul3A_880 = arith.muli %add3A, %mul3A_879 : i32
    %add3A_881 = arith.constant 6 : i32
    %add3A_882 = arith.addi %mul3A_880, %add3A_881 : i32
    %and3A_883 = arith.constant 3 : i32
    %and3A_884 = arith.andi %add3A_882, %and3A_883 : i32
    %dma_wait3A_885 = arith.constant 0 : i32
    %dma_wait3A_886 = tpu.memref_slice %arg6[%dma_wait3A_885] : memref<8192xf32, #tpu.memory_space<vmem>> -> memref<4096xf32, #tpu.memory_space<vmem>>
    %dma_wait3A_887 = tpu.memref_slice %arg4[%mul3A_782] : memref<2097152xf32, #tpu.memory_space<hbm>> -> memref<4096xf32, #tpu.memory_space<hbm>>
    %dma_wait3A_888 = tpu.memref_slice %arg4[%mul3A_782] : memref<2097152xf32, #tpu.memory_space<hbm>> -> memref<4096xf32, #tpu.memory_space<hbm>>
    %dma_wait3A_889 = arith.constant 0 : i32
    %dma_wait3A_890 = tpu.memref_slice %arg6[%dma_wait3A_889] : memref<8192xf32, #tpu.memory_space<vmem>> -> memref<4096xf32, #tpu.memory_space<vmem>>
    tpu.wait_dma2 semaphore(%arg9 : memref<!tpu.dma_semaphore, #tpu.memory_space<semaphore_mem>>) src(%dma_wait3A_890 : memref<4096xf32, #tpu.memory_space<vmem>>) dst(%dma_wait3A_888 : memref<4096xf32, #tpu.memory_space<hbm>>)
    %mul3A_891 = arith.constant 2 : i32
    %mul3A_892 = arith.muli %and3A_884, %mul3A_891 : i32
    %mul3A_893 = arith.constant 1024 : i32
    %mul3A_894 = arith.muli %mul3A_892, %mul3A_893 : i32
    %add3A_895 = arith.constant 12288 : i32
    %add3A_896 = arith.addi %add3A_895, %mul3A_894 : i32
    %add3A_897 = arith.constant 0 : i32
    %add3A_898 = arith.addi %add3A_896, %add3A_897 : i32
    %add3A_899 = arith.constant 0 : i32
    %add3A_900 = arith.addi %add3A_898, %add3A_899 : i32
    %broadcast_in_dim3A_901 = vector.broadcast %add3A_900 : i32 to vector<16xi32>
    %broadcast_in_dim3A_902 = arith.constant 0 : i32
    %broadcast_in_dim3A_903 = vector.broadcast %broadcast_in_dim3A_902 : i32 to vector<16xi32>
    %select_n3A_904 = arith.select %eq3A_4, %broadcast_in_dim3A_901, %broadcast_in_dim3A_903 : vector<16xi1>, vector<16xi32>
    %parallel_loop3A_905 = arith.constant 0 : i32
    %parallel_loop3A_906 = arith.constant 128 : i32
    %parallel_loop3A_907 = arith.constant 1 : i32
    scf.for %parallel_loop3A_1123 = %parallel_loop3A_905 to %parallel_loop3A_906 step %parallel_loop3A_907  : i32 {
      %parallel_loop3A_1124 = arith.constant 16 : i32
      %parallel_loop3A_1125 = arith.muli %parallel_loop3A_1123, %parallel_loop3A_1124 : i32
      %parallel_loop3A_1126 = arith.index_cast %parallel_loop3A_1125 : i32 to index
      %parallel_loop3A_1127 = tpu.vector_load %arg7[%parallel_loop3A_1126] {strides = array<i32>} : memref<2048xi32, #tpu.memory_space<vmem>>, vector<16xi32>,
      %parallel_loop3A_1128 = arith.addi %parallel_loop3A_1127, %select_n3A_904 : vector<16xi32>
      %parallel_loop3A_1129 = arith.constant 3 : i32
      %parallel_loop3A_1130 = arith.shrsi %parallel_loop3A_1123, %parallel_loop3A_1129 : i32
      %parallel_loop3A_1131 = arith.constant 8 : i32
      %parallel_loop3A_1132 = arith.shli %parallel_loop3A_1130, %parallel_loop3A_1131 : i32
      %parallel_loop3A_1133 = arith.constant 0 : i32
      %parallel_loop3A_1134 = arith.addi %parallel_loop3A_1133, %parallel_loop3A_1132 : i32
      %parallel_loop3A_1135 = arith.constant 7 : i32
      %parallel_loop3A_1136 = arith.andi %parallel_loop3A_1123, %parallel_loop3A_1135 : i32
      %parallel_loop3A_1137 = arith.constant 4 : i32
      %parallel_loop3A_1138 = arith.shli %parallel_loop3A_1136, %parallel_loop3A_1137 : i32
      %parallel_loop3A_1139 = arith.addi %parallel_loop3A_1134, %parallel_loop3A_1138 : i32
      %parallel_loop3A_1140 = tpu.vector_load_idx %arg5[%parallel_loop3A_1128] : memref<20480xf32, #tpu.memory_space<vmem>>[vector<16xi32>], vector<16xf32>,
      %parallel_loop3A_1141 = arith.index_cast %parallel_loop3A_1139 : i32 to index
      %parallel_loop3A_1142 = tpu.vector_load %arg6[%parallel_loop3A_1141] {strides = array<i32>} : memref<8192xf32, #tpu.memory_space<vmem>>, vector<16xf32>,
      tpu.vector_store %arg6[%parallel_loop3A_1141], %parallel_loop3A_1140 {strides = array<i32>} : memref<8192xf32, #tpu.memory_space<vmem>>, vector<16xf32>,
    } {sc.loop_unroll_factor = 8 : i64, sc.parallel_access}
    %add3A_908 = arith.constant 128 : i32
    %add3A_909 = arith.addi %add3A_898, %add3A_908 : i32
    %broadcast_in_dim3A_910 = vector.broadcast %add3A_909 : i32 to vector<16xi32>
    %broadcast_in_dim3A_911 = arith.constant 128 : i32
    %broadcast_in_dim3A_912 = vector.broadcast %broadcast_in_dim3A_911 : i32 to vector<16xi32>
    %select_n3A_913 = arith.select %eq3A_4, %broadcast_in_dim3A_910, %broadcast_in_dim3A_912 : vector<16xi1>, vector<16xi32>
    %parallel_loop3A_914 = arith.constant 0 : i32
    %parallel_loop3A_915 = arith.constant 128 : i32
    %parallel_loop3A_916 = arith.constant 1 : i32
    scf.for %parallel_loop3A_1123 = %parallel_loop3A_914 to %parallel_loop3A_915 step %parallel_loop3A_916  : i32 {
      %parallel_loop3A_1124 = arith.constant 16 : i32
      %parallel_loop3A_1125 = arith.muli %parallel_loop3A_1123, %parallel_loop3A_1124 : i32
      %parallel_loop3A_1126 = arith.index_cast %parallel_loop3A_1125 : i32 to index
      %parallel_loop3A_1127 = tpu.vector_load %arg7[%parallel_loop3A_1126] {strides = array<i32>} : memref<2048xi32, #tpu.memory_space<vmem>>, vector<16xi32>,
      %parallel_loop3A_1128 = arith.addi %parallel_loop3A_1127, %select_n3A_913 : vector<16xi32>
      %parallel_loop3A_1129 = arith.constant 3 : i32
      %parallel_loop3A_1130 = arith.shrsi %parallel_loop3A_1123, %parallel_loop3A_1129 : i32
      %parallel_loop3A_1131 = arith.constant 8 : i32
      %parallel_loop3A_1132 = arith.shli %parallel_loop3A_1130, %parallel_loop3A_1131 : i32
      %parallel_loop3A_1133 = arith.constant 128 : i32
      %parallel_loop3A_1134 = arith.addi %parallel_loop3A_1133, %parallel_loop3A_1132 : i32
      %parallel_loop3A_1135 = arith.constant 7 : i32
      %parallel_loop3A_1136 = arith.andi %parallel_loop3A_1123, %parallel_loop3A_1135 : i32
      %parallel_loop3A_1137 = arith.constant 4 : i32
      %parallel_loop3A_1138 = arith.shli %parallel_loop3A_1136, %parallel_loop3A_1137 : i32
      %parallel_loop3A_1139 = arith.addi %parallel_loop3A_1134, %parallel_loop3A_1138 : i32
      %parallel_loop3A_1140 = tpu.vector_load_idx %arg5[%parallel_loop3A_1128] : memref<20480xf32, #tpu.memory_space<vmem>>[vector<16xi32>], vector<16xf32>,
      %parallel_loop3A_1141 = arith.index_cast %parallel_loop3A_1139 : i32 to index
      %parallel_loop3A_1142 = tpu.vector_load %arg6[%parallel_loop3A_1141] {strides = array<i32>} : memref<8192xf32, #tpu.memory_space<vmem>>, vector<16xf32>,
      tpu.vector_store %arg6[%parallel_loop3A_1141], %parallel_loop3A_1140 {strides = array<i32>} : memref<8192xf32, #tpu.memory_space<vmem>>, vector<16xf32>,
    } {sc.loop_unroll_factor = 8 : i64, sc.parallel_access}
    %mul3A_917 = arith.constant 2 : i32
    %mul3A_918 = arith.muli %add3A_882, %mul3A_917 : i32
    %add3A_919 = arith.constant 0 : i32
    %add3A_920 = arith.addi %mul3A_918, %add3A_919 : i32
    %mul3A_921 = arith.constant 4096 : i32
    %mul3A_922 = arith.muli %add3A_920, %mul3A_921 : i32
    %dma_start3A_923 = arith.constant 0 : i32
    %dma_start3A_924 = tpu.memref_slice %arg6[%dma_start3A_923] : memref<8192xf32, #tpu.memory_space<vmem>> -> memref<4096xf32, #tpu.memory_space<vmem>>
    %dma_start3A_925 = tpu.memref_slice %arg4[%mul3A_922] : memref<2097152xf32, #tpu.memory_space<hbm>> -> memref<4096xf32, #tpu.memory_space<hbm>>
    %dma_start3A_926 = tpu.memref_slice %arg4[%mul3A_922] : memref<2097152xf32, #tpu.memory_space<hbm>> -> memref<4096xf32, #tpu.memory_space<hbm>>
    %dma_start3A_927 = arith.constant 0 : i32
    %dma_start3A_928 = tpu.memref_slice %arg6[%dma_start3A_927] : memref<8192xf32, #tpu.memory_space<vmem>> -> memref<4096xf32, #tpu.memory_space<vmem>>
    tpu.enqueue_dma source(%dma_start3A_928 : memref<4096xf32, #tpu.memory_space<vmem>>) target(%dma_start3A_926 : memref<4096xf32, #tpu.memory_space<hbm>>) target_semaphore(%arg9 : memref<!tpu.dma_semaphore, #tpu.memory_space<semaphore_mem>>)
    %mul3A_929 = arith.constant 8 : i32
    %mul3A_930 = arith.muli %add3A, %mul3A_929 : i32
    %add3A_931 = arith.constant 7 : i32
    %add3A_932 = arith.addi %mul3A_930, %add3A_931 : i32
    %mul3A_933 = arith.constant 55296 : i32
    %mul3A_934 = arith.muli %add3A_932, %mul3A_933 : i32
    %add3A_935 = arith.constant 44032 : i32
    %add3A_936 = arith.addi %mul3A_934, %add3A_935 : i32
    %dma_start3A_937 = arith.constant 9216 : i32
    %dma_start3A_938 = tpu.memref_slice %arg5[%dma_start3A_937] : memref<20480xf32, #tpu.memory_space<vmem>> -> memref<3072xf32, #tpu.memory_space<vmem>>
    %dma_start3A_939 = tpu.memref_slice %arg2[%add3A_936] : memref<14155776xf32, #tpu.memory_space<hbm>> -> memref<3072xf32, #tpu.memory_space<hbm>>
    %dma_start3A_940 = arith.constant 9216 : i32
    %dma_start3A_941 = tpu.memref_slice %arg5[%dma_start3A_940] : memref<20480xf32, #tpu.memory_space<vmem>> -> memref<3072xf32, #tpu.memory_space<vmem>>
    %dma_start3A_942 = tpu.memref_slice %arg2[%add3A_936] : memref<14155776xf32, #tpu.memory_space<hbm>> -> memref<3072xf32, #tpu.memory_space<hbm>>
    tpu.enqueue_dma source(%dma_start3A_942 : memref<3072xf32, #tpu.memory_space<hbm>>) target(%dma_start3A_941 : memref<3072xf32, #tpu.memory_space<vmem>>) target_semaphore(%arg8 : memref<!tpu.dma_semaphore, #tpu.memory_space<semaphore_mem>>)
    %dma_wait3A_943 = arith.constant 3072 : i32
    %dma_wait3A_944 = tpu.memref_slice %arg5[%dma_wait3A_943] : memref<20480xf32, #tpu.memory_space<vmem>> -> memref<3072xf32, #tpu.memory_space<vmem>>
    %dma_wait3A_945 = tpu.memref_slice %arg2[%add3A_796] : memref<14155776xf32, #tpu.memory_space<hbm>> -> memref<3072xf32, #tpu.memory_space<hbm>>
    %dma_wait3A_946 = arith.constant 3072 : i32
    %dma_wait3A_947 = tpu.memref_slice %arg5[%dma_wait3A_946] : memref<20480xf32, #tpu.memory_space<vmem>> -> memref<3072xf32, #tpu.memory_space<vmem>>
    %dma_wait3A_948 = tpu.memref_slice %arg2[%add3A_796] : memref<14155776xf32, #tpu.memory_space<hbm>> -> memref<3072xf32, #tpu.memory_space<hbm>>
    tpu.wait_dma2 semaphore(%arg8 : memref<!tpu.dma_semaphore, #tpu.memory_space<semaphore_mem>>) src(%dma_wait3A_948 : memref<3072xf32, #tpu.memory_space<hbm>>) dst(%dma_wait3A_947 : memref<3072xf32, #tpu.memory_space<vmem>>)
    %mul3A_949 = arith.constant 8 : i32
    %mul3A_950 = arith.muli %add3A, %mul3A_949 : i32
    %add3A_951 = arith.constant 6 : i32
    %add3A_952 = arith.addi %mul3A_950, %add3A_951 : i32
    %and3A_953 = arith.constant 3 : i32
    %and3A_954 = arith.andi %add3A_952, %and3A_953 : i32
    %dma_wait3A_955 = arith.constant 4096 : i32
    %dma_wait3A_956 = tpu.memref_slice %arg6[%dma_wait3A_955] : memref<8192xf32, #tpu.memory_space<vmem>> -> memref<4096xf32, #tpu.memory_space<vmem>>
    %dma_wait3A_957 = tpu.memref_slice %arg4[%mul3A_852] : memref<2097152xf32, #tpu.memory_space<hbm>> -> memref<4096xf32, #tpu.memory_space<hbm>>
    %dma_wait3A_958 = tpu.memref_slice %arg4[%mul3A_852] : memref<2097152xf32, #tpu.memory_space<hbm>> -> memref<4096xf32, #tpu.memory_space<hbm>>
    %dma_wait3A_959 = arith.constant 4096 : i32
    %dma_wait3A_960 = tpu.memref_slice %arg6[%dma_wait3A_959] : memref<8192xf32, #tpu.memory_space<vmem>> -> memref<4096xf32, #tpu.memory_space<vmem>>
    tpu.wait_dma2 semaphore(%arg10 : memref<!tpu.dma_semaphore, #tpu.memory_space<semaphore_mem>>) src(%dma_wait3A_960 : memref<4096xf32, #tpu.memory_space<vmem>>) dst(%dma_wait3A_958 : memref<4096xf32, #tpu.memory_space<hbm>>)
    %mul3A_961 = arith.constant 2 : i32
    %mul3A_962 = arith.muli %and3A_954, %mul3A_961 : i32
    %mul3A_963 = arith.constant 1024 : i32
    %mul3A_964 = arith.muli %mul3A_962, %mul3A_963 : i32
    %add3A_965 = arith.constant 12288 : i32
    %add3A_966 = arith.addi %add3A_965, %mul3A_964 : i32
    %add3A_967 = arith.constant 1024 : i32
    %add3A_968 = arith.addi %add3A_966, %add3A_967 : i32
    %add3A_969 = arith.constant 0 : i32
    %add3A_970 = arith.addi %add3A_968, %add3A_969 : i32
    %broadcast_in_dim3A_971 = vector.broadcast %add3A_970 : i32 to vector<16xi32>
    %broadcast_in_dim3A_972 = arith.constant 3072 : i32
    %broadcast_in_dim3A_973 = vector.broadcast %broadcast_in_dim3A_972 : i32 to vector<16xi32>
    %select_n3A_974 = arith.select %eq3A_4, %broadcast_in_dim3A_971, %broadcast_in_dim3A_973 : vector<16xi1>, vector<16xi32>
    %parallel_loop3A_975 = arith.constant 0 : i32
    %parallel_loop3A_976 = arith.constant 128 : i32
    %parallel_loop3A_977 = arith.constant 1 : i32
    scf.for %parallel_loop3A_1123 = %parallel_loop3A_975 to %parallel_loop3A_976 step %parallel_loop3A_977  : i32 {
      %parallel_loop3A_1124 = arith.constant 16 : i32
      %parallel_loop3A_1125 = arith.muli %parallel_loop3A_1123, %parallel_loop3A_1124 : i32
      %parallel_loop3A_1126 = arith.index_cast %parallel_loop3A_1125 : i32 to index
      %parallel_loop3A_1127 = tpu.vector_load %arg7[%parallel_loop3A_1126] {strides = array<i32>} : memref<2048xi32, #tpu.memory_space<vmem>>, vector<16xi32>,
      %parallel_loop3A_1128 = arith.addi %parallel_loop3A_1127, %select_n3A_974 : vector<16xi32>
      %parallel_loop3A_1129 = arith.constant 3 : i32
      %parallel_loop3A_1130 = arith.shrsi %parallel_loop3A_1123, %parallel_loop3A_1129 : i32
      %parallel_loop3A_1131 = arith.constant 8 : i32
      %parallel_loop3A_1132 = arith.shli %parallel_loop3A_1130, %parallel_loop3A_1131 : i32
      %parallel_loop3A_1133 = arith.constant 4096 : i32
      %parallel_loop3A_1134 = arith.addi %parallel_loop3A_1133, %parallel_loop3A_1132 : i32
      %parallel_loop3A_1135 = arith.constant 7 : i32
      %parallel_loop3A_1136 = arith.andi %parallel_loop3A_1123, %parallel_loop3A_1135 : i32
      %parallel_loop3A_1137 = arith.constant 4 : i32
      %parallel_loop3A_1138 = arith.shli %parallel_loop3A_1136, %parallel_loop3A_1137 : i32
      %parallel_loop3A_1139 = arith.addi %parallel_loop3A_1134, %parallel_loop3A_1138 : i32
      %parallel_loop3A_1140 = tpu.vector_load_idx %arg5[%parallel_loop3A_1128] : memref<20480xf32, #tpu.memory_space<vmem>>[vector<16xi32>], vector<16xf32>,
      %parallel_loop3A_1141 = arith.index_cast %parallel_loop3A_1139 : i32 to index
      %parallel_loop3A_1142 = tpu.vector_load %arg6[%parallel_loop3A_1141] {strides = array<i32>} : memref<8192xf32, #tpu.memory_space<vmem>>, vector<16xf32>,
      tpu.vector_store %arg6[%parallel_loop3A_1141], %parallel_loop3A_1140 {strides = array<i32>} : memref<8192xf32, #tpu.memory_space<vmem>>, vector<16xf32>,
    } {sc.loop_unroll_factor = 8 : i64, sc.parallel_access}
    %add3A_978 = arith.constant 128 : i32
    %add3A_979 = arith.addi %add3A_968, %add3A_978 : i32
    %broadcast_in_dim3A_980 = vector.broadcast %add3A_979 : i32 to vector<16xi32>
    %broadcast_in_dim3A_981 = arith.constant 3200 : i32
    %broadcast_in_dim3A_982 = vector.broadcast %broadcast_in_dim3A_981 : i32 to vector<16xi32>
    %select_n3A_983 = arith.select %eq3A_4, %broadcast_in_dim3A_980, %broadcast_in_dim3A_982 : vector<16xi1>, vector<16xi32>
    %parallel_loop3A_984 = arith.constant 0 : i32
    %parallel_loop3A_985 = arith.constant 128 : i32
    %parallel_loop3A_986 = arith.constant 1 : i32
    scf.for %parallel_loop3A_1123 = %parallel_loop3A_984 to %parallel_loop3A_985 step %parallel_loop3A_986  : i32 {
      %parallel_loop3A_1124 = arith.constant 16 : i32
      %parallel_loop3A_1125 = arith.muli %parallel_loop3A_1123, %parallel_loop3A_1124 : i32
      %parallel_loop3A_1126 = arith.index_cast %parallel_loop3A_1125 : i32 to index
      %parallel_loop3A_1127 = tpu.vector_load %arg7[%parallel_loop3A_1126] {strides = array<i32>} : memref<2048xi32, #tpu.memory_space<vmem>>, vector<16xi32>,
      %parallel_loop3A_1128 = arith.addi %parallel_loop3A_1127, %select_n3A_983 : vector<16xi32>
      %parallel_loop3A_1129 = arith.constant 3 : i32
      %parallel_loop3A_1130 = arith.shrsi %parallel_loop3A_1123, %parallel_loop3A_1129 : i32
      %parallel_loop3A_1131 = arith.constant 8 : i32
      %parallel_loop3A_1132 = arith.shli %parallel_loop3A_1130, %parallel_loop3A_1131 : i32
      %parallel_loop3A_1133 = arith.constant 4224 : i32
      %parallel_loop3A_1134 = arith.addi %parallel_loop3A_1133, %parallel_loop3A_1132 : i32
      %parallel_loop3A_1135 = arith.constant 7 : i32
      %parallel_loop3A_1136 = arith.andi %parallel_loop3A_1123, %parallel_loop3A_1135 : i32
      %parallel_loop3A_1137 = arith.constant 4 : i32
      %parallel_loop3A_1138 = arith.shli %parallel_loop3A_1136, %parallel_loop3A_1137 : i32
      %parallel_loop3A_1139 = arith.addi %parallel_loop3A_1134, %parallel_loop3A_1138 : i32
      %parallel_loop3A_1140 = tpu.vector_load_idx %arg5[%parallel_loop3A_1128] : memref<20480xf32, #tpu.memory_space<vmem>>[vector<16xi32>], vector<16xf32>,
      %parallel_loop3A_1141 = arith.index_cast %parallel_loop3A_1139 : i32 to index
      %parallel_loop3A_1142 = tpu.vector_load %arg6[%parallel_loop3A_1141] {strides = array<i32>} : memref<8192xf32, #tpu.memory_space<vmem>>, vector<16xf32>,
      tpu.vector_store %arg6[%parallel_loop3A_1141], %parallel_loop3A_1140 {strides = array<i32>} : memref<8192xf32, #tpu.memory_space<vmem>>, vector<16xf32>,
    } {sc.loop_unroll_factor = 8 : i64, sc.parallel_access}
    %mul3A_987 = arith.constant 2 : i32
    %mul3A_988 = arith.muli %add3A_952, %mul3A_987 : i32
    %add3A_989 = arith.constant 1 : i32
    %add3A_990 = arith.addi %mul3A_988, %add3A_989 : i32
    %mul3A_991 = arith.constant 4096 : i32
    %mul3A_992 = arith.muli %add3A_990, %mul3A_991 : i32
    %dma_start3A_993 = arith.constant 4096 : i32
    %dma_start3A_994 = tpu.memref_slice %arg6[%dma_start3A_993] : memref<8192xf32, #tpu.memory_space<vmem>> -> memref<4096xf32, #tpu.memory_space<vmem>>
    %dma_start3A_995 = tpu.memref_slice %arg4[%mul3A_992] : memref<2097152xf32, #tpu.memory_space<hbm>> -> memref<4096xf32, #tpu.memory_space<hbm>>
    %dma_start3A_996 = tpu.memref_slice %arg4[%mul3A_992] : memref<2097152xf32, #tpu.memory_space<hbm>> -> memref<4096xf32, #tpu.memory_space<hbm>>
    %dma_start3A_997 = arith.constant 4096 : i32
    %dma_start3A_998 = tpu.memref_slice %arg6[%dma_start3A_997] : memref<8192xf32, #tpu.memory_space<vmem>> -> memref<4096xf32, #tpu.memory_space<vmem>>
    tpu.enqueue_dma source(%dma_start3A_998 : memref<4096xf32, #tpu.memory_space<vmem>>) target(%dma_start3A_996 : memref<4096xf32, #tpu.memory_space<hbm>>) target_semaphore(%arg10 : memref<!tpu.dma_semaphore, #tpu.memory_space<semaphore_mem>>)
    %dma_wait3A_999 = arith.constant 6144 : i32
    %dma_wait3A_1000 = tpu.memref_slice %arg5[%dma_wait3A_999] : memref<20480xf32, #tpu.memory_space<vmem>> -> memref<3072xf32, #tpu.memory_space<vmem>>
    %dma_wait3A_1001 = tpu.memref_slice %arg2[%add3A_866] : memref<14155776xf32, #tpu.memory_space<hbm>> -> memref<3072xf32, #tpu.memory_space<hbm>>
    %dma_wait3A_1002 = arith.constant 6144 : i32
    %dma_wait3A_1003 = tpu.memref_slice %arg5[%dma_wait3A_1002] : memref<20480xf32, #tpu.memory_space<vmem>> -> memref<3072xf32, #tpu.memory_space<vmem>>
    %dma_wait3A_1004 = tpu.memref_slice %arg2[%add3A_866] : memref<14155776xf32, #tpu.memory_space<hbm>> -> memref<3072xf32, #tpu.memory_space<hbm>>
    tpu.wait_dma2 semaphore(%arg8 : memref<!tpu.dma_semaphore, #tpu.memory_space<semaphore_mem>>) src(%dma_wait3A_1004 : memref<3072xf32, #tpu.memory_space<hbm>>) dst(%dma_wait3A_1003 : memref<3072xf32, #tpu.memory_space<vmem>>)
    %mul3A_1005 = arith.constant 8 : i32
    %mul3A_1006 = arith.muli %add3A, %mul3A_1005 : i32
    %add3A_1007 = arith.constant 7 : i32
    %add3A_1008 = arith.addi %mul3A_1006, %add3A_1007 : i32
    %and3A_1009 = arith.constant 3 : i32
    %and3A_1010 = arith.andi %add3A_1008, %and3A_1009 : i32
    %dma_wait3A_1011 = arith.constant 0 : i32
    %dma_wait3A_1012 = tpu.memref_slice %arg6[%dma_wait3A_1011] : memref<8192xf32, #tpu.memory_space<vmem>> -> memref<4096xf32, #tpu.memory_space<vmem>>
    %dma_wait3A_1013 = tpu.memref_slice %arg4[%mul3A_922] : memref<2097152xf32, #tpu.memory_space<hbm>> -> memref<4096xf32, #tpu.memory_space<hbm>>
    %dma_wait3A_1014 = tpu.memref_slice %arg4[%mul3A_922] : memref<2097152xf32, #tpu.memory_space<hbm>> -> memref<4096xf32, #tpu.memory_space<hbm>>
    %dma_wait3A_1015 = arith.constant 0 : i32
    %dma_wait3A_1016 = tpu.memref_slice %arg6[%dma_wait3A_1015] : memref<8192xf32, #tpu.memory_space<vmem>> -> memref<4096xf32, #tpu.memory_space<vmem>>
    tpu.wait_dma2 semaphore(%arg9 : memref<!tpu.dma_semaphore, #tpu.memory_space<semaphore_mem>>) src(%dma_wait3A_1016 : memref<4096xf32, #tpu.memory_space<vmem>>) dst(%dma_wait3A_1014 : memref<4096xf32, #tpu.memory_space<hbm>>)
    %mul3A_1017 = arith.constant 2 : i32
    %mul3A_1018 = arith.muli %and3A_1010, %mul3A_1017 : i32
    %mul3A_1019 = arith.constant 1024 : i32
    %mul3A_1020 = arith.muli %mul3A_1018, %mul3A_1019 : i32
    %add3A_1021 = arith.constant 12288 : i32
    %add3A_1022 = arith.addi %add3A_1021, %mul3A_1020 : i32
    %add3A_1023 = arith.constant 0 : i32
    %add3A_1024 = arith.addi %add3A_1022, %add3A_1023 : i32
    %add3A_1025 = arith.constant 0 : i32
    %add3A_1026 = arith.addi %add3A_1024, %add3A_1025 : i32
    %broadcast_in_dim3A_1027 = vector.broadcast %add3A_1026 : i32 to vector<16xi32>
    %broadcast_in_dim3A_1028 = arith.constant 6144 : i32
    %broadcast_in_dim3A_1029 = vector.broadcast %broadcast_in_dim3A_1028 : i32 to vector<16xi32>
    %select_n3A_1030 = arith.select %eq3A_4, %broadcast_in_dim3A_1027, %broadcast_in_dim3A_1029 : vector<16xi1>, vector<16xi32>
    %parallel_loop3A_1031 = arith.constant 0 : i32
    %parallel_loop3A_1032 = arith.constant 128 : i32
    %parallel_loop3A_1033 = arith.constant 1 : i32
    scf.for %parallel_loop3A_1123 = %parallel_loop3A_1031 to %parallel_loop3A_1032 step %parallel_loop3A_1033  : i32 {
      %parallel_loop3A_1124 = arith.constant 16 : i32
      %parallel_loop3A_1125 = arith.muli %parallel_loop3A_1123, %parallel_loop3A_1124 : i32
      %parallel_loop3A_1126 = arith.index_cast %parallel_loop3A_1125 : i32 to index
      %parallel_loop3A_1127 = tpu.vector_load %arg7[%parallel_loop3A_1126] {strides = array<i32>} : memref<2048xi32, #tpu.memory_space<vmem>>, vector<16xi32>,
      %parallel_loop3A_1128 = arith.addi %parallel_loop3A_1127, %select_n3A_1030 : vector<16xi32>
      %parallel_loop3A_1129 = arith.constant 3 : i32
      %parallel_loop3A_1130 = arith.shrsi %parallel_loop3A_1123, %parallel_loop3A_1129 : i32
      %parallel_loop3A_1131 = arith.constant 8 : i32
      %parallel_loop3A_1132 = arith.shli %parallel_loop3A_1130, %parallel_loop3A_1131 : i32
      %parallel_loop3A_1133 = arith.constant 0 : i32
      %parallel_loop3A_1134 = arith.addi %parallel_loop3A_1133, %parallel_loop3A_1132 : i32
      %parallel_loop3A_1135 = arith.constant 7 : i32
      %parallel_loop3A_1136 = arith.andi %parallel_loop3A_1123, %parallel_loop3A_1135 : i32
      %parallel_loop3A_1137 = arith.constant 4 : i32
      %parallel_loop3A_1138 = arith.shli %parallel_loop3A_1136, %parallel_loop3A_1137 : i32
      %parallel_loop3A_1139 = arith.addi %parallel_loop3A_1134, %parallel_loop3A_1138 : i32
      %parallel_loop3A_1140 = tpu.vector_load_idx %arg5[%parallel_loop3A_1128] : memref<20480xf32, #tpu.memory_space<vmem>>[vector<16xi32>], vector<16xf32>,
      %parallel_loop3A_1141 = arith.index_cast %parallel_loop3A_1139 : i32 to index
      %parallel_loop3A_1142 = tpu.vector_load %arg6[%parallel_loop3A_1141] {strides = array<i32>} : memref<8192xf32, #tpu.memory_space<vmem>>, vector<16xf32>,
      tpu.vector_store %arg6[%parallel_loop3A_1141], %parallel_loop3A_1140 {strides = array<i32>} : memref<8192xf32, #tpu.memory_space<vmem>>, vector<16xf32>,
    } {sc.loop_unroll_factor = 8 : i64, sc.parallel_access}
    %add3A_1034 = arith.constant 128 : i32
    %add3A_1035 = arith.addi %add3A_1024, %add3A_1034 : i32
    %broadcast_in_dim3A_1036 = vector.broadcast %add3A_1035 : i32 to vector<16xi32>
    %broadcast_in_dim3A_1037 = arith.constant 6272 : i32
    %broadcast_in_dim3A_1038 = vector.broadcast %broadcast_in_dim3A_1037 : i32 to vector<16xi32>
    %select_n3A_1039 = arith.select %eq3A_4, %broadcast_in_dim3A_1036, %broadcast_in_dim3A_1038 : vector<16xi1>, vector<16xi32>
    %parallel_loop3A_1040 = arith.constant 0 : i32
    %parallel_loop3A_1041 = arith.constant 128 : i32
    %parallel_loop3A_1042 = arith.constant 1 : i32
    scf.for %parallel_loop3A_1123 = %parallel_loop3A_1040 to %parallel_loop3A_1041 step %parallel_loop3A_1042  : i32 {
      %parallel_loop3A_1124 = arith.constant 16 : i32
      %parallel_loop3A_1125 = arith.muli %parallel_loop3A_1123, %parallel_loop3A_1124 : i32
      %parallel_loop3A_1126 = arith.index_cast %parallel_loop3A_1125 : i32 to index
      %parallel_loop3A_1127 = tpu.vector_load %arg7[%parallel_loop3A_1126] {strides = array<i32>} : memref<2048xi32, #tpu.memory_space<vmem>>, vector<16xi32>,
      %parallel_loop3A_1128 = arith.addi %parallel_loop3A_1127, %select_n3A_1039 : vector<16xi32>
      %parallel_loop3A_1129 = arith.constant 3 : i32
      %parallel_loop3A_1130 = arith.shrsi %parallel_loop3A_1123, %parallel_loop3A_1129 : i32
      %parallel_loop3A_1131 = arith.constant 8 : i32
      %parallel_loop3A_1132 = arith.shli %parallel_loop3A_1130, %parallel_loop3A_1131 : i32
      %parallel_loop3A_1133 = arith.constant 128 : i32
      %parallel_loop3A_1134 = arith.addi %parallel_loop3A_1133, %parallel_loop3A_1132 : i32
      %parallel_loop3A_1135 = arith.constant 7 : i32
      %parallel_loop3A_1136 = arith.andi %parallel_loop3A_1123, %parallel_loop3A_1135 : i32
      %parallel_loop3A_1137 = arith.constant 4 : i32
      %parallel_loop3A_1138 = arith.shli %parallel_loop3A_1136, %parallel_loop3A_1137 : i32
      %parallel_loop3A_1139 = arith.addi %parallel_loop3A_1134, %parallel_loop3A_1138 : i32
      %parallel_loop3A_1140 = tpu.vector_load_idx %arg5[%parallel_loop3A_1128] : memref<20480xf32, #tpu.memory_space<vmem>>[vector<16xi32>], vector<16xf32>,
      %parallel_loop3A_1141 = arith.index_cast %parallel_loop3A_1139 : i32 to index
      %parallel_loop3A_1142 = tpu.vector_load %arg6[%parallel_loop3A_1141] {strides = array<i32>} : memref<8192xf32, #tpu.memory_space<vmem>>, vector<16xf32>,
      tpu.vector_store %arg6[%parallel_loop3A_1141], %parallel_loop3A_1140 {strides = array<i32>} : memref<8192xf32, #tpu.memory_space<vmem>>, vector<16xf32>,
    } {sc.loop_unroll_factor = 8 : i64, sc.parallel_access}
    %mul3A_1043 = arith.constant 2 : i32
    %mul3A_1044 = arith.muli %add3A_1008, %mul3A_1043 : i32
    %add3A_1045 = arith.constant 0 : i32
    %add3A_1046 = arith.addi %mul3A_1044, %add3A_1045 : i32
    %mul3A_1047 = arith.constant 4096 : i32
    %mul3A_1048 = arith.muli %add3A_1046, %mul3A_1047 : i32
    %dma_start3A_1049 = arith.constant 0 : i32
    %dma_start3A_1050 = tpu.memref_slice %arg6[%dma_start3A_1049] : memref<8192xf32, #tpu.memory_space<vmem>> -> memref<4096xf32, #tpu.memory_space<vmem>>
    %dma_start3A_1051 = tpu.memref_slice %arg4[%mul3A_1048] : memref<2097152xf32, #tpu.memory_space<hbm>> -> memref<4096xf32, #tpu.memory_space<hbm>>
    %dma_start3A_1052 = tpu.memref_slice %arg4[%mul3A_1048] : memref<2097152xf32, #tpu.memory_space<hbm>> -> memref<4096xf32, #tpu.memory_space<hbm>>
    %dma_start3A_1053 = arith.constant 0 : i32
    %dma_start3A_1054 = tpu.memref_slice %arg6[%dma_start3A_1053] : memref<8192xf32, #tpu.memory_space<vmem>> -> memref<4096xf32, #tpu.memory_space<vmem>>
    tpu.enqueue_dma source(%dma_start3A_1054 : memref<4096xf32, #tpu.memory_space<vmem>>) target(%dma_start3A_1052 : memref<4096xf32, #tpu.memory_space<hbm>>) target_semaphore(%arg9 : memref<!tpu.dma_semaphore, #tpu.memory_space<semaphore_mem>>)
    %dma_wait3A_1055 = arith.constant 9216 : i32
    %dma_wait3A_1056 = tpu.memref_slice %arg5[%dma_wait3A_1055] : memref<20480xf32, #tpu.memory_space<vmem>> -> memref<3072xf32, #tpu.memory_space<vmem>>
    %dma_wait3A_1057 = tpu.memref_slice %arg2[%add3A_936] : memref<14155776xf32, #tpu.memory_space<hbm>> -> memref<3072xf32, #tpu.memory_space<hbm>>
    %dma_wait3A_1058 = arith.constant 9216 : i32
    %dma_wait3A_1059 = tpu.memref_slice %arg5[%dma_wait3A_1058] : memref<20480xf32, #tpu.memory_space<vmem>> -> memref<3072xf32, #tpu.memory_space<vmem>>
    %dma_wait3A_1060 = tpu.memref_slice %arg2[%add3A_936] : memref<14155776xf32, #tpu.memory_space<hbm>> -> memref<3072xf32, #tpu.memory_space<hbm>>
    tpu.wait_dma2 semaphore(%arg8 : memref<!tpu.dma_semaphore, #tpu.memory_space<semaphore_mem>>) src(%dma_wait3A_1060 : memref<3072xf32, #tpu.memory_space<hbm>>) dst(%dma_wait3A_1059 : memref<3072xf32, #tpu.memory_space<vmem>>)
    %mul3A_1061 = arith.constant 8 : i32
    %mul3A_1062 = arith.muli %add3A, %mul3A_1061 : i32
    %add3A_1063 = arith.constant 7 : i32
    %add3A_1064 = arith.addi %mul3A_1062, %add3A_1063 : i32
    %and3A_1065 = arith.constant 3 : i32
    %and3A_1066 = arith.andi %add3A_1064, %and3A_1065 : i32
    %dma_wait3A_1067 = arith.constant 4096 : i32
    %dma_wait3A_1068 = tpu.memref_slice %arg6[%dma_wait3A_1067] : memref<8192xf32, #tpu.memory_space<vmem>> -> memref<4096xf32, #tpu.memory_space<vmem>>
    %dma_wait3A_1069 = tpu.memref_slice %arg4[%mul3A_992] : memref<2097152xf32, #tpu.memory_space<hbm>> -> memref<4096xf32, #tpu.memory_space<hbm>>
    %dma_wait3A_1070 = tpu.memref_slice %arg4[%mul3A_992] : memref<2097152xf32, #tpu.memory_space<hbm>> -> memref<4096xf32, #tpu.memory_space<hbm>>
    %dma_wait3A_1071 = arith.constant 4096 : i32
    %dma_wait3A_1072 = tpu.memref_slice %arg6[%dma_wait3A_1071] : memref<8192xf32, #tpu.memory_space<vmem>> -> memref<4096xf32, #tpu.memory_space<vmem>>
    tpu.wait_dma2 semaphore(%arg10 : memref<!tpu.dma_semaphore, #tpu.memory_space<semaphore_mem>>) src(%dma_wait3A_1072 : memref<4096xf32, #tpu.memory_space<vmem>>) dst(%dma_wait3A_1070 : memref<4096xf32, #tpu.memory_space<hbm>>)
    %mul3A_1073 = arith.constant 2 : i32
    %mul3A_1074 = arith.muli %and3A_1066, %mul3A_1073 : i32
    %mul3A_1075 = arith.constant 1024 : i32
    %mul3A_1076 = arith.muli %mul3A_1074, %mul3A_1075 : i32
    %add3A_1077 = arith.constant 12288 : i32
    %add3A_1078 = arith.addi %add3A_1077, %mul3A_1076 : i32
    %add3A_1079 = arith.constant 1024 : i32
    %add3A_1080 = arith.addi %add3A_1078, %add3A_1079 : i32
    %add3A_1081 = arith.constant 0 : i32
    %add3A_1082 = arith.addi %add3A_1080, %add3A_1081 : i32
    %broadcast_in_dim3A_1083 = vector.broadcast %add3A_1082 : i32 to vector<16xi32>
    %broadcast_in_dim3A_1084 = arith.constant 9216 : i32
    %broadcast_in_dim3A_1085 = vector.broadcast %broadcast_in_dim3A_1084 : i32 to vector<16xi32>
    %select_n3A_1086 = arith.select %eq3A_4, %broadcast_in_dim3A_1083, %broadcast_in_dim3A_1085 : vector<16xi1>, vector<16xi32>
    %parallel_loop3A_1087 = arith.constant 0 : i32
    %parallel_loop3A_1088 = arith.constant 128 : i32
    %parallel_loop3A_1089 = arith.constant 1 : i32
    scf.for %parallel_loop3A_1123 = %parallel_loop3A_1087 to %parallel_loop3A_1088 step %parallel_loop3A_1089  : i32 {
      %parallel_loop3A_1124 = arith.constant 16 : i32
      %parallel_loop3A_1125 = arith.muli %parallel_loop3A_1123, %parallel_loop3A_1124 : i32
      %parallel_loop3A_1126 = arith.index_cast %parallel_loop3A_1125 : i32 to index
      %parallel_loop3A_1127 = tpu.vector_load %arg7[%parallel_loop3A_1126] {strides = array<i32>} : memref<2048xi32, #tpu.memory_space<vmem>>, vector<16xi32>,
      %parallel_loop3A_1128 = arith.addi %parallel_loop3A_1127, %select_n3A_1086 : vector<16xi32>
      %parallel_loop3A_1129 = arith.constant 3 : i32
      %parallel_loop3A_1130 = arith.shrsi %parallel_loop3A_1123, %parallel_loop3A_1129 : i32
      %parallel_loop3A_1131 = arith.constant 8 : i32
      %parallel_loop3A_1132 = arith.shli %parallel_loop3A_1130, %parallel_loop3A_1131 : i32
      %parallel_loop3A_1133 = arith.constant 4096 : i32
      %parallel_loop3A_1134 = arith.addi %parallel_loop3A_1133, %parallel_loop3A_1132 : i32
      %parallel_loop3A_1135 = arith.constant 7 : i32
      %parallel_loop3A_1136 = arith.andi %parallel_loop3A_1123, %parallel_loop3A_1135 : i32
      %parallel_loop3A_1137 = arith.constant 4 : i32
      %parallel_loop3A_1138 = arith.shli %parallel_loop3A_1136, %parallel_loop3A_1137 : i32
      %parallel_loop3A_1139 = arith.addi %parallel_loop3A_1134, %parallel_loop3A_1138 : i32
      %parallel_loop3A_1140 = tpu.vector_load_idx %arg5[%parallel_loop3A_1128] : memref<20480xf32, #tpu.memory_space<vmem>>[vector<16xi32>], vector<16xf32>,
      %parallel_loop3A_1141 = arith.index_cast %parallel_loop3A_1139 : i32 to index
      %parallel_loop3A_1142 = tpu.vector_load %arg6[%parallel_loop3A_1141] {strides = array<i32>} : memref<8192xf32, #tpu.memory_space<vmem>>, vector<16xf32>,
      tpu.vector_store %arg6[%parallel_loop3A_1141], %parallel_loop3A_1140 {strides = array<i32>} : memref<8192xf32, #tpu.memory_space<vmem>>, vector<16xf32>,
    } {sc.loop_unroll_factor = 8 : i64, sc.parallel_access}
    %add3A_1090 = arith.constant 128 : i32
    %add3A_1091 = arith.addi %add3A_1080, %add3A_1090 : i32
    %broadcast_in_dim3A_1092 = vector.broadcast %add3A_1091 : i32 to vector<16xi32>
    %broadcast_in_dim3A_1093 = arith.constant 9344 : i32
    %broadcast_in_dim3A_1094 = vector.broadcast %broadcast_in_dim3A_1093 : i32 to vector<16xi32>
    %select_n3A_1095 = arith.select %eq3A_4, %broadcast_in_dim3A_1092, %broadcast_in_dim3A_1094 : vector<16xi1>, vector<16xi32>
    %parallel_loop3A_1096 = arith.constant 0 : i32
    %parallel_loop3A_1097 = arith.constant 128 : i32
    %parallel_loop3A_1098 = arith.constant 1 : i32
    scf.for %parallel_loop3A_1123 = %parallel_loop3A_1096 to %parallel_loop3A_1097 step %parallel_loop3A_1098  : i32 {
      %parallel_loop3A_1124 = arith.constant 16 : i32
      %parallel_loop3A_1125 = arith.muli %parallel_loop3A_1123, %parallel_loop3A_1124 : i32
      %parallel_loop3A_1126 = arith.index_cast %parallel_loop3A_1125 : i32 to index
      %parallel_loop3A_1127 = tpu.vector_load %arg7[%parallel_loop3A_1126] {strides = array<i32>} : memref<2048xi32, #tpu.memory_space<vmem>>, vector<16xi32>,
      %parallel_loop3A_1128 = arith.addi %parallel_loop3A_1127, %select_n3A_1095 : vector<16xi32>
      %parallel_loop3A_1129 = arith.constant 3 : i32
      %parallel_loop3A_1130 = arith.shrsi %parallel_loop3A_1123, %parallel_loop3A_1129 : i32
      %parallel_loop3A_1131 = arith.constant 8 : i32
      %parallel_loop3A_1132 = arith.shli %parallel_loop3A_1130, %parallel_loop3A_1131 : i32
      %parallel_loop3A_1133 = arith.constant 4224 : i32
      %parallel_loop3A_1134 = arith.addi %parallel_loop3A_1133, %parallel_loop3A_1132 : i32
      %parallel_loop3A_1135 = arith.constant 7 : i32
      %parallel_loop3A_1136 = arith.andi %parallel_loop3A_1123, %parallel_loop3A_1135 : i32
      %parallel_loop3A_1137 = arith.constant 4 : i32
      %parallel_loop3A_1138 = arith.shli %parallel_loop3A_1136, %parallel_loop3A_1137 : i32
      %parallel_loop3A_1139 = arith.addi %parallel_loop3A_1134, %parallel_loop3A_1138 : i32
      %parallel_loop3A_1140 = tpu.vector_load_idx %arg5[%parallel_loop3A_1128] : memref<20480xf32, #tpu.memory_space<vmem>>[vector<16xi32>], vector<16xf32>,
      %parallel_loop3A_1141 = arith.index_cast %parallel_loop3A_1139 : i32 to index
      %parallel_loop3A_1142 = tpu.vector_load %arg6[%parallel_loop3A_1141] {strides = array<i32>} : memref<8192xf32, #tpu.memory_space<vmem>>, vector<16xf32>,
      tpu.vector_store %arg6[%parallel_loop3A_1141], %parallel_loop3A_1140 {strides = array<i32>} : memref<8192xf32, #tpu.memory_space<vmem>>, vector<16xf32>,
    } {sc.loop_unroll_factor = 8 : i64, sc.parallel_access}
    %mul3A_1099 = arith.constant 2 : i32
    %mul3A_1100 = arith.muli %add3A_1064, %mul3A_1099 : i32
    %add3A_1101 = arith.constant 1 : i32
    %add3A_1102 = arith.addi %mul3A_1100, %add3A_1101 : i32
    %mul3A_1103 = arith.constant 4096 : i32
    %mul3A_1104 = arith.muli %add3A_1102, %mul3A_1103 : i32
    %dma_start3A_1105 = arith.constant 4096 : i32
    %dma_start3A_1106 = tpu.memref_slice %arg6[%dma_start3A_1105] : memref<8192xf32, #tpu.memory_space<vmem>> -> memref<4096xf32, #tpu.memory_space<vmem>>
    %dma_start3A_1107 = tpu.memref_slice %arg4[%mul3A_1104] : memref<2097152xf32, #tpu.memory_space<hbm>> -> memref<4096xf32, #tpu.memory_space<hbm>>
    %dma_start3A_1108 = tpu.memref_slice %arg4[%mul3A_1104] : memref<2097152xf32, #tpu.memory_space<hbm>> -> memref<4096xf32, #tpu.memory_space<hbm>>
    %dma_start3A_1109 = arith.constant 4096 : i32
    %dma_start3A_1110 = tpu.memref_slice %arg6[%dma_start3A_1109] : memref<8192xf32, #tpu.memory_space<vmem>> -> memref<4096xf32, #tpu.memory_space<vmem>>
    tpu.enqueue_dma source(%dma_start3A_1110 : memref<4096xf32, #tpu.memory_space<vmem>>) target(%dma_start3A_1108 : memref<4096xf32, #tpu.memory_space<hbm>>) target_semaphore(%arg10 : memref<!tpu.dma_semaphore, #tpu.memory_space<semaphore_mem>>)
    %dma_wait3A_1111 = arith.constant 0 : i32
    %dma_wait3A_1112 = tpu.memref_slice %arg6[%dma_wait3A_1111] : memref<8192xf32, #tpu.memory_space<vmem>> -> memref<4096xf32, #tpu.memory_space<vmem>>
    %dma_wait3A_1113 = tpu.memref_slice %arg4[%mul3A_1048] : memref<2097152xf32, #tpu.memory_space<hbm>> -> memref<4096xf32, #tpu.memory_space<hbm>>
    %dma_wait3A_1114 = tpu.memref_slice %arg4[%mul3A_1048] : memref<2097152xf32, #tpu.memory_space<hbm>> -> memref<4096xf32, #tpu.memory_space<hbm>>
    %dma_wait3A_1115 = arith.constant 0 : i32
    %dma_wait3A_1116 = tpu.memref_slice %arg6[%dma_wait3A_1115] : memref<8192xf32, #tpu.memory_space<vmem>> -> memref<4096xf32, #tpu.memory_space<vmem>>
    tpu.wait_dma2 semaphore(%arg9 : memref<!tpu.dma_semaphore, #tpu.memory_space<semaphore_mem>>) src(%dma_wait3A_1116 : memref<4096xf32, #tpu.memory_space<vmem>>) dst(%dma_wait3A_1114 : memref<4096xf32, #tpu.memory_space<hbm>>)
    %dma_wait3A_1117 = arith.constant 4096 : i32
    %dma_wait3A_1118 = tpu.memref_slice %arg6[%dma_wait3A_1117] : memref<8192xf32, #tpu.memory_space<vmem>> -> memref<4096xf32, #tpu.memory_space<vmem>>
    %dma_wait3A_1119 = tpu.memref_slice %arg4[%mul3A_1104] : memref<2097152xf32, #tpu.memory_space<hbm>> -> memref<4096xf32, #tpu.memory_space<hbm>>
    %dma_wait3A_1120 = tpu.memref_slice %arg4[%mul3A_1104] : memref<2097152xf32, #tpu.memory_space<hbm>> -> memref<4096xf32, #tpu.memory_space<hbm>>
    %dma_wait3A_1121 = arith.constant 4096 : i32
    %dma_wait3A_1122 = tpu.memref_slice %arg6[%dma_wait3A_1121] : memref<8192xf32, #tpu.memory_space<vmem>> -> memref<4096xf32, #tpu.memory_space<vmem>>
    tpu.wait_dma2 semaphore(%arg10 : memref<!tpu.dma_semaphore, #tpu.memory_space<semaphore_mem>>) src(%dma_wait3A_1122 : memref<4096xf32, #tpu.memory_space<vmem>>) dst(%dma_wait3A_1120 : memref<4096xf32, #tpu.memory_space<hbm>>)
    return
  }
}

module attributes {stable_mosaic.version = 14 : i64} {
  func.func @body(%arg0: i32, %arg1: memref<16x432x128xf32, #tpu.memory_space<vmem>>, %arg2: memref<16x2x32x128xf32, #tpu.memory_space<vmem>>, %arg3: memref<16x448x128xf32, #tpu.memory_space<vmem>>) attributes {dimension_semantics = [#tpu.dimension_semantics<arbitrary>], iteration_bounds = array<i64: 16>, scalar_prefetch = 0 : i64, scratch_operands = 0 : i64, tpu.core_type = #tpu.core_type<tc>, window_params = [{transform_indices = @transform_0, window_bounds = array<i64: 16, 432, 128>}, {transform_indices = @transform_1, window_bounds = array<i64: 16, 2, 32, 128>}, {transform_indices = @transform_2, window_bounds = array<i64: 16, 448, 128>}]} {
    %get3A = arith.constant 0 : index
    %get3A_0 = arith.constant 0 : index
    %get3A_1 = arith.constant 0 : index
    %get3A_2 = vector.load %arg1[%get3A, %get3A_0, %get3A_1] : memref<16x432x128xf32, #tpu.memory_space<vmem>>, vector<1x64x128xf32>
    %get3A_3 = vector.shape_cast %get3A_2 : vector<1x64x128xf32> to vector<64x128xf32>
    %swap3A = arith.constant 0 : index
    %swap3A_4 = arith.constant 0 : index
    %swap3A_5 = arith.constant 0 : index
    %swap3A_6 = vector.load %arg3[%swap3A, %swap3A_4, %swap3A_5] : memref<16x448x128xf32, #tpu.memory_space<vmem>>, vector<1x64x128xf32>
    %swap3A_7 = vector.shape_cast %swap3A_6 : vector<1x64x128xf32> to vector<64x128xf32>
    %swap3A_8 = vector.shape_cast %get3A_3 : vector<64x128xf32> to vector<1x64x128xf32>
    tpu.vector_store %arg3[%swap3A, %swap3A_4, %swap3A_5], %swap3A_8 {strides = array<i32>} : memref<16x448x128xf32, #tpu.memory_space<vmem>>, vector<1x64x128xf32>,
    %get3A_9 = arith.constant 0 : index
    %get3A_10 = arith.constant 88 : index
    %get3A_11 = arith.constant 0 : index
    %get3A_12 = vector.load %arg1[%get3A_9, %get3A_10, %get3A_11] : memref<16x432x128xf32, #tpu.memory_space<vmem>>, vector<1x256x128xf32>
    %get3A_13 = vector.shape_cast %get3A_12 : vector<1x256x128xf32> to vector<256x128xf32>
    %swap3A_14 = arith.constant 0 : index
    %swap3A_15 = arith.constant 96 : index
    %swap3A_16 = arith.constant 0 : index
    %swap3A_17 = vector.load %arg3[%swap3A_14, %swap3A_15, %swap3A_16] : memref<16x448x128xf32, #tpu.memory_space<vmem>>, vector<1x256x128xf32>
    %swap3A_18 = vector.shape_cast %swap3A_17 : vector<1x256x128xf32> to vector<256x128xf32>
    %swap3A_19 = vector.shape_cast %get3A_13 : vector<256x128xf32> to vector<1x256x128xf32>
    tpu.vector_store %arg3[%swap3A_14, %swap3A_15, %swap3A_16], %swap3A_19 {strides = array<i32>} : memref<16x448x128xf32, #tpu.memory_space<vmem>>, vector<1x256x128xf32>,
    %get3A_20 = arith.constant 0 : index
    %get3A_21 = arith.constant 368 : index
    %get3A_22 = arith.constant 0 : index
    %get3A_23 = vector.load %arg1[%get3A_20, %get3A_21, %get3A_22] : memref<16x432x128xf32, #tpu.memory_space<vmem>>, vector<1x64x128xf32>
    %get3A_24 = vector.shape_cast %get3A_23 : vector<1x64x128xf32> to vector<64x128xf32>
    %swap3A_25 = arith.constant 0 : index
    %swap3A_26 = arith.constant 384 : index
    %swap3A_27 = arith.constant 0 : index
    %swap3A_28 = vector.load %arg3[%swap3A_25, %swap3A_26, %swap3A_27] : memref<16x448x128xf32, #tpu.memory_space<vmem>>, vector<1x64x128xf32>
    %swap3A_29 = vector.shape_cast %swap3A_28 : vector<1x64x128xf32> to vector<64x128xf32>
    %swap3A_30 = vector.shape_cast %get3A_24 : vector<64x128xf32> to vector<1x64x128xf32>
    tpu.vector_store %arg3[%swap3A_25, %swap3A_26, %swap3A_27], %swap3A_30 {strides = array<i32>} : memref<16x448x128xf32, #tpu.memory_space<vmem>>, vector<1x64x128xf32>,
    %get3A_31 = arith.constant 0 : index
    %get3A_32 = arith.constant 0 : index
    %get3A_33 = arith.constant 0 : index
    %get3A_34 = arith.constant 0 : index
    %get3A_35 = vector.load %arg2[%get3A_31, %get3A_32, %get3A_33, %get3A_34] : memref<16x2x32x128xf32, #tpu.memory_space<vmem>>, vector<1x1x32x128xf32>
    %get3A_36 = vector.shape_cast %get3A_35 : vector<1x1x32x128xf32> to vector<32x128xf32>
    %swap3A_37 = arith.constant 0 : index
    %swap3A_38 = arith.constant 64 : index
    %swap3A_39 = arith.constant 0 : index
    %swap3A_40 = vector.load %arg3[%swap3A_37, %swap3A_38, %swap3A_39] : memref<16x448x128xf32, #tpu.memory_space<vmem>>, vector<1x32x128xf32>
    %swap3A_41 = vector.shape_cast %swap3A_40 : vector<1x32x128xf32> to vector<32x128xf32>
    %swap3A_42 = vector.shape_cast %get3A_36 : vector<32x128xf32> to vector<1x32x128xf32>
    tpu.vector_store %arg3[%swap3A_37, %swap3A_38, %swap3A_39], %swap3A_42 {strides = array<i32>} : memref<16x448x128xf32, #tpu.memory_space<vmem>>, vector<1x32x128xf32>,
    %get3A_43 = arith.constant 0 : index
    %get3A_44 = arith.constant 1 : index
    %get3A_45 = arith.constant 0 : index
    %get3A_46 = arith.constant 0 : index
    %get3A_47 = vector.load %arg2[%get3A_43, %get3A_44, %get3A_45, %get3A_46] : memref<16x2x32x128xf32, #tpu.memory_space<vmem>>, vector<1x1x32x128xf32>
    %get3A_48 = vector.shape_cast %get3A_47 : vector<1x1x32x128xf32> to vector<32x128xf32>
    %swap3A_49 = arith.constant 0 : index
    %swap3A_50 = arith.constant 352 : index
    %swap3A_51 = arith.constant 0 : index
    %swap3A_52 = vector.load %arg3[%swap3A_49, %swap3A_50, %swap3A_51] : memref<16x448x128xf32, #tpu.memory_space<vmem>>, vector<1x32x128xf32>
    %swap3A_53 = vector.shape_cast %swap3A_52 : vector<1x32x128xf32> to vector<32x128xf32>
    %swap3A_54 = vector.shape_cast %get3A_48 : vector<32x128xf32> to vector<1x32x128xf32>
    tpu.vector_store %arg3[%swap3A_49, %swap3A_50, %swap3A_51], %swap3A_54 {strides = array<i32>} : memref<16x448x128xf32, #tpu.memory_space<vmem>>, vector<1x32x128xf32>,
    %get3A_55 = arith.constant 1 : index
    %get3A_56 = arith.constant 0 : index
    %get3A_57 = arith.constant 0 : index
    %get3A_58 = vector.load %arg1[%get3A_55, %get3A_56, %get3A_57] : memref<16x432x128xf32, #tpu.memory_space<vmem>>, vector<1x64x128xf32>
    %get3A_59 = vector.shape_cast %get3A_58 : vector<1x64x128xf32> to vector<64x128xf32>
    %swap3A_60 = arith.constant 1 : index
    %swap3A_61 = arith.constant 0 : index
    %swap3A_62 = arith.constant 0 : index
    %swap3A_63 = vector.load %arg3[%swap3A_60, %swap3A_61, %swap3A_62] : memref<16x448x128xf32, #tpu.memory_space<vmem>>, vector<1x64x128xf32>
    %swap3A_64 = vector.shape_cast %swap3A_63 : vector<1x64x128xf32> to vector<64x128xf32>
    %swap3A_65 = vector.shape_cast %get3A_59 : vector<64x128xf32> to vector<1x64x128xf32>
    tpu.vector_store %arg3[%swap3A_60, %swap3A_61, %swap3A_62], %swap3A_65 {strides = array<i32>} : memref<16x448x128xf32, #tpu.memory_space<vmem>>, vector<1x64x128xf32>,
    %get3A_66 = arith.constant 1 : index
    %get3A_67 = arith.constant 88 : index
    %get3A_68 = arith.constant 0 : index
    %get3A_69 = vector.load %arg1[%get3A_66, %get3A_67, %get3A_68] : memref<16x432x128xf32, #tpu.memory_space<vmem>>, vector<1x256x128xf32>
    %get3A_70 = vector.shape_cast %get3A_69 : vector<1x256x128xf32> to vector<256x128xf32>
    %swap3A_71 = arith.constant 1 : index
    %swap3A_72 = arith.constant 96 : index
    %swap3A_73 = arith.constant 0 : index
    %swap3A_74 = vector.load %arg3[%swap3A_71, %swap3A_72, %swap3A_73] : memref<16x448x128xf32, #tpu.memory_space<vmem>>, vector<1x256x128xf32>
    %swap3A_75 = vector.shape_cast %swap3A_74 : vector<1x256x128xf32> to vector<256x128xf32>
    %swap3A_76 = vector.shape_cast %get3A_70 : vector<256x128xf32> to vector<1x256x128xf32>
    tpu.vector_store %arg3[%swap3A_71, %swap3A_72, %swap3A_73], %swap3A_76 {strides = array<i32>} : memref<16x448x128xf32, #tpu.memory_space<vmem>>, vector<1x256x128xf32>,
    %get3A_77 = arith.constant 1 : index
    %get3A_78 = arith.constant 368 : index
    %get3A_79 = arith.constant 0 : index
    %get3A_80 = vector.load %arg1[%get3A_77, %get3A_78, %get3A_79] : memref<16x432x128xf32, #tpu.memory_space<vmem>>, vector<1x64x128xf32>
    %get3A_81 = vector.shape_cast %get3A_80 : vector<1x64x128xf32> to vector<64x128xf32>
    %swap3A_82 = arith.constant 1 : index
    %swap3A_83 = arith.constant 384 : index
    %swap3A_84 = arith.constant 0 : index
    %swap3A_85 = vector.load %arg3[%swap3A_82, %swap3A_83, %swap3A_84] : memref<16x448x128xf32, #tpu.memory_space<vmem>>, vector<1x64x128xf32>
    %swap3A_86 = vector.shape_cast %swap3A_85 : vector<1x64x128xf32> to vector<64x128xf32>
    %swap3A_87 = vector.shape_cast %get3A_81 : vector<64x128xf32> to vector<1x64x128xf32>
    tpu.vector_store %arg3[%swap3A_82, %swap3A_83, %swap3A_84], %swap3A_87 {strides = array<i32>} : memref<16x448x128xf32, #tpu.memory_space<vmem>>, vector<1x64x128xf32>,
    %get3A_88 = arith.constant 1 : index
    %get3A_89 = arith.constant 0 : index
    %get3A_90 = arith.constant 0 : index
    %get3A_91 = arith.constant 0 : index
    %get3A_92 = vector.load %arg2[%get3A_88, %get3A_89, %get3A_90, %get3A_91] : memref<16x2x32x128xf32, #tpu.memory_space<vmem>>, vector<1x1x32x128xf32>
    %get3A_93 = vector.shape_cast %get3A_92 : vector<1x1x32x128xf32> to vector<32x128xf32>
    %swap3A_94 = arith.constant 1 : index
    %swap3A_95 = arith.constant 64 : index
    %swap3A_96 = arith.constant 0 : index
    %swap3A_97 = vector.load %arg3[%swap3A_94, %swap3A_95, %swap3A_96] : memref<16x448x128xf32, #tpu.memory_space<vmem>>, vector<1x32x128xf32>
    %swap3A_98 = vector.shape_cast %swap3A_97 : vector<1x32x128xf32> to vector<32x128xf32>
    %swap3A_99 = vector.shape_cast %get3A_93 : vector<32x128xf32> to vector<1x32x128xf32>
    tpu.vector_store %arg3[%swap3A_94, %swap3A_95, %swap3A_96], %swap3A_99 {strides = array<i32>} : memref<16x448x128xf32, #tpu.memory_space<vmem>>, vector<1x32x128xf32>,
    %get3A_100 = arith.constant 1 : index
    %get3A_101 = arith.constant 1 : index
    %get3A_102 = arith.constant 0 : index
    %get3A_103 = arith.constant 0 : index
    %get3A_104 = vector.load %arg2[%get3A_100, %get3A_101, %get3A_102, %get3A_103] : memref<16x2x32x128xf32, #tpu.memory_space<vmem>>, vector<1x1x32x128xf32>
    %get3A_105 = vector.shape_cast %get3A_104 : vector<1x1x32x128xf32> to vector<32x128xf32>
    %swap3A_106 = arith.constant 1 : index
    %swap3A_107 = arith.constant 352 : index
    %swap3A_108 = arith.constant 0 : index
    %swap3A_109 = vector.load %arg3[%swap3A_106, %swap3A_107, %swap3A_108] : memref<16x448x128xf32, #tpu.memory_space<vmem>>, vector<1x32x128xf32>
    %swap3A_110 = vector.shape_cast %swap3A_109 : vector<1x32x128xf32> to vector<32x128xf32>
    %swap3A_111 = vector.shape_cast %get3A_105 : vector<32x128xf32> to vector<1x32x128xf32>
    tpu.vector_store %arg3[%swap3A_106, %swap3A_107, %swap3A_108], %swap3A_111 {strides = array<i32>} : memref<16x448x128xf32, #tpu.memory_space<vmem>>, vector<1x32x128xf32>,
    %get3A_112 = arith.constant 2 : index
    %get3A_113 = arith.constant 0 : index
    %get3A_114 = arith.constant 0 : index
    %get3A_115 = vector.load %arg1[%get3A_112, %get3A_113, %get3A_114] : memref<16x432x128xf32, #tpu.memory_space<vmem>>, vector<1x64x128xf32>
    %get3A_116 = vector.shape_cast %get3A_115 : vector<1x64x128xf32> to vector<64x128xf32>
    %swap3A_117 = arith.constant 2 : index
    %swap3A_118 = arith.constant 0 : index
    %swap3A_119 = arith.constant 0 : index
    %swap3A_120 = vector.load %arg3[%swap3A_117, %swap3A_118, %swap3A_119] : memref<16x448x128xf32, #tpu.memory_space<vmem>>, vector<1x64x128xf32>
    %swap3A_121 = vector.shape_cast %swap3A_120 : vector<1x64x128xf32> to vector<64x128xf32>
    %swap3A_122 = vector.shape_cast %get3A_116 : vector<64x128xf32> to vector<1x64x128xf32>
    tpu.vector_store %arg3[%swap3A_117, %swap3A_118, %swap3A_119], %swap3A_122 {strides = array<i32>} : memref<16x448x128xf32, #tpu.memory_space<vmem>>, vector<1x64x128xf32>,
    %get3A_123 = arith.constant 2 : index
    %get3A_124 = arith.constant 88 : index
    %get3A_125 = arith.constant 0 : index
    %get3A_126 = vector.load %arg1[%get3A_123, %get3A_124, %get3A_125] : memref<16x432x128xf32, #tpu.memory_space<vmem>>, vector<1x256x128xf32>
    %get3A_127 = vector.shape_cast %get3A_126 : vector<1x256x128xf32> to vector<256x128xf32>
    %swap3A_128 = arith.constant 2 : index
    %swap3A_129 = arith.constant 96 : index
    %swap3A_130 = arith.constant 0 : index
    %swap3A_131 = vector.load %arg3[%swap3A_128, %swap3A_129, %swap3A_130] : memref<16x448x128xf32, #tpu.memory_space<vmem>>, vector<1x256x128xf32>
    %swap3A_132 = vector.shape_cast %swap3A_131 : vector<1x256x128xf32> to vector<256x128xf32>
    %swap3A_133 = vector.shape_cast %get3A_127 : vector<256x128xf32> to vector<1x256x128xf32>
    tpu.vector_store %arg3[%swap3A_128, %swap3A_129, %swap3A_130], %swap3A_133 {strides = array<i32>} : memref<16x448x128xf32, #tpu.memory_space<vmem>>, vector<1x256x128xf32>,
    %get3A_134 = arith.constant 2 : index
    %get3A_135 = arith.constant 368 : index
    %get3A_136 = arith.constant 0 : index
    %get3A_137 = vector.load %arg1[%get3A_134, %get3A_135, %get3A_136] : memref<16x432x128xf32, #tpu.memory_space<vmem>>, vector<1x64x128xf32>
    %get3A_138 = vector.shape_cast %get3A_137 : vector<1x64x128xf32> to vector<64x128xf32>
    %swap3A_139 = arith.constant 2 : index
    %swap3A_140 = arith.constant 384 : index
    %swap3A_141 = arith.constant 0 : index
    %swap3A_142 = vector.load %arg3[%swap3A_139, %swap3A_140, %swap3A_141] : memref<16x448x128xf32, #tpu.memory_space<vmem>>, vector<1x64x128xf32>
    %swap3A_143 = vector.shape_cast %swap3A_142 : vector<1x64x128xf32> to vector<64x128xf32>
    %swap3A_144 = vector.shape_cast %get3A_138 : vector<64x128xf32> to vector<1x64x128xf32>
    tpu.vector_store %arg3[%swap3A_139, %swap3A_140, %swap3A_141], %swap3A_144 {strides = array<i32>} : memref<16x448x128xf32, #tpu.memory_space<vmem>>, vector<1x64x128xf32>,
    %get3A_145 = arith.constant 2 : index
    %get3A_146 = arith.constant 0 : index
    %get3A_147 = arith.constant 0 : index
    %get3A_148 = arith.constant 0 : index
    %get3A_149 = vector.load %arg2[%get3A_145, %get3A_146, %get3A_147, %get3A_148] : memref<16x2x32x128xf32, #tpu.memory_space<vmem>>, vector<1x1x32x128xf32>
    %get3A_150 = vector.shape_cast %get3A_149 : vector<1x1x32x128xf32> to vector<32x128xf32>
    %swap3A_151 = arith.constant 2 : index
    %swap3A_152 = arith.constant 64 : index
    %swap3A_153 = arith.constant 0 : index
    %swap3A_154 = vector.load %arg3[%swap3A_151, %swap3A_152, %swap3A_153] : memref<16x448x128xf32, #tpu.memory_space<vmem>>, vector<1x32x128xf32>
    %swap3A_155 = vector.shape_cast %swap3A_154 : vector<1x32x128xf32> to vector<32x128xf32>
    %swap3A_156 = vector.shape_cast %get3A_150 : vector<32x128xf32> to vector<1x32x128xf32>
    tpu.vector_store %arg3[%swap3A_151, %swap3A_152, %swap3A_153], %swap3A_156 {strides = array<i32>} : memref<16x448x128xf32, #tpu.memory_space<vmem>>, vector<1x32x128xf32>,
    %get3A_157 = arith.constant 2 : index
    %get3A_158 = arith.constant 1 : index
    %get3A_159 = arith.constant 0 : index
    %get3A_160 = arith.constant 0 : index
    %get3A_161 = vector.load %arg2[%get3A_157, %get3A_158, %get3A_159, %get3A_160] : memref<16x2x32x128xf32, #tpu.memory_space<vmem>>, vector<1x1x32x128xf32>
    %get3A_162 = vector.shape_cast %get3A_161 : vector<1x1x32x128xf32> to vector<32x128xf32>
    %swap3A_163 = arith.constant 2 : index
    %swap3A_164 = arith.constant 352 : index
    %swap3A_165 = arith.constant 0 : index
    %swap3A_166 = vector.load %arg3[%swap3A_163, %swap3A_164, %swap3A_165] : memref<16x448x128xf32, #tpu.memory_space<vmem>>, vector<1x32x128xf32>
    %swap3A_167 = vector.shape_cast %swap3A_166 : vector<1x32x128xf32> to vector<32x128xf32>
    %swap3A_168 = vector.shape_cast %get3A_162 : vector<32x128xf32> to vector<1x32x128xf32>
    tpu.vector_store %arg3[%swap3A_163, %swap3A_164, %swap3A_165], %swap3A_168 {strides = array<i32>} : memref<16x448x128xf32, #tpu.memory_space<vmem>>, vector<1x32x128xf32>,
    %get3A_169 = arith.constant 3 : index
    %get3A_170 = arith.constant 0 : index
    %get3A_171 = arith.constant 0 : index
    %get3A_172 = vector.load %arg1[%get3A_169, %get3A_170, %get3A_171] : memref<16x432x128xf32, #tpu.memory_space<vmem>>, vector<1x64x128xf32>
    %get3A_173 = vector.shape_cast %get3A_172 : vector<1x64x128xf32> to vector<64x128xf32>
    %swap3A_174 = arith.constant 3 : index
    %swap3A_175 = arith.constant 0 : index
    %swap3A_176 = arith.constant 0 : index
    %swap3A_177 = vector.load %arg3[%swap3A_174, %swap3A_175, %swap3A_176] : memref<16x448x128xf32, #tpu.memory_space<vmem>>, vector<1x64x128xf32>
    %swap3A_178 = vector.shape_cast %swap3A_177 : vector<1x64x128xf32> to vector<64x128xf32>
    %swap3A_179 = vector.shape_cast %get3A_173 : vector<64x128xf32> to vector<1x64x128xf32>
    tpu.vector_store %arg3[%swap3A_174, %swap3A_175, %swap3A_176], %swap3A_179 {strides = array<i32>} : memref<16x448x128xf32, #tpu.memory_space<vmem>>, vector<1x64x128xf32>,
    %get3A_180 = arith.constant 3 : index
    %get3A_181 = arith.constant 88 : index
    %get3A_182 = arith.constant 0 : index
    %get3A_183 = vector.load %arg1[%get3A_180, %get3A_181, %get3A_182] : memref<16x432x128xf32, #tpu.memory_space<vmem>>, vector<1x256x128xf32>
    %get3A_184 = vector.shape_cast %get3A_183 : vector<1x256x128xf32> to vector<256x128xf32>
    %swap3A_185 = arith.constant 3 : index
    %swap3A_186 = arith.constant 96 : index
    %swap3A_187 = arith.constant 0 : index
    %swap3A_188 = vector.load %arg3[%swap3A_185, %swap3A_186, %swap3A_187] : memref<16x448x128xf32, #tpu.memory_space<vmem>>, vector<1x256x128xf32>
    %swap3A_189 = vector.shape_cast %swap3A_188 : vector<1x256x128xf32> to vector<256x128xf32>
    %swap3A_190 = vector.shape_cast %get3A_184 : vector<256x128xf32> to vector<1x256x128xf32>
    tpu.vector_store %arg3[%swap3A_185, %swap3A_186, %swap3A_187], %swap3A_190 {strides = array<i32>} : memref<16x448x128xf32, #tpu.memory_space<vmem>>, vector<1x256x128xf32>,
    %get3A_191 = arith.constant 3 : index
    %get3A_192 = arith.constant 368 : index
    %get3A_193 = arith.constant 0 : index
    %get3A_194 = vector.load %arg1[%get3A_191, %get3A_192, %get3A_193] : memref<16x432x128xf32, #tpu.memory_space<vmem>>, vector<1x64x128xf32>
    %get3A_195 = vector.shape_cast %get3A_194 : vector<1x64x128xf32> to vector<64x128xf32>
    %swap3A_196 = arith.constant 3 : index
    %swap3A_197 = arith.constant 384 : index
    %swap3A_198 = arith.constant 0 : index
    %swap3A_199 = vector.load %arg3[%swap3A_196, %swap3A_197, %swap3A_198] : memref<16x448x128xf32, #tpu.memory_space<vmem>>, vector<1x64x128xf32>
    %swap3A_200 = vector.shape_cast %swap3A_199 : vector<1x64x128xf32> to vector<64x128xf32>
    %swap3A_201 = vector.shape_cast %get3A_195 : vector<64x128xf32> to vector<1x64x128xf32>
    tpu.vector_store %arg3[%swap3A_196, %swap3A_197, %swap3A_198], %swap3A_201 {strides = array<i32>} : memref<16x448x128xf32, #tpu.memory_space<vmem>>, vector<1x64x128xf32>,
    %get3A_202 = arith.constant 3 : index
    %get3A_203 = arith.constant 0 : index
    %get3A_204 = arith.constant 0 : index
    %get3A_205 = arith.constant 0 : index
    %get3A_206 = vector.load %arg2[%get3A_202, %get3A_203, %get3A_204, %get3A_205] : memref<16x2x32x128xf32, #tpu.memory_space<vmem>>, vector<1x1x32x128xf32>
    %get3A_207 = vector.shape_cast %get3A_206 : vector<1x1x32x128xf32> to vector<32x128xf32>
    %swap3A_208 = arith.constant 3 : index
    %swap3A_209 = arith.constant 64 : index
    %swap3A_210 = arith.constant 0 : index
    %swap3A_211 = vector.load %arg3[%swap3A_208, %swap3A_209, %swap3A_210] : memref<16x448x128xf32, #tpu.memory_space<vmem>>, vector<1x32x128xf32>
    %swap3A_212 = vector.shape_cast %swap3A_211 : vector<1x32x128xf32> to vector<32x128xf32>
    %swap3A_213 = vector.shape_cast %get3A_207 : vector<32x128xf32> to vector<1x32x128xf32>
    tpu.vector_store %arg3[%swap3A_208, %swap3A_209, %swap3A_210], %swap3A_213 {strides = array<i32>} : memref<16x448x128xf32, #tpu.memory_space<vmem>>, vector<1x32x128xf32>,
    %get3A_214 = arith.constant 3 : index
    %get3A_215 = arith.constant 1 : index
    %get3A_216 = arith.constant 0 : index
    %get3A_217 = arith.constant 0 : index
    %get3A_218 = vector.load %arg2[%get3A_214, %get3A_215, %get3A_216, %get3A_217] : memref<16x2x32x128xf32, #tpu.memory_space<vmem>>, vector<1x1x32x128xf32>
    %get3A_219 = vector.shape_cast %get3A_218 : vector<1x1x32x128xf32> to vector<32x128xf32>
    %swap3A_220 = arith.constant 3 : index
    %swap3A_221 = arith.constant 352 : index
    %swap3A_222 = arith.constant 0 : index
    %swap3A_223 = vector.load %arg3[%swap3A_220, %swap3A_221, %swap3A_222] : memref<16x448x128xf32, #tpu.memory_space<vmem>>, vector<1x32x128xf32>
    %swap3A_224 = vector.shape_cast %swap3A_223 : vector<1x32x128xf32> to vector<32x128xf32>
    %swap3A_225 = vector.shape_cast %get3A_219 : vector<32x128xf32> to vector<1x32x128xf32>
    tpu.vector_store %arg3[%swap3A_220, %swap3A_221, %swap3A_222], %swap3A_225 {strides = array<i32>} : memref<16x448x128xf32, #tpu.memory_space<vmem>>, vector<1x32x128xf32>,
    %get3A_226 = arith.constant 4 : index
    %get3A_227 = arith.constant 0 : index
    %get3A_228 = arith.constant 0 : index
    %get3A_229 = vector.load %arg1[%get3A_226, %get3A_227, %get3A_228] : memref<16x432x128xf32, #tpu.memory_space<vmem>>, vector<1x64x128xf32>
    %get3A_230 = vector.shape_cast %get3A_229 : vector<1x64x128xf32> to vector<64x128xf32>
    %swap3A_231 = arith.constant 4 : index
    %swap3A_232 = arith.constant 0 : index
    %swap3A_233 = arith.constant 0 : index
    %swap3A_234 = vector.load %arg3[%swap3A_231, %swap3A_232, %swap3A_233] : memref<16x448x128xf32, #tpu.memory_space<vmem>>, vector<1x64x128xf32>
    %swap3A_235 = vector.shape_cast %swap3A_234 : vector<1x64x128xf32> to vector<64x128xf32>
    %swap3A_236 = vector.shape_cast %get3A_230 : vector<64x128xf32> to vector<1x64x128xf32>
    tpu.vector_store %arg3[%swap3A_231, %swap3A_232, %swap3A_233], %swap3A_236 {strides = array<i32>} : memref<16x448x128xf32, #tpu.memory_space<vmem>>, vector<1x64x128xf32>,
    %get3A_237 = arith.constant 4 : index
    %get3A_238 = arith.constant 88 : index
    %get3A_239 = arith.constant 0 : index
    %get3A_240 = vector.load %arg1[%get3A_237, %get3A_238, %get3A_239] : memref<16x432x128xf32, #tpu.memory_space<vmem>>, vector<1x256x128xf32>
    %get3A_241 = vector.shape_cast %get3A_240 : vector<1x256x128xf32> to vector<256x128xf32>
    %swap3A_242 = arith.constant 4 : index
    %swap3A_243 = arith.constant 96 : index
    %swap3A_244 = arith.constant 0 : index
    %swap3A_245 = vector.load %arg3[%swap3A_242, %swap3A_243, %swap3A_244] : memref<16x448x128xf32, #tpu.memory_space<vmem>>, vector<1x256x128xf32>
    %swap3A_246 = vector.shape_cast %swap3A_245 : vector<1x256x128xf32> to vector<256x128xf32>
    %swap3A_247 = vector.shape_cast %get3A_241 : vector<256x128xf32> to vector<1x256x128xf32>
    tpu.vector_store %arg3[%swap3A_242, %swap3A_243, %swap3A_244], %swap3A_247 {strides = array<i32>} : memref<16x448x128xf32, #tpu.memory_space<vmem>>, vector<1x256x128xf32>,
    %get3A_248 = arith.constant 4 : index
    %get3A_249 = arith.constant 368 : index
    %get3A_250 = arith.constant 0 : index
    %get3A_251 = vector.load %arg1[%get3A_248, %get3A_249, %get3A_250] : memref<16x432x128xf32, #tpu.memory_space<vmem>>, vector<1x64x128xf32>
    %get3A_252 = vector.shape_cast %get3A_251 : vector<1x64x128xf32> to vector<64x128xf32>
    %swap3A_253 = arith.constant 4 : index
    %swap3A_254 = arith.constant 384 : index
    %swap3A_255 = arith.constant 0 : index
    %swap3A_256 = vector.load %arg3[%swap3A_253, %swap3A_254, %swap3A_255] : memref<16x448x128xf32, #tpu.memory_space<vmem>>, vector<1x64x128xf32>
    %swap3A_257 = vector.shape_cast %swap3A_256 : vector<1x64x128xf32> to vector<64x128xf32>
    %swap3A_258 = vector.shape_cast %get3A_252 : vector<64x128xf32> to vector<1x64x128xf32>
    tpu.vector_store %arg3[%swap3A_253, %swap3A_254, %swap3A_255], %swap3A_258 {strides = array<i32>} : memref<16x448x128xf32, #tpu.memory_space<vmem>>, vector<1x64x128xf32>,
    %get3A_259 = arith.constant 4 : index
    %get3A_260 = arith.constant 0 : index
    %get3A_261 = arith.constant 0 : index
    %get3A_262 = arith.constant 0 : index
    %get3A_263 = vector.load %arg2[%get3A_259, %get3A_260, %get3A_261, %get3A_262] : memref<16x2x32x128xf32, #tpu.memory_space<vmem>>, vector<1x1x32x128xf32>
    %get3A_264 = vector.shape_cast %get3A_263 : vector<1x1x32x128xf32> to vector<32x128xf32>
    %swap3A_265 = arith.constant 4 : index
    %swap3A_266 = arith.constant 64 : index
    %swap3A_267 = arith.constant 0 : index
    %swap3A_268 = vector.load %arg3[%swap3A_265, %swap3A_266, %swap3A_267] : memref<16x448x128xf32, #tpu.memory_space<vmem>>, vector<1x32x128xf32>
    %swap3A_269 = vector.shape_cast %swap3A_268 : vector<1x32x128xf32> to vector<32x128xf32>
    %swap3A_270 = vector.shape_cast %get3A_264 : vector<32x128xf32> to vector<1x32x128xf32>
    tpu.vector_store %arg3[%swap3A_265, %swap3A_266, %swap3A_267], %swap3A_270 {strides = array<i32>} : memref<16x448x128xf32, #tpu.memory_space<vmem>>, vector<1x32x128xf32>,
    %get3A_271 = arith.constant 4 : index
    %get3A_272 = arith.constant 1 : index
    %get3A_273 = arith.constant 0 : index
    %get3A_274 = arith.constant 0 : index
    %get3A_275 = vector.load %arg2[%get3A_271, %get3A_272, %get3A_273, %get3A_274] : memref<16x2x32x128xf32, #tpu.memory_space<vmem>>, vector<1x1x32x128xf32>
    %get3A_276 = vector.shape_cast %get3A_275 : vector<1x1x32x128xf32> to vector<32x128xf32>
    %swap3A_277 = arith.constant 4 : index
    %swap3A_278 = arith.constant 352 : index
    %swap3A_279 = arith.constant 0 : index
    %swap3A_280 = vector.load %arg3[%swap3A_277, %swap3A_278, %swap3A_279] : memref<16x448x128xf32, #tpu.memory_space<vmem>>, vector<1x32x128xf32>
    %swap3A_281 = vector.shape_cast %swap3A_280 : vector<1x32x128xf32> to vector<32x128xf32>
    %swap3A_282 = vector.shape_cast %get3A_276 : vector<32x128xf32> to vector<1x32x128xf32>
    tpu.vector_store %arg3[%swap3A_277, %swap3A_278, %swap3A_279], %swap3A_282 {strides = array<i32>} : memref<16x448x128xf32, #tpu.memory_space<vmem>>, vector<1x32x128xf32>,
    %get3A_283 = arith.constant 5 : index
    %get3A_284 = arith.constant 0 : index
    %get3A_285 = arith.constant 0 : index
    %get3A_286 = vector.load %arg1[%get3A_283, %get3A_284, %get3A_285] : memref<16x432x128xf32, #tpu.memory_space<vmem>>, vector<1x64x128xf32>
    %get3A_287 = vector.shape_cast %get3A_286 : vector<1x64x128xf32> to vector<64x128xf32>
    %swap3A_288 = arith.constant 5 : index
    %swap3A_289 = arith.constant 0 : index
    %swap3A_290 = arith.constant 0 : index
    %swap3A_291 = vector.load %arg3[%swap3A_288, %swap3A_289, %swap3A_290] : memref<16x448x128xf32, #tpu.memory_space<vmem>>, vector<1x64x128xf32>
    %swap3A_292 = vector.shape_cast %swap3A_291 : vector<1x64x128xf32> to vector<64x128xf32>
    %swap3A_293 = vector.shape_cast %get3A_287 : vector<64x128xf32> to vector<1x64x128xf32>
    tpu.vector_store %arg3[%swap3A_288, %swap3A_289, %swap3A_290], %swap3A_293 {strides = array<i32>} : memref<16x448x128xf32, #tpu.memory_space<vmem>>, vector<1x64x128xf32>,
    %get3A_294 = arith.constant 5 : index
    %get3A_295 = arith.constant 88 : index
    %get3A_296 = arith.constant 0 : index
    %get3A_297 = vector.load %arg1[%get3A_294, %get3A_295, %get3A_296] : memref<16x432x128xf32, #tpu.memory_space<vmem>>, vector<1x256x128xf32>
    %get3A_298 = vector.shape_cast %get3A_297 : vector<1x256x128xf32> to vector<256x128xf32>
    %swap3A_299 = arith.constant 5 : index
    %swap3A_300 = arith.constant 96 : index
    %swap3A_301 = arith.constant 0 : index
    %swap3A_302 = vector.load %arg3[%swap3A_299, %swap3A_300, %swap3A_301] : memref<16x448x128xf32, #tpu.memory_space<vmem>>, vector<1x256x128xf32>
    %swap3A_303 = vector.shape_cast %swap3A_302 : vector<1x256x128xf32> to vector<256x128xf32>
    %swap3A_304 = vector.shape_cast %get3A_298 : vector<256x128xf32> to vector<1x256x128xf32>
    tpu.vector_store %arg3[%swap3A_299, %swap3A_300, %swap3A_301], %swap3A_304 {strides = array<i32>} : memref<16x448x128xf32, #tpu.memory_space<vmem>>, vector<1x256x128xf32>,
    %get3A_305 = arith.constant 5 : index
    %get3A_306 = arith.constant 368 : index
    %get3A_307 = arith.constant 0 : index
    %get3A_308 = vector.load %arg1[%get3A_305, %get3A_306, %get3A_307] : memref<16x432x128xf32, #tpu.memory_space<vmem>>, vector<1x64x128xf32>
    %get3A_309 = vector.shape_cast %get3A_308 : vector<1x64x128xf32> to vector<64x128xf32>
    %swap3A_310 = arith.constant 5 : index
    %swap3A_311 = arith.constant 384 : index
    %swap3A_312 = arith.constant 0 : index
    %swap3A_313 = vector.load %arg3[%swap3A_310, %swap3A_311, %swap3A_312] : memref<16x448x128xf32, #tpu.memory_space<vmem>>, vector<1x64x128xf32>
    %swap3A_314 = vector.shape_cast %swap3A_313 : vector<1x64x128xf32> to vector<64x128xf32>
    %swap3A_315 = vector.shape_cast %get3A_309 : vector<64x128xf32> to vector<1x64x128xf32>
    tpu.vector_store %arg3[%swap3A_310, %swap3A_311, %swap3A_312], %swap3A_315 {strides = array<i32>} : memref<16x448x128xf32, #tpu.memory_space<vmem>>, vector<1x64x128xf32>,
    %get3A_316 = arith.constant 5 : index
    %get3A_317 = arith.constant 0 : index
    %get3A_318 = arith.constant 0 : index
    %get3A_319 = arith.constant 0 : index
    %get3A_320 = vector.load %arg2[%get3A_316, %get3A_317, %get3A_318, %get3A_319] : memref<16x2x32x128xf32, #tpu.memory_space<vmem>>, vector<1x1x32x128xf32>
    %get3A_321 = vector.shape_cast %get3A_320 : vector<1x1x32x128xf32> to vector<32x128xf32>
    %swap3A_322 = arith.constant 5 : index
    %swap3A_323 = arith.constant 64 : index
    %swap3A_324 = arith.constant 0 : index
    %swap3A_325 = vector.load %arg3[%swap3A_322, %swap3A_323, %swap3A_324] : memref<16x448x128xf32, #tpu.memory_space<vmem>>, vector<1x32x128xf32>
    %swap3A_326 = vector.shape_cast %swap3A_325 : vector<1x32x128xf32> to vector<32x128xf32>
    %swap3A_327 = vector.shape_cast %get3A_321 : vector<32x128xf32> to vector<1x32x128xf32>
    tpu.vector_store %arg3[%swap3A_322, %swap3A_323, %swap3A_324], %swap3A_327 {strides = array<i32>} : memref<16x448x128xf32, #tpu.memory_space<vmem>>, vector<1x32x128xf32>,
    %get3A_328 = arith.constant 5 : index
    %get3A_329 = arith.constant 1 : index
    %get3A_330 = arith.constant 0 : index
    %get3A_331 = arith.constant 0 : index
    %get3A_332 = vector.load %arg2[%get3A_328, %get3A_329, %get3A_330, %get3A_331] : memref<16x2x32x128xf32, #tpu.memory_space<vmem>>, vector<1x1x32x128xf32>
    %get3A_333 = vector.shape_cast %get3A_332 : vector<1x1x32x128xf32> to vector<32x128xf32>
    %swap3A_334 = arith.constant 5 : index
    %swap3A_335 = arith.constant 352 : index
    %swap3A_336 = arith.constant 0 : index
    %swap3A_337 = vector.load %arg3[%swap3A_334, %swap3A_335, %swap3A_336] : memref<16x448x128xf32, #tpu.memory_space<vmem>>, vector<1x32x128xf32>
    %swap3A_338 = vector.shape_cast %swap3A_337 : vector<1x32x128xf32> to vector<32x128xf32>
    %swap3A_339 = vector.shape_cast %get3A_333 : vector<32x128xf32> to vector<1x32x128xf32>
    tpu.vector_store %arg3[%swap3A_334, %swap3A_335, %swap3A_336], %swap3A_339 {strides = array<i32>} : memref<16x448x128xf32, #tpu.memory_space<vmem>>, vector<1x32x128xf32>,
    %get3A_340 = arith.constant 6 : index
    %get3A_341 = arith.constant 0 : index
    %get3A_342 = arith.constant 0 : index
    %get3A_343 = vector.load %arg1[%get3A_340, %get3A_341, %get3A_342] : memref<16x432x128xf32, #tpu.memory_space<vmem>>, vector<1x64x128xf32>
    %get3A_344 = vector.shape_cast %get3A_343 : vector<1x64x128xf32> to vector<64x128xf32>
    %swap3A_345 = arith.constant 6 : index
    %swap3A_346 = arith.constant 0 : index
    %swap3A_347 = arith.constant 0 : index
    %swap3A_348 = vector.load %arg3[%swap3A_345, %swap3A_346, %swap3A_347] : memref<16x448x128xf32, #tpu.memory_space<vmem>>, vector<1x64x128xf32>
    %swap3A_349 = vector.shape_cast %swap3A_348 : vector<1x64x128xf32> to vector<64x128xf32>
    %swap3A_350 = vector.shape_cast %get3A_344 : vector<64x128xf32> to vector<1x64x128xf32>
    tpu.vector_store %arg3[%swap3A_345, %swap3A_346, %swap3A_347], %swap3A_350 {strides = array<i32>} : memref<16x448x128xf32, #tpu.memory_space<vmem>>, vector<1x64x128xf32>,
    %get3A_351 = arith.constant 6 : index
    %get3A_352 = arith.constant 88 : index
    %get3A_353 = arith.constant 0 : index
    %get3A_354 = vector.load %arg1[%get3A_351, %get3A_352, %get3A_353] : memref<16x432x128xf32, #tpu.memory_space<vmem>>, vector<1x256x128xf32>
    %get3A_355 = vector.shape_cast %get3A_354 : vector<1x256x128xf32> to vector<256x128xf32>
    %swap3A_356 = arith.constant 6 : index
    %swap3A_357 = arith.constant 96 : index
    %swap3A_358 = arith.constant 0 : index
    %swap3A_359 = vector.load %arg3[%swap3A_356, %swap3A_357, %swap3A_358] : memref<16x448x128xf32, #tpu.memory_space<vmem>>, vector<1x256x128xf32>
    %swap3A_360 = vector.shape_cast %swap3A_359 : vector<1x256x128xf32> to vector<256x128xf32>
    %swap3A_361 = vector.shape_cast %get3A_355 : vector<256x128xf32> to vector<1x256x128xf32>
    tpu.vector_store %arg3[%swap3A_356, %swap3A_357, %swap3A_358], %swap3A_361 {strides = array<i32>} : memref<16x448x128xf32, #tpu.memory_space<vmem>>, vector<1x256x128xf32>,
    %get3A_362 = arith.constant 6 : index
    %get3A_363 = arith.constant 368 : index
    %get3A_364 = arith.constant 0 : index
    %get3A_365 = vector.load %arg1[%get3A_362, %get3A_363, %get3A_364] : memref<16x432x128xf32, #tpu.memory_space<vmem>>, vector<1x64x128xf32>
    %get3A_366 = vector.shape_cast %get3A_365 : vector<1x64x128xf32> to vector<64x128xf32>
    %swap3A_367 = arith.constant 6 : index
    %swap3A_368 = arith.constant 384 : index
    %swap3A_369 = arith.constant 0 : index
    %swap3A_370 = vector.load %arg3[%swap3A_367, %swap3A_368, %swap3A_369] : memref<16x448x128xf32, #tpu.memory_space<vmem>>, vector<1x64x128xf32>
    %swap3A_371 = vector.shape_cast %swap3A_370 : vector<1x64x128xf32> to vector<64x128xf32>
    %swap3A_372 = vector.shape_cast %get3A_366 : vector<64x128xf32> to vector<1x64x128xf32>
    tpu.vector_store %arg3[%swap3A_367, %swap3A_368, %swap3A_369], %swap3A_372 {strides = array<i32>} : memref<16x448x128xf32, #tpu.memory_space<vmem>>, vector<1x64x128xf32>,
    %get3A_373 = arith.constant 6 : index
    %get3A_374 = arith.constant 0 : index
    %get3A_375 = arith.constant 0 : index
    %get3A_376 = arith.constant 0 : index
    %get3A_377 = vector.load %arg2[%get3A_373, %get3A_374, %get3A_375, %get3A_376] : memref<16x2x32x128xf32, #tpu.memory_space<vmem>>, vector<1x1x32x128xf32>
    %get3A_378 = vector.shape_cast %get3A_377 : vector<1x1x32x128xf32> to vector<32x128xf32>
    %swap3A_379 = arith.constant 6 : index
    %swap3A_380 = arith.constant 64 : index
    %swap3A_381 = arith.constant 0 : index
    %swap3A_382 = vector.load %arg3[%swap3A_379, %swap3A_380, %swap3A_381] : memref<16x448x128xf32, #tpu.memory_space<vmem>>, vector<1x32x128xf32>
    %swap3A_383 = vector.shape_cast %swap3A_382 : vector<1x32x128xf32> to vector<32x128xf32>
    %swap3A_384 = vector.shape_cast %get3A_378 : vector<32x128xf32> to vector<1x32x128xf32>
    tpu.vector_store %arg3[%swap3A_379, %swap3A_380, %swap3A_381], %swap3A_384 {strides = array<i32>} : memref<16x448x128xf32, #tpu.memory_space<vmem>>, vector<1x32x128xf32>,
    %get3A_385 = arith.constant 6 : index
    %get3A_386 = arith.constant 1 : index
    %get3A_387 = arith.constant 0 : index
    %get3A_388 = arith.constant 0 : index
    %get3A_389 = vector.load %arg2[%get3A_385, %get3A_386, %get3A_387, %get3A_388] : memref<16x2x32x128xf32, #tpu.memory_space<vmem>>, vector<1x1x32x128xf32>
    %get3A_390 = vector.shape_cast %get3A_389 : vector<1x1x32x128xf32> to vector<32x128xf32>
    %swap3A_391 = arith.constant 6 : index
    %swap3A_392 = arith.constant 352 : index
    %swap3A_393 = arith.constant 0 : index
    %swap3A_394 = vector.load %arg3[%swap3A_391, %swap3A_392, %swap3A_393] : memref<16x448x128xf32, #tpu.memory_space<vmem>>, vector<1x32x128xf32>
    %swap3A_395 = vector.shape_cast %swap3A_394 : vector<1x32x128xf32> to vector<32x128xf32>
    %swap3A_396 = vector.shape_cast %get3A_390 : vector<32x128xf32> to vector<1x32x128xf32>
    tpu.vector_store %arg3[%swap3A_391, %swap3A_392, %swap3A_393], %swap3A_396 {strides = array<i32>} : memref<16x448x128xf32, #tpu.memory_space<vmem>>, vector<1x32x128xf32>,
    %get3A_397 = arith.constant 7 : index
    %get3A_398 = arith.constant 0 : index
    %get3A_399 = arith.constant 0 : index
    %get3A_400 = vector.load %arg1[%get3A_397, %get3A_398, %get3A_399] : memref<16x432x128xf32, #tpu.memory_space<vmem>>, vector<1x64x128xf32>
    %get3A_401 = vector.shape_cast %get3A_400 : vector<1x64x128xf32> to vector<64x128xf32>
    %swap3A_402 = arith.constant 7 : index
    %swap3A_403 = arith.constant 0 : index
    %swap3A_404 = arith.constant 0 : index
    %swap3A_405 = vector.load %arg3[%swap3A_402, %swap3A_403, %swap3A_404] : memref<16x448x128xf32, #tpu.memory_space<vmem>>, vector<1x64x128xf32>
    %swap3A_406 = vector.shape_cast %swap3A_405 : vector<1x64x128xf32> to vector<64x128xf32>
    %swap3A_407 = vector.shape_cast %get3A_401 : vector<64x128xf32> to vector<1x64x128xf32>
    tpu.vector_store %arg3[%swap3A_402, %swap3A_403, %swap3A_404], %swap3A_407 {strides = array<i32>} : memref<16x448x128xf32, #tpu.memory_space<vmem>>, vector<1x64x128xf32>,
    %get3A_408 = arith.constant 7 : index
    %get3A_409 = arith.constant 88 : index
    %get3A_410 = arith.constant 0 : index
    %get3A_411 = vector.load %arg1[%get3A_408, %get3A_409, %get3A_410] : memref<16x432x128xf32, #tpu.memory_space<vmem>>, vector<1x256x128xf32>
    %get3A_412 = vector.shape_cast %get3A_411 : vector<1x256x128xf32> to vector<256x128xf32>
    %swap3A_413 = arith.constant 7 : index
    %swap3A_414 = arith.constant 96 : index
    %swap3A_415 = arith.constant 0 : index
    %swap3A_416 = vector.load %arg3[%swap3A_413, %swap3A_414, %swap3A_415] : memref<16x448x128xf32, #tpu.memory_space<vmem>>, vector<1x256x128xf32>
    %swap3A_417 = vector.shape_cast %swap3A_416 : vector<1x256x128xf32> to vector<256x128xf32>
    %swap3A_418 = vector.shape_cast %get3A_412 : vector<256x128xf32> to vector<1x256x128xf32>
    tpu.vector_store %arg3[%swap3A_413, %swap3A_414, %swap3A_415], %swap3A_418 {strides = array<i32>} : memref<16x448x128xf32, #tpu.memory_space<vmem>>, vector<1x256x128xf32>,
    %get3A_419 = arith.constant 7 : index
    %get3A_420 = arith.constant 368 : index
    %get3A_421 = arith.constant 0 : index
    %get3A_422 = vector.load %arg1[%get3A_419, %get3A_420, %get3A_421] : memref<16x432x128xf32, #tpu.memory_space<vmem>>, vector<1x64x128xf32>
    %get3A_423 = vector.shape_cast %get3A_422 : vector<1x64x128xf32> to vector<64x128xf32>
    %swap3A_424 = arith.constant 7 : index
    %swap3A_425 = arith.constant 384 : index
    %swap3A_426 = arith.constant 0 : index
    %swap3A_427 = vector.load %arg3[%swap3A_424, %swap3A_425, %swap3A_426] : memref<16x448x128xf32, #tpu.memory_space<vmem>>, vector<1x64x128xf32>
    %swap3A_428 = vector.shape_cast %swap3A_427 : vector<1x64x128xf32> to vector<64x128xf32>
    %swap3A_429 = vector.shape_cast %get3A_423 : vector<64x128xf32> to vector<1x64x128xf32>
    tpu.vector_store %arg3[%swap3A_424, %swap3A_425, %swap3A_426], %swap3A_429 {strides = array<i32>} : memref<16x448x128xf32, #tpu.memory_space<vmem>>, vector<1x64x128xf32>,
    %get3A_430 = arith.constant 7 : index
    %get3A_431 = arith.constant 0 : index
    %get3A_432 = arith.constant 0 : index
    %get3A_433 = arith.constant 0 : index
    %get3A_434 = vector.load %arg2[%get3A_430, %get3A_431, %get3A_432, %get3A_433] : memref<16x2x32x128xf32, #tpu.memory_space<vmem>>, vector<1x1x32x128xf32>
    %get3A_435 = vector.shape_cast %get3A_434 : vector<1x1x32x128xf32> to vector<32x128xf32>
    %swap3A_436 = arith.constant 7 : index
    %swap3A_437 = arith.constant 64 : index
    %swap3A_438 = arith.constant 0 : index
    %swap3A_439 = vector.load %arg3[%swap3A_436, %swap3A_437, %swap3A_438] : memref<16x448x128xf32, #tpu.memory_space<vmem>>, vector<1x32x128xf32>
    %swap3A_440 = vector.shape_cast %swap3A_439 : vector<1x32x128xf32> to vector<32x128xf32>
    %swap3A_441 = vector.shape_cast %get3A_435 : vector<32x128xf32> to vector<1x32x128xf32>
    tpu.vector_store %arg3[%swap3A_436, %swap3A_437, %swap3A_438], %swap3A_441 {strides = array<i32>} : memref<16x448x128xf32, #tpu.memory_space<vmem>>, vector<1x32x128xf32>,
    %get3A_442 = arith.constant 7 : index
    %get3A_443 = arith.constant 1 : index
    %get3A_444 = arith.constant 0 : index
    %get3A_445 = arith.constant 0 : index
    %get3A_446 = vector.load %arg2[%get3A_442, %get3A_443, %get3A_444, %get3A_445] : memref<16x2x32x128xf32, #tpu.memory_space<vmem>>, vector<1x1x32x128xf32>
    %get3A_447 = vector.shape_cast %get3A_446 : vector<1x1x32x128xf32> to vector<32x128xf32>
    %swap3A_448 = arith.constant 7 : index
    %swap3A_449 = arith.constant 352 : index
    %swap3A_450 = arith.constant 0 : index
    %swap3A_451 = vector.load %arg3[%swap3A_448, %swap3A_449, %swap3A_450] : memref<16x448x128xf32, #tpu.memory_space<vmem>>, vector<1x32x128xf32>
    %swap3A_452 = vector.shape_cast %swap3A_451 : vector<1x32x128xf32> to vector<32x128xf32>
    %swap3A_453 = vector.shape_cast %get3A_447 : vector<32x128xf32> to vector<1x32x128xf32>
    tpu.vector_store %arg3[%swap3A_448, %swap3A_449, %swap3A_450], %swap3A_453 {strides = array<i32>} : memref<16x448x128xf32, #tpu.memory_space<vmem>>, vector<1x32x128xf32>,
    %get3A_454 = arith.constant 8 : index
    %get3A_455 = arith.constant 0 : index
    %get3A_456 = arith.constant 0 : index
    %get3A_457 = vector.load %arg1[%get3A_454, %get3A_455, %get3A_456] : memref<16x432x128xf32, #tpu.memory_space<vmem>>, vector<1x64x128xf32>
    %get3A_458 = vector.shape_cast %get3A_457 : vector<1x64x128xf32> to vector<64x128xf32>
    %swap3A_459 = arith.constant 8 : index
    %swap3A_460 = arith.constant 0 : index
    %swap3A_461 = arith.constant 0 : index
    %swap3A_462 = vector.load %arg3[%swap3A_459, %swap3A_460, %swap3A_461] : memref<16x448x128xf32, #tpu.memory_space<vmem>>, vector<1x64x128xf32>
    %swap3A_463 = vector.shape_cast %swap3A_462 : vector<1x64x128xf32> to vector<64x128xf32>
    %swap3A_464 = vector.shape_cast %get3A_458 : vector<64x128xf32> to vector<1x64x128xf32>
    tpu.vector_store %arg3[%swap3A_459, %swap3A_460, %swap3A_461], %swap3A_464 {strides = array<i32>} : memref<16x448x128xf32, #tpu.memory_space<vmem>>, vector<1x64x128xf32>,
    %get3A_465 = arith.constant 8 : index
    %get3A_466 = arith.constant 88 : index
    %get3A_467 = arith.constant 0 : index
    %get3A_468 = vector.load %arg1[%get3A_465, %get3A_466, %get3A_467] : memref<16x432x128xf32, #tpu.memory_space<vmem>>, vector<1x256x128xf32>
    %get3A_469 = vector.shape_cast %get3A_468 : vector<1x256x128xf32> to vector<256x128xf32>
    %swap3A_470 = arith.constant 8 : index
    %swap3A_471 = arith.constant 96 : index
    %swap3A_472 = arith.constant 0 : index
    %swap3A_473 = vector.load %arg3[%swap3A_470, %swap3A_471, %swap3A_472] : memref<16x448x128xf32, #tpu.memory_space<vmem>>, vector<1x256x128xf32>
    %swap3A_474 = vector.shape_cast %swap3A_473 : vector<1x256x128xf32> to vector<256x128xf32>
    %swap3A_475 = vector.shape_cast %get3A_469 : vector<256x128xf32> to vector<1x256x128xf32>
    tpu.vector_store %arg3[%swap3A_470, %swap3A_471, %swap3A_472], %swap3A_475 {strides = array<i32>} : memref<16x448x128xf32, #tpu.memory_space<vmem>>, vector<1x256x128xf32>,
    %get3A_476 = arith.constant 8 : index
    %get3A_477 = arith.constant 368 : index
    %get3A_478 = arith.constant 0 : index
    %get3A_479 = vector.load %arg1[%get3A_476, %get3A_477, %get3A_478] : memref<16x432x128xf32, #tpu.memory_space<vmem>>, vector<1x64x128xf32>
    %get3A_480 = vector.shape_cast %get3A_479 : vector<1x64x128xf32> to vector<64x128xf32>
    %swap3A_481 = arith.constant 8 : index
    %swap3A_482 = arith.constant 384 : index
    %swap3A_483 = arith.constant 0 : index
    %swap3A_484 = vector.load %arg3[%swap3A_481, %swap3A_482, %swap3A_483] : memref<16x448x128xf32, #tpu.memory_space<vmem>>, vector<1x64x128xf32>
    %swap3A_485 = vector.shape_cast %swap3A_484 : vector<1x64x128xf32> to vector<64x128xf32>
    %swap3A_486 = vector.shape_cast %get3A_480 : vector<64x128xf32> to vector<1x64x128xf32>
    tpu.vector_store %arg3[%swap3A_481, %swap3A_482, %swap3A_483], %swap3A_486 {strides = array<i32>} : memref<16x448x128xf32, #tpu.memory_space<vmem>>, vector<1x64x128xf32>,
    %get3A_487 = arith.constant 8 : index
    %get3A_488 = arith.constant 0 : index
    %get3A_489 = arith.constant 0 : index
    %get3A_490 = arith.constant 0 : index
    %get3A_491 = vector.load %arg2[%get3A_487, %get3A_488, %get3A_489, %get3A_490] : memref<16x2x32x128xf32, #tpu.memory_space<vmem>>, vector<1x1x32x128xf32>
    %get3A_492 = vector.shape_cast %get3A_491 : vector<1x1x32x128xf32> to vector<32x128xf32>
    %swap3A_493 = arith.constant 8 : index
    %swap3A_494 = arith.constant 64 : index
    %swap3A_495 = arith.constant 0 : index
    %swap3A_496 = vector.load %arg3[%swap3A_493, %swap3A_494, %swap3A_495] : memref<16x448x128xf32, #tpu.memory_space<vmem>>, vector<1x32x128xf32>
    %swap3A_497 = vector.shape_cast %swap3A_496 : vector<1x32x128xf32> to vector<32x128xf32>
    %swap3A_498 = vector.shape_cast %get3A_492 : vector<32x128xf32> to vector<1x32x128xf32>
    tpu.vector_store %arg3[%swap3A_493, %swap3A_494, %swap3A_495], %swap3A_498 {strides = array<i32>} : memref<16x448x128xf32, #tpu.memory_space<vmem>>, vector<1x32x128xf32>,
    %get3A_499 = arith.constant 8 : index
    %get3A_500 = arith.constant 1 : index
    %get3A_501 = arith.constant 0 : index
    %get3A_502 = arith.constant 0 : index
    %get3A_503 = vector.load %arg2[%get3A_499, %get3A_500, %get3A_501, %get3A_502] : memref<16x2x32x128xf32, #tpu.memory_space<vmem>>, vector<1x1x32x128xf32>
    %get3A_504 = vector.shape_cast %get3A_503 : vector<1x1x32x128xf32> to vector<32x128xf32>
    %swap3A_505 = arith.constant 8 : index
    %swap3A_506 = arith.constant 352 : index
    %swap3A_507 = arith.constant 0 : index
    %swap3A_508 = vector.load %arg3[%swap3A_505, %swap3A_506, %swap3A_507] : memref<16x448x128xf32, #tpu.memory_space<vmem>>, vector<1x32x128xf32>
    %swap3A_509 = vector.shape_cast %swap3A_508 : vector<1x32x128xf32> to vector<32x128xf32>
    %swap3A_510 = vector.shape_cast %get3A_504 : vector<32x128xf32> to vector<1x32x128xf32>
    tpu.vector_store %arg3[%swap3A_505, %swap3A_506, %swap3A_507], %swap3A_510 {strides = array<i32>} : memref<16x448x128xf32, #tpu.memory_space<vmem>>, vector<1x32x128xf32>,
    %get3A_511 = arith.constant 9 : index
    %get3A_512 = arith.constant 0 : index
    %get3A_513 = arith.constant 0 : index
    %get3A_514 = vector.load %arg1[%get3A_511, %get3A_512, %get3A_513] : memref<16x432x128xf32, #tpu.memory_space<vmem>>, vector<1x64x128xf32>
    %get3A_515 = vector.shape_cast %get3A_514 : vector<1x64x128xf32> to vector<64x128xf32>
    %swap3A_516 = arith.constant 9 : index
    %swap3A_517 = arith.constant 0 : index
    %swap3A_518 = arith.constant 0 : index
    %swap3A_519 = vector.load %arg3[%swap3A_516, %swap3A_517, %swap3A_518] : memref<16x448x128xf32, #tpu.memory_space<vmem>>, vector<1x64x128xf32>
    %swap3A_520 = vector.shape_cast %swap3A_519 : vector<1x64x128xf32> to vector<64x128xf32>
    %swap3A_521 = vector.shape_cast %get3A_515 : vector<64x128xf32> to vector<1x64x128xf32>
    tpu.vector_store %arg3[%swap3A_516, %swap3A_517, %swap3A_518], %swap3A_521 {strides = array<i32>} : memref<16x448x128xf32, #tpu.memory_space<vmem>>, vector<1x64x128xf32>,
    %get3A_522 = arith.constant 9 : index
    %get3A_523 = arith.constant 88 : index
    %get3A_524 = arith.constant 0 : index
    %get3A_525 = vector.load %arg1[%get3A_522, %get3A_523, %get3A_524] : memref<16x432x128xf32, #tpu.memory_space<vmem>>, vector<1x256x128xf32>
    %get3A_526 = vector.shape_cast %get3A_525 : vector<1x256x128xf32> to vector<256x128xf32>
    %swap3A_527 = arith.constant 9 : index
    %swap3A_528 = arith.constant 96 : index
    %swap3A_529 = arith.constant 0 : index
    %swap3A_530 = vector.load %arg3[%swap3A_527, %swap3A_528, %swap3A_529] : memref<16x448x128xf32, #tpu.memory_space<vmem>>, vector<1x256x128xf32>
    %swap3A_531 = vector.shape_cast %swap3A_530 : vector<1x256x128xf32> to vector<256x128xf32>
    %swap3A_532 = vector.shape_cast %get3A_526 : vector<256x128xf32> to vector<1x256x128xf32>
    tpu.vector_store %arg3[%swap3A_527, %swap3A_528, %swap3A_529], %swap3A_532 {strides = array<i32>} : memref<16x448x128xf32, #tpu.memory_space<vmem>>, vector<1x256x128xf32>,
    %get3A_533 = arith.constant 9 : index
    %get3A_534 = arith.constant 368 : index
    %get3A_535 = arith.constant 0 : index
    %get3A_536 = vector.load %arg1[%get3A_533, %get3A_534, %get3A_535] : memref<16x432x128xf32, #tpu.memory_space<vmem>>, vector<1x64x128xf32>
    %get3A_537 = vector.shape_cast %get3A_536 : vector<1x64x128xf32> to vector<64x128xf32>
    %swap3A_538 = arith.constant 9 : index
    %swap3A_539 = arith.constant 384 : index
    %swap3A_540 = arith.constant 0 : index
    %swap3A_541 = vector.load %arg3[%swap3A_538, %swap3A_539, %swap3A_540] : memref<16x448x128xf32, #tpu.memory_space<vmem>>, vector<1x64x128xf32>
    %swap3A_542 = vector.shape_cast %swap3A_541 : vector<1x64x128xf32> to vector<64x128xf32>
    %swap3A_543 = vector.shape_cast %get3A_537 : vector<64x128xf32> to vector<1x64x128xf32>
    tpu.vector_store %arg3[%swap3A_538, %swap3A_539, %swap3A_540], %swap3A_543 {strides = array<i32>} : memref<16x448x128xf32, #tpu.memory_space<vmem>>, vector<1x64x128xf32>,
    %get3A_544 = arith.constant 9 : index
    %get3A_545 = arith.constant 0 : index
    %get3A_546 = arith.constant 0 : index
    %get3A_547 = arith.constant 0 : index
    %get3A_548 = vector.load %arg2[%get3A_544, %get3A_545, %get3A_546, %get3A_547] : memref<16x2x32x128xf32, #tpu.memory_space<vmem>>, vector<1x1x32x128xf32>
    %get3A_549 = vector.shape_cast %get3A_548 : vector<1x1x32x128xf32> to vector<32x128xf32>
    %swap3A_550 = arith.constant 9 : index
    %swap3A_551 = arith.constant 64 : index
    %swap3A_552 = arith.constant 0 : index
    %swap3A_553 = vector.load %arg3[%swap3A_550, %swap3A_551, %swap3A_552] : memref<16x448x128xf32, #tpu.memory_space<vmem>>, vector<1x32x128xf32>
    %swap3A_554 = vector.shape_cast %swap3A_553 : vector<1x32x128xf32> to vector<32x128xf32>
    %swap3A_555 = vector.shape_cast %get3A_549 : vector<32x128xf32> to vector<1x32x128xf32>
    tpu.vector_store %arg3[%swap3A_550, %swap3A_551, %swap3A_552], %swap3A_555 {strides = array<i32>} : memref<16x448x128xf32, #tpu.memory_space<vmem>>, vector<1x32x128xf32>,
    %get3A_556 = arith.constant 9 : index
    %get3A_557 = arith.constant 1 : index
    %get3A_558 = arith.constant 0 : index
    %get3A_559 = arith.constant 0 : index
    %get3A_560 = vector.load %arg2[%get3A_556, %get3A_557, %get3A_558, %get3A_559] : memref<16x2x32x128xf32, #tpu.memory_space<vmem>>, vector<1x1x32x128xf32>
    %get3A_561 = vector.shape_cast %get3A_560 : vector<1x1x32x128xf32> to vector<32x128xf32>
    %swap3A_562 = arith.constant 9 : index
    %swap3A_563 = arith.constant 352 : index
    %swap3A_564 = arith.constant 0 : index
    %swap3A_565 = vector.load %arg3[%swap3A_562, %swap3A_563, %swap3A_564] : memref<16x448x128xf32, #tpu.memory_space<vmem>>, vector<1x32x128xf32>
    %swap3A_566 = vector.shape_cast %swap3A_565 : vector<1x32x128xf32> to vector<32x128xf32>
    %swap3A_567 = vector.shape_cast %get3A_561 : vector<32x128xf32> to vector<1x32x128xf32>
    tpu.vector_store %arg3[%swap3A_562, %swap3A_563, %swap3A_564], %swap3A_567 {strides = array<i32>} : memref<16x448x128xf32, #tpu.memory_space<vmem>>, vector<1x32x128xf32>,
    %get3A_568 = arith.constant 10 : index
    %get3A_569 = arith.constant 0 : index
    %get3A_570 = arith.constant 0 : index
    %get3A_571 = vector.load %arg1[%get3A_568, %get3A_569, %get3A_570] : memref<16x432x128xf32, #tpu.memory_space<vmem>>, vector<1x64x128xf32>
    %get3A_572 = vector.shape_cast %get3A_571 : vector<1x64x128xf32> to vector<64x128xf32>
    %swap3A_573 = arith.constant 10 : index
    %swap3A_574 = arith.constant 0 : index
    %swap3A_575 = arith.constant 0 : index
    %swap3A_576 = vector.load %arg3[%swap3A_573, %swap3A_574, %swap3A_575] : memref<16x448x128xf32, #tpu.memory_space<vmem>>, vector<1x64x128xf32>
    %swap3A_577 = vector.shape_cast %swap3A_576 : vector<1x64x128xf32> to vector<64x128xf32>
    %swap3A_578 = vector.shape_cast %get3A_572 : vector<64x128xf32> to vector<1x64x128xf32>
    tpu.vector_store %arg3[%swap3A_573, %swap3A_574, %swap3A_575], %swap3A_578 {strides = array<i32>} : memref<16x448x128xf32, #tpu.memory_space<vmem>>, vector<1x64x128xf32>,
    %get3A_579 = arith.constant 10 : index
    %get3A_580 = arith.constant 88 : index
    %get3A_581 = arith.constant 0 : index
    %get3A_582 = vector.load %arg1[%get3A_579, %get3A_580, %get3A_581] : memref<16x432x128xf32, #tpu.memory_space<vmem>>, vector<1x256x128xf32>
    %get3A_583 = vector.shape_cast %get3A_582 : vector<1x256x128xf32> to vector<256x128xf32>
    %swap3A_584 = arith.constant 10 : index
    %swap3A_585 = arith.constant 96 : index
    %swap3A_586 = arith.constant 0 : index
    %swap3A_587 = vector.load %arg3[%swap3A_584, %swap3A_585, %swap3A_586] : memref<16x448x128xf32, #tpu.memory_space<vmem>>, vector<1x256x128xf32>
    %swap3A_588 = vector.shape_cast %swap3A_587 : vector<1x256x128xf32> to vector<256x128xf32>
    %swap3A_589 = vector.shape_cast %get3A_583 : vector<256x128xf32> to vector<1x256x128xf32>
    tpu.vector_store %arg3[%swap3A_584, %swap3A_585, %swap3A_586], %swap3A_589 {strides = array<i32>} : memref<16x448x128xf32, #tpu.memory_space<vmem>>, vector<1x256x128xf32>,
    %get3A_590 = arith.constant 10 : index
    %get3A_591 = arith.constant 368 : index
    %get3A_592 = arith.constant 0 : index
    %get3A_593 = vector.load %arg1[%get3A_590, %get3A_591, %get3A_592] : memref<16x432x128xf32, #tpu.memory_space<vmem>>, vector<1x64x128xf32>
    %get3A_594 = vector.shape_cast %get3A_593 : vector<1x64x128xf32> to vector<64x128xf32>
    %swap3A_595 = arith.constant 10 : index
    %swap3A_596 = arith.constant 384 : index
    %swap3A_597 = arith.constant 0 : index
    %swap3A_598 = vector.load %arg3[%swap3A_595, %swap3A_596, %swap3A_597] : memref<16x448x128xf32, #tpu.memory_space<vmem>>, vector<1x64x128xf32>
    %swap3A_599 = vector.shape_cast %swap3A_598 : vector<1x64x128xf32> to vector<64x128xf32>
    %swap3A_600 = vector.shape_cast %get3A_594 : vector<64x128xf32> to vector<1x64x128xf32>
    tpu.vector_store %arg3[%swap3A_595, %swap3A_596, %swap3A_597], %swap3A_600 {strides = array<i32>} : memref<16x448x128xf32, #tpu.memory_space<vmem>>, vector<1x64x128xf32>,
    %get3A_601 = arith.constant 10 : index
    %get3A_602 = arith.constant 0 : index
    %get3A_603 = arith.constant 0 : index
    %get3A_604 = arith.constant 0 : index
    %get3A_605 = vector.load %arg2[%get3A_601, %get3A_602, %get3A_603, %get3A_604] : memref<16x2x32x128xf32, #tpu.memory_space<vmem>>, vector<1x1x32x128xf32>
    %get3A_606 = vector.shape_cast %get3A_605 : vector<1x1x32x128xf32> to vector<32x128xf32>
    %swap3A_607 = arith.constant 10 : index
    %swap3A_608 = arith.constant 64 : index
    %swap3A_609 = arith.constant 0 : index
    %swap3A_610 = vector.load %arg3[%swap3A_607, %swap3A_608, %swap3A_609] : memref<16x448x128xf32, #tpu.memory_space<vmem>>, vector<1x32x128xf32>
    %swap3A_611 = vector.shape_cast %swap3A_610 : vector<1x32x128xf32> to vector<32x128xf32>
    %swap3A_612 = vector.shape_cast %get3A_606 : vector<32x128xf32> to vector<1x32x128xf32>
    tpu.vector_store %arg3[%swap3A_607, %swap3A_608, %swap3A_609], %swap3A_612 {strides = array<i32>} : memref<16x448x128xf32, #tpu.memory_space<vmem>>, vector<1x32x128xf32>,
    %get3A_613 = arith.constant 10 : index
    %get3A_614 = arith.constant 1 : index
    %get3A_615 = arith.constant 0 : index
    %get3A_616 = arith.constant 0 : index
    %get3A_617 = vector.load %arg2[%get3A_613, %get3A_614, %get3A_615, %get3A_616] : memref<16x2x32x128xf32, #tpu.memory_space<vmem>>, vector<1x1x32x128xf32>
    %get3A_618 = vector.shape_cast %get3A_617 : vector<1x1x32x128xf32> to vector<32x128xf32>
    %swap3A_619 = arith.constant 10 : index
    %swap3A_620 = arith.constant 352 : index
    %swap3A_621 = arith.constant 0 : index
    %swap3A_622 = vector.load %arg3[%swap3A_619, %swap3A_620, %swap3A_621] : memref<16x448x128xf32, #tpu.memory_space<vmem>>, vector<1x32x128xf32>
    %swap3A_623 = vector.shape_cast %swap3A_622 : vector<1x32x128xf32> to vector<32x128xf32>
    %swap3A_624 = vector.shape_cast %get3A_618 : vector<32x128xf32> to vector<1x32x128xf32>
    tpu.vector_store %arg3[%swap3A_619, %swap3A_620, %swap3A_621], %swap3A_624 {strides = array<i32>} : memref<16x448x128xf32, #tpu.memory_space<vmem>>, vector<1x32x128xf32>,
    %get3A_625 = arith.constant 11 : index
    %get3A_626 = arith.constant 0 : index
    %get3A_627 = arith.constant 0 : index
    %get3A_628 = vector.load %arg1[%get3A_625, %get3A_626, %get3A_627] : memref<16x432x128xf32, #tpu.memory_space<vmem>>, vector<1x64x128xf32>
    %get3A_629 = vector.shape_cast %get3A_628 : vector<1x64x128xf32> to vector<64x128xf32>
    %swap3A_630 = arith.constant 11 : index
    %swap3A_631 = arith.constant 0 : index
    %swap3A_632 = arith.constant 0 : index
    %swap3A_633 = vector.load %arg3[%swap3A_630, %swap3A_631, %swap3A_632] : memref<16x448x128xf32, #tpu.memory_space<vmem>>, vector<1x64x128xf32>
    %swap3A_634 = vector.shape_cast %swap3A_633 : vector<1x64x128xf32> to vector<64x128xf32>
    %swap3A_635 = vector.shape_cast %get3A_629 : vector<64x128xf32> to vector<1x64x128xf32>
    tpu.vector_store %arg3[%swap3A_630, %swap3A_631, %swap3A_632], %swap3A_635 {strides = array<i32>} : memref<16x448x128xf32, #tpu.memory_space<vmem>>, vector<1x64x128xf32>,
    %get3A_636 = arith.constant 11 : index
    %get3A_637 = arith.constant 88 : index
    %get3A_638 = arith.constant 0 : index
    %get3A_639 = vector.load %arg1[%get3A_636, %get3A_637, %get3A_638] : memref<16x432x128xf32, #tpu.memory_space<vmem>>, vector<1x256x128xf32>
    %get3A_640 = vector.shape_cast %get3A_639 : vector<1x256x128xf32> to vector<256x128xf32>
    %swap3A_641 = arith.constant 11 : index
    %swap3A_642 = arith.constant 96 : index
    %swap3A_643 = arith.constant 0 : index
    %swap3A_644 = vector.load %arg3[%swap3A_641, %swap3A_642, %swap3A_643] : memref<16x448x128xf32, #tpu.memory_space<vmem>>, vector<1x256x128xf32>
    %swap3A_645 = vector.shape_cast %swap3A_644 : vector<1x256x128xf32> to vector<256x128xf32>
    %swap3A_646 = vector.shape_cast %get3A_640 : vector<256x128xf32> to vector<1x256x128xf32>
    tpu.vector_store %arg3[%swap3A_641, %swap3A_642, %swap3A_643], %swap3A_646 {strides = array<i32>} : memref<16x448x128xf32, #tpu.memory_space<vmem>>, vector<1x256x128xf32>,
    %get3A_647 = arith.constant 11 : index
    %get3A_648 = arith.constant 368 : index
    %get3A_649 = arith.constant 0 : index
    %get3A_650 = vector.load %arg1[%get3A_647, %get3A_648, %get3A_649] : memref<16x432x128xf32, #tpu.memory_space<vmem>>, vector<1x64x128xf32>
    %get3A_651 = vector.shape_cast %get3A_650 : vector<1x64x128xf32> to vector<64x128xf32>
    %swap3A_652 = arith.constant 11 : index
    %swap3A_653 = arith.constant 384 : index
    %swap3A_654 = arith.constant 0 : index
    %swap3A_655 = vector.load %arg3[%swap3A_652, %swap3A_653, %swap3A_654] : memref<16x448x128xf32, #tpu.memory_space<vmem>>, vector<1x64x128xf32>
    %swap3A_656 = vector.shape_cast %swap3A_655 : vector<1x64x128xf32> to vector<64x128xf32>
    %swap3A_657 = vector.shape_cast %get3A_651 : vector<64x128xf32> to vector<1x64x128xf32>
    tpu.vector_store %arg3[%swap3A_652, %swap3A_653, %swap3A_654], %swap3A_657 {strides = array<i32>} : memref<16x448x128xf32, #tpu.memory_space<vmem>>, vector<1x64x128xf32>,
    %get3A_658 = arith.constant 11 : index
    %get3A_659 = arith.constant 0 : index
    %get3A_660 = arith.constant 0 : index
    %get3A_661 = arith.constant 0 : index
    %get3A_662 = vector.load %arg2[%get3A_658, %get3A_659, %get3A_660, %get3A_661] : memref<16x2x32x128xf32, #tpu.memory_space<vmem>>, vector<1x1x32x128xf32>
    %get3A_663 = vector.shape_cast %get3A_662 : vector<1x1x32x128xf32> to vector<32x128xf32>
    %swap3A_664 = arith.constant 11 : index
    %swap3A_665 = arith.constant 64 : index
    %swap3A_666 = arith.constant 0 : index
    %swap3A_667 = vector.load %arg3[%swap3A_664, %swap3A_665, %swap3A_666] : memref<16x448x128xf32, #tpu.memory_space<vmem>>, vector<1x32x128xf32>
    %swap3A_668 = vector.shape_cast %swap3A_667 : vector<1x32x128xf32> to vector<32x128xf32>
    %swap3A_669 = vector.shape_cast %get3A_663 : vector<32x128xf32> to vector<1x32x128xf32>
    tpu.vector_store %arg3[%swap3A_664, %swap3A_665, %swap3A_666], %swap3A_669 {strides = array<i32>} : memref<16x448x128xf32, #tpu.memory_space<vmem>>, vector<1x32x128xf32>,
    %get3A_670 = arith.constant 11 : index
    %get3A_671 = arith.constant 1 : index
    %get3A_672 = arith.constant 0 : index
    %get3A_673 = arith.constant 0 : index
    %get3A_674 = vector.load %arg2[%get3A_670, %get3A_671, %get3A_672, %get3A_673] : memref<16x2x32x128xf32, #tpu.memory_space<vmem>>, vector<1x1x32x128xf32>
    %get3A_675 = vector.shape_cast %get3A_674 : vector<1x1x32x128xf32> to vector<32x128xf32>
    %swap3A_676 = arith.constant 11 : index
    %swap3A_677 = arith.constant 352 : index
    %swap3A_678 = arith.constant 0 : index
    %swap3A_679 = vector.load %arg3[%swap3A_676, %swap3A_677, %swap3A_678] : memref<16x448x128xf32, #tpu.memory_space<vmem>>, vector<1x32x128xf32>
    %swap3A_680 = vector.shape_cast %swap3A_679 : vector<1x32x128xf32> to vector<32x128xf32>
    %swap3A_681 = vector.shape_cast %get3A_675 : vector<32x128xf32> to vector<1x32x128xf32>
    tpu.vector_store %arg3[%swap3A_676, %swap3A_677, %swap3A_678], %swap3A_681 {strides = array<i32>} : memref<16x448x128xf32, #tpu.memory_space<vmem>>, vector<1x32x128xf32>,
    %get3A_682 = arith.constant 12 : index
    %get3A_683 = arith.constant 0 : index
    %get3A_684 = arith.constant 0 : index
    %get3A_685 = vector.load %arg1[%get3A_682, %get3A_683, %get3A_684] : memref<16x432x128xf32, #tpu.memory_space<vmem>>, vector<1x64x128xf32>
    %get3A_686 = vector.shape_cast %get3A_685 : vector<1x64x128xf32> to vector<64x128xf32>
    %swap3A_687 = arith.constant 12 : index
    %swap3A_688 = arith.constant 0 : index
    %swap3A_689 = arith.constant 0 : index
    %swap3A_690 = vector.load %arg3[%swap3A_687, %swap3A_688, %swap3A_689] : memref<16x448x128xf32, #tpu.memory_space<vmem>>, vector<1x64x128xf32>
    %swap3A_691 = vector.shape_cast %swap3A_690 : vector<1x64x128xf32> to vector<64x128xf32>
    %swap3A_692 = vector.shape_cast %get3A_686 : vector<64x128xf32> to vector<1x64x128xf32>
    tpu.vector_store %arg3[%swap3A_687, %swap3A_688, %swap3A_689], %swap3A_692 {strides = array<i32>} : memref<16x448x128xf32, #tpu.memory_space<vmem>>, vector<1x64x128xf32>,
    %get3A_693 = arith.constant 12 : index
    %get3A_694 = arith.constant 88 : index
    %get3A_695 = arith.constant 0 : index
    %get3A_696 = vector.load %arg1[%get3A_693, %get3A_694, %get3A_695] : memref<16x432x128xf32, #tpu.memory_space<vmem>>, vector<1x256x128xf32>
    %get3A_697 = vector.shape_cast %get3A_696 : vector<1x256x128xf32> to vector<256x128xf32>
    %swap3A_698 = arith.constant 12 : index
    %swap3A_699 = arith.constant 96 : index
    %swap3A_700 = arith.constant 0 : index
    %swap3A_701 = vector.load %arg3[%swap3A_698, %swap3A_699, %swap3A_700] : memref<16x448x128xf32, #tpu.memory_space<vmem>>, vector<1x256x128xf32>
    %swap3A_702 = vector.shape_cast %swap3A_701 : vector<1x256x128xf32> to vector<256x128xf32>
    %swap3A_703 = vector.shape_cast %get3A_697 : vector<256x128xf32> to vector<1x256x128xf32>
    tpu.vector_store %arg3[%swap3A_698, %swap3A_699, %swap3A_700], %swap3A_703 {strides = array<i32>} : memref<16x448x128xf32, #tpu.memory_space<vmem>>, vector<1x256x128xf32>,
    %get3A_704 = arith.constant 12 : index
    %get3A_705 = arith.constant 368 : index
    %get3A_706 = arith.constant 0 : index
    %get3A_707 = vector.load %arg1[%get3A_704, %get3A_705, %get3A_706] : memref<16x432x128xf32, #tpu.memory_space<vmem>>, vector<1x64x128xf32>
    %get3A_708 = vector.shape_cast %get3A_707 : vector<1x64x128xf32> to vector<64x128xf32>
    %swap3A_709 = arith.constant 12 : index
    %swap3A_710 = arith.constant 384 : index
    %swap3A_711 = arith.constant 0 : index
    %swap3A_712 = vector.load %arg3[%swap3A_709, %swap3A_710, %swap3A_711] : memref<16x448x128xf32, #tpu.memory_space<vmem>>, vector<1x64x128xf32>
    %swap3A_713 = vector.shape_cast %swap3A_712 : vector<1x64x128xf32> to vector<64x128xf32>
    %swap3A_714 = vector.shape_cast %get3A_708 : vector<64x128xf32> to vector<1x64x128xf32>
    tpu.vector_store %arg3[%swap3A_709, %swap3A_710, %swap3A_711], %swap3A_714 {strides = array<i32>} : memref<16x448x128xf32, #tpu.memory_space<vmem>>, vector<1x64x128xf32>,
    %get3A_715 = arith.constant 12 : index
    %get3A_716 = arith.constant 0 : index
    %get3A_717 = arith.constant 0 : index
    %get3A_718 = arith.constant 0 : index
    %get3A_719 = vector.load %arg2[%get3A_715, %get3A_716, %get3A_717, %get3A_718] : memref<16x2x32x128xf32, #tpu.memory_space<vmem>>, vector<1x1x32x128xf32>
    %get3A_720 = vector.shape_cast %get3A_719 : vector<1x1x32x128xf32> to vector<32x128xf32>
    %swap3A_721 = arith.constant 12 : index
    %swap3A_722 = arith.constant 64 : index
    %swap3A_723 = arith.constant 0 : index
    %swap3A_724 = vector.load %arg3[%swap3A_721, %swap3A_722, %swap3A_723] : memref<16x448x128xf32, #tpu.memory_space<vmem>>, vector<1x32x128xf32>
    %swap3A_725 = vector.shape_cast %swap3A_724 : vector<1x32x128xf32> to vector<32x128xf32>
    %swap3A_726 = vector.shape_cast %get3A_720 : vector<32x128xf32> to vector<1x32x128xf32>
    tpu.vector_store %arg3[%swap3A_721, %swap3A_722, %swap3A_723], %swap3A_726 {strides = array<i32>} : memref<16x448x128xf32, #tpu.memory_space<vmem>>, vector<1x32x128xf32>,
    %get3A_727 = arith.constant 12 : index
    %get3A_728 = arith.constant 1 : index
    %get3A_729 = arith.constant 0 : index
    %get3A_730 = arith.constant 0 : index
    %get3A_731 = vector.load %arg2[%get3A_727, %get3A_728, %get3A_729, %get3A_730] : memref<16x2x32x128xf32, #tpu.memory_space<vmem>>, vector<1x1x32x128xf32>
    %get3A_732 = vector.shape_cast %get3A_731 : vector<1x1x32x128xf32> to vector<32x128xf32>
    %swap3A_733 = arith.constant 12 : index
    %swap3A_734 = arith.constant 352 : index
    %swap3A_735 = arith.constant 0 : index
    %swap3A_736 = vector.load %arg3[%swap3A_733, %swap3A_734, %swap3A_735] : memref<16x448x128xf32, #tpu.memory_space<vmem>>, vector<1x32x128xf32>
    %swap3A_737 = vector.shape_cast %swap3A_736 : vector<1x32x128xf32> to vector<32x128xf32>
    %swap3A_738 = vector.shape_cast %get3A_732 : vector<32x128xf32> to vector<1x32x128xf32>
    tpu.vector_store %arg3[%swap3A_733, %swap3A_734, %swap3A_735], %swap3A_738 {strides = array<i32>} : memref<16x448x128xf32, #tpu.memory_space<vmem>>, vector<1x32x128xf32>,
    %get3A_739 = arith.constant 13 : index
    %get3A_740 = arith.constant 0 : index
    %get3A_741 = arith.constant 0 : index
    %get3A_742 = vector.load %arg1[%get3A_739, %get3A_740, %get3A_741] : memref<16x432x128xf32, #tpu.memory_space<vmem>>, vector<1x64x128xf32>
    %get3A_743 = vector.shape_cast %get3A_742 : vector<1x64x128xf32> to vector<64x128xf32>
    %swap3A_744 = arith.constant 13 : index
    %swap3A_745 = arith.constant 0 : index
    %swap3A_746 = arith.constant 0 : index
    %swap3A_747 = vector.load %arg3[%swap3A_744, %swap3A_745, %swap3A_746] : memref<16x448x128xf32, #tpu.memory_space<vmem>>, vector<1x64x128xf32>
    %swap3A_748 = vector.shape_cast %swap3A_747 : vector<1x64x128xf32> to vector<64x128xf32>
    %swap3A_749 = vector.shape_cast %get3A_743 : vector<64x128xf32> to vector<1x64x128xf32>
    tpu.vector_store %arg3[%swap3A_744, %swap3A_745, %swap3A_746], %swap3A_749 {strides = array<i32>} : memref<16x448x128xf32, #tpu.memory_space<vmem>>, vector<1x64x128xf32>,
    %get3A_750 = arith.constant 13 : index
    %get3A_751 = arith.constant 88 : index
    %get3A_752 = arith.constant 0 : index
    %get3A_753 = vector.load %arg1[%get3A_750, %get3A_751, %get3A_752] : memref<16x432x128xf32, #tpu.memory_space<vmem>>, vector<1x256x128xf32>
    %get3A_754 = vector.shape_cast %get3A_753 : vector<1x256x128xf32> to vector<256x128xf32>
    %swap3A_755 = arith.constant 13 : index
    %swap3A_756 = arith.constant 96 : index
    %swap3A_757 = arith.constant 0 : index
    %swap3A_758 = vector.load %arg3[%swap3A_755, %swap3A_756, %swap3A_757] : memref<16x448x128xf32, #tpu.memory_space<vmem>>, vector<1x256x128xf32>
    %swap3A_759 = vector.shape_cast %swap3A_758 : vector<1x256x128xf32> to vector<256x128xf32>
    %swap3A_760 = vector.shape_cast %get3A_754 : vector<256x128xf32> to vector<1x256x128xf32>
    tpu.vector_store %arg3[%swap3A_755, %swap3A_756, %swap3A_757], %swap3A_760 {strides = array<i32>} : memref<16x448x128xf32, #tpu.memory_space<vmem>>, vector<1x256x128xf32>,
    %get3A_761 = arith.constant 13 : index
    %get3A_762 = arith.constant 368 : index
    %get3A_763 = arith.constant 0 : index
    %get3A_764 = vector.load %arg1[%get3A_761, %get3A_762, %get3A_763] : memref<16x432x128xf32, #tpu.memory_space<vmem>>, vector<1x64x128xf32>
    %get3A_765 = vector.shape_cast %get3A_764 : vector<1x64x128xf32> to vector<64x128xf32>
    %swap3A_766 = arith.constant 13 : index
    %swap3A_767 = arith.constant 384 : index
    %swap3A_768 = arith.constant 0 : index
    %swap3A_769 = vector.load %arg3[%swap3A_766, %swap3A_767, %swap3A_768] : memref<16x448x128xf32, #tpu.memory_space<vmem>>, vector<1x64x128xf32>
    %swap3A_770 = vector.shape_cast %swap3A_769 : vector<1x64x128xf32> to vector<64x128xf32>
    %swap3A_771 = vector.shape_cast %get3A_765 : vector<64x128xf32> to vector<1x64x128xf32>
    tpu.vector_store %arg3[%swap3A_766, %swap3A_767, %swap3A_768], %swap3A_771 {strides = array<i32>} : memref<16x448x128xf32, #tpu.memory_space<vmem>>, vector<1x64x128xf32>,
    %get3A_772 = arith.constant 13 : index
    %get3A_773 = arith.constant 0 : index
    %get3A_774 = arith.constant 0 : index
    %get3A_775 = arith.constant 0 : index
    %get3A_776 = vector.load %arg2[%get3A_772, %get3A_773, %get3A_774, %get3A_775] : memref<16x2x32x128xf32, #tpu.memory_space<vmem>>, vector<1x1x32x128xf32>
    %get3A_777 = vector.shape_cast %get3A_776 : vector<1x1x32x128xf32> to vector<32x128xf32>
    %swap3A_778 = arith.constant 13 : index
    %swap3A_779 = arith.constant 64 : index
    %swap3A_780 = arith.constant 0 : index
    %swap3A_781 = vector.load %arg3[%swap3A_778, %swap3A_779, %swap3A_780] : memref<16x448x128xf32, #tpu.memory_space<vmem>>, vector<1x32x128xf32>
    %swap3A_782 = vector.shape_cast %swap3A_781 : vector<1x32x128xf32> to vector<32x128xf32>
    %swap3A_783 = vector.shape_cast %get3A_777 : vector<32x128xf32> to vector<1x32x128xf32>
    tpu.vector_store %arg3[%swap3A_778, %swap3A_779, %swap3A_780], %swap3A_783 {strides = array<i32>} : memref<16x448x128xf32, #tpu.memory_space<vmem>>, vector<1x32x128xf32>,
    %get3A_784 = arith.constant 13 : index
    %get3A_785 = arith.constant 1 : index
    %get3A_786 = arith.constant 0 : index
    %get3A_787 = arith.constant 0 : index
    %get3A_788 = vector.load %arg2[%get3A_784, %get3A_785, %get3A_786, %get3A_787] : memref<16x2x32x128xf32, #tpu.memory_space<vmem>>, vector<1x1x32x128xf32>
    %get3A_789 = vector.shape_cast %get3A_788 : vector<1x1x32x128xf32> to vector<32x128xf32>
    %swap3A_790 = arith.constant 13 : index
    %swap3A_791 = arith.constant 352 : index
    %swap3A_792 = arith.constant 0 : index
    %swap3A_793 = vector.load %arg3[%swap3A_790, %swap3A_791, %swap3A_792] : memref<16x448x128xf32, #tpu.memory_space<vmem>>, vector<1x32x128xf32>
    %swap3A_794 = vector.shape_cast %swap3A_793 : vector<1x32x128xf32> to vector<32x128xf32>
    %swap3A_795 = vector.shape_cast %get3A_789 : vector<32x128xf32> to vector<1x32x128xf32>
    tpu.vector_store %arg3[%swap3A_790, %swap3A_791, %swap3A_792], %swap3A_795 {strides = array<i32>} : memref<16x448x128xf32, #tpu.memory_space<vmem>>, vector<1x32x128xf32>,
    %get3A_796 = arith.constant 14 : index
    %get3A_797 = arith.constant 0 : index
    %get3A_798 = arith.constant 0 : index
    %get3A_799 = vector.load %arg1[%get3A_796, %get3A_797, %get3A_798] : memref<16x432x128xf32, #tpu.memory_space<vmem>>, vector<1x64x128xf32>
    %get3A_800 = vector.shape_cast %get3A_799 : vector<1x64x128xf32> to vector<64x128xf32>
    %swap3A_801 = arith.constant 14 : index
    %swap3A_802 = arith.constant 0 : index
    %swap3A_803 = arith.constant 0 : index
    %swap3A_804 = vector.load %arg3[%swap3A_801, %swap3A_802, %swap3A_803] : memref<16x448x128xf32, #tpu.memory_space<vmem>>, vector<1x64x128xf32>
    %swap3A_805 = vector.shape_cast %swap3A_804 : vector<1x64x128xf32> to vector<64x128xf32>
    %swap3A_806 = vector.shape_cast %get3A_800 : vector<64x128xf32> to vector<1x64x128xf32>
    tpu.vector_store %arg3[%swap3A_801, %swap3A_802, %swap3A_803], %swap3A_806 {strides = array<i32>} : memref<16x448x128xf32, #tpu.memory_space<vmem>>, vector<1x64x128xf32>,
    %get3A_807 = arith.constant 14 : index
    %get3A_808 = arith.constant 88 : index
    %get3A_809 = arith.constant 0 : index
    %get3A_810 = vector.load %arg1[%get3A_807, %get3A_808, %get3A_809] : memref<16x432x128xf32, #tpu.memory_space<vmem>>, vector<1x256x128xf32>
    %get3A_811 = vector.shape_cast %get3A_810 : vector<1x256x128xf32> to vector<256x128xf32>
    %swap3A_812 = arith.constant 14 : index
    %swap3A_813 = arith.constant 96 : index
    %swap3A_814 = arith.constant 0 : index
    %swap3A_815 = vector.load %arg3[%swap3A_812, %swap3A_813, %swap3A_814] : memref<16x448x128xf32, #tpu.memory_space<vmem>>, vector<1x256x128xf32>
    %swap3A_816 = vector.shape_cast %swap3A_815 : vector<1x256x128xf32> to vector<256x128xf32>
    %swap3A_817 = vector.shape_cast %get3A_811 : vector<256x128xf32> to vector<1x256x128xf32>
    tpu.vector_store %arg3[%swap3A_812, %swap3A_813, %swap3A_814], %swap3A_817 {strides = array<i32>} : memref<16x448x128xf32, #tpu.memory_space<vmem>>, vector<1x256x128xf32>,
    %get3A_818 = arith.constant 14 : index
    %get3A_819 = arith.constant 368 : index
    %get3A_820 = arith.constant 0 : index
    %get3A_821 = vector.load %arg1[%get3A_818, %get3A_819, %get3A_820] : memref<16x432x128xf32, #tpu.memory_space<vmem>>, vector<1x64x128xf32>
    %get3A_822 = vector.shape_cast %get3A_821 : vector<1x64x128xf32> to vector<64x128xf32>
    %swap3A_823 = arith.constant 14 : index
    %swap3A_824 = arith.constant 384 : index
    %swap3A_825 = arith.constant 0 : index
    %swap3A_826 = vector.load %arg3[%swap3A_823, %swap3A_824, %swap3A_825] : memref<16x448x128xf32, #tpu.memory_space<vmem>>, vector<1x64x128xf32>
    %swap3A_827 = vector.shape_cast %swap3A_826 : vector<1x64x128xf32> to vector<64x128xf32>
    %swap3A_828 = vector.shape_cast %get3A_822 : vector<64x128xf32> to vector<1x64x128xf32>
    tpu.vector_store %arg3[%swap3A_823, %swap3A_824, %swap3A_825], %swap3A_828 {strides = array<i32>} : memref<16x448x128xf32, #tpu.memory_space<vmem>>, vector<1x64x128xf32>,
    %get3A_829 = arith.constant 14 : index
    %get3A_830 = arith.constant 0 : index
    %get3A_831 = arith.constant 0 : index
    %get3A_832 = arith.constant 0 : index
    %get3A_833 = vector.load %arg2[%get3A_829, %get3A_830, %get3A_831, %get3A_832] : memref<16x2x32x128xf32, #tpu.memory_space<vmem>>, vector<1x1x32x128xf32>
    %get3A_834 = vector.shape_cast %get3A_833 : vector<1x1x32x128xf32> to vector<32x128xf32>
    %swap3A_835 = arith.constant 14 : index
    %swap3A_836 = arith.constant 64 : index
    %swap3A_837 = arith.constant 0 : index
    %swap3A_838 = vector.load %arg3[%swap3A_835, %swap3A_836, %swap3A_837] : memref<16x448x128xf32, #tpu.memory_space<vmem>>, vector<1x32x128xf32>
    %swap3A_839 = vector.shape_cast %swap3A_838 : vector<1x32x128xf32> to vector<32x128xf32>
    %swap3A_840 = vector.shape_cast %get3A_834 : vector<32x128xf32> to vector<1x32x128xf32>
    tpu.vector_store %arg3[%swap3A_835, %swap3A_836, %swap3A_837], %swap3A_840 {strides = array<i32>} : memref<16x448x128xf32, #tpu.memory_space<vmem>>, vector<1x32x128xf32>,
    %get3A_841 = arith.constant 14 : index
    %get3A_842 = arith.constant 1 : index
    %get3A_843 = arith.constant 0 : index
    %get3A_844 = arith.constant 0 : index
    %get3A_845 = vector.load %arg2[%get3A_841, %get3A_842, %get3A_843, %get3A_844] : memref<16x2x32x128xf32, #tpu.memory_space<vmem>>, vector<1x1x32x128xf32>
    %get3A_846 = vector.shape_cast %get3A_845 : vector<1x1x32x128xf32> to vector<32x128xf32>
    %swap3A_847 = arith.constant 14 : index
    %swap3A_848 = arith.constant 352 : index
    %swap3A_849 = arith.constant 0 : index
    %swap3A_850 = vector.load %arg3[%swap3A_847, %swap3A_848, %swap3A_849] : memref<16x448x128xf32, #tpu.memory_space<vmem>>, vector<1x32x128xf32>
    %swap3A_851 = vector.shape_cast %swap3A_850 : vector<1x32x128xf32> to vector<32x128xf32>
    %swap3A_852 = vector.shape_cast %get3A_846 : vector<32x128xf32> to vector<1x32x128xf32>
    tpu.vector_store %arg3[%swap3A_847, %swap3A_848, %swap3A_849], %swap3A_852 {strides = array<i32>} : memref<16x448x128xf32, #tpu.memory_space<vmem>>, vector<1x32x128xf32>,
    %get3A_853 = arith.constant 15 : index
    %get3A_854 = arith.constant 0 : index
    %get3A_855 = arith.constant 0 : index
    %get3A_856 = vector.load %arg1[%get3A_853, %get3A_854, %get3A_855] : memref<16x432x128xf32, #tpu.memory_space<vmem>>, vector<1x64x128xf32>
    %get3A_857 = vector.shape_cast %get3A_856 : vector<1x64x128xf32> to vector<64x128xf32>
    %swap3A_858 = arith.constant 15 : index
    %swap3A_859 = arith.constant 0 : index
    %swap3A_860 = arith.constant 0 : index
    %swap3A_861 = vector.load %arg3[%swap3A_858, %swap3A_859, %swap3A_860] : memref<16x448x128xf32, #tpu.memory_space<vmem>>, vector<1x64x128xf32>
    %swap3A_862 = vector.shape_cast %swap3A_861 : vector<1x64x128xf32> to vector<64x128xf32>
    %swap3A_863 = vector.shape_cast %get3A_857 : vector<64x128xf32> to vector<1x64x128xf32>
    tpu.vector_store %arg3[%swap3A_858, %swap3A_859, %swap3A_860], %swap3A_863 {strides = array<i32>} : memref<16x448x128xf32, #tpu.memory_space<vmem>>, vector<1x64x128xf32>,
    %get3A_864 = arith.constant 15 : index
    %get3A_865 = arith.constant 88 : index
    %get3A_866 = arith.constant 0 : index
    %get3A_867 = vector.load %arg1[%get3A_864, %get3A_865, %get3A_866] : memref<16x432x128xf32, #tpu.memory_space<vmem>>, vector<1x256x128xf32>
    %get3A_868 = vector.shape_cast %get3A_867 : vector<1x256x128xf32> to vector<256x128xf32>
    %swap3A_869 = arith.constant 15 : index
    %swap3A_870 = arith.constant 96 : index
    %swap3A_871 = arith.constant 0 : index
    %swap3A_872 = vector.load %arg3[%swap3A_869, %swap3A_870, %swap3A_871] : memref<16x448x128xf32, #tpu.memory_space<vmem>>, vector<1x256x128xf32>
    %swap3A_873 = vector.shape_cast %swap3A_872 : vector<1x256x128xf32> to vector<256x128xf32>
    %swap3A_874 = vector.shape_cast %get3A_868 : vector<256x128xf32> to vector<1x256x128xf32>
    tpu.vector_store %arg3[%swap3A_869, %swap3A_870, %swap3A_871], %swap3A_874 {strides = array<i32>} : memref<16x448x128xf32, #tpu.memory_space<vmem>>, vector<1x256x128xf32>,
    %get3A_875 = arith.constant 15 : index
    %get3A_876 = arith.constant 368 : index
    %get3A_877 = arith.constant 0 : index
    %get3A_878 = vector.load %arg1[%get3A_875, %get3A_876, %get3A_877] : memref<16x432x128xf32, #tpu.memory_space<vmem>>, vector<1x64x128xf32>
    %get3A_879 = vector.shape_cast %get3A_878 : vector<1x64x128xf32> to vector<64x128xf32>
    %swap3A_880 = arith.constant 15 : index
    %swap3A_881 = arith.constant 384 : index
    %swap3A_882 = arith.constant 0 : index
    %swap3A_883 = vector.load %arg3[%swap3A_880, %swap3A_881, %swap3A_882] : memref<16x448x128xf32, #tpu.memory_space<vmem>>, vector<1x64x128xf32>
    %swap3A_884 = vector.shape_cast %swap3A_883 : vector<1x64x128xf32> to vector<64x128xf32>
    %swap3A_885 = vector.shape_cast %get3A_879 : vector<64x128xf32> to vector<1x64x128xf32>
    tpu.vector_store %arg3[%swap3A_880, %swap3A_881, %swap3A_882], %swap3A_885 {strides = array<i32>} : memref<16x448x128xf32, #tpu.memory_space<vmem>>, vector<1x64x128xf32>,
    %get3A_886 = arith.constant 15 : index
    %get3A_887 = arith.constant 0 : index
    %get3A_888 = arith.constant 0 : index
    %get3A_889 = arith.constant 0 : index
    %get3A_890 = vector.load %arg2[%get3A_886, %get3A_887, %get3A_888, %get3A_889] : memref<16x2x32x128xf32, #tpu.memory_space<vmem>>, vector<1x1x32x128xf32>
    %get3A_891 = vector.shape_cast %get3A_890 : vector<1x1x32x128xf32> to vector<32x128xf32>
    %swap3A_892 = arith.constant 15 : index
    %swap3A_893 = arith.constant 64 : index
    %swap3A_894 = arith.constant 0 : index
    %swap3A_895 = vector.load %arg3[%swap3A_892, %swap3A_893, %swap3A_894] : memref<16x448x128xf32, #tpu.memory_space<vmem>>, vector<1x32x128xf32>
    %swap3A_896 = vector.shape_cast %swap3A_895 : vector<1x32x128xf32> to vector<32x128xf32>
    %swap3A_897 = vector.shape_cast %get3A_891 : vector<32x128xf32> to vector<1x32x128xf32>
    tpu.vector_store %arg3[%swap3A_892, %swap3A_893, %swap3A_894], %swap3A_897 {strides = array<i32>} : memref<16x448x128xf32, #tpu.memory_space<vmem>>, vector<1x32x128xf32>,
    %get3A_898 = arith.constant 15 : index
    %get3A_899 = arith.constant 1 : index
    %get3A_900 = arith.constant 0 : index
    %get3A_901 = arith.constant 0 : index
    %get3A_902 = vector.load %arg2[%get3A_898, %get3A_899, %get3A_900, %get3A_901] : memref<16x2x32x128xf32, #tpu.memory_space<vmem>>, vector<1x1x32x128xf32>
    %get3A_903 = vector.shape_cast %get3A_902 : vector<1x1x32x128xf32> to vector<32x128xf32>
    %swap3A_904 = arith.constant 15 : index
    %swap3A_905 = arith.constant 352 : index
    %swap3A_906 = arith.constant 0 : index
    %swap3A_907 = vector.load %arg3[%swap3A_904, %swap3A_905, %swap3A_906] : memref<16x448x128xf32, #tpu.memory_space<vmem>>, vector<1x32x128xf32>
    %swap3A_908 = vector.shape_cast %swap3A_907 : vector<1x32x128xf32> to vector<32x128xf32>
    %swap3A_909 = vector.shape_cast %get3A_903 : vector<32x128xf32> to vector<1x32x128xf32>
    tpu.vector_store %arg3[%swap3A_904, %swap3A_905, %swap3A_906], %swap3A_909 {strides = array<i32>} : memref<16x448x128xf32, #tpu.memory_space<vmem>>, vector<1x32x128xf32>,
    return
  }
  func.func @transform_0(%arg0: i32) -> (i32, i32, i32) {
    %c0_i32 = arith.constant 0 : i32
    %c0_i32_0 = arith.constant 0 : i32
    %c0_i32_1 = arith.constant 0 : i32
    return %arg0, %c0_i32, %c0_i32_0 : i32, i32, i32
  }
  func.func @transform_1(%arg0: i32) -> (i32, i32, i32, i32) {
    %c0_i32 = arith.constant 0 : i32
    %c0_i32_0 = arith.constant 0 : i32
    %c0_i32_1 = arith.constant 0 : i32
    %c0_i32_2 = arith.constant 0 : i32
    return %arg0, %c0_i32, %c0_i32_0, %c0_i32_1 : i32, i32, i32, i32
  }
  func.func @transform_2(%arg0: i32) -> (i32, i32, i32) {
    %c0_i32 = arith.constant 0 : i32
    %c0_i32_0 = arith.constant 0 : i32
    %c0_i32_1 = arith.constant 0 : i32
    return %arg0, %c0_i32, %c0_i32_0 : i32, i32, i32
  }
}

</mosaic_0001>

<sc_bundles>
// kernel: kernel.4.cloned.1.call-start
scs
__scs_entry_jumppad:
0x0: {  	(pc) =	sbr.rel $0x88, $3  }
0x1: {  	(tag) =	ssettag $0x0;
	lr =	simm.s32 $0x1  }
0x2: {  	[smem:$0x3F9F] =	sst lr;
	_ =	strace $0xD0000000  }
0x3: {  	_ = 	snop  }
0x4: {  	_ = 	snop  }
0x5: {  	_ = 	snop  }
0x6: {  	_ = 	snop  }
0x7: {  	_ = 	snop  }
__scs_overlays_trampoline_lowered:
0x8: {  	[smem:$0x3FAE] =	sst s0  }
0x9: {  	[smem:$0x3FAF] =	sst s1  }
0xa: {  	[smem:$0x3FB0] =	sst s2  }
0xb: {  	[smem:$0x3FB1] =	sst s3  }
0xc: {  	[smem:$0x3FB2] =	sst s4  }
0xd: {  	[smem:$0x3FB3] =	sst s5  }
0xe: {  	[smem:$0x3FB4] =	sst s6  }
0xf: {  	[smem:$0x3FB5] =	sst s7  }
0x10: {  	[smem:$0x3FB6] =	sst s8  }
0x11: {  	[smem:$0x3FB7] =	sst s9;
	s0 =	simm.s32 @!p0 $0x0  }
0x12: {  	s1 =	sld [smem:$0x3F9D];
	s0 =	simm.s32 @p0 $0x1  }
0x13: {  	[smem:$0x3FB8] =	sst s0;
	s0 =	simm.s32 @!p1 $0x0  }
0x14: {  	s2 =	sld [smem:$0x3F9C];
	s0 =	simm.s32 @p1 $0x1  }
0x15: {  	[smem:$0x3FB9] =	sst s0;
	s0 =	simm.s32 @!p2 $0x0  }
0x16: {  	s3 =	sld [smem:$0x3FDB];
	s0 =	simm.s32 @p2 $0x1  }
0x17: {  	s4 =	simm.s32 $0x1BF5;
	[smem:$0x3FBB] =	sst s0  }
0x18: {  	s0 =	sld [smem:$0x3F9E];
	_ =	swait.ge [sflag:s4], $0x0  }
0x19: {  	s7 =	sld [smem:$0x3F9F]  }
0x1a: {  	s8 =	sadd.s32 $0xFFFFE003, lr  }
0x1b: {  	s9 =	sadd.s32 $0xFFFFFEF7, lr;
	s5 =	simm.s32 $0xFFFFFFFF;
	p2 =	slt.u32 s8, $0xFFFFF086  }
0x1c: {  	p1 =	slt.u32 s9, $0xF7A;
	s5 =	simm.s32 @!p2 $0x0  }
0x1d: {  	s5 =	simm.s32 @p1 $0x1;
	p0 =	seq.s32 s7, s2  }
0x1e: {  	s7 =	smul.u32 @!p0 $0xF7A, s2;
	p2 =	seq.s32 @!p0 s5, $0x0  }
0x1f: {  	s9 =	smul.u32 $0xF7A, s1;
	s8 =	simm.s32 @!p0 $0x1BF5;
	p2 =	por !p2, p0  }
0x20: {  	[sflag:s8] =	ssyncset.s32 @!p0 $0xFFFFF086;
	s6 =	sadd.s32 @!p0 s3, s7;
	s7 =	simm.s32 @!p0 $0x108  }
0x21: {  	s3 =	sadd.s32 s3, s9;
	s6 =	sadd.s32 @!p0 $0x88, s6;
	s7 =	simm.s32 @p2 $0x1082  }
0x22: {  	[simem:s7], [sflag:s8] =	dma.local @!p0 [hbm:s6], $0xF7A  }
0x23: {  	s9 =	sor.u32 $0xD0000000, s2;
	s6 =	simm.s32 $0x108;
	_ =	swait.ge @!p0 [sflag:s8], $0x0  }
0x24: {  	s3 =	sadd.s32 $0x88, s3;
	s6 =	simm.s32 @!p1 $0x1082;
	[sflag:s4] =	ssyncset.s32 $0xFFFFF086  }
0x25: {  	[simem:s6], [sflag:s4] =	dma.local [hbm:s3], $0xF7A  }
0x26: {  	[smem:$0x3F9F] =	sst s1;
	(tag) =	ssettag s2;
	_ =	strace s9  }
0x27: {  	s1 =	sld [smem:$0x3FAF]  }
0x28: {  	s2 =	sld [smem:$0x3FB0]  }
0x29: {  	s4 =	sld [smem:$0x3FB2]  }
0x2a: {  	p0 =	seq.s32 s5, $0x0;
	s5 =	sld [smem:$0x3FB3]  }
0x2b: {  	s6 =	sld [smem:$0x3FB4]  }
0x2c: {  	s7 =	sld [smem:$0x3FB5]  }
0x2d: {  	s3 =	simm.s32 $0x108;
	s8 =	sld [smem:$0x3FB6]  }
0x2e: {  	s3 =	simm.s32 @!p0 $0x1082;
	s9 =	sld [smem:$0x3FB7]  }
0x2f: {  	lr =	sadd.s32 s0, s3;
	s0 =	sld [smem:$0x3FAE]  }
0x30: {  	s3 =	sld [smem:$0x3FB1]  }
0x31: {  	[smem:$0x3FBA] =	sst s10  }
0x32: {  	s10 =	sld [smem:$0x3FB8];
	_ =	sdelay $0x3  }
0x33: {  	p0 =	seq.s32 s10, $0x1;
	s10 =	sld [smem:$0x3FBA];
	_ =	sdelay $0x3  }
0x34: {  	[smem:$0x3FBA] =	sst s10  }
0x35: {  	s10 =	sld [smem:$0x3FB9];
	_ =	sdelay $0x3  }
0x36: {  	p1 =	seq.s32 s10, $0x1;
	s10 =	sld [smem:$0x3FBA];
	_ =	sdelay $0x3  }
0x37: {  	[smem:$0x3FBA] =	sst s10  }
0x38: {  	s10 =	sld [smem:$0x3FBB]  }
0x39: {  	_ = 	snop;
	(pc) =	sbr.ind lr, $3  }
0x3a: {  	_ = 	snop  }
0x3b: {  	_ = 	snop  }
0x3c: {  	p2 =	seq.s32 s10, $0x1;
	s10 =	sld [smem:$0x3FBA]  }
0x3d: {  	_ =	shalt  }
0x3e: {  	_ =	shalt  }
0x3f: {  	_ =	shalt  }
0x40: {  	_ =	shalt  }
0x41: {  	_ =	shalt  }
0x42: {  	_ =	shalt  }
0x43: {  	_ =	shalt  }
0x44: {  	_ =	shalt  }
0x45: {  	_ =	shalt  }
0x46: {  	_ =	shalt  }
0x47: {  	_ =	shalt  }
0x48: {  	_ =	shalt  }
0x49: {  	_ =	shalt  }
0x4a: {  	_ =	shalt  }
0x4b: {  	_ =	shalt  }
0x4c: {  	_ =	shalt  }
0x4d: {  	_ =	shalt  }
0x4e: {  	_ =	shalt  }
0x4f: {  	_ =	shalt  }
0x50: {  	_ =	shalt  }
0x51: {  	_ =	shalt  }
0x52: {  	_ =	shalt  }
0x53: {  	_ =	shalt  }
0x54: {  	_ =	shalt  }
0x55: {  	_ =	shalt  }
0x56: {  	_ =	shalt  }
0x57: {  	_ =	shalt  }
0x58: {  	_ =	shalt  }
0x59: {  	_ =	shalt  }
0x5a: {  	_ =	shalt  }
0x5b: {  	_ =	shalt  }
0x5c: {  	_ =	shalt  }
0x5d: {  	_ =	shalt  }
0x5e: {  	_ =	shalt  }
0x5f: {  	_ =	shalt  }
0x60: {  	_ =	shalt  }
0x61: {  	_ =	shalt  }
0x62: {  	_ =	shalt  }
0x63: {  	_ =	shalt  }
0x64: {  	_ =	shalt  }
0x65: {  	_ =	shalt  }
0x66: {  	_ =	shalt  }
0x67: {  	_ =	shalt  }
0x68: {  	_ =	shalt  }
0x69: {  	_ =	shalt  }
0x6a: {  	_ =	shalt  }
0x6b: {  	_ =	shalt  }
0x6c: {  	_ =	shalt  }
0x6d: {  	_ =	shalt  }
0x6e: {  	_ =	shalt  }
0x6f: {  	_ =	shalt  }
0x70: {  	_ =	shalt  }
0x71: {  	_ =	shalt  }
0x72: {  	_ =	shalt  }
0x73: {  	_ =	shalt  }
0x74: {  	_ =	shalt  }
0x75: {  	_ =	shalt  }
0x76: {  	_ =	shalt  }
0x77: {  	_ =	shalt  }
0x78: {  	_ =	shalt  }
0x79: {  	_ =	shalt  }
0x7a: {  	_ =	shalt  }
0x7b: {  	_ =	shalt  }
0x7c: {  	_ =	shalt  }
0x7d: {  	_ =	shalt  }
0x7e: {  	_ =	shalt  }
0x7f: {  	_ =	shalt  }
0x80: {  	_ =	shalt  }
0x81: {  	_ =	shalt  }
0x82: {  	_ =	shalt  }
0x83: {  	_ =	shalt  }
0x84: {  	_ =	shalt  }
0x85: {  	_ =	shalt  }
0x86: {  	_ =	shalt  }
0x87: {  	_ =	shalt  }
.Lfunc_end0:
.L_simem_size_0:
called_computation_lowered:
.L_overlay_start_0:
0x88: {  	s2 =	sld [smem:$0x3FD9]  }
0x89: {  	s3 =	sld [smem:$0x3FFE];
	_ =	sdelay $0x1  }
0x8a: {  	s1 =	srdreg.scid  }
0x8b: {  	s0 =	sand.u32 $0x1, s1  }
0x8c: {  	s18 =	sshll.u32 s0, $0xA;
	s2 =	sadd.s32 s3, s2  }
0x8d: {  	s2 =	sadd.s32 s2, s18  }
0x8e: {  	[smem:$0x3FC6] =	sst s2  }
0x8f: {  	_ = 	snop  }
0x90: {  	s2 =	sld [smem:$0x3FC9]  }
0x91: {  	s19 =	sld [smem:$0x3FC8]  }
0x92: {  	s4 =	sld [smem:$0x3FD0];
	(tm) =	ssettm $0x1  }
0x93: {  	s5 =	sld [smem:$0x3FFB];
	_ =	sdelay $0x3  }
0x94: {  	_ =	strace s5  }
0x95: {  	s5 =	sld [smem:$0x3FFC];
	_ =	sdelay $0x3  }
0x96: {  	_ =	strace s5  }
0x97: {  	s5 =	sld [smem:$0x3FFD];
	_ =	sdelay $0x3  }
0x98: {  	_ =	strace s5  }
0x99: {  	_ =	strace $0x8FFFFFFF  }
0x9a: {  	s20 =	sld [smem:$0x3FDB];
	_ =	sdelay $0x1  }
0x9b: {  	s6 =	simm.s32 $_scs_section_size  }
0x9c: {  	s7 =	simm.s32 $_size__tile_overlayer_lowered;
	s8 =	simm.s32 $_tile_overlayer_lowered  }
0x9d: {  	s23 =	simm.s32 $0x1BFF;
	s22 =	sshll.u32 s8, $0x1;
	s5 =	sadd.s32 s6, s20  }
0x9e: {  	s9 =	simm.s32 $0x0;
	s21 =	sshll.u32 s7, $0x1;
	s7 =	sadd.s32 s22, s5  }
0x9f: {  	[timem:s9], [sflag:s23] =	dma.local [hbm:s7], s21  }
0xa0: {  	_ =	swait.ge [sflag:s23], s21  }
0xa1: {  	s6 =	ssub.s32 $0x0, s21;
	[sflag:s23] =	ssyncset.done $0x0  }
0xa2: {  	[sflag:s23] =	ssyncadd.s32 s6;
	_ =	sdelay $0x1  }
0xa3: {  	s24 =	simm.s32 $0x1B8B  }
0xa4: {  	_ =	swait.ge [sflag:s24], $0x1  }
0xa5: {  	[sflag:s24] =	ssyncset.done $0x0  }
0xa6: {  	s25 =	simm.s32 $0x1B8E;
	[sflag:s24] =	ssyncadd.s32 $0xFFFFFFFF  }
0xa7: {  	s26 =	simm.s32 $execute0_lowered;
	[smem:$0x3FD2] =	sst s25  }
0xa8: {  	s6 =	sshll.u32 s26, $0x1;
	_ =	strace $0x80000046;
	[dreg:$0x1] =	wrdreg $0xFFFFFFFF  }
0xa9: {  	s28 =	simm.s32 $_size_execute0_lowered;
	s5 =	sadd.s32 s5, s6;
	[dreg:$0x0] =	wrdreg $0x0  }
0xaa: {  	s6 =	sshll.u32 s28, $0x1;
	[dreg:$0x2] =	wrdreg s5  }
0xab: {  	[dreg:$0x3] =	wrdreg s6  }
0xac: {  	[dreg:$0x4] =	wrdreg $0xC0  }
0xad: {  	_ =	task [dreg:s9], $0x5FFFF  }
0xae: {  	[dreg:$0x1] =	wrdreg $0xFFFFFFFF  }
0xaf: {  	[dreg:$0x0] =	wrdreg $0x60  }
0xb0: {  	[dreg:$0x2] =	wrdreg s2  }
0xb1: {  	[dreg:$0x3] =	wrdreg s19  }
0xb2: {  	[dreg:$0x4] =	wrdreg s4  }
0xb3: {  	[dreg:$0x5] =	wrdreg $0x9  }
0xb4: {  	_ =	task.clear_ibuf [dreg:s9], $0x6FFFF;
	_ =	strace $0x90000046  }
0xb5: {  	s29 =	simm.s32 $0x9;
	_ =	strace $0x80000048  }
0xb6: {  	_ =	swait.ge [sflag:s29], $0x1  }
0xb7: {  	[sflag:s29] =	ssyncadd.s32 $0xFFFFFFFF  }
0xb8: {  	_ =	strace $0x90000048  }
0xb9: {  	_ =	sfence  }
0xba: {  	s30 =	sld [smem:$0x0];
	_ =	sdelay $0x2  }
0xbb: {  	s31 =	sshll.u32 s1, $0xD;
	s1 =	sshrl.u32 s1, $0x2  }
0xbc: {  	s3 =	sand.u32 $0x4000, s31;
	s1 =	sadd.s32 s1, s30  }
0xbd: {  	s0 =	sor.u32 s3, s0;
	s1 =	sshll.u32 s1, $0x11  }
0xbe: {  	s0 =	sor.u32 s1, s0  }
0xbf: {  	s0 =	sadd.s32 $0x8F2B, s0  }
0xc0: {  	[sflag:s0] =	ssyncadd.remote.s32 $0x1  }
0xc1: {  	_ =	sfence.sel $0xFFFF  }
0xc2: {  	[dreg:$0x0] =	wrdreg $0xFFFFFFFF;
	(pc) =	sbr.abs _section_cstart, $3  }
0xc3: {  	[dreg:$0x1] =	wrdreg $0xFFFFFFFF  }
0xc4: {  	_ =	task.clear_ibuf [dreg:s9], $0x2FFFF;
	_ =	strace $0x9FFFFFFF  }
0xc5: {  	(tm) =	ssettm $0x7FFFFFFF  }
tec
execute0_lowered:
.L_overlay_start_1:
0x0: {  	(tag) =	ssettag $0x1  }
0x1: {  	s0 =	srdreg.scid  }
0x2: {  	s1 =	stileid.u32;
	s9 =	rddreg [dreg:$0x0]  }
0x3: {  	s2 =	sand.u32 $0x1, s0;
	s3 =	sshll.u32 s1, $0x1;
	s0 =	rddreg [dreg:$0x2]  }
0x4: {  	s1 =	simm.s32 $0x0;
	s10 =	sadd.s32 $0x400, s9;
	s7 =	sor.u32 s2, s3  }
0x5: {  	s2 =	ssub.s32 $0x2, s2;
	[smem:$0x7FF] =	sst s1;
	s6 =	sshll.u32 s7, $0x3  }
0x6: {  	s3 =	smul.u32 $0x6C000, s7;
	s4 =	sshrl.u32 s2, $0x1;
	s11 =	sor.u32 $0x1, s6  }
0x7: {  	s15 =	sshll.u32 s7, $0xD;
	s12 =	sor.u32 $0x2, s6;
	s5 =	smul.u32 $0xD800, s11  }
0x8: {  	s4 =	ssub.s32 s2, s4;
	s13 =	sor.u32 $0x3, s6;
	s20 =	smul.u32 $0xD800, s12  }
0x9: {  	s21 =	sadd.s32 s0, s15;
	s16 =	sor.u32 $0x4, s6;
	s14 =	smul.u32 $0xD800, s13  }
0xa: {  	s3 =	sshrl.u32 s3, $0x3;
	[dreg:$0x6] =	wrdreg s21;
	s17 =	smul.u32 $0xD800, s16  }
0xb: {  	s11 =	sshll.u32 s11, $0xA;
	s12 =	sshll.u32 s12, $0xA;
	s18 =	sadd.s32 s3, s10  }
0xc: {  	s4 =	smax.u32 s4, $0x1;
	s2 =	sadd.s32 s9, s3;
	[dreg:$0x4] =	wrdreg s18  }
0xd: {  	s19 =	sshrl.u32 s5, $0x3;
	s22 =	sshrl.u32 s20, $0x3;
	s23 =	sshrl.u32 s14, $0x3  }
0xe: {  	vm1 =	vcmask $0x300;
	v8 =	vimm.s32 $0x0;
	s18 =	sor.u32 $0x5, s6;
	s20 =	sor.u32 $0x6, s6;
	s24 =	sshrl.u32 s17, $0x3  }
0xf: {  	v0 =	vlaneseq.u32;
	vm2 =	vcmask $0x1310;
	vm3 =	vcmask $0x2320;
	s17 =	sadd.s32 $0x200, s0;
	s8 =	sadd.s32 s19, s10;
	s5 =	sadd.s32 s9, s19  }
0x10: {  	vm4 =	vcmask $0x3330;
	v9 =	vimm.s32 $0x80;
	v11 =	vimm.s32 $0xC00;
	s3 =	sadd.s32 s9, s22;
	s14 =	sadd.s32 s23, s10;
	s19 =	smul.u32 $0xD800, s18  }
0x11: {  	v12 =	vimm.s32 $0xC80;
	v13 =	vimm.s32 $0x1800;
	v14 =	vimm.s32 $0x1880;
	s6 =	sadd.s32 s9, s23;
	s21 =	smul.u32 $0xD800, s20;
	[dreg:$0x5] =	wrdreg s8  }
0x12: {  	v15 =	vimm.s32 $0x2400;
	v16 =	vimm.s32 $0x2480;
	v1 =	vsel vm1, $0x3000, v8;
	s15 =	sadd.s32 s15, s17;
	[dreg:$0x7] =	wrdreg s14;
	s14 =	sshllo.u32 s7, $0x3  }
0x13: {  	vm0 =	vmor vm1, vm2;
	v2 =	vsel vm1, $0x3080, v9;
	v3 =	vsel vm1, $0x3400, v11;
	s8 =	sadd.s32 s9, s24;
	[dreg:$0x9] =	wrdreg s15;
	s24 =	sadd.s32 s0, s11  }
0x14: {  	v4 =	vsel vm1, $0x3480, v12;
	v5 =	vsel vm1, $0x3800, v13;
	v6 =	vsel vm1, $0x3880, v14;
	s11 =	sadd.s32 s11, s17;
	s15 =	sshll.u32 s16, $0xA;
	s28 =	sadd.s32 $0x1580, s3  }
0x15: {  	v7 =	vsel vm1, $0x3C00, v15;
	v10 =	vsel vm1, $0x3C80, v16;
	v8 =	vsel vm1, $0x4000, v8;
	s29 =	sadd.s32 $0x1580, s6;
	s6 =	simm.s32 $0xC00;
	s25 =	sshrl.u32 s19, $0x3  }
0x16: {  	v9 =	vsel vm1, $0x4080, v9;
	v11 =	vsel vm1, $0x4400, v11;
	v12 =	vsel vm1, $0x4480, v12;
	s26 =	smul.u32 $0xD800, s14;
	s22 =	sshrl.u32 s21, $0x3;
	[dreg:$0xa] =	wrdreg s24  }
0x17: {  	v13 =	vsel vm1, $0x4800, v13;
	v14 =	vsel vm1, $0x4880, v14;
	v15 =	vsel vm1, $0x4C00, v15;
	[dreg:$0xb] =	wrdreg s11;
	s19 =	sshll.u32 s18, $0xA;
	s21 =	sadd.s32 s0, s15  }
0x18: {  	v16 =	vsel vm1, $0x4C80, v16;
	v1 =	vsel vm2, $0x3000, v1;
	vm0 =	vmor vm0, vm3;
	s30 =	sadd.s32 $0x400, s8;
	s31 =	sadd.s32 $0x1580, s8;
	s8 =	simm.s32 $0x1  }
0x19: {  	v2 =	vsel vm2, $0x3080, v2;
	v3 =	vsel vm2, $0x3400, v3;
	v4 =	vsel vm2, $0x3480, v4;
	s7 =	sadd.s32 s9, s25;
	s10 =	sadd.s32 s22, s10;
	[dreg:$0x10] =	wrdreg s21  }
0x1a: {  	v5 =	vsel vm2, $0x3800, v5;
	v6 =	vsel vm2, $0x3880, v6;
	v7 =	vsel vm2, $0x3C00, v7;
	[dreg:$0x8] =	wrdreg s10;
	s23 =	sshrl.u32 s26, $0x3;
	s26 =	sadd.s32 s0, s12  }
0x1b: {  	v10 =	vsel vm2, $0x3C80, v10;
	v8 =	vsel vm2, $0x4000, v8;
	v9 =	vsel vm2, $0x4080, v9;
	s25 =	sshll.u32 s13, $0xA;
	s12 =	sadd.s32 s12, s17;
	[dreg:$0xc] =	wrdreg s26  }
0x1c: {  	v11 =	vsel vm2, $0x4400, v11;
	v12 =	vsel vm2, $0x4480, v12;
	v13 =	vsel vm2, $0x4800, v13;
	s13 =	simm.s32 $0x3;
	s16 =	sadd.s32 s0, s25;
	[dreg:$0xd] =	wrdreg s12  }
0x1d: {  	v14 =	vsel vm2, $0x4880, v14;
	v15 =	vsel vm2, $0x4C00, v15;
	v16 =	vsel vm2, $0x4C80, v16;
	s10 =	sadd.s32 s9, s22;
	s11 =	sadd.s32 s25, s17;
	[dreg:$0xe] =	wrdreg s16  }
0x1e: {  	v1 =	vsel vm3, $0x3000, v1;
	v2 =	vsel vm3, $0x3080, v2;
	v3 =	vsel vm3, $0x3400, v3;
	s22 =	sshll.u32 s20, $0xA;
	[dreg:$0xf] =	wrdreg s11;
	s12 =	sadd.s32 s15, s17  }
0x1f: {  	v4 =	vsel vm3, $0x3480, v4;
	v5 =	vsel vm3, $0x3800, v5;
	v6 =	vsel vm3, $0x3880, v6;
	s9 =	sadd.s32 s9, s23;
	s23 =	sadd.s32 s0, s19;
	[dreg:$0x11] =	wrdreg s12  }
0x20: {  	v7 =	vsel vm3, $0x3C00, v7;
	v10 =	vsel vm3, $0x3C80, v10;
	v17 =	vsel vm3, $0x4000, v8;
	s11 =	sadd.s32 s19, s17;
	s24 =	sadd.s32 s0, s22;
	[dreg:$0x12] =	wrdreg s23  }
0x21: {  	v18 =	vsel vm3, $0x4080, v9;
	v11 =	vsel vm3, $0x4400, v11;
	v12 =	vsel vm3, $0x4480, v12;
	s25 =	sadd.s32 s22, s17;
	s26 =	sshll.u32 s14, $0xA;
	[dreg:$0x13] =	wrdreg s11  }
0x22: {  	v13 =	vsel vm3, $0x4800, v13;
	v14 =	vsel vm3, $0x4880, v14;
	v15 =	vsel vm3, $0x4C00, v15;
	s19 =	sadd.s32 $0x400, s7;
	s18 =	sadd.s32 $0x1580, s10;
	[dreg:$0x14] =	wrdreg s24  }
0x23: {  	v16 =	vsel vm3, $0x4C80, v16;
	v1 =	vsel vm4, $0x3000, v1;
	v2 =	vsel vm4, $0x3080, v2;
	s10 =	simm.s32 $0x2400;
	s14 =	simm.s32 $0x0;
	[dreg:$0x15] =	wrdreg s25  }
0x24: {  	v3 =	vsel vm4, $0x3400, v3;
	v4 =	vsel vm4, $0x3480, v4;
	v5 =	vsel vm4, $0x3800, v5;
	s0 =	sadd.s32 s0, s26;
	s23 =	sadd.s32 s26, s17;
	s24 =	sadd.s32 $0x1580, s2  }
0x25: {  	v6 =	vsel vm4, $0x3880, v6;
	v7 =	vsel vm4, $0x3C00, v7;
	v8 =	vsel vm4, $0x3C80, v10;
	s25 =	sadd.s32 $0x1580, s5;
	s26 =	sadd.s32 $0x400, s3;
	s2 =	sadd.s32 $0x400, s9  }
0x26: {  	v9 =	vsel vm4, $0x4000, v17;
	v10 =	vsel vm4, $0x4080, v18;
	v11 =	vsel vm4, $0x4400, v11;
	s3 =	sadd.s32 $0x1580, s9;
	s5 =	simm.s32 $0x4;
	s9 =	simm.s32 $0x5000  }
0x27: {  	v12 =	vsel vm4, $0x4480, v12;
	v13 =	vsel vm4, $0x4800, v13;
	v14 =	vsel vm4, $0x4880, v14;
	s11 =	simm.s32 $0x6000;
	s12 =	simm.s32 $0x2;
	[dreg:$0x16] =	wrdreg s0  }
0x28: {  	vm0 =	vmor vm0, vm4;
	v15 =	vsel vm4, $0x4C00, v15;
	v16 =	vsel vm4, $0x4C80, v16;
	s0 =	sadd.s32 $0x1580, s7;
	s7 =	simm.s32 $0x1800;
	_ =	strace $0x80000047  }
.LBB2_1:
0x29: {  	v17 =	vmov s1;
	v18 =	vor.u32 s1, v0;
	s15 =	simm.s32 $0x10;
	s16 =	simm.s32 $0x30  }
0x2a: {  	s17 =	simm.s32 $0x20;
	v19 =	vshrl.u32 v18, $0x2;
	v20 =	vor.u32 s15, v0;
	v21 =	vor.u32 s16, v0  }
0x2b: {  	v23 =	vor.u32 s17, v0;
	v26 =	vmov s16;
	v59 =	vmov s15  }
0x2c: {  	v60 =	vmov s17;
	v17 =	vshrl.u32 v17, $0x1;
	v22 =	vshrl.u32 v20, $0x2  }
0x2d: {  	v24 =	vshrl.u32 v21, $0x2;
	v25 =	vshrl.u32 v23, $0x2;
	v26 =	vshrl.u32 v26, $0x1  }
0x2e: {  	v30 =	vxor.u32 $0xFFFFFFFF, v19;
	v17 =	vand.u32 $0xFFFFFF00, v17;
	v19 =	vand.u32 $0x73, v19  }
0x2f: {  	v27 =	vxor.u32 $0xFFFFFFFF, v24;
	v28 =	vxor.u32 $0xFFFFFFFF, v22;
	v58 =	vxor.u32 $0xFFFFFFFF, v25  }
0x30: {  	v26 =	vand.u32 $0xFFFFFF00, v26;
	v24 =	vand.u32 $0x7F, v24;
	v18 =	vadd.s32 v30, v18  }
0x31: {  	v22 =	vand.u32 $0x7F, v22;
	v25 =	vand.u32 $0x7F, v25;
	v17 =	vor.u32 v17, v19  }
0x32: {  	v21 =	vadd.s32 v27, v21;
	v24 =	vor.u32 v26, v24;
	v20 =	vadd.s32 v28, v20  }
0x33: {  	v23 =	vadd.s32 v58, v23;
	v61 =	vshll.u32 v18, $0x1;
	v26 =	vshrl.u32 v60, $0x1  }
0x34: {  	v18 =	vand.u32 $0x7F, v18;
	v29 =	vshll.u32 v21, $0x1;
	v21 =	vand.u32 $0x7F, v21  }
0x35: {  	v28 =	vshll.u32 v20, $0x1;
	v62 =	vshll.u32 v23, $0x1;
	v27 =	vand.u32 $0xFFFFFF00, v61  }
0x36: {  	s21 =	rddreg [dreg:$0x1];
	s22 =	simm.s32 $0x3000;
	v20 =	vand.u32 $0x7F, v20;
	v23 =	vand.u32 $0x7F, v23;
	v29 =	vand.u32 $0xFFFFFF00, v29  }
0x37: {  	[tilespmem:s22], [sflag:$0x4] =	stream.linear.gather [hbm4b:s21+s1], $0x2000, $0x38;
	v26 =	vand.u32 $0xFFFFFF00, v26;
	v28 =	vand.u32 $0xFFFFFF00, v28;
	v21 =	vor.u32 v21, v29;
	[tilespmem:$0x7800] =	vst v63  }
0x38: {  	_ =	swait.ge [sflag:s5], $0x2000;
	v18 =	vor.u32 v18, v27;
	v21 =	vsel vm0, v24, v21;
	v24 =	vshrl.u32 v59, $0x1  }
0x39: {  	[sflag:s5] =	ssyncset.done $0x0;
	v63 =	vor.u32 v26, v25;
	v29 =	vand.u32 $0xFFFFFF00, v62;
	v24 =	vand.u32 $0xFFFFFF00, v24  }
0x3a: {  	s15 =	simm.s32 $0x7020;
	[sflag:s5] =	ssyncadd.s32 $0xFFFFE000;
	v20 =	vor.u32 v20, v28;
	v23 =	vor.u32 v23, v29;
	v19 =	vor.u32 v24, v22  }
0x3b: {  	s16 =	simm.s32 $0x0;
	s17 =	simm.s32 $0x40;
	v17 =	vsel vm0, v17, v18;
	[tilespmem:s15+$0x10] =	vst v21;
	v18 =	vsel vm0, v63, v23;
	v19 =	vsel vm0, v19, v20  }
.LBB2_2:
0x3c: {  	v20 =	vmov s17;
	v21 =	vor.u32 s17, v0;
	s20 =	sadd.s32 $0x10, s17;
	s21 =	sadd.s32 $0x30, s17;
	s16 =	sadd.s32 $0x4, s16;
	[tilespmem:s15+$0xFFFFFFF0] =	vst v19  }
0x3d: {  	s22 =	sadd.s32 $0x20, s17;
	v19 =	vshrl.u32 v21, $0x2;
	v22 =	vor.u32 s20, v0;
	v23 =	vor.u32 s21, v0;
	p0 =	slt.u32 s16, $0x7C;
	[tilespmem:s15+$0x0] =	vst v18  }
0x3e: {  	v24 =	vor.u32 s22, v0;
	v18 =	vshrl.u32 v22, $0x2;
	v25 =	vshrl.u32 v23, $0x2;
	[tilespmem:s15+$0xFFFFFFE0] =	vst v17  }
0x3f: {  	v26 =	vmov s21;
	v17 =	vshrl.u32 v24, $0x2;
	v27 =	vxor.u32 $0xFFFFFFFF, v25  }
0x40: {  	v26 =	vshrl.u32 v26, $0x1;
	v28 =	vxor.u32 $0xFFFFFFFF, v18;
	v23 =	vadd.s32 v27, v23  }
0x41: {  	v26 =	vand.u32 $0xFFFFFF00, v26;
	v27 =	vxor.u32 $0xFFFFFFFF, v17;
	v29 =	vshll.u32 v23, $0x1  }
0x42: {  	v25 =	vand.u32 $0x7F, v25;
	v23 =	vand.u32 $0x7F, v23;
	v29 =	vand.u32 $0xFFFFFF00, v29  }
0x43: {  	v30 =	vxor.u32 $0xFFFFFFFF, v19;
	v25 =	vor.u32 v26, v25;
	v23 =	vor.u32 v23, v29  }
0x44: {  	s15 =	sadd.s32 $0x40, s15;
	v22 =	vadd.s32 v28, v22;
	v24 =	vadd.s32 v27, v24;
	v23 =	vsel vm0, v25, v23  }
0x45: {  	v21 =	vadd.s32 v30, v21;
	v26 =	vmov s22;
	v25 =	vmov s20;
	[tilespmem:s15+$0x10] =	vst v23  }
0x46: {  	v27 =	vshll.u32 v22, $0x1;
	v28 =	vshll.u32 v24, $0x1;
	v23 =	vshll.u32 v21, $0x1  }
0x47: {  	v20 =	vshrl.u32 v20, $0x1;
	v26 =	vshrl.u32 v26, $0x1;
	v25 =	vshrl.u32 v25, $0x1  }
0x48: {  	v27 =	vand.u32 $0xFFFFFF00, v27;
	v28 =	vand.u32 $0xFFFFFF00, v28;
	v23 =	vand.u32 $0xFFFFFF00, v23  }
0x49: {  	v22 =	vand.u32 $0x7F, v22;
	v24 =	vand.u32 $0x7F, v24;
	v21 =	vand.u32 $0x7F, v21  }
.Ltmp0:
0x4a: {  	v18 =	vand.u32 $0x7F, v18;
	v26 =	vand.u32 $0xFFFFFF00, v26;
	v25 =	vand.u32 $0xFFFFFF00, v25;
	(pc) =	sbr.rel @p0 .LBB2_2-.Ltmp0, $4  }
0x4b: {  	v20 =	vand.u32 $0xFFFFFF00, v20;
	v19 =	vand.u32 $0x73, v19;
	v17 =	vand.u32 $0x7F, v17  }
0x4c: {  	v22 =	vor.u32 v22, v27;
	v21 =	vor.u32 v21, v23;
	v23 =	vor.u32 v24, v28  }
0x4d: {  	v19 =	vor.u32 v20, v19;
	v20 =	vor.u32 v26, v17;
	v18 =	vor.u32 v25, v18  }
0x4e: {  	s17 =	sadd.s32 $0x40, s17;
	v17 =	vsel vm0, v19, v21;
	v19 =	vsel vm0, v18, v22;
	v18 =	vsel vm0, v20, v23  }
0x4f: {  	[tilespmem:s15+$0xFFFFFFF0] =	vst v19  }
0x50: {  	[tilespmem:s15+$0x0] =	vst v18  }
0x51: {  	[tilespmem:s15+$0xFFFFFFE0] =	vst v17  }
0x52: {  	s15 =	rddreg [dreg:$0x4]  }
0x53: {  	[tilespmem:s1], [sflag:$0x1] =	stream.linear.gather [hbm4b:s15+s1], $0xC00, $0x38;
	[tilespmem:$0x7800] =	vst v63  }
0x54: {  	_ = 	snop  }
0x55: {  	[tilespmem:s6], [sflag:$0x1] =	stream.linear.gather [hbm4b:s24+s1], $0xC00, $0x38;
	[tilespmem:$0x7800] =	vst v63  }
0x56: {  	s22 =	rddreg [dreg:$0x5]  }
0x57: {  	[tilespmem:s7], [sflag:$0x1] =	stream.linear.gather [hbm4b:s22+s1], $0xC00, $0x38;
	[tilespmem:$0x7800] =	vst v63  }
0x58: {  	_ =	swait.ge [sflag:s8], $0xC00  }
0x59: {  	[sflag:s8] =	ssyncset.done $0x0  }
0x5a: {  	s16 =	simm.s32 $0x7040;
	[sflag:s8] =	ssyncadd.s32 $0xFFFFF400  }
0x5b: {  	v17 =	vld [tilespmem:s16+$0x30]  }
0x5c: {  	v18 =	vld [tilespmem:s16+$0xFFFFFFD0]  }
0x5d: {  	v19 =	vld [tilespmem:s16+$0xFFFFFFE0]  }
0x5e: {  	v20 =	vld [tilespmem:s16+$0xFFFFFFF0]  }
0x5f: {  	v21 =	vld [tilespmem:s16+$0x0]  }
0x60: {  	v22 =	vld [tilespmem:s16+$0x10];
	v17 =	vadd.s32 v1, v17  }
0x61: {  	v18 =	vadd.s32 v1, v18  }
0x62: {  	v19 =	vadd.s32 v1, v19  }
0x63: {  	v23 =	vld [tilespmem:s16+$0x20];
	v20 =	vadd.s32 v1, v20  }
0x64: {  	v25 =	vld [tilespmem:s16+$0xFFFFFFC0];
	v26 =	vadd.s32 v1, v21  }
0x65: {  	v27 =	vadd.s32 v1, v22;
	v24 =	vld.idx.msk [tilespmem:v17+s1+$0x0], $0xffff  }
0x66: {  	v21 =	vld.idx.msk [tilespmem:v18+s1+$0x0], $0xffff  }
0x67: {  	v22 =	vld.idx.msk [tilespmem:v19+s1+$0x0], $0xffff  }
0x68: {  	v20 =	vld.idx.msk [tilespmem:v20+s1+$0x0], $0xffff  }
0x69: {  	v19 =	vld.idx.msk [tilespmem:v26+s1+$0x0], $0xffff  }
0x6a: {  	s17 =	simm.s32 $0x5040;
	s20 =	simm.s32 $0x0;
	s21 =	simm.s32 $0x70C0;
	v17 =	vadd.s32 v1, v23;
	v18 =	vadd.s32 v1, v25;
	v23 =	vld.idx.msk [tilespmem:v27+s1+$0x0], $0xffff  }
.LBB2_4:
0x6b: {  	v25 =	vld [tilespmem:s21+$0x30];
	s20 =	sadd.s32 $0x8, s20;
	[tilespmem:s17+$0x30] =	vst v24;
	s15 =	simm.s32 $0x50F0  }
0x6c: {  	v24 =	vld [tilespmem:s21+$0xFFFFFFD0];
	p0 =	slt.u32 s20, $0x78;
	[tilespmem:s17+$0xFFFFFFD0] =	vst v21  }
0x6d: {  	v21 =	vld [tilespmem:s21+$0xFFFFFFE0];
	[tilespmem:s17+$0xFFFFFFE0] =	vst v22  }
0x6e: {  	v22 =	vld [tilespmem:s21+$0xFFFFFFF0];
	[tilespmem:s17+$0xFFFFFFF0] =	vst v20  }
0x6f: {  	v20 =	vld [tilespmem:s21+$0x0];
	[tilespmem:s17+$0x0] =	vst v19  }
0x70: {  	v19 =	vld [tilespmem:s21+$0x10];
	v25 =	vadd.s32 v1, v25;
	[tilespmem:s17+$0x10] =	vst v23  }
0x71: {  	v23 =	vadd.s32 v1, v24;
	v26 =	vld [tilespmem:s21+$0x20]  }
0x72: {  	v27 =	vld [tilespmem:s21+$0xFFFFFFC0];
	v28 =	vadd.s32 v1, v21  }
0x73: {  	v29 =	vadd.s32 v1, v22;
	v30 =	vld.idx.msk [tilespmem:v18+s1+$0x0], $0xffff  }
0x74: {  	v31 =	vadd.s32 v1, v20;
	v32 =	vld.idx.msk [tilespmem:v17+s1+$0x0], $0xffff  }
0x75: {  	v33 =	vadd.s32 v1, v19;
	v24 =	vld.idx.msk [tilespmem:v25+s1+$0x0], $0xffff  }
.Ltmp1:
0x76: {  	v21 =	vld.idx.msk [tilespmem:v23+s1+$0x0], $0xffff;
	v17 =	vadd.s32 v1, v26;
	(pc) =	sbr.rel @p0 .LBB2_4-.Ltmp1, $4  }
0x77: {  	v18 =	vadd.s32 v1, v27;
	v22 =	vld.idx.msk [tilespmem:v28+s1+$0x0], $0xffff  }
0x78: {  	v20 =	vld.idx.msk [tilespmem:v29+s1+$0x0], $0xffff  }
0x79: {  	v19 =	vld.idx.msk [tilespmem:v31+s1+$0x0], $0xffff;
	[tilespmem:s17+$0xFFFFFFC0] =	vst v30  }
0x7a: {  	s21 =	sadd.s32 $0x80, s21;
	v23 =	vld.idx.msk [tilespmem:v33+s1+$0x0], $0xffff;
	[tilespmem:s17+$0x20] =	vst v32;
	s17 =	sadd.s32 $0x100, s17  }
0x7b: {  	_ =	sdelay $0x2  }
0x7c: {  	[tilespmem:s17+$0x30] =	vst v24  }
0x7d: {  	[tilespmem:s17+$0xFFFFFFD0] =	vst v21;
	v18 =	vld.idx.msk [tilespmem:v18+s1+$0x0], $0xffff  }
0x7e: {  	v17 =	vld.idx.msk [tilespmem:v17+s1+$0x0], $0xffff;
	[tilespmem:s17+$0xFFFFFFE0] =	vst v22  }
0x7f: {  	[tilespmem:s17+$0xFFFFFFF0] =	vst v20  }
0x80: {  	[tilespmem:s17+$0x0] =	vst v19  }
0x81: {  	[tilespmem:s17+$0x10] =	vst v23  }
0x82: {  	[tilespmem:s17+$0xFFFFFFC0] =	vst v18  }
0x83: {  	[tilespmem:s17+$0x20] =	vst v17  }
0x84: {  	v17 =	vld [tilespmem:s16+$0x30]  }
0x85: {  	v18 =	vld [tilespmem:s16+$0xFFFFFFD0]  }
0x86: {  	v19 =	vld [tilespmem:s16+$0xFFFFFFE0]  }
0x87: {  	v20 =	vld [tilespmem:s16+$0xFFFFFFF0]  }
0x88: {  	v21 =	vld [tilespmem:s16+$0x0]  }
0x89: {  	v22 =	vld [tilespmem:s16+$0x10];
	v17 =	vadd.s32 v2, v17  }
0x8a: {  	v18 =	vadd.s32 v2, v18  }
0x8b: {  	v19 =	vadd.s32 v2, v19  }
0x8c: {  	v25 =	vld [tilespmem:s16+$0x20];
	v20 =	vadd.s32 v2, v20  }
0x8d: {  	v26 =	vld [tilespmem:s16+$0xFFFFFFC0];
	v21 =	vadd.s32 v2, v21  }
0x8e: {  	v27 =	vadd.s32 v2, v22;
	v24 =	vld.idx.msk [tilespmem:v17+s1+$0x0], $0xffff  }
0x8f: {  	v22 =	vld.idx.msk [tilespmem:v18+s1+$0x0], $0xffff  }
0x90: {  	v23 =	vld.idx.msk [tilespmem:v19+s1+$0x0], $0xffff  }
0x91: {  	v20 =	vld.idx.msk [tilespmem:v20+s1+$0x0], $0xffff  }
0x92: {  	v19 =	vld.idx.msk [tilespmem:v21+s1+$0x0], $0xffff  }
0x93: {  	s17 =	simm.s32 $0x70C0;
	s16 =	simm.s32 $0x0;
	v17 =	vadd.s32 v2, v25;
	v18 =	vadd.s32 v2, v26;
	v21 =	vld.idx.msk [tilespmem:v27+s1+$0x0], $0xffff  }
.LBB2_6:
0x94: {  	v25 =	vld [tilespmem:s17+$0x30];
	s16 =	sadd.s32 $0x8, s16;
	[tilespmem:s15+$0x0] =	vst v24  }
0x95: {  	v24 =	vld [tilespmem:s17+$0xFFFFFFD0];
	p0 =	slt.u32 s16, $0x78;
	[tilespmem:s15+$0xFFFFFFA0] =	vst v22  }
0x96: {  	v22 =	vld [tilespmem:s17+$0xFFFFFFE0];
	[tilespmem:s15+$0xFFFFFFB0] =	vst v23  }
0x97: {  	v23 =	vld [tilespmem:s17+$0xFFFFFFF0];
	[tilespmem:s15+$0xFFFFFFC0] =	vst v20  }
0x98: {  	v20 =	vld [tilespmem:s17+$0x0];
	[tilespmem:s15+$0xFFFFFFD0] =	vst v19  }
0x99: {  	v19 =	vld [tilespmem:s17+$0x10];
	v25 =	vadd.s32 v2, v25;
	[tilespmem:s15+$0xFFFFFFE0] =	vst v21  }
0x9a: {  	v21 =	vadd.s32 v2, v24;
	v26 =	vld [tilespmem:s17+$0x20]  }
0x9b: {  	v27 =	vld [tilespmem:s17+$0xFFFFFFC0];
	v28 =	vadd.s32 v2, v22  }
0x9c: {  	v29 =	vadd.s32 v2, v23;
	v30 =	vld.idx.msk [tilespmem:v18+s1+$0x0], $0xffff  }
0x9d: {  	v31 =	vadd.s32 v2, v20;
	v32 =	vld.idx.msk [tilespmem:v17+s1+$0x0], $0xffff  }
0x9e: {  	v33 =	vadd.s32 v2, v19;
	v24 =	vld.idx.msk [tilespmem:v25+s1+$0x0], $0xffff  }
.Ltmp2:
0x9f: {  	v22 =	vld.idx.msk [tilespmem:v21+s1+$0x0], $0xffff;
	v17 =	vadd.s32 v2, v26;
	(pc) =	sbr.rel @p0 .LBB2_6-.Ltmp2, $4  }
0xa0: {  	v18 =	vadd.s32 v2, v27;
	v23 =	vld.idx.msk [tilespmem:v28+s1+$0x0], $0xffff  }
0xa1: {  	v20 =	vld.idx.msk [tilespmem:v29+s1+$0x0], $0xffff  }
0xa2: {  	v19 =	vld.idx.msk [tilespmem:v31+s1+$0x0], $0xffff;
	[tilespmem:s15+$0xFFFFFF90] =	vst v30  }
0xa3: {  	s17 =	sadd.s32 $0x80, s17;
	v21 =	vld.idx.msk [tilespmem:v33+s1+$0x0], $0xffff;
	[tilespmem:s15+$0xFFFFFFF0] =	vst v32;
	s15 =	sadd.s32 $0x100, s15  }
0xa4: {  	_ =	sdelay $0x2  }
0xa5: {  	[tilespmem:s15+$0x0] =	vst v24  }
0xa6: {  	[tilespmem:s15+$0xFFFFFFA0] =	vst v22;
	v18 =	vld.idx.msk [tilespmem:v18+s1+$0x0], $0xffff  }
0xa7: {  	v17 =	vld.idx.msk [tilespmem:v17+s1+$0x0], $0xffff;
	[tilespmem:s15+$0xFFFFFFB0] =	vst v23  }
0xa8: {  	[tilespmem:s15+$0xFFFFFFC0] =	vst v20  }
0xa9: {  	[tilespmem:s15+$0xFFFFFFD0] =	vst v19  }
0xaa: {  	[tilespmem:s15+$0xFFFFFFE0] =	vst v21  }
0xab: {  	[tilespmem:s15+$0xFFFFFF90] =	vst v18  }
0xac: {  	[tilespmem:s15+$0xFFFFFFF0] =	vst v17  }
0xad: {  	s15 =	rddreg [dreg:$0x6]  }
0xae: {  	[hbm4b:s15+s1] =	stream.linear.scatter [tilespmem:s9], [sflag:$0x2], $0x1000, $0x38;
	[tilespmem:$0x7800] =	vst v63  }
0xaf: {  	_ = 	snop  }
0xb0: {  	[tilespmem:s10], [sflag:$0x1] =	stream.linear.gather [hbm4b:s25+s1], $0xC00, $0x38;
	[tilespmem:$0x7800] =	vst v63  }
0xb1: {  	_ =	swait.ge [sflag:s8], $0xC00  }
0xb2: {  	[sflag:s8] =	ssyncset.done $0x0  }
0xb3: {  	s16 =	simm.s32 $0x7040;
	[sflag:s8] =	ssyncadd.s32 $0xFFFFF400  }
0xb4: {  	v17 =	vld [tilespmem:s16+$0x30]  }
0xb5: {  	v18 =	vld [tilespmem:s16+$0xFFFFFFD0]  }
0xb6: {  	v19 =	vld [tilespmem:s16+$0xFFFFFFE0]  }
0xb7: {  	v20 =	vld [tilespmem:s16+$0xFFFFFFF0]  }
0xb8: {  	v21 =	vld [tilespmem:s16+$0x0]  }
0xb9: {  	v22 =	vld [tilespmem:s16+$0x10];
	v17 =	vadd.s32 v3, v17  }
0xba: {  	v18 =	vadd.s32 v3, v18  }
0xbb: {  	v19 =	vadd.s32 v3, v19  }
0xbc: {  	v23 =	vld [tilespmem:s16+$0x20];
	v20 =	vadd.s32 v3, v20  }
0xbd: {  	v25 =	vld [tilespmem:s16+$0xFFFFFFC0];
	v26 =	vadd.s32 v3, v21  }
0xbe: {  	v27 =	vadd.s32 v3, v22;
	v24 =	vld.idx.msk [tilespmem:v17+s1+$0x0], $0xffff  }
0xbf: {  	v21 =	vld.idx.msk [tilespmem:v18+s1+$0x0], $0xffff  }
0xc0: {  	v22 =	vld.idx.msk [tilespmem:v19+s1+$0x0], $0xffff  }
0xc1: {  	v20 =	vld.idx.msk [tilespmem:v20+s1+$0x0], $0xffff  }
0xc2: {  	v19 =	vld.idx.msk [tilespmem:v26+s1+$0x0], $0xffff  }
0xc3: {  	s17 =	simm.s32 $0x6070;
	s20 =	simm.s32 $0x0;
	s21 =	simm.s32 $0x70C0;
	v17 =	vadd.s32 v3, v23;
	v18 =	vadd.s32 v3, v25;
	v23 =	vld.idx.msk [tilespmem:v27+s1+$0x0], $0xffff  }
.LBB2_8:
0xc4: {  	v25 =	vld [tilespmem:s21+$0x30];
	s20 =	sadd.s32 $0x8, s20;
	[tilespmem:s17+$0x0] =	vst v24;
	s15 =	simm.s32 $0x60F0  }
0xc5: {  	v24 =	vld [tilespmem:s21+$0xFFFFFFD0];
	p0 =	slt.u32 s20, $0x78;
	[tilespmem:s17+$0xFFFFFFA0] =	vst v21  }
0xc6: {  	v21 =	vld [tilespmem:s21+$0xFFFFFFE0];
	[tilespmem:s17+$0xFFFFFFB0] =	vst v22  }
0xc7: {  	v22 =	vld [tilespmem:s21+$0xFFFFFFF0];
	[tilespmem:s17+$0xFFFFFFC0] =	vst v20  }
0xc8: {  	v20 =	vld [tilespmem:s21+$0x0];
	[tilespmem:s17+$0xFFFFFFD0] =	vst v19  }
0xc9: {  	v19 =	vld [tilespmem:s21+$0x10];
	v25 =	vadd.s32 v3, v25;
	[tilespmem:s17+$0xFFFFFFE0] =	vst v23  }
0xca: {  	v23 =	vadd.s32 v3, v24;
	v26 =	vld [tilespmem:s21+$0x20]  }
0xcb: {  	v27 =	vld [tilespmem:s21+$0xFFFFFFC0];
	v28 =	vadd.s32 v3, v21  }
0xcc: {  	v29 =	vadd.s32 v3, v22;
	v30 =	vld.idx.msk [tilespmem:v18+s1+$0x0], $0xffff  }
0xcd: {  	v31 =	vadd.s32 v3, v20;
	v32 =	vld.idx.msk [tilespmem:v17+s1+$0x0], $0xffff  }
0xce: {  	v33 =	vadd.s32 v3, v19;
	v24 =	vld.idx.msk [tilespmem:v25+s1+$0x0], $0xffff  }
.Ltmp3:
0xcf: {  	v21 =	vld.idx.msk [tilespmem:v23+s1+$0x0], $0xffff;
	v17 =	vadd.s32 v3, v26;
	(pc) =	sbr.rel @p0 .LBB2_8-.Ltmp3, $4  }
0xd0: {  	v18 =	vadd.s32 v3, v27;
	v22 =	vld.idx.msk [tilespmem:v28+s1+$0x0], $0xffff  }
0xd1: {  	v20 =	vld.idx.msk [tilespmem:v29+s1+$0x0], $0xffff  }
0xd2: {  	v19 =	vld.idx.msk [tilespmem:v31+s1+$0x0], $0xffff;
	[tilespmem:s17+$0xFFFFFF90] =	vst v30  }
0xd3: {  	s21 =	sadd.s32 $0x80, s21;
	v23 =	vld.idx.msk [tilespmem:v33+s1+$0x0], $0xffff;
	[tilespmem:s17+$0xFFFFFFF0] =	vst v32;
	s17 =	sadd.s32 $0x100, s17  }
0xd4: {  	_ =	sdelay $0x2  }
0xd5: {  	[tilespmem:s17+$0x0] =	vst v24  }
0xd6: {  	[tilespmem:s17+$0xFFFFFFA0] =	vst v21;
	v18 =	vld.idx.msk [tilespmem:v18+s1+$0x0], $0xffff  }
0xd7: {  	v17 =	vld.idx.msk [tilespmem:v17+s1+$0x0], $0xffff;
	[tilespmem:s17+$0xFFFFFFB0] =	vst v22  }
0xd8: {  	[tilespmem:s17+$0xFFFFFFC0] =	vst v20  }
0xd9: {  	[tilespmem:s17+$0xFFFFFFD0] =	vst v19  }
0xda: {  	[tilespmem:s17+$0xFFFFFFE0] =	vst v23  }
0xdb: {  	[tilespmem:s17+$0xFFFFFF90] =	vst v18  }
0xdc: {  	[tilespmem:s17+$0xFFFFFFF0] =	vst v17  }
0xdd: {  	v17 =	vld [tilespmem:s16+$0x30]  }
0xde: {  	v18 =	vld [tilespmem:s16+$0xFFFFFFD0]  }
0xdf: {  	v19 =	vld [tilespmem:s16+$0xFFFFFFE0]  }
0xe0: {  	v20 =	vld [tilespmem:s16+$0xFFFFFFF0]  }
0xe1: {  	v21 =	vld [tilespmem:s16+$0x0]  }
0xe2: {  	v22 =	vld [tilespmem:s16+$0x10];
	v17 =	vadd.s32 v4, v17  }
0xe3: {  	v18 =	vadd.s32 v4, v18  }
0xe4: {  	v19 =	vadd.s32 v4, v19  }
0xe5: {  	v25 =	vld [tilespmem:s16+$0x20];
	v20 =	vadd.s32 v4, v20  }
0xe6: {  	v26 =	vld [tilespmem:s16+$0xFFFFFFC0];
	v21 =	vadd.s32 v4, v21  }
0xe7: {  	v27 =	vadd.s32 v4, v22;
	v24 =	vld.idx.msk [tilespmem:v17+s1+$0x0], $0xffff  }
0xe8: {  	v22 =	vld.idx.msk [tilespmem:v18+s1+$0x0], $0xffff  }
0xe9: {  	v23 =	vld.idx.msk [tilespmem:v19+s1+$0x0], $0xffff  }
0xea: {  	v20 =	vld.idx.msk [tilespmem:v20+s1+$0x0], $0xffff  }
0xeb: {  	v19 =	vld.idx.msk [tilespmem:v21+s1+$0x0], $0xffff  }
0xec: {  	s17 =	simm.s32 $0x70C0;
	s16 =	simm.s32 $0x0;
	v17 =	vadd.s32 v4, v25;
	v18 =	vadd.s32 v4, v26;
	v21 =	vld.idx.msk [tilespmem:v27+s1+$0x0], $0xffff  }
.LBB2_10:
0xed: {  	v25 =	vld [tilespmem:s17+$0x30];
	s16 =	sadd.s32 $0x8, s16;
	[tilespmem:s15+$0x0] =	vst v24  }
0xee: {  	v24 =	vld [tilespmem:s17+$0xFFFFFFD0];
	p0 =	slt.u32 s16, $0x78;
	[tilespmem:s15+$0xFFFFFFA0] =	vst v22  }
0xef: {  	v22 =	vld [tilespmem:s17+$0xFFFFFFE0];
	[tilespmem:s15+$0xFFFFFFB0] =	vst v23  }
0xf0: {  	v23 =	vld [tilespmem:s17+$0xFFFFFFF0];
	[tilespmem:s15+$0xFFFFFFC0] =	vst v20  }
0xf1: {  	v20 =	vld [tilespmem:s17+$0x0];
	[tilespmem:s15+$0xFFFFFFD0] =	vst v19  }
0xf2: {  	v19 =	vld [tilespmem:s17+$0x10];
	v25 =	vadd.s32 v4, v25;
	[tilespmem:s15+$0xFFFFFFE0] =	vst v21  }
0xf3: {  	v21 =	vadd.s32 v4, v24;
	v26 =	vld [tilespmem:s17+$0x20]  }
0xf4: {  	v27 =	vld [tilespmem:s17+$0xFFFFFFC0];
	v28 =	vadd.s32 v4, v22  }
0xf5: {  	v29 =	vadd.s32 v4, v23;
	v30 =	vld.idx.msk [tilespmem:v18+s1+$0x0], $0xffff  }
0xf6: {  	v31 =	vadd.s32 v4, v20;
	v32 =	vld.idx.msk [tilespmem:v17+s1+$0x0], $0xffff  }
0xf7: {  	v33 =	vadd.s32 v4, v19;
	v24 =	vld.idx.msk [tilespmem:v25+s1+$0x0], $0xffff  }
.Ltmp4:
0xf8: {  	v22 =	vld.idx.msk [tilespmem:v21+s1+$0x0], $0xffff;
	v17 =	vadd.s32 v4, v26;
	(pc) =	sbr.rel @p0 .LBB2_10-.Ltmp4, $4  }
0xf9: {  	v18 =	vadd.s32 v4, v27;
	v23 =	vld.idx.msk [tilespmem:v28+s1+$0x0], $0xffff  }
0xfa: {  	v20 =	vld.idx.msk [tilespmem:v29+s1+$0x0], $0xffff  }
0xfb: {  	v19 =	vld.idx.msk [tilespmem:v31+s1+$0x0], $0xffff;
	[tilespmem:s15+$0xFFFFFF90] =	vst v30  }
0xfc: {  	s17 =	sadd.s32 $0x80, s17;
	v21 =	vld.idx.msk [tilespmem:v33+s1+$0x0], $0xffff;
	[tilespmem:s15+$0xFFFFFFF0] =	vst v32;
	s15 =	sadd.s32 $0x100, s15  }
0xfd: {  	_ =	sdelay $0x2  }
0xfe: {  	[tilespmem:s15+$0x0] =	vst v24  }
0xff: {  	[tilespmem:s15+$0xFFFFFFA0] =	vst v22;
	v18 =	vld.idx.msk [tilespmem:v18+s1+$0x0], $0xffff  }
0x100: {  	v17 =	vld.idx.msk [tilespmem:v17+s1+$0x0], $0xffff;
	[tilespmem:s15+$0xFFFFFFB0] =	vst v23  }
0x101: {  	[tilespmem:s15+$0xFFFFFFC0] =	vst v20  }
0x102: {  	[tilespmem:s15+$0xFFFFFFD0] =	vst v19  }
0x103: {  	[tilespmem:s15+$0xFFFFFFE0] =	vst v21  }
0x104: {  	[tilespmem:s15+$0xFFFFFF90] =	vst v18  }
0x105: {  	[tilespmem:s15+$0xFFFFFFF0] =	vst v17  }
0x106: {  	s15 =	rddreg [dreg:$0x9]  }
0x107: {  	[hbm4b:s15+s1] =	stream.linear.scatter [tilespmem:s11], [sflag:$0x3], $0x1000, $0x38;
	[tilespmem:$0x7800] =	vst v63  }
0x108: {  	_ = 	snop  }
0x109: {  	[tilespmem:s1], [sflag:$0x1] =	stream.linear.gather [hbm4b:s26+s1], $0xC00, $0x38;
	[tilespmem:$0x7800] =	vst v63  }
0x10a: {  	_ =	swait.ge [sflag:s8], $0xC00  }
0x10b: {  	[sflag:s8] =	ssyncset.done $0x0  }
0x10c: {  	[sflag:s8] =	ssyncadd.s32 $0xFFFFF400  }
0x10d: {  	_ =	swait.ge [sflag:s12], $0x1000  }
0x10e: {  	[sflag:s12] =	ssyncset.done $0x0  }
0x10f: {  	s15 =	simm.s32 $0x7040;
	[sflag:s12] =	ssyncadd.s32 $0xFFFFF000  }
0x110: {  	v17 =	vld [tilespmem:s15+$0x30]  }
0x111: {  	v18 =	vld [tilespmem:s15+$0xFFFFFFD0]  }
0x112: {  	v19 =	vld [tilespmem:s15+$0xFFFFFFE0]  }
0x113: {  	v20 =	vld [tilespmem:s15+$0xFFFFFFF0]  }
0x114: {  	v21 =	vld [tilespmem:s15+$0x0]  }
0x115: {  	v22 =	vld [tilespmem:s15+$0x10];
	v17 =	vadd.s32 v5, v17  }
0x116: {  	v18 =	vadd.s32 v5, v18  }
0x117: {  	v19 =	vadd.s32 v5, v19  }
0x118: {  	v23 =	vld [tilespmem:s15+$0x20];
	v20 =	vadd.s32 v5, v20  }
0x119: {  	v25 =	vld [tilespmem:s15+$0xFFFFFFC0];
	v26 =	vadd.s32 v5, v21  }
0x11a: {  	v27 =	vadd.s32 v5, v22;
	v24 =	vld.idx.msk [tilespmem:v17+s1+$0x0], $0xffff  }
0x11b: {  	v21 =	vld.idx.msk [tilespmem:v18+s1+$0x0], $0xffff  }
0x11c: {  	v22 =	vld.idx.msk [tilespmem:v19+s1+$0x0], $0xffff  }
0x11d: {  	v20 =	vld.idx.msk [tilespmem:v20+s1+$0x0], $0xffff  }
0x11e: {  	v19 =	vld.idx.msk [tilespmem:v26+s1+$0x0], $0xffff  }
0x11f: {  	s16 =	simm.s32 $0x5040;
	s17 =	simm.s32 $0x0;
	s20 =	simm.s32 $0x70C0;
	v17 =	vadd.s32 v5, v23;
	v18 =	vadd.s32 v5, v25;
	v23 =	vld.idx.msk [tilespmem:v27+s1+$0x0], $0xffff  }
.LBB2_12:
0x120: {  	v25 =	vld [tilespmem:s20+$0x30];
	s17 =	sadd.s32 $0x8, s17;
	[tilespmem:s16+$0x30] =	vst v24  }
0x121: {  	v24 =	vld [tilespmem:s20+$0xFFFFFFD0];
	p0 =	slt.u32 s17, $0x78;
	[tilespmem:s16+$0xFFFFFFD0] =	vst v21  }
0x122: {  	v21 =	vld [tilespmem:s20+$0xFFFFFFE0];
	[tilespmem:s16+$0xFFFFFFE0] =	vst v22  }
0x123: {  	v22 =	vld [tilespmem:s20+$0xFFFFFFF0];
	[tilespmem:s16+$0xFFFFFFF0] =	vst v20  }
0x124: {  	v20 =	vld [tilespmem:s20+$0x0];
	[tilespmem:s16+$0x0] =	vst v19  }
0x125: {  	v19 =	vld [tilespmem:s20+$0x10];
	v25 =	vadd.s32 v5, v25;
	[tilespmem:s16+$0x10] =	vst v23  }
0x126: {  	v23 =	vadd.s32 v5, v24;
	v26 =	vld [tilespmem:s20+$0x20]  }
0x127: {  	v27 =	vld [tilespmem:s20+$0xFFFFFFC0];
	v28 =	vadd.s32 v5, v21  }
0x128: {  	v29 =	vadd.s32 v5, v22;
	v30 =	vld.idx.msk [tilespmem:v18+s1+$0x0], $0xffff  }
0x129: {  	v31 =	vadd.s32 v5, v20;
	v32 =	vld.idx.msk [tilespmem:v17+s1+$0x0], $0xffff  }
0x12a: {  	v33 =	vadd.s32 v5, v19;
	v24 =	vld.idx.msk [tilespmem:v25+s1+$0x0], $0xffff  }
.Ltmp5:
0x12b: {  	v21 =	vld.idx.msk [tilespmem:v23+s1+$0x0], $0xffff;
	v17 =	vadd.s32 v5, v26;
	(pc) =	sbr.rel @p0 .LBB2_12-.Ltmp5, $4  }
0x12c: {  	v18 =	vadd.s32 v5, v27;
	v22 =	vld.idx.msk [tilespmem:v28+s1+$0x0], $0xffff  }
0x12d: {  	v20 =	vld.idx.msk [tilespmem:v29+s1+$0x0], $0xffff  }
0x12e: {  	v19 =	vld.idx.msk [tilespmem:v31+s1+$0x0], $0xffff;
	[tilespmem:s16+$0xFFFFFFC0] =	vst v30  }
0x12f: {  	s20 =	sadd.s32 $0x80, s20;
	v23 =	vld.idx.msk [tilespmem:v33+s1+$0x0], $0xffff;
	[tilespmem:s16+$0x20] =	vst v32;
	s16 =	sadd.s32 $0x100, s16  }
0x130: {  	_ =	sdelay $0x2  }
0x131: {  	[tilespmem:s16+$0x30] =	vst v24  }
0x132: {  	[tilespmem:s16+$0xFFFFFFD0] =	vst v21;
	v18 =	vld.idx.msk [tilespmem:v18+s1+$0x0], $0xffff  }
0x133: {  	v17 =	vld.idx.msk [tilespmem:v17+s1+$0x0], $0xffff;
	[tilespmem:s16+$0xFFFFFFE0] =	vst v22  }
0x134: {  	[tilespmem:s16+$0xFFFFFFF0] =	vst v20  }
0x135: {  	[tilespmem:s16+$0x0] =	vst v19  }
0x136: {  	[tilespmem:s16+$0x10] =	vst v23  }
0x137: {  	[tilespmem:s16+$0xFFFFFFC0] =	vst v18  }
0x138: {  	[tilespmem:s16+$0x20] =	vst v17  }
0x139: {  	v17 =	vld [tilespmem:s15+$0x30]  }
0x13a: {  	v18 =	vld [tilespmem:s15+$0xFFFFFFD0]  }
0x13b: {  	v19 =	vld [tilespmem:s15+$0xFFFFFFE0]  }
0x13c: {  	v20 =	vld [tilespmem:s15+$0xFFFFFFF0]  }
0x13d: {  	v21 =	vld [tilespmem:s15+$0x0]  }
0x13e: {  	v22 =	vld [tilespmem:s15+$0x10];
	v17 =	vadd.s32 v6, v17  }
0x13f: {  	v18 =	vadd.s32 v6, v18  }
0x140: {  	v19 =	vadd.s32 v6, v19  }
0x141: {  	v23 =	vld [tilespmem:s15+$0x20];
	v20 =	vadd.s32 v6, v20  }
0x142: {  	v25 =	vld [tilespmem:s15+$0xFFFFFFC0];
	v26 =	vadd.s32 v6, v21  }
0x143: {  	v27 =	vadd.s32 v6, v22;
	v24 =	vld.idx.msk [tilespmem:v17+s1+$0x0], $0xffff  }
0x144: {  	v21 =	vld.idx.msk [tilespmem:v18+s1+$0x0], $0xffff  }
0x145: {  	v22 =	vld.idx.msk [tilespmem:v19+s1+$0x0], $0xffff  }
0x146: {  	v20 =	vld.idx.msk [tilespmem:v20+s1+$0x0], $0xffff  }
0x147: {  	v19 =	vld.idx.msk [tilespmem:v26+s1+$0x0], $0xffff  }
0x148: {  	s17 =	simm.s32 $0x70C0;
	s16 =	simm.s32 $0x0;
	s15 =	simm.s32 $0x50F0;
	v17 =	vadd.s32 v6, v23;
	v18 =	vadd.s32 v6, v25;
	v23 =	vld.idx.msk [tilespmem:v27+s1+$0x0], $0xffff  }
.LBB2_14:
0x149: {  	v25 =	vld [tilespmem:s17+$0x30];
	s16 =	sadd.s32 $0x8, s16;
	[tilespmem:s15+$0x0] =	vst v24  }
0x14a: {  	v24 =	vld [tilespmem:s17+$0xFFFFFFD0];
	p0 =	slt.u32 s16, $0x78;
	[tilespmem:s15+$0xFFFFFFA0] =	vst v21  }
0x14b: {  	v21 =	vld [tilespmem:s17+$0xFFFFFFE0];
	[tilespmem:s15+$0xFFFFFFB0] =	vst v22  }
0x14c: {  	v22 =	vld [tilespmem:s17+$0xFFFFFFF0];
	[tilespmem:s15+$0xFFFFFFC0] =	vst v20  }
0x14d: {  	v20 =	vld [tilespmem:s17+$0x0];
	[tilespmem:s15+$0xFFFFFFD0] =	vst v19  }
0x14e: {  	v19 =	vld [tilespmem:s17+$0x10];
	v25 =	vadd.s32 v6, v25;
	[tilespmem:s15+$0xFFFFFFE0] =	vst v23  }
0x14f: {  	v23 =	vadd.s32 v6, v24;
	v26 =	vld [tilespmem:s17+$0x20]  }
0x150: {  	v27 =	vld [tilespmem:s17+$0xFFFFFFC0];
	v28 =	vadd.s32 v6, v21  }
0x151: {  	v29 =	vadd.s32 v6, v22;
	v30 =	vld.idx.msk [tilespmem:v18+s1+$0x0], $0xffff  }
0x152: {  	v31 =	vadd.s32 v6, v20;
	v32 =	vld.idx.msk [tilespmem:v17+s1+$0x0], $0xffff  }
0x153: {  	v33 =	vadd.s32 v6, v19;
	v24 =	vld.idx.msk [tilespmem:v25+s1+$0x0], $0xffff  }
.Ltmp6:
0x154: {  	v21 =	vld.idx.msk [tilespmem:v23+s1+$0x0], $0xffff;
	v17 =	vadd.s32 v6, v26;
	(pc) =	sbr.rel @p0 .LBB2_14-.Ltmp6, $4  }
0x155: {  	v18 =	vadd.s32 v6, v27;
	v22 =	vld.idx.msk [tilespmem:v28+s1+$0x0], $0xffff  }
0x156: {  	v20 =	vld.idx.msk [tilespmem:v29+s1+$0x0], $0xffff  }
0x157: {  	v19 =	vld.idx.msk [tilespmem:v31+s1+$0x0], $0xffff;
	[tilespmem:s15+$0xFFFFFF90] =	vst v30  }
0x158: {  	s17 =	sadd.s32 $0x80, s17;
	v23 =	vld.idx.msk [tilespmem:v33+s1+$0x0], $0xffff;
	[tilespmem:s15+$0xFFFFFFF0] =	vst v32;
	s15 =	sadd.s32 $0x100, s15  }
0x159: {  	_ =	sdelay $0x2  }
0x15a: {  	[tilespmem:s15+$0x0] =	vst v24  }
0x15b: {  	[tilespmem:s15+$0xFFFFFFA0] =	vst v21;
	v18 =	vld.idx.msk [tilespmem:v18+s1+$0x0], $0xffff  }
0x15c: {  	v17 =	vld.idx.msk [tilespmem:v17+s1+$0x0], $0xffff;
	[tilespmem:s15+$0xFFFFFFB0] =	vst v22  }
0x15d: {  	[tilespmem:s15+$0xFFFFFFC0] =	vst v20  }
0x15e: {  	[tilespmem:s15+$0xFFFFFFD0] =	vst v19  }
0x15f: {  	[tilespmem:s15+$0xFFFFFFE0] =	vst v23  }
0x160: {  	[tilespmem:s15+$0xFFFFFF90] =	vst v18  }
0x161: {  	[tilespmem:s15+$0xFFFFFFF0] =	vst v17  }
0x162: {  	s15 =	rddreg [dreg:$0xa]  }
0x163: {  	[hbm4b:s15+s1] =	stream.linear.scatter [tilespmem:s9], [sflag:$0x2], $0x1000, $0x38;
	[tilespmem:$0x7800] =	vst v63  }
0x164: {  	_ = 	snop  }
0x165: {  	[tilespmem:s6], [sflag:$0x1] =	stream.linear.gather [hbm4b:s28+s1], $0xC00, $0x38;
	[tilespmem:$0x7800] =	vst v63  }
0x166: {  	_ =	swait.ge [sflag:s8], $0xC00  }
0x167: {  	[sflag:s8] =	ssyncset.done $0x0  }
0x168: {  	[sflag:s8] =	ssyncadd.s32 $0xFFFFF400  }
0x169: {  	_ =	swait.ge [sflag:s13], $0x1000  }
0x16a: {  	[sflag:s13] =	ssyncset.done $0x0  }
0x16b: {  	s15 =	simm.s32 $0x7040;
	[sflag:s13] =	ssyncadd.s32 $0xFFFFF000  }
0x16c: {  	v17 =	vld [tilespmem:s15+$0x30]  }
0x16d: {  	v18 =	vld [tilespmem:s15+$0xFFFFFFD0]  }
0x16e: {  	v19 =	vld [tilespmem:s15+$0xFFFFFFE0]  }
0x16f: {  	v20 =	vld [tilespmem:s15+$0xFFFFFFF0]  }
0x170: {  	v21 =	vld [tilespmem:s15+$0x0]  }
0x171: {  	v22 =	vld [tilespmem:s15+$0x10];
	v17 =	vadd.s32 v7, v17  }
0x172: {  	v18 =	vadd.s32 v7, v18  }
0x173: {  	v19 =	vadd.s32 v7, v19  }
0x174: {  	v23 =	vld [tilespmem:s15+$0x20];
	v20 =	vadd.s32 v7, v20  }
0x175: {  	v25 =	vld [tilespmem:s15+$0xFFFFFFC0];
	v26 =	vadd.s32 v7, v21  }
0x176: {  	v27 =	vadd.s32 v7, v22;
	v24 =	vld.idx.msk [tilespmem:v17+s1+$0x0], $0xffff  }
0x177: {  	v21 =	vld.idx.msk [tilespmem:v18+s1+$0x0], $0xffff  }
0x178: {  	v22 =	vld.idx.msk [tilespmem:v19+s1+$0x0], $0xffff  }
0x179: {  	v20 =	vld.idx.msk [tilespmem:v20+s1+$0x0], $0xffff  }
0x17a: {  	v19 =	vld.idx.msk [tilespmem:v26+s1+$0x0], $0xffff  }
0x17b: {  	s16 =	simm.s32 $0x6070;
	s17 =	simm.s32 $0x0;
	s20 =	simm.s32 $0x70C0;
	v17 =	vadd.s32 v7, v23;
	v18 =	vadd.s32 v7, v25;
	v23 =	vld.idx.msk [tilespmem:v27+s1+$0x0], $0xffff  }
.LBB2_16:
0x17c: {  	v25 =	vld [tilespmem:s20+$0x30];
	s17 =	sadd.s32 $0x8, s17;
	[tilespmem:s16+$0x0] =	vst v24  }
0x17d: {  	v24 =	vld [tilespmem:s20+$0xFFFFFFD0];
	p0 =	slt.u32 s17, $0x78;
	[tilespmem:s16+$0xFFFFFFA0] =	vst v21  }
0x17e: {  	v21 =	vld [tilespmem:s20+$0xFFFFFFE0];
	[tilespmem:s16+$0xFFFFFFB0] =	vst v22  }
0x17f: {  	v22 =	vld [tilespmem:s20+$0xFFFFFFF0];
	[tilespmem:s16+$0xFFFFFFC0] =	vst v20  }
0x180: {  	v20 =	vld [tilespmem:s20+$0x0];
	[tilespmem:s16+$0xFFFFFFD0] =	vst v19  }
0x181: {  	v19 =	vld [tilespmem:s20+$0x10];
	v25 =	vadd.s32 v7, v25;
	[tilespmem:s16+$0xFFFFFFE0] =	vst v23  }
0x182: {  	v23 =	vadd.s32 v7, v24;
	v26 =	vld [tilespmem:s20+$0x20]  }
0x183: {  	v27 =	vld [tilespmem:s20+$0xFFFFFFC0];
	v28 =	vadd.s32 v7, v21  }
0x184: {  	v29 =	vadd.s32 v7, v22;
	v30 =	vld.idx.msk [tilespmem:v18+s1+$0x0], $0xffff  }
0x185: {  	v31 =	vadd.s32 v7, v20;
	v32 =	vld.idx.msk [tilespmem:v17+s1+$0x0], $0xffff  }
0x186: {  	v33 =	vadd.s32 v7, v19;
	v24 =	vld.idx.msk [tilespmem:v25+s1+$0x0], $0xffff  }
.Ltmp7:
0x187: {  	v21 =	vld.idx.msk [tilespmem:v23+s1+$0x0], $0xffff;
	v17 =	vadd.s32 v7, v26;
	(pc) =	sbr.rel @p0 .LBB2_16-.Ltmp7, $4  }
0x188: {  	v18 =	vadd.s32 v7, v27;
	v22 =	vld.idx.msk [tilespmem:v28+s1+$0x0], $0xffff  }
0x189: {  	v20 =	vld.idx.msk [tilespmem:v29+s1+$0x0], $0xffff  }
0x18a: {  	v19 =	vld.idx.msk [tilespmem:v31+s1+$0x0], $0xffff;
	[tilespmem:s16+$0xFFFFFF90] =	vst v30  }
0x18b: {  	s20 =	sadd.s32 $0x80, s20;
	v23 =	vld.idx.msk [tilespmem:v33+s1+$0x0], $0xffff;
	[tilespmem:s16+$0xFFFFFFF0] =	vst v32;
	s16 =	sadd.s32 $0x100, s16  }
0x18c: {  	_ =	sdelay $0x2  }
0x18d: {  	[tilespmem:s16+$0x0] =	vst v24  }
0x18e: {  	[tilespmem:s16+$0xFFFFFFA0] =	vst v21;
	v18 =	vld.idx.msk [tilespmem:v18+s1+$0x0], $0xffff  }
0x18f: {  	v17 =	vld.idx.msk [tilespmem:v17+s1+$0x0], $0xffff;
	[tilespmem:s16+$0xFFFFFFB0] =	vst v22  }
0x190: {  	[tilespmem:s16+$0xFFFFFFC0] =	vst v20  }
0x191: {  	[tilespmem:s16+$0xFFFFFFD0] =	vst v19  }
0x192: {  	[tilespmem:s16+$0xFFFFFFE0] =	vst v23  }
0x193: {  	[tilespmem:s16+$0xFFFFFF90] =	vst v18  }
0x194: {  	[tilespmem:s16+$0xFFFFFFF0] =	vst v17  }
0x195: {  	v17 =	vld [tilespmem:s15+$0x30]  }
0x196: {  	v18 =	vld [tilespmem:s15+$0xFFFFFFD0]  }
0x197: {  	v19 =	vld [tilespmem:s15+$0xFFFFFFE0]  }
0x198: {  	v20 =	vld [tilespmem:s15+$0xFFFFFFF0]  }
0x199: {  	v21 =	vld [tilespmem:s15+$0x0]  }
0x19a: {  	v22 =	vld [tilespmem:s15+$0x10];
	v17 =	vadd.s32 v8, v17  }
0x19b: {  	v18 =	vadd.s32 v8, v18  }
0x19c: {  	v19 =	vadd.s32 v8, v19  }
0x19d: {  	v23 =	vld [tilespmem:s15+$0x20];
	v20 =	vadd.s32 v8, v20  }
0x19e: {  	v25 =	vld [tilespmem:s15+$0xFFFFFFC0];
	v26 =	vadd.s32 v8, v21  }
0x19f: {  	v27 =	vadd.s32 v8, v22;
	v24 =	vld.idx.msk [tilespmem:v17+s1+$0x0], $0xffff  }
0x1a0: {  	v21 =	vld.idx.msk [tilespmem:v18+s1+$0x0], $0xffff  }
0x1a1: {  	v22 =	vld.idx.msk [tilespmem:v19+s1+$0x0], $0xffff  }
0x1a2: {  	v20 =	vld.idx.msk [tilespmem:v20+s1+$0x0], $0xffff  }
0x1a3: {  	v19 =	vld.idx.msk [tilespmem:v26+s1+$0x0], $0xffff  }
0x1a4: {  	s17 =	simm.s32 $0x70C0;
	s16 =	simm.s32 $0x0;
	s15 =	simm.s32 $0x60F0;
	v17 =	vadd.s32 v8, v23;
	v18 =	vadd.s32 v8, v25;
	v23 =	vld.idx.msk [tilespmem:v27+s1+$0x0], $0xffff  }
.LBB2_18:
0x1a5: {  	v25 =	vld [tilespmem:s17+$0x30];
	s16 =	sadd.s32 $0x8, s16;
	[tilespmem:s15+$0x0] =	vst v24  }
0x1a6: {  	v24 =	vld [tilespmem:s17+$0xFFFFFFD0];
	p0 =	slt.u32 s16, $0x78;
	[tilespmem:s15+$0xFFFFFFA0] =	vst v21  }
0x1a7: {  	v21 =	vld [tilespmem:s17+$0xFFFFFFE0];
	[tilespmem:s15+$0xFFFFFFB0] =	vst v22  }
0x1a8: {  	v22 =	vld [tilespmem:s17+$0xFFFFFFF0];
	[tilespmem:s15+$0xFFFFFFC0] =	vst v20  }
0x1a9: {  	v20 =	vld [tilespmem:s17+$0x0];
	[tilespmem:s15+$0xFFFFFFD0] =	vst v19  }
0x1aa: {  	v19 =	vld [tilespmem:s17+$0x10];
	v25 =	vadd.s32 v8, v25;
	[tilespmem:s15+$0xFFFFFFE0] =	vst v23  }
0x1ab: {  	v23 =	vadd.s32 v8, v24;
	v26 =	vld [tilespmem:s17+$0x20]  }
0x1ac: {  	v27 =	vld [tilespmem:s17+$0xFFFFFFC0];
	v28 =	vadd.s32 v8, v21  }
0x1ad: {  	v29 =	vadd.s32 v8, v22;
	v30 =	vld.idx.msk [tilespmem:v18+s1+$0x0], $0xffff  }
0x1ae: {  	v31 =	vadd.s32 v8, v20;
	v32 =	vld.idx.msk [tilespmem:v17+s1+$0x0], $0xffff  }
0x1af: {  	v33 =	vadd.s32 v8, v19;
	v24 =	vld.idx.msk [tilespmem:v25+s1+$0x0], $0xffff  }
.Ltmp8:
0x1b0: {  	v21 =	vld.idx.msk [tilespmem:v23+s1+$0x0], $0xffff;
	v17 =	vadd.s32 v8, v26;
	(pc) =	sbr.rel @p0 .LBB2_18-.Ltmp8, $4  }
0x1b1: {  	v18 =	vadd.s32 v8, v27;
	v22 =	vld.idx.msk [tilespmem:v28+s1+$0x0], $0xffff  }
0x1b2: {  	v20 =	vld.idx.msk [tilespmem:v29+s1+$0x0], $0xffff  }
0x1b3: {  	v19 =	vld.idx.msk [tilespmem:v31+s1+$0x0], $0xffff;
	[tilespmem:s15+$0xFFFFFF90] =	vst v30  }
0x1b4: {  	s17 =	sadd.s32 $0x80, s17;
	v23 =	vld.idx.msk [tilespmem:v33+s1+$0x0], $0xffff;
	[tilespmem:s15+$0xFFFFFFF0] =	vst v32;
	s15 =	sadd.s32 $0x100, s15  }
0x1b5: {  	_ =	sdelay $0x2  }
0x1b6: {  	[tilespmem:s15+$0x0] =	vst v24  }
0x1b7: {  	[tilespmem:s15+$0xFFFFFFA0] =	vst v21;
	v18 =	vld.idx.msk [tilespmem:v18+s1+$0x0], $0xffff  }
0x1b8: {  	v17 =	vld.idx.msk [tilespmem:v17+s1+$0x0], $0xffff;
	[tilespmem:s15+$0xFFFFFFB0] =	vst v22  }
0x1b9: {  	[tilespmem:s15+$0xFFFFFFC0] =	vst v20  }
0x1ba: {  	[tilespmem:s15+$0xFFFFFFD0] =	vst v19  }
0x1bb: {  	[tilespmem:s15+$0xFFFFFFE0] =	vst v23  }
0x1bc: {  	[tilespmem:s15+$0xFFFFFF90] =	vst v18  }
0x1bd: {  	[tilespmem:s15+$0xFFFFFFF0] =	vst v17  }
0x1be: {  	s15 =	rddreg [dreg:$0xb]  }
0x1bf: {  	[hbm4b:s15+s1] =	stream.linear.scatter [tilespmem:s11], [sflag:$0x3], $0x1000, $0x38;
	[tilespmem:$0x7800] =	vst v63  }
0x1c0: {  	s22 =	rddreg [dreg:$0x7]  }
0x1c1: {  	[tilespmem:s7], [sflag:$0x1] =	stream.linear.gather [hbm4b:s22+s1], $0xC00, $0x38;
	[tilespmem:$0x7800] =	vst v63  }
0x1c2: {  	_ =	swait.ge [sflag:s8], $0xC00  }
0x1c3: {  	[sflag:s8] =	ssyncset.done $0x0  }
0x1c4: {  	[sflag:s8] =	ssyncadd.s32 $0xFFFFF400  }
0x1c5: {  	_ =	swait.ge [sflag:s12], $0x1000  }
0x1c6: {  	[sflag:s12] =	ssyncset.done $0x0  }
0x1c7: {  	s15 =	simm.s32 $0x7040;
	[sflag:s12] =	ssyncadd.s32 $0xFFFFF000  }
0x1c8: {  	v17 =	vld [tilespmem:s15+$0x30]  }
0x1c9: {  	v18 =	vld [tilespmem:s15+$0xFFFFFFD0]  }
0x1ca: {  	v19 =	vld [tilespmem:s15+$0xFFFFFFE0]  }
0x1cb: {  	v20 =	vld [tilespmem:s15+$0xFFFFFFF0]  }
0x1cc: {  	v21 =	vld [tilespmem:s15+$0x0]  }
0x1cd: {  	v22 =	vld [tilespmem:s15+$0x10];
	v17 =	vadd.s32 v9, v17  }
0x1ce: {  	v18 =	vadd.s32 v9, v18  }
0x1cf: {  	v19 =	vadd.s32 v9, v19  }
0x1d0: {  	v23 =	vld [tilespmem:s15+$0x20];
	v20 =	vadd.s32 v9, v20  }
0x1d1: {  	v25 =	vld [tilespmem:s15+$0xFFFFFFC0];
	v26 =	vadd.s32 v9, v21  }
0x1d2: {  	v27 =	vadd.s32 v9, v22;
	v24 =	vld.idx.msk [tilespmem:v17+s1+$0x0], $0xffff  }
0x1d3: {  	v21 =	vld.idx.msk [tilespmem:v18+s1+$0x0], $0xffff  }
0x1d4: {  	v22 =	vld.idx.msk [tilespmem:v19+s1+$0x0], $0xffff  }
0x1d5: {  	v20 =	vld.idx.msk [tilespmem:v20+s1+$0x0], $0xffff  }
0x1d6: {  	v19 =	vld.idx.msk [tilespmem:v26+s1+$0x0], $0xffff  }
0x1d7: {  	s16 =	simm.s32 $0x5040;
	s17 =	simm.s32 $0x0;
	s20 =	simm.s32 $0x70C0;
	v17 =	vadd.s32 v9, v23;
	v18 =	vadd.s32 v9, v25;
	v23 =	vld.idx.msk [tilespmem:v27+s1+$0x0], $0xffff  }
.LBB2_20:
0x1d8: {  	v25 =	vld [tilespmem:s20+$0x30];
	s17 =	sadd.s32 $0x8, s17;
	[tilespmem:s16+$0x30] =	vst v24  }
0x1d9: {  	v24 =	vld [tilespmem:s20+$0xFFFFFFD0];
	p0 =	slt.u32 s17, $0x78;
	[tilespmem:s16+$0xFFFFFFD0] =	vst v21  }
0x1da: {  	v21 =	vld [tilespmem:s20+$0xFFFFFFE0];
	[tilespmem:s16+$0xFFFFFFE0] =	vst v22  }
0x1db: {  	v22 =	vld [tilespmem:s20+$0xFFFFFFF0];
	[tilespmem:s16+$0xFFFFFFF0] =	vst v20  }
0x1dc: {  	v20 =	vld [tilespmem:s20+$0x0];
	[tilespmem:s16+$0x0] =	vst v19  }
0x1dd: {  	v19 =	vld [tilespmem:s20+$0x10];
	v25 =	vadd.s32 v9, v25;
	[tilespmem:s16+$0x10] =	vst v23  }
0x1de: {  	v23 =	vadd.s32 v9, v24;
	v26 =	vld [tilespmem:s20+$0x20]  }
0x1df: {  	v27 =	vld [tilespmem:s20+$0xFFFFFFC0];
	v28 =	vadd.s32 v9, v21  }
0x1e0: {  	v29 =	vadd.s32 v9, v22;
	v30 =	vld.idx.msk [tilespmem:v18+s1+$0x0], $0xffff  }
0x1e1: {  	v31 =	vadd.s32 v9, v20;
	v32 =	vld.idx.msk [tilespmem:v17+s1+$0x0], $0xffff  }
0x1e2: {  	v33 =	vadd.s32 v9, v19;
	v24 =	vld.idx.msk [tilespmem:v25+s1+$0x0], $0xffff  }
.Ltmp9:
0x1e3: {  	v21 =	vld.idx.msk [tilespmem:v23+s1+$0x0], $0xffff;
	v17 =	vadd.s32 v9, v26;
	(pc) =	sbr.rel @p0 .LBB2_20-.Ltmp9, $4  }
0x1e4: {  	v18 =	vadd.s32 v9, v27;
	v22 =	vld.idx.msk [tilespmem:v28+s1+$0x0], $0xffff  }
0x1e5: {  	v20 =	vld.idx.msk [tilespmem:v29+s1+$0x0], $0xffff  }
0x1e6: {  	v19 =	vld.idx.msk [tilespmem:v31+s1+$0x0], $0xffff;
	[tilespmem:s16+$0xFFFFFFC0] =	vst v30  }
0x1e7: {  	s20 =	sadd.s32 $0x80, s20;
	v23 =	vld.idx.msk [tilespmem:v33+s1+$0x0], $0xffff;
	[tilespmem:s16+$0x20] =	vst v32;
	s16 =	sadd.s32 $0x100, s16  }
0x1e8: {  	_ =	sdelay $0x2  }
0x1e9: {  	[tilespmem:s16+$0x30] =	vst v24  }
0x1ea: {  	[tilespmem:s16+$0xFFFFFFD0] =	vst v21;
	v18 =	vld.idx.msk [tilespmem:v18+s1+$0x0], $0xffff  }
0x1eb: {  	v17 =	vld.idx.msk [tilespmem:v17+s1+$0x0], $0xffff;
	[tilespmem:s16+$0xFFFFFFE0] =	vst v22  }
0x1ec: {  	[tilespmem:s16+$0xFFFFFFF0] =	vst v20  }
0x1ed: {  	[tilespmem:s16+$0x0] =	vst v19  }
0x1ee: {  	[tilespmem:s16+$0x10] =	vst v23  }
0x1ef: {  	[tilespmem:s16+$0xFFFFFFC0] =	vst v18  }
0x1f0: {  	[tilespmem:s16+$0x20] =	vst v17  }
0x1f1: {  	v17 =	vld [tilespmem:s15+$0x30]  }
0x1f2: {  	v18 =	vld [tilespmem:s15+$0xFFFFFFD0]  }
0x1f3: {  	v19 =	vld [tilespmem:s15+$0xFFFFFFE0]  }
0x1f4: {  	v20 =	vld [tilespmem:s15+$0xFFFFFFF0]  }
0x1f5: {  	v21 =	vld [tilespmem:s15+$0x0]  }
0x1f6: {  	v22 =	vld [tilespmem:s15+$0x10];
	v17 =	vadd.s32 v10, v17  }
0x1f7: {  	v18 =	vadd.s32 v10, v18  }
0x1f8: {  	v19 =	vadd.s32 v10, v19  }
0x1f9: {  	v23 =	vld [tilespmem:s15+$0x20];
	v20 =	vadd.s32 v10, v20  }
0x1fa: {  	v25 =	vld [tilespmem:s15+$0xFFFFFFC0];
	v26 =	vadd.s32 v10, v21  }
0x1fb: {  	v27 =	vadd.s32 v10, v22;
	v24 =	vld.idx.msk [tilespmem:v17+s1+$0x0], $0xffff  }
0x1fc: {  	v21 =	vld.idx.msk [tilespmem:v18+s1+$0x0], $0xffff  }
0x1fd: {  	v22 =	vld.idx.msk [tilespmem:v19+s1+$0x0], $0xffff  }
0x1fe: {  	v20 =	vld.idx.msk [tilespmem:v20+s1+$0x0], $0xffff  }
0x1ff: {  	v19 =	vld.idx.msk [tilespmem:v26+s1+$0x0], $0xffff  }
0x200: {  	s17 =	simm.s32 $0x70C0;
	s16 =	simm.s32 $0x0;
	s15 =	simm.s32 $0x50F0;
	v17 =	vadd.s32 v10, v23;
	v18 =	vadd.s32 v10, v25;
	v23 =	vld.idx.msk [tilespmem:v27+s1+$0x0], $0xffff  }
.LBB2_22:
0x201: {  	v25 =	vld [tilespmem:s17+$0x30];
	s16 =	sadd.s32 $0x8, s16;
	[tilespmem:s15+$0x0] =	vst v24  }
0x202: {  	v24 =	vld [tilespmem:s17+$0xFFFFFFD0];
	p0 =	slt.u32 s16, $0x78;
	[tilespmem:s15+$0xFFFFFFA0] =	vst v21  }
0x203: {  	v21 =	vld [tilespmem:s17+$0xFFFFFFE0];
	[tilespmem:s15+$0xFFFFFFB0] =	vst v22  }
0x204: {  	v22 =	vld [tilespmem:s17+$0xFFFFFFF0];
	[tilespmem:s15+$0xFFFFFFC0] =	vst v20  }
0x205: {  	v20 =	vld [tilespmem:s17+$0x0];
	[tilespmem:s15+$0xFFFFFFD0] =	vst v19  }
0x206: {  	v19 =	vld [tilespmem:s17+$0x10];
	v25 =	vadd.s32 v10, v25;
	[tilespmem:s15+$0xFFFFFFE0] =	vst v23  }
0x207: {  	v23 =	vadd.s32 v10, v24;
	v26 =	vld [tilespmem:s17+$0x20]  }
0x208: {  	v27 =	vld [tilespmem:s17+$0xFFFFFFC0];
	v28 =	vadd.s32 v10, v21  }
0x209: {  	v29 =	vadd.s32 v10, v22;
	v30 =	vld.idx.msk [tilespmem:v18+s1+$0x0], $0xffff  }
0x20a: {  	v31 =	vadd.s32 v10, v20;
	v32 =	vld.idx.msk [tilespmem:v17+s1+$0x0], $0xffff  }
0x20b: {  	v33 =	vadd.s32 v10, v19;
	v24 =	vld.idx.msk [tilespmem:v25+s1+$0x0], $0xffff  }
.Ltmp10:
0x20c: {  	v21 =	vld.idx.msk [tilespmem:v23+s1+$0x0], $0xffff;
	v17 =	vadd.s32 v10, v26;
	(pc) =	sbr.rel @p0 .LBB2_22-.Ltmp10, $4  }
0x20d: {  	v18 =	vadd.s32 v10, v27;
	v22 =	vld.idx.msk [tilespmem:v28+s1+$0x0], $0xffff  }
0x20e: {  	v20 =	vld.idx.msk [tilespmem:v29+s1+$0x0], $0xffff  }
0x20f: {  	v19 =	vld.idx.msk [tilespmem:v31+s1+$0x0], $0xffff;
	[tilespmem:s15+$0xFFFFFF90] =	vst v30  }
0x210: {  	s17 =	sadd.s32 $0x80, s17;
	v23 =	vld.idx.msk [tilespmem:v33+s1+$0x0], $0xffff;
	[tilespmem:s15+$0xFFFFFFF0] =	vst v32;
	s15 =	sadd.s32 $0x100, s15  }
0x211: {  	_ =	sdelay $0x2  }
0x212: {  	[tilespmem:s15+$0x0] =	vst v24  }
0x213: {  	[tilespmem:s15+$0xFFFFFFA0] =	vst v21;
	v18 =	vld.idx.msk [tilespmem:v18+s1+$0x0], $0xffff  }
0x214: {  	v17 =	vld.idx.msk [tilespmem:v17+s1+$0x0], $0xffff;
	[tilespmem:s15+$0xFFFFFFB0] =	vst v22  }
0x215: {  	[tilespmem:s15+$0xFFFFFFC0] =	vst v20  }
0x216: {  	[tilespmem:s15+$0xFFFFFFD0] =	vst v19  }
0x217: {  	[tilespmem:s15+$0xFFFFFFE0] =	vst v23  }
0x218: {  	[tilespmem:s15+$0xFFFFFF90] =	vst v18  }
0x219: {  	[tilespmem:s15+$0xFFFFFFF0] =	vst v17  }
0x21a: {  	s15 =	rddreg [dreg:$0xc]  }
0x21b: {  	[hbm4b:s15+s1] =	stream.linear.scatter [tilespmem:s9], [sflag:$0x2], $0x1000, $0x38;
	[tilespmem:$0x7800] =	vst v63  }
0x21c: {  	_ = 	snop  }
0x21d: {  	[tilespmem:s10], [sflag:$0x1] =	stream.linear.gather [hbm4b:s29+s1], $0xC00, $0x38;
	[tilespmem:$0x7800] =	vst v63  }
0x21e: {  	_ =	swait.ge [sflag:s8], $0xC00  }
0x21f: {  	[sflag:s8] =	ssyncset.done $0x0  }
0x220: {  	[sflag:s8] =	ssyncadd.s32 $0xFFFFF400  }
0x221: {  	_ =	swait.ge [sflag:s13], $0x1000  }
0x222: {  	[sflag:s13] =	ssyncset.done $0x0  }
0x223: {  	s15 =	simm.s32 $0x7040;
	[sflag:s13] =	ssyncadd.s32 $0xFFFFF000  }
0x224: {  	v17 =	vld [tilespmem:s15+$0x30]  }
0x225: {  	v18 =	vld [tilespmem:s15+$0xFFFFFFD0]  }
0x226: {  	v19 =	vld [tilespmem:s15+$0xFFFFFFE0]  }
0x227: {  	v20 =	vld [tilespmem:s15+$0xFFFFFFF0]  }
0x228: {  	v21 =	vld [tilespmem:s15+$0x0]  }
0x229: {  	v22 =	vld [tilespmem:s15+$0x10];
	v17 =	vadd.s32 v11, v17  }
0x22a: {  	v18 =	vadd.s32 v11, v18  }
0x22b: {  	v19 =	vadd.s32 v11, v19  }
0x22c: {  	v23 =	vld [tilespmem:s15+$0x20];
	v20 =	vadd.s32 v11, v20  }
0x22d: {  	v25 =	vld [tilespmem:s15+$0xFFFFFFC0];
	v26 =	vadd.s32 v11, v21  }
0x22e: {  	v27 =	vadd.s32 v11, v22;
	v24 =	vld.idx.msk [tilespmem:v17+s1+$0x0], $0xffff  }
0x22f: {  	v21 =	vld.idx.msk [tilespmem:v18+s1+$0x0], $0xffff  }
0x230: {  	v22 =	vld.idx.msk [tilespmem:v19+s1+$0x0], $0xffff  }
0x231: {  	v20 =	vld.idx.msk [tilespmem:v20+s1+$0x0], $0xffff  }
0x232: {  	v19 =	vld.idx.msk [tilespmem:v26+s1+$0x0], $0xffff  }
0x233: {  	s16 =	simm.s32 $0x6070;
	s17 =	simm.s32 $0x0;
	s20 =	simm.s32 $0x70C0;
	v17 =	vadd.s32 v11, v23;
	v18 =	vadd.s32 v11, v25;
	v23 =	vld.idx.msk [tilespmem:v27+s1+$0x0], $0xffff  }
.LBB2_24:
0x234: {  	v25 =	vld [tilespmem:s20+$0x30];
	s17 =	sadd.s32 $0x8, s17;
	[tilespmem:s16+$0x0] =	vst v24  }
0x235: {  	v24 =	vld [tilespmem:s20+$0xFFFFFFD0];
	p0 =	slt.u32 s17, $0x78;
	[tilespmem:s16+$0xFFFFFFA0] =	vst v21  }
0x236: {  	v21 =	vld [tilespmem:s20+$0xFFFFFFE0];
	[tilespmem:s16+$0xFFFFFFB0] =	vst v22  }
0x237: {  	v22 =	vld [tilespmem:s20+$0xFFFFFFF0];
	[tilespmem:s16+$0xFFFFFFC0] =	vst v20  }
0x238: {  	v20 =	vld [tilespmem:s20+$0x0];
	[tilespmem:s16+$0xFFFFFFD0] =	vst v19  }
0x239: {  	v19 =	vld [tilespmem:s20+$0x10];
	v25 =	vadd.s32 v11, v25;
	[tilespmem:s16+$0xFFFFFFE0] =	vst v23  }
0x23a: {  	v23 =	vadd.s32 v11, v24;
	v26 =	vld [tilespmem:s20+$0x20]  }
0x23b: {  	v27 =	vld [tilespmem:s20+$0xFFFFFFC0];
	v28 =	vadd.s32 v11, v21  }
0x23c: {  	v29 =	vadd.s32 v11, v22;
	v30 =	vld.idx.msk [tilespmem:v18+s1+$0x0], $0xffff  }
0x23d: {  	v31 =	vadd.s32 v11, v20;
	v32 =	vld.idx.msk [tilespmem:v17+s1+$0x0], $0xffff  }
0x23e: {  	v33 =	vadd.s32 v11, v19;
	v24 =	vld.idx.msk [tilespmem:v25+s1+$0x0], $0xffff  }
.Ltmp11:
0x23f: {  	v21 =	vld.idx.msk [tilespmem:v23+s1+$0x0], $0xffff;
	v17 =	vadd.s32 v11, v26;
	(pc) =	sbr.rel @p0 .LBB2_24-.Ltmp11, $4  }
0x240: {  	v18 =	vadd.s32 v11, v27;
	v22 =	vld.idx.msk [tilespmem:v28+s1+$0x0], $0xffff  }
0x241: {  	v20 =	vld.idx.msk [tilespmem:v29+s1+$0x0], $0xffff  }
0x242: {  	v19 =	vld.idx.msk [tilespmem:v31+s1+$0x0], $0xffff;
	[tilespmem:s16+$0xFFFFFF90] =	vst v30  }
0x243: {  	s20 =	sadd.s32 $0x80, s20;
	v23 =	vld.idx.msk [tilespmem:v33+s1+$0x0], $0xffff;
	[tilespmem:s16+$0xFFFFFFF0] =	vst v32;
	s16 =	sadd.s32 $0x100, s16  }
0x244: {  	_ =	sdelay $0x2  }
0x245: {  	[tilespmem:s16+$0x0] =	vst v24  }
0x246: {  	[tilespmem:s16+$0xFFFFFFA0] =	vst v21;
	v18 =	vld.idx.msk [tilespmem:v18+s1+$0x0], $0xffff  }
0x247: {  	v17 =	vld.idx.msk [tilespmem:v17+s1+$0x0], $0xffff;
	[tilespmem:s16+$0xFFFFFFB0] =	vst v22  }
0x248: {  	[tilespmem:s16+$0xFFFFFFC0] =	vst v20  }
0x249: {  	[tilespmem:s16+$0xFFFFFFD0] =	vst v19  }
0x24a: {  	[tilespmem:s16+$0xFFFFFFE0] =	vst v23  }
0x24b: {  	[tilespmem:s16+$0xFFFFFF90] =	vst v18  }
0x24c: {  	[tilespmem:s16+$0xFFFFFFF0] =	vst v17  }
0x24d: {  	v17 =	vld [tilespmem:s15+$0x30]  }
0x24e: {  	v18 =	vld [tilespmem:s15+$0xFFFFFFD0]  }
0x24f: {  	v19 =	vld [tilespmem:s15+$0xFFFFFFE0]  }
0x250: {  	v20 =	vld [tilespmem:s15+$0xFFFFFFF0]  }
0x251: {  	v21 =	vld [tilespmem:s15+$0x0]  }
0x252: {  	v22 =	vld [tilespmem:s15+$0x10];
	v17 =	vadd.s32 v12, v17  }
0x253: {  	v18 =	vadd.s32 v12, v18  }
0x254: {  	v19 =	vadd.s32 v12, v19  }
0x255: {  	v23 =	vld [tilespmem:s15+$0x20];
	v20 =	vadd.s32 v12, v20  }
0x256: {  	v25 =	vld [tilespmem:s15+$0xFFFFFFC0];
	v26 =	vadd.s32 v12, v21  }
0x257: {  	v27 =	vadd.s32 v12, v22;
	v24 =	vld.idx.msk [tilespmem:v17+s1+$0x0], $0xffff  }
0x258: {  	v21 =	vld.idx.msk [tilespmem:v18+s1+$0x0], $0xffff  }
0x259: {  	v22 =	vld.idx.msk [tilespmem:v19+s1+$0x0], $0xffff  }
0x25a: {  	v20 =	vld.idx.msk [tilespmem:v20+s1+$0x0], $0xffff  }
0x25b: {  	v19 =	vld.idx.msk [tilespmem:v26+s1+$0x0], $0xffff  }
0x25c: {  	s17 =	simm.s32 $0x70C0;
	s16 =	simm.s32 $0x0;
	s15 =	simm.s32 $0x60F0;
	v17 =	vadd.s32 v12, v23;
	v18 =	vadd.s32 v12, v25;
	v23 =	vld.idx.msk [tilespmem:v27+s1+$0x0], $0xffff  }
.LBB2_26:
0x25d: {  	v25 =	vld [tilespmem:s17+$0x30];
	s16 =	sadd.s32 $0x8, s16;
	[tilespmem:s15+$0x0] =	vst v24  }
0x25e: {  	v24 =	vld [tilespmem:s17+$0xFFFFFFD0];
	p0 =	slt.u32 s16, $0x78;
	[tilespmem:s15+$0xFFFFFFA0] =	vst v21  }
0x25f: {  	v21 =	vld [tilespmem:s17+$0xFFFFFFE0];
	[tilespmem:s15+$0xFFFFFFB0] =	vst v22  }
0x260: {  	v22 =	vld [tilespmem:s17+$0xFFFFFFF0];
	[tilespmem:s15+$0xFFFFFFC0] =	vst v20  }
0x261: {  	v20 =	vld [tilespmem:s17+$0x0];
	[tilespmem:s15+$0xFFFFFFD0] =	vst v19  }
0x262: {  	v19 =	vld [tilespmem:s17+$0x10];
	v25 =	vadd.s32 v12, v25;
	[tilespmem:s15+$0xFFFFFFE0] =	vst v23  }
0x263: {  	v23 =	vadd.s32 v12, v24;
	v26 =	vld [tilespmem:s17+$0x20]  }
0x264: {  	v27 =	vld [tilespmem:s17+$0xFFFFFFC0];
	v28 =	vadd.s32 v12, v21  }
0x265: {  	v29 =	vadd.s32 v12, v22;
	v30 =	vld.idx.msk [tilespmem:v18+s1+$0x0], $0xffff  }
0x266: {  	v31 =	vadd.s32 v12, v20;
	v32 =	vld.idx.msk [tilespmem:v17+s1+$0x0], $0xffff  }
0x267: {  	v33 =	vadd.s32 v12, v19;
	v24 =	vld.idx.msk [tilespmem:v25+s1+$0x0], $0xffff  }
.Ltmp12:
0x268: {  	v21 =	vld.idx.msk [tilespmem:v23+s1+$0x0], $0xffff;
	v17 =	vadd.s32 v12, v26;
	(pc) =	sbr.rel @p0 .LBB2_26-.Ltmp12, $4  }
0x269: {  	v18 =	vadd.s32 v12, v27;
	v22 =	vld.idx.msk [tilespmem:v28+s1+$0x0], $0xffff  }
0x26a: {  	v20 =	vld.idx.msk [tilespmem:v29+s1+$0x0], $0xffff  }
0x26b: {  	v19 =	vld.idx.msk [tilespmem:v31+s1+$0x0], $0xffff;
	[tilespmem:s15+$0xFFFFFF90] =	vst v30  }
0x26c: {  	s17 =	sadd.s32 $0x80, s17;
	v23 =	vld.idx.msk [tilespmem:v33+s1+$0x0], $0xffff;
	[tilespmem:s15+$0xFFFFFFF0] =	vst v32;
	s15 =	sadd.s32 $0x100, s15  }
0x26d: {  	_ =	sdelay $0x2  }
0x26e: {  	[tilespmem:s15+$0x0] =	vst v24  }
0x26f: {  	[tilespmem:s15+$0xFFFFFFA0] =	vst v21;
	v18 =	vld.idx.msk [tilespmem:v18+s1+$0x0], $0xffff  }
0x270: {  	v17 =	vld.idx.msk [tilespmem:v17+s1+$0x0], $0xffff;
	[tilespmem:s15+$0xFFFFFFB0] =	vst v22  }
0x271: {  	[tilespmem:s15+$0xFFFFFFC0] =	vst v20  }
0x272: {  	[tilespmem:s15+$0xFFFFFFD0] =	vst v19  }
0x273: {  	[tilespmem:s15+$0xFFFFFFE0] =	vst v23  }
0x274: {  	[tilespmem:s15+$0xFFFFFF90] =	vst v18  }
0x275: {  	[tilespmem:s15+$0xFFFFFFF0] =	vst v17  }
0x276: {  	s15 =	rddreg [dreg:$0xd]  }
0x277: {  	[hbm4b:s15+s1] =	stream.linear.scatter [tilespmem:s11], [sflag:$0x3], $0x1000, $0x38;
	[tilespmem:$0x7800] =	vst v63  }
0x278: {  	_ = 	snop  }
0x279: {  	[tilespmem:s1], [sflag:$0x1] =	stream.linear.gather [hbm4b:s30+s1], $0xC00, $0x38;
	[tilespmem:$0x7800] =	vst v63  }
0x27a: {  	_ =	swait.ge [sflag:s8], $0xC00  }
0x27b: {  	[sflag:s8] =	ssyncset.done $0x0  }
0x27c: {  	[sflag:s8] =	ssyncadd.s32 $0xFFFFF400  }
0x27d: {  	_ =	swait.ge [sflag:s12], $0x1000  }
0x27e: {  	[sflag:s12] =	ssyncset.done $0x0  }
0x27f: {  	s15 =	simm.s32 $0x7040;
	[sflag:s12] =	ssyncadd.s32 $0xFFFFF000  }
0x280: {  	v17 =	vld [tilespmem:s15+$0x30]  }
0x281: {  	v18 =	vld [tilespmem:s15+$0xFFFFFFD0]  }
0x282: {  	v19 =	vld [tilespmem:s15+$0xFFFFFFE0]  }
0x283: {  	v20 =	vld [tilespmem:s15+$0xFFFFFFF0]  }
0x284: {  	v21 =	vld [tilespmem:s15+$0x0]  }
0x285: {  	v22 =	vld [tilespmem:s15+$0x10];
	v17 =	vadd.s32 v13, v17  }
0x286: {  	v18 =	vadd.s32 v13, v18  }
0x287: {  	v19 =	vadd.s32 v13, v19  }
0x288: {  	v23 =	vld [tilespmem:s15+$0x20];
	v20 =	vadd.s32 v13, v20  }
0x289: {  	v25 =	vld [tilespmem:s15+$0xFFFFFFC0];
	v26 =	vadd.s32 v13, v21  }
0x28a: {  	v27 =	vadd.s32 v13, v22;
	v24 =	vld.idx.msk [tilespmem:v17+s1+$0x0], $0xffff  }
0x28b: {  	v21 =	vld.idx.msk [tilespmem:v18+s1+$0x0], $0xffff  }
0x28c: {  	v22 =	vld.idx.msk [tilespmem:v19+s1+$0x0], $0xffff  }
0x28d: {  	v20 =	vld.idx.msk [tilespmem:v20+s1+$0x0], $0xffff  }
0x28e: {  	v19 =	vld.idx.msk [tilespmem:v26+s1+$0x0], $0xffff  }
0x28f: {  	s16 =	simm.s32 $0x5040;
	s17 =	simm.s32 $0x0;
	s20 =	simm.s32 $0x70C0;
	v17 =	vadd.s32 v13, v23;
	v18 =	vadd.s32 v13, v25;
	v23 =	vld.idx.msk [tilespmem:v27+s1+$0x0], $0xffff  }
.LBB2_28:
0x290: {  	v25 =	vld [tilespmem:s20+$0x30];
	s17 =	sadd.s32 $0x8, s17;
	[tilespmem:s16+$0x30] =	vst v24  }
0x291: {  	v24 =	vld [tilespmem:s20+$0xFFFFFFD0];
	p0 =	slt.u32 s17, $0x78;
	[tilespmem:s16+$0xFFFFFFD0] =	vst v21  }
0x292: {  	v21 =	vld [tilespmem:s20+$0xFFFFFFE0];
	[tilespmem:s16+$0xFFFFFFE0] =	vst v22  }
0x293: {  	v22 =	vld [tilespmem:s20+$0xFFFFFFF0];
	[tilespmem:s16+$0xFFFFFFF0] =	vst v20  }
0x294: {  	v20 =	vld [tilespmem:s20+$0x0];
	[tilespmem:s16+$0x0] =	vst v19  }
0x295: {  	v19 =	vld [tilespmem:s20+$0x10];
	v25 =	vadd.s32 v13, v25;
	[tilespmem:s16+$0x10] =	vst v23  }
0x296: {  	v23 =	vadd.s32 v13, v24;
	v26 =	vld [tilespmem:s20+$0x20]  }
0x297: {  	v27 =	vld [tilespmem:s20+$0xFFFFFFC0];
	v28 =	vadd.s32 v13, v21  }
0x298: {  	v29 =	vadd.s32 v13, v22;
	v30 =	vld.idx.msk [tilespmem:v18+s1+$0x0], $0xffff  }
0x299: {  	v31 =	vadd.s32 v13, v20;
	v32 =	vld.idx.msk [tilespmem:v17+s1+$0x0], $0xffff  }
0x29a: {  	v33 =	vadd.s32 v13, v19;
	v24 =	vld.idx.msk [tilespmem:v25+s1+$0x0], $0xffff  }
.Ltmp13:
0x29b: {  	v21 =	vld.idx.msk [tilespmem:v23+s1+$0x0], $0xffff;
	v17 =	vadd.s32 v13, v26;
	(pc) =	sbr.rel @p0 .LBB2_28-.Ltmp13, $4  }
0x29c: {  	v18 =	vadd.s32 v13, v27;
	v22 =	vld.idx.msk [tilespmem:v28+s1+$0x0], $0xffff  }
0x29d: {  	v20 =	vld.idx.msk [tilespmem:v29+s1+$0x0], $0xffff  }
0x29e: {  	v19 =	vld.idx.msk [tilespmem:v31+s1+$0x0], $0xffff;
	[tilespmem:s16+$0xFFFFFFC0] =	vst v30  }
0x29f: {  	s20 =	sadd.s32 $0x80, s20;
	v23 =	vld.idx.msk [tilespmem:v33+s1+$0x0], $0xffff;
	[tilespmem:s16+$0x20] =	vst v32;
	s16 =	sadd.s32 $0x100, s16  }
0x2a0: {  	_ =	sdelay $0x2  }
0x2a1: {  	[tilespmem:s16+$0x30] =	vst v24  }
0x2a2: {  	[tilespmem:s16+$0xFFFFFFD0] =	vst v21;
	v18 =	vld.idx.msk [tilespmem:v18+s1+$0x0], $0xffff  }
0x2a3: {  	v17 =	vld.idx.msk [tilespmem:v17+s1+$0x0], $0xffff;
	[tilespmem:s16+$0xFFFFFFE0] =	vst v22  }
0x2a4: {  	[tilespmem:s16+$0xFFFFFFF0] =	vst v20  }
0x2a5: {  	[tilespmem:s16+$0x0] =	vst v19  }
0x2a6: {  	[tilespmem:s16+$0x10] =	vst v23  }
0x2a7: {  	[tilespmem:s16+$0xFFFFFFC0] =	vst v18  }
0x2a8: {  	[tilespmem:s16+$0x20] =	vst v17  }
0x2a9: {  	v17 =	vld [tilespmem:s15+$0x30]  }
0x2aa: {  	v18 =	vld [tilespmem:s15+$0xFFFFFFD0]  }
0x2ab: {  	v19 =	vld [tilespmem:s15+$0xFFFFFFE0]  }
0x2ac: {  	v20 =	vld [tilespmem:s15+$0xFFFFFFF0]  }
0x2ad: {  	v21 =	vld [tilespmem:s15+$0x0]  }
0x2ae: {  	v22 =	vld [tilespmem:s15+$0x10];
	v17 =	vadd.s32 v14, v17  }
0x2af: {  	v18 =	vadd.s32 v14, v18  }
0x2b0: {  	v19 =	vadd.s32 v14, v19  }
0x2b1: {  	v23 =	vld [tilespmem:s15+$0x20];
	v20 =	vadd.s32 v14, v20  }
0x2b2: {  	v25 =	vld [tilespmem:s15+$0xFFFFFFC0];
	v26 =	vadd.s32 v14, v21  }
0x2b3: {  	v27 =	vadd.s32 v14, v22;
	v24 =	vld.idx.msk [tilespmem:v17+s1+$0x0], $0xffff  }
0x2b4: {  	v21 =	vld.idx.msk [tilespmem:v18+s1+$0x0], $0xffff  }
0x2b5: {  	v22 =	vld.idx.msk [tilespmem:v19+s1+$0x0], $0xffff  }
0x2b6: {  	v20 =	vld.idx.msk [tilespmem:v20+s1+$0x0], $0xffff  }
0x2b7: {  	v19 =	vld.idx.msk [tilespmem:v26+s1+$0x0], $0xffff  }
0x2b8: {  	s17 =	simm.s32 $0x70C0;
	s16 =	simm.s32 $0x0;
	s15 =	simm.s32 $0x50F0;
	v17 =	vadd.s32 v14, v23;
	v18 =	vadd.s32 v14, v25;
	v23 =	vld.idx.msk [tilespmem:v27+s1+$0x0], $0xffff  }
.LBB2_30:
0x2b9: {  	v25 =	vld [tilespmem:s17+$0x30];
	s16 =	sadd.s32 $0x8, s16;
	[tilespmem:s15+$0x0] =	vst v24  }
0x2ba: {  	v24 =	vld [tilespmem:s17+$0xFFFFFFD0];
	p0 =	slt.u32 s16, $0x78;
	[tilespmem:s15+$0xFFFFFFA0] =	vst v21  }
0x2bb: {  	v21 =	vld [tilespmem:s17+$0xFFFFFFE0];
	[tilespmem:s15+$0xFFFFFFB0] =	vst v22  }
0x2bc: {  	v22 =	vld [tilespmem:s17+$0xFFFFFFF0];
	[tilespmem:s15+$0xFFFFFFC0] =	vst v20  }
0x2bd: {  	v20 =	vld [tilespmem:s17+$0x0];
	[tilespmem:s15+$0xFFFFFFD0] =	vst v19  }
0x2be: {  	v19 =	vld [tilespmem:s17+$0x10];
	v25 =	vadd.s32 v14, v25;
	[tilespmem:s15+$0xFFFFFFE0] =	vst v23  }
0x2bf: {  	v23 =	vadd.s32 v14, v24;
	v26 =	vld [tilespmem:s17+$0x20]  }
0x2c0: {  	v27 =	vld [tilespmem:s17+$0xFFFFFFC0];
	v28 =	vadd.s32 v14, v21  }
0x2c1: {  	v29 =	vadd.s32 v14, v22;
	v30 =	vld.idx.msk [tilespmem:v18+s1+$0x0], $0xffff  }
0x2c2: {  	v31 =	vadd.s32 v14, v20;
	v32 =	vld.idx.msk [tilespmem:v17+s1+$0x0], $0xffff  }
0x2c3: {  	v33 =	vadd.s32 v14, v19;
	v24 =	vld.idx.msk [tilespmem:v25+s1+$0x0], $0xffff  }
.Ltmp14:
0x2c4: {  	v21 =	vld.idx.msk [tilespmem:v23+s1+$0x0], $0xffff;
	v17 =	vadd.s32 v14, v26;
	(pc) =	sbr.rel @p0 .LBB2_30-.Ltmp14, $4  }
0x2c5: {  	v18 =	vadd.s32 v14, v27;
	v22 =	vld.idx.msk [tilespmem:v28+s1+$0x0], $0xffff  }
0x2c6: {  	v20 =	vld.idx.msk [tilespmem:v29+s1+$0x0], $0xffff  }
0x2c7: {  	v19 =	vld.idx.msk [tilespmem:v31+s1+$0x0], $0xffff;
	[tilespmem:s15+$0xFFFFFF90] =	vst v30  }
0x2c8: {  	s17 =	sadd.s32 $0x80, s17;
	v23 =	vld.idx.msk [tilespmem:v33+s1+$0x0], $0xffff;
	[tilespmem:s15+$0xFFFFFFF0] =	vst v32;
	s15 =	sadd.s32 $0x100, s15  }
0x2c9: {  	_ =	sdelay $0x2  }
0x2ca: {  	[tilespmem:s15+$0x0] =	vst v24  }
0x2cb: {  	[tilespmem:s15+$0xFFFFFFA0] =	vst v21;
	v18 =	vld.idx.msk [tilespmem:v18+s1+$0x0], $0xffff  }
0x2cc: {  	v17 =	vld.idx.msk [tilespmem:v17+s1+$0x0], $0xffff;
	[tilespmem:s15+$0xFFFFFFB0] =	vst v22  }
0x2cd: {  	[tilespmem:s15+$0xFFFFFFC0] =	vst v20  }
0x2ce: {  	[tilespmem:s15+$0xFFFFFFD0] =	vst v19  }
0x2cf: {  	[tilespmem:s15+$0xFFFFFFE0] =	vst v23  }
0x2d0: {  	[tilespmem:s15+$0xFFFFFF90] =	vst v18  }
0x2d1: {  	[tilespmem:s15+$0xFFFFFFF0] =	vst v17  }
0x2d2: {  	s15 =	rddreg [dreg:$0xe]  }
0x2d3: {  	[hbm4b:s15+s1] =	stream.linear.scatter [tilespmem:s9], [sflag:$0x2], $0x1000, $0x38;
	[tilespmem:$0x7800] =	vst v63  }
0x2d4: {  	_ = 	snop  }
0x2d5: {  	[tilespmem:s6], [sflag:$0x1] =	stream.linear.gather [hbm4b:s31+s1], $0xC00, $0x38;
	[tilespmem:$0x7800] =	vst v63  }
0x2d6: {  	_ =	swait.ge [sflag:s8], $0xC00  }
0x2d7: {  	[sflag:s8] =	ssyncset.done $0x0  }
0x2d8: {  	[sflag:s8] =	ssyncadd.s32 $0xFFFFF400  }
0x2d9: {  	_ =	swait.ge [sflag:s13], $0x1000  }
0x2da: {  	[sflag:s13] =	ssyncset.done $0x0  }
0x2db: {  	s15 =	simm.s32 $0x7040;
	[sflag:s13] =	ssyncadd.s32 $0xFFFFF000  }
0x2dc: {  	v17 =	vld [tilespmem:s15+$0x30]  }
0x2dd: {  	v18 =	vld [tilespmem:s15+$0xFFFFFFD0]  }
0x2de: {  	v19 =	vld [tilespmem:s15+$0xFFFFFFE0]  }
0x2df: {  	v20 =	vld [tilespmem:s15+$0xFFFFFFF0]  }
0x2e0: {  	v21 =	vld [tilespmem:s15+$0x0]  }
0x2e1: {  	v22 =	vld [tilespmem:s15+$0x10];
	v17 =	vadd.s32 v15, v17  }
0x2e2: {  	v18 =	vadd.s32 v15, v18  }
0x2e3: {  	v19 =	vadd.s32 v15, v19  }
0x2e4: {  	v23 =	vld [tilespmem:s15+$0x20];
	v20 =	vadd.s32 v15, v20  }
0x2e5: {  	v25 =	vld [tilespmem:s15+$0xFFFFFFC0];
	v26 =	vadd.s32 v15, v21  }
0x2e6: {  	v27 =	vadd.s32 v15, v22;
	v24 =	vld.idx.msk [tilespmem:v17+s1+$0x0], $0xffff  }
0x2e7: {  	v21 =	vld.idx.msk [tilespmem:v18+s1+$0x0], $0xffff  }
0x2e8: {  	v22 =	vld.idx.msk [tilespmem:v19+s1+$0x0], $0xffff  }
0x2e9: {  	v20 =	vld.idx.msk [tilespmem:v20+s1+$0x0], $0xffff  }
0x2ea: {  	v19 =	vld.idx.msk [tilespmem:v26+s1+$0x0], $0xffff  }
0x2eb: {  	s16 =	simm.s32 $0x6070;
	s17 =	simm.s32 $0x0;
	s20 =	simm.s32 $0x70C0;
	v17 =	vadd.s32 v15, v23;
	v18 =	vadd.s32 v15, v25;
	v23 =	vld.idx.msk [tilespmem:v27+s1+$0x0], $0xffff  }
.LBB2_32:
0x2ec: {  	v25 =	vld [tilespmem:s20+$0x30];
	s17 =	sadd.s32 $0x8, s17;
	[tilespmem:s16+$0x0] =	vst v24  }
0x2ed: {  	v24 =	vld [tilespmem:s20+$0xFFFFFFD0];
	p0 =	slt.u32 s17, $0x78;
	[tilespmem:s16+$0xFFFFFFA0] =	vst v21  }
0x2ee: {  	v21 =	vld [tilespmem:s20+$0xFFFFFFE0];
	[tilespmem:s16+$0xFFFFFFB0] =	vst v22  }
0x2ef: {  	v22 =	vld [tilespmem:s20+$0xFFFFFFF0];
	[tilespmem:s16+$0xFFFFFFC0] =	vst v20  }
0x2f0: {  	v20 =	vld [tilespmem:s20+$0x0];
	[tilespmem:s16+$0xFFFFFFD0] =	vst v19  }
0x2f1: {  	v19 =	vld [tilespmem:s20+$0x10];
	v25 =	vadd.s32 v15, v25;
	[tilespmem:s16+$0xFFFFFFE0] =	vst v23  }
0x2f2: {  	v23 =	vadd.s32 v15, v24;
	v26 =	vld [tilespmem:s20+$0x20]  }
0x2f3: {  	v27 =	vld [tilespmem:s20+$0xFFFFFFC0];
	v28 =	vadd.s32 v15, v21  }
0x2f4: {  	v29 =	vadd.s32 v15, v22;
	v30 =	vld.idx.msk [tilespmem:v18+s1+$0x0], $0xffff  }
0x2f5: {  	v31 =	vadd.s32 v15, v20;
	v32 =	vld.idx.msk [tilespmem:v17+s1+$0x0], $0xffff  }
0x2f6: {  	v33 =	vadd.s32 v15, v19;
	v24 =	vld.idx.msk [tilespmem:v25+s1+$0x0], $0xffff  }
.Ltmp15:
0x2f7: {  	v21 =	vld.idx.msk [tilespmem:v23+s1+$0x0], $0xffff;
	v17 =	vadd.s32 v15, v26;
	(pc) =	sbr.rel @p0 .LBB2_32-.Ltmp15, $4  }
0x2f8: {  	v18 =	vadd.s32 v15, v27;
	v22 =	vld.idx.msk [tilespmem:v28+s1+$0x0], $0xffff  }
0x2f9: {  	v20 =	vld.idx.msk [tilespmem:v29+s1+$0x0], $0xffff  }
0x2fa: {  	v19 =	vld.idx.msk [tilespmem:v31+s1+$0x0], $0xffff;
	[tilespmem:s16+$0xFFFFFF90] =	vst v30  }
0x2fb: {  	s20 =	sadd.s32 $0x80, s20;
	v23 =	vld.idx.msk [tilespmem:v33+s1+$0x0], $0xffff;
	[tilespmem:s16+$0xFFFFFFF0] =	vst v32;
	s16 =	sadd.s32 $0x100, s16  }
0x2fc: {  	_ =	sdelay $0x2  }
0x2fd: {  	[tilespmem:s16+$0x0] =	vst v24  }
0x2fe: {  	[tilespmem:s16+$0xFFFFFFA0] =	vst v21;
	v18 =	vld.idx.msk [tilespmem:v18+s1+$0x0], $0xffff  }
0x2ff: {  	v17 =	vld.idx.msk [tilespmem:v17+s1+$0x0], $0xffff;
	[tilespmem:s16+$0xFFFFFFB0] =	vst v22  }
0x300: {  	[tilespmem:s16+$0xFFFFFFC0] =	vst v20  }
0x301: {  	[tilespmem:s16+$0xFFFFFFD0] =	vst v19  }
0x302: {  	[tilespmem:s16+$0xFFFFFFE0] =	vst v23  }
0x303: {  	[tilespmem:s16+$0xFFFFFF90] =	vst v18  }
0x304: {  	[tilespmem:s16+$0xFFFFFFF0] =	vst v17  }
0x305: {  	v17 =	vld [tilespmem:s15+$0x30]  }
0x306: {  	v18 =	vld [tilespmem:s15+$0xFFFFFFD0]  }
0x307: {  	v19 =	vld [tilespmem:s15+$0xFFFFFFE0]  }
0x308: {  	v20 =	vld [tilespmem:s15+$0xFFFFFFF0]  }
0x309: {  	v21 =	vld [tilespmem:s15+$0x0]  }
0x30a: {  	v22 =	vld [tilespmem:s15+$0x10];
	v17 =	vadd.s32 v16, v17  }
0x30b: {  	v18 =	vadd.s32 v16, v18  }
0x30c: {  	v19 =	vadd.s32 v16, v19  }
0x30d: {  	v23 =	vld [tilespmem:s15+$0x20];
	v20 =	vadd.s32 v16, v20  }
0x30e: {  	v25 =	vld [tilespmem:s15+$0xFFFFFFC0];
	v26 =	vadd.s32 v16, v21  }
0x30f: {  	v27 =	vadd.s32 v16, v22;
	v24 =	vld.idx.msk [tilespmem:v17+s1+$0x0], $0xffff  }
0x310: {  	v21 =	vld.idx.msk [tilespmem:v18+s1+$0x0], $0xffff  }
0x311: {  	v22 =	vld.idx.msk [tilespmem:v19+s1+$0x0], $0xffff  }
0x312: {  	v20 =	vld.idx.msk [tilespmem:v20+s1+$0x0], $0xffff  }
0x313: {  	v19 =	vld.idx.msk [tilespmem:v26+s1+$0x0], $0xffff  }
0x314: {  	s17 =	simm.s32 $0x70C0;
	s16 =	simm.s32 $0x0;
	s15 =	simm.s32 $0x60F0;
	v17 =	vadd.s32 v16, v23;
	v18 =	vadd.s32 v16, v25;
	v23 =	vld.idx.msk [tilespmem:v27+s1+$0x0], $0xffff  }
.LBB2_34:
0x315: {  	v25 =	vld [tilespmem:s17+$0x30];
	s16 =	sadd.s32 $0x8, s16;
	[tilespmem:s15+$0x0] =	vst v24  }
0x316: {  	v24 =	vld [tilespmem:s17+$0xFFFFFFD0];
	p0 =	slt.u32 s16, $0x78;
	[tilespmem:s15+$0xFFFFFFA0] =	vst v21  }
0x317: {  	v21 =	vld [tilespmem:s17+$0xFFFFFFE0];
	[tilespmem:s15+$0xFFFFFFB0] =	vst v22  }
0x318: {  	v22 =	vld [tilespmem:s17+$0xFFFFFFF0];
	[tilespmem:s15+$0xFFFFFFC0] =	vst v20  }
0x319: {  	v20 =	vld [tilespmem:s17+$0x0];
	[tilespmem:s15+$0xFFFFFFD0] =	vst v19  }
0x31a: {  	v19 =	vld [tilespmem:s17+$0x10];
	v25 =	vadd.s32 v16, v25;
	[tilespmem:s15+$0xFFFFFFE0] =	vst v23  }
0x31b: {  	v23 =	vadd.s32 v16, v24;
	v26 =	vld [tilespmem:s17+$0x20]  }
0x31c: {  	v27 =	vld [tilespmem:s17+$0xFFFFFFC0];
	v28 =	vadd.s32 v16, v21  }
0x31d: {  	v29 =	vadd.s32 v16, v22;
	v30 =	vld.idx.msk [tilespmem:v18+s1+$0x0], $0xffff  }
0x31e: {  	v31 =	vadd.s32 v16, v20;
	v32 =	vld.idx.msk [tilespmem:v17+s1+$0x0], $0xffff  }
0x31f: {  	v33 =	vadd.s32 v16, v19;
	v24 =	vld.idx.msk [tilespmem:v25+s1+$0x0], $0xffff  }
.Ltmp16:
0x320: {  	v21 =	vld.idx.msk [tilespmem:v23+s1+$0x0], $0xffff;
	v17 =	vadd.s32 v16, v26;
	(pc) =	sbr.rel @p0 .LBB2_34-.Ltmp16, $4  }
0x321: {  	v18 =	vadd.s32 v16, v27;
	v22 =	vld.idx.msk [tilespmem:v28+s1+$0x0], $0xffff  }
0x322: {  	v20 =	vld.idx.msk [tilespmem:v29+s1+$0x0], $0xffff  }
0x323: {  	v19 =	vld.idx.msk [tilespmem:v31+s1+$0x0], $0xffff;
	[tilespmem:s15+$0xFFFFFF90] =	vst v30  }
0x324: {  	s17 =	sadd.s32 $0x80, s17;
	v23 =	vld.idx.msk [tilespmem:v33+s1+$0x0], $0xffff;
	[tilespmem:s15+$0xFFFFFFF0] =	vst v32;
	s15 =	sadd.s32 $0x100, s15  }
0x325: {  	_ =	sdelay $0x2  }
0x326: {  	[tilespmem:s15+$0x0] =	vst v24  }
0x327: {  	[tilespmem:s15+$0xFFFFFFA0] =	vst v21;
	v18 =	vld.idx.msk [tilespmem:v18+s1+$0x0], $0xffff  }
0x328: {  	v17 =	vld.idx.msk [tilespmem:v17+s1+$0x0], $0xffff;
	[tilespmem:s15+$0xFFFFFFB0] =	vst v22  }
0x329: {  	[tilespmem:s15+$0xFFFFFFC0] =	vst v20  }
0x32a: {  	[tilespmem:s15+$0xFFFFFFD0] =	vst v19  }
0x32b: {  	[tilespmem:s15+$0xFFFFFFE0] =	vst v23  }
0x32c: {  	[tilespmem:s15+$0xFFFFFF90] =	vst v18  }
0x32d: {  	[tilespmem:s15+$0xFFFFFFF0] =	vst v17  }
0x32e: {  	s15 =	rddreg [dreg:$0xf]  }
0x32f: {  	[hbm4b:s15+s1] =	stream.linear.scatter [tilespmem:s11], [sflag:$0x3], $0x1000, $0x38;
	[tilespmem:$0x7800] =	vst v63  }
0x330: {  	_ = 	snop  }
0x331: {  	[tilespmem:s7], [sflag:$0x1] =	stream.linear.gather [hbm4b:s19+s1], $0xC00, $0x38;
	[tilespmem:$0x7800] =	vst v63  }
0x332: {  	_ =	swait.ge [sflag:s8], $0xC00  }
0x333: {  	[sflag:s8] =	ssyncset.done $0x0  }
0x334: {  	[sflag:s8] =	ssyncadd.s32 $0xFFFFF400  }
0x335: {  	_ =	swait.ge [sflag:s12], $0x1000  }
0x336: {  	[sflag:s12] =	ssyncset.done $0x0  }
0x337: {  	s15 =	simm.s32 $0x7040;
	[sflag:s12] =	ssyncadd.s32 $0xFFFFF000  }
0x338: {  	v17 =	vld [tilespmem:s15+$0x30]  }
0x339: {  	v18 =	vld [tilespmem:s15+$0xFFFFFFD0]  }
0x33a: {  	v19 =	vld [tilespmem:s15+$0xFFFFFFE0]  }
0x33b: {  	v20 =	vld [tilespmem:s15+$0xFFFFFFF0]  }
0x33c: {  	v21 =	vld [tilespmem:s15+$0x0]  }
0x33d: {  	v22 =	vld [tilespmem:s15+$0x10];
	v17 =	vadd.s32 v1, v17  }
0x33e: {  	v18 =	vadd.s32 v1, v18  }
0x33f: {  	v19 =	vadd.s32 v1, v19  }
0x340: {  	v23 =	vld [tilespmem:s15+$0x20];
	v20 =	vadd.s32 v1, v20  }
0x341: {  	v25 =	vld [tilespmem:s15+$0xFFFFFFC0];
	v26 =	vadd.s32 v1, v21  }
0x342: {  	v27 =	vadd.s32 v1, v22;
	v24 =	vld.idx.msk [tilespmem:v17+s1+$0x0], $0xffff  }
0x343: {  	v21 =	vld.idx.msk [tilespmem:v18+s1+$0x0], $0xffff  }
0x344: {  	v22 =	vld.idx.msk [tilespmem:v19+s1+$0x0], $0xffff  }
0x345: {  	v20 =	vld.idx.msk [tilespmem:v20+s1+$0x0], $0xffff  }
0x346: {  	v19 =	vld.idx.msk [tilespmem:v26+s1+$0x0], $0xffff  }
0x347: {  	s16 =	simm.s32 $0x5040;
	s17 =	simm.s32 $0x0;
	s20 =	simm.s32 $0x70C0;
	v17 =	vadd.s32 v1, v23;
	v18 =	vadd.s32 v1, v25;
	v23 =	vld.idx.msk [tilespmem:v27+s1+$0x0], $0xffff  }
.LBB2_36:
0x348: {  	v25 =	vld [tilespmem:s20+$0x30];
	s17 =	sadd.s32 $0x8, s17;
	[tilespmem:s16+$0x30] =	vst v24  }
0x349: {  	v24 =	vld [tilespmem:s20+$0xFFFFFFD0];
	p0 =	slt.u32 s17, $0x78;
	[tilespmem:s16+$0xFFFFFFD0] =	vst v21  }
0x34a: {  	v21 =	vld [tilespmem:s20+$0xFFFFFFE0];
	[tilespmem:s16+$0xFFFFFFE0] =	vst v22  }
0x34b: {  	v22 =	vld [tilespmem:s20+$0xFFFFFFF0];
	[tilespmem:s16+$0xFFFFFFF0] =	vst v20  }
0x34c: {  	v20 =	vld [tilespmem:s20+$0x0];
	[tilespmem:s16+$0x0] =	vst v19  }
0x34d: {  	v19 =	vld [tilespmem:s20+$0x10];
	v25 =	vadd.s32 v1, v25;
	[tilespmem:s16+$0x10] =	vst v23  }
0x34e: {  	v23 =	vadd.s32 v1, v24;
	v26 =	vld [tilespmem:s20+$0x20]  }
0x34f: {  	v27 =	vld [tilespmem:s20+$0xFFFFFFC0];
	v28 =	vadd.s32 v1, v21  }
0x350: {  	v29 =	vadd.s32 v1, v22;
	v30 =	vld.idx.msk [tilespmem:v18+s1+$0x0], $0xffff  }
0x351: {  	v31 =	vadd.s32 v1, v20;
	v32 =	vld.idx.msk [tilespmem:v17+s1+$0x0], $0xffff  }
0x352: {  	v33 =	vadd.s32 v1, v19;
	v24 =	vld.idx.msk [tilespmem:v25+s1+$0x0], $0xffff  }
.Ltmp17:
0x353: {  	v21 =	vld.idx.msk [tilespmem:v23+s1+$0x0], $0xffff;
	v17 =	vadd.s32 v1, v26;
	(pc) =	sbr.rel @p0 .LBB2_36-.Ltmp17, $4  }
0x354: {  	v18 =	vadd.s32 v1, v27;
	v22 =	vld.idx.msk [tilespmem:v28+s1+$0x0], $0xffff  }
0x355: {  	v20 =	vld.idx.msk [tilespmem:v29+s1+$0x0], $0xffff  }
0x356: {  	v19 =	vld.idx.msk [tilespmem:v31+s1+$0x0], $0xffff;
	[tilespmem:s16+$0xFFFFFFC0] =	vst v30  }
0x357: {  	s20 =	sadd.s32 $0x80, s20;
	v23 =	vld.idx.msk [tilespmem:v33+s1+$0x0], $0xffff;
	[tilespmem:s16+$0x20] =	vst v32;
	s16 =	sadd.s32 $0x100, s16  }
0x358: {  	_ =	sdelay $0x2  }
0x359: {  	[tilespmem:s16+$0x30] =	vst v24  }
0x35a: {  	[tilespmem:s16+$0xFFFFFFD0] =	vst v21;
	v18 =	vld.idx.msk [tilespmem:v18+s1+$0x0], $0xffff  }
0x35b: {  	v17 =	vld.idx.msk [tilespmem:v17+s1+$0x0], $0xffff;
	[tilespmem:s16+$0xFFFFFFE0] =	vst v22  }
0x35c: {  	[tilespmem:s16+$0xFFFFFFF0] =	vst v20  }
0x35d: {  	[tilespmem:s16+$0x0] =	vst v19  }
0x35e: {  	[tilespmem:s16+$0x10] =	vst v23  }
0x35f: {  	[tilespmem:s16+$0xFFFFFFC0] =	vst v18  }
0x360: {  	[tilespmem:s16+$0x20] =	vst v17  }
0x361: {  	v17 =	vld [tilespmem:s15+$0x30]  }
0x362: {  	v18 =	vld [tilespmem:s15+$0xFFFFFFD0]  }
0x363: {  	v19 =	vld [tilespmem:s15+$0xFFFFFFE0]  }
0x364: {  	v20 =	vld [tilespmem:s15+$0xFFFFFFF0]  }
0x365: {  	v21 =	vld [tilespmem:s15+$0x0]  }
0x366: {  	v22 =	vld [tilespmem:s15+$0x10];
	v17 =	vadd.s32 v2, v17  }
0x367: {  	v18 =	vadd.s32 v2, v18  }
0x368: {  	v19 =	vadd.s32 v2, v19  }
0x369: {  	v23 =	vld [tilespmem:s15+$0x20];
	v20 =	vadd.s32 v2, v20  }
0x36a: {  	v25 =	vld [tilespmem:s15+$0xFFFFFFC0];
	v26 =	vadd.s32 v2, v21  }
0x36b: {  	v27 =	vadd.s32 v2, v22;
	v24 =	vld.idx.msk [tilespmem:v17+s1+$0x0], $0xffff  }
0x36c: {  	v21 =	vld.idx.msk [tilespmem:v18+s1+$0x0], $0xffff  }
0x36d: {  	v22 =	vld.idx.msk [tilespmem:v19+s1+$0x0], $0xffff  }
0x36e: {  	v20 =	vld.idx.msk [tilespmem:v20+s1+$0x0], $0xffff  }
0x36f: {  	v19 =	vld.idx.msk [tilespmem:v26+s1+$0x0], $0xffff  }
0x370: {  	s17 =	simm.s32 $0x70C0;
	s16 =	simm.s32 $0x0;
	s15 =	simm.s32 $0x50F0;
	v17 =	vadd.s32 v2, v23;
	v18 =	vadd.s32 v2, v25;
	v23 =	vld.idx.msk [tilespmem:v27+s1+$0x0], $0xffff  }
.LBB2_38:
0x371: {  	v25 =	vld [tilespmem:s17+$0x30];
	s16 =	sadd.s32 $0x8, s16;
	[tilespmem:s15+$0x0] =	vst v24  }
0x372: {  	v24 =	vld [tilespmem:s17+$0xFFFFFFD0];
	p0 =	slt.u32 s16, $0x78;
	[tilespmem:s15+$0xFFFFFFA0] =	vst v21  }
0x373: {  	v21 =	vld [tilespmem:s17+$0xFFFFFFE0];
	[tilespmem:s15+$0xFFFFFFB0] =	vst v22  }
0x374: {  	v22 =	vld [tilespmem:s17+$0xFFFFFFF0];
	[tilespmem:s15+$0xFFFFFFC0] =	vst v20  }
0x375: {  	v20 =	vld [tilespmem:s17+$0x0];
	[tilespmem:s15+$0xFFFFFFD0] =	vst v19  }
0x376: {  	v19 =	vld [tilespmem:s17+$0x10];
	v25 =	vadd.s32 v2, v25;
	[tilespmem:s15+$0xFFFFFFE0] =	vst v23  }
0x377: {  	v23 =	vadd.s32 v2, v24;
	v26 =	vld [tilespmem:s17+$0x20]  }
0x378: {  	v27 =	vld [tilespmem:s17+$0xFFFFFFC0];
	v28 =	vadd.s32 v2, v21  }
0x379: {  	v29 =	vadd.s32 v2, v22;
	v30 =	vld.idx.msk [tilespmem:v18+s1+$0x0], $0xffff  }
0x37a: {  	v31 =	vadd.s32 v2, v20;
	v32 =	vld.idx.msk [tilespmem:v17+s1+$0x0], $0xffff  }
0x37b: {  	v33 =	vadd.s32 v2, v19;
	v24 =	vld.idx.msk [tilespmem:v25+s1+$0x0], $0xffff  }
.Ltmp18:
0x37c: {  	v21 =	vld.idx.msk [tilespmem:v23+s1+$0x0], $0xffff;
	v17 =	vadd.s32 v2, v26;
	(pc) =	sbr.rel @p0 .LBB2_38-.Ltmp18, $4  }
0x37d: {  	v18 =	vadd.s32 v2, v27;
	v22 =	vld.idx.msk [tilespmem:v28+s1+$0x0], $0xffff  }
0x37e: {  	v20 =	vld.idx.msk [tilespmem:v29+s1+$0x0], $0xffff  }
0x37f: {  	v19 =	vld.idx.msk [tilespmem:v31+s1+$0x0], $0xffff;
	[tilespmem:s15+$0xFFFFFF90] =	vst v30  }
0x380: {  	s17 =	sadd.s32 $0x80, s17;
	v23 =	vld.idx.msk [tilespmem:v33+s1+$0x0], $0xffff;
	[tilespmem:s15+$0xFFFFFFF0] =	vst v32;
	s15 =	sadd.s32 $0x100, s15  }
0x381: {  	_ =	sdelay $0x2  }
0x382: {  	[tilespmem:s15+$0x0] =	vst v24  }
0x383: {  	[tilespmem:s15+$0xFFFFFFA0] =	vst v21;
	v18 =	vld.idx.msk [tilespmem:v18+s1+$0x0], $0xffff  }
0x384: {  	v17 =	vld.idx.msk [tilespmem:v17+s1+$0x0], $0xffff;
	[tilespmem:s15+$0xFFFFFFB0] =	vst v22  }
0x385: {  	[tilespmem:s15+$0xFFFFFFC0] =	vst v20  }
0x386: {  	[tilespmem:s15+$0xFFFFFFD0] =	vst v19  }
0x387: {  	[tilespmem:s15+$0xFFFFFFE0] =	vst v23  }
0x388: {  	[tilespmem:s15+$0xFFFFFF90] =	vst v18  }
0x389: {  	[tilespmem:s15+$0xFFFFFFF0] =	vst v17  }
0x38a: {  	s15 =	rddreg [dreg:$0x10]  }
0x38b: {  	[hbm4b:s15+s1] =	stream.linear.scatter [tilespmem:s9], [sflag:$0x2], $0x1000, $0x38;
	[tilespmem:$0x7800] =	vst v63  }
0x38c: {  	_ = 	snop  }
0x38d: {  	[tilespmem:s10], [sflag:$0x1] =	stream.linear.gather [hbm4b:s0+s1], $0xC00, $0x38;
	[tilespmem:$0x7800] =	vst v63  }
0x38e: {  	_ =	swait.ge [sflag:s8], $0xC00  }
0x38f: {  	[sflag:s8] =	ssyncset.done $0x0  }
0x390: {  	[sflag:s8] =	ssyncadd.s32 $0xFFFFF400  }
0x391: {  	_ =	swait.ge [sflag:s13], $0x1000  }
0x392: {  	[sflag:s13] =	ssyncset.done $0x0  }
0x393: {  	s15 =	simm.s32 $0x7040;
	[sflag:s13] =	ssyncadd.s32 $0xFFFFF000  }
0x394: {  	v17 =	vld [tilespmem:s15+$0x30]  }
0x395: {  	v18 =	vld [tilespmem:s15+$0xFFFFFFD0]  }
0x396: {  	v19 =	vld [tilespmem:s15+$0xFFFFFFE0]  }
0x397: {  	v20 =	vld [tilespmem:s15+$0xFFFFFFF0]  }
0x398: {  	v21 =	vld [tilespmem:s15+$0x0]  }
0x399: {  	v22 =	vld [tilespmem:s15+$0x10];
	v17 =	vadd.s32 v3, v17  }
0x39a: {  	v18 =	vadd.s32 v3, v18  }
0x39b: {  	v19 =	vadd.s32 v3, v19  }
0x39c: {  	v23 =	vld [tilespmem:s15+$0x20];
	v20 =	vadd.s32 v3, v20  }
0x39d: {  	v25 =	vld [tilespmem:s15+$0xFFFFFFC0];
	v26 =	vadd.s32 v3, v21  }
0x39e: {  	v27 =	vadd.s32 v3, v22;
	v24 =	vld.idx.msk [tilespmem:v17+s1+$0x0], $0xffff  }
0x39f: {  	v21 =	vld.idx.msk [tilespmem:v18+s1+$0x0], $0xffff  }
0x3a0: {  	v22 =	vld.idx.msk [tilespmem:v19+s1+$0x0], $0xffff  }
0x3a1: {  	v20 =	vld.idx.msk [tilespmem:v20+s1+$0x0], $0xffff  }
0x3a2: {  	v19 =	vld.idx.msk [tilespmem:v26+s1+$0x0], $0xffff  }
0x3a3: {  	s16 =	simm.s32 $0x6070;
	s17 =	simm.s32 $0x0;
	s20 =	simm.s32 $0x70C0;
	v17 =	vadd.s32 v3, v23;
	v18 =	vadd.s32 v3, v25;
	v23 =	vld.idx.msk [tilespmem:v27+s1+$0x0], $0xffff  }
.LBB2_40:
0x3a4: {  	v25 =	vld [tilespmem:s20+$0x30];
	s17 =	sadd.s32 $0x8, s17;
	[tilespmem:s16+$0x0] =	vst v24  }
0x3a5: {  	v24 =	vld [tilespmem:s20+$0xFFFFFFD0];
	p0 =	slt.u32 s17, $0x78;
	[tilespmem:s16+$0xFFFFFFA0] =	vst v21  }
0x3a6: {  	v21 =	vld [tilespmem:s20+$0xFFFFFFE0];
	[tilespmem:s16+$0xFFFFFFB0] =	vst v22  }
0x3a7: {  	v22 =	vld [tilespmem:s20+$0xFFFFFFF0];
	[tilespmem:s16+$0xFFFFFFC0] =	vst v20  }
0x3a8: {  	v20 =	vld [tilespmem:s20+$0x0];
	[tilespmem:s16+$0xFFFFFFD0] =	vst v19  }
0x3a9: {  	v19 =	vld [tilespmem:s20+$0x10];
	v25 =	vadd.s32 v3, v25;
	[tilespmem:s16+$0xFFFFFFE0] =	vst v23  }
0x3aa: {  	v23 =	vadd.s32 v3, v24;
	v26 =	vld [tilespmem:s20+$0x20]  }
0x3ab: {  	v27 =	vld [tilespmem:s20+$0xFFFFFFC0];
	v28 =	vadd.s32 v3, v21  }
0x3ac: {  	v29 =	vadd.s32 v3, v22;
	v30 =	vld.idx.msk [tilespmem:v18+s1+$0x0], $0xffff  }
0x3ad: {  	v31 =	vadd.s32 v3, v20;
	v32 =	vld.idx.msk [tilespmem:v17+s1+$0x0], $0xffff  }
0x3ae: {  	v33 =	vadd.s32 v3, v19;
	v24 =	vld.idx.msk [tilespmem:v25+s1+$0x0], $0xffff  }
.Ltmp19:
0x3af: {  	v21 =	vld.idx.msk [tilespmem:v23+s1+$0x0], $0xffff;
	v17 =	vadd.s32 v3, v26;
	(pc) =	sbr.rel @p0 .LBB2_40-.Ltmp19, $4  }
0x3b0: {  	v18 =	vadd.s32 v3, v27;
	v22 =	vld.idx.msk [tilespmem:v28+s1+$0x0], $0xffff  }
0x3b1: {  	v20 =	vld.idx.msk [tilespmem:v29+s1+$0x0], $0xffff  }
0x3b2: {  	v19 =	vld.idx.msk [tilespmem:v31+s1+$0x0], $0xffff;
	[tilespmem:s16+$0xFFFFFF90] =	vst v30  }
0x3b3: {  	s20 =	sadd.s32 $0x80, s20;
	v23 =	vld.idx.msk [tilespmem:v33+s1+$0x0], $0xffff;
	[tilespmem:s16+$0xFFFFFFF0] =	vst v32;
	s16 =	sadd.s32 $0x100, s16  }
0x3b4: {  	_ =	sdelay $0x2  }
0x3b5: {  	[tilespmem:s16+$0x0] =	vst v24  }
0x3b6: {  	[tilespmem:s16+$0xFFFFFFA0] =	vst v21;
	v18 =	vld.idx.msk [tilespmem:v18+s1+$0x0], $0xffff  }
0x3b7: {  	v17 =	vld.idx.msk [tilespmem:v17+s1+$0x0], $0xffff;
	[tilespmem:s16+$0xFFFFFFB0] =	vst v22  }
0x3b8: {  	[tilespmem:s16+$0xFFFFFFC0] =	vst v20  }
0x3b9: {  	[tilespmem:s16+$0xFFFFFFD0] =	vst v19  }
0x3ba: {  	[tilespmem:s16+$0xFFFFFFE0] =	vst v23  }
0x3bb: {  	[tilespmem:s16+$0xFFFFFF90] =	vst v18  }
0x3bc: {  	[tilespmem:s16+$0xFFFFFFF0] =	vst v17  }
0x3bd: {  	v17 =	vld [tilespmem:s15+$0x30]  }
0x3be: {  	v18 =	vld [tilespmem:s15+$0xFFFFFFD0]  }
0x3bf: {  	v19 =	vld [tilespmem:s15+$0xFFFFFFE0]  }
0x3c0: {  	v20 =	vld [tilespmem:s15+$0xFFFFFFF0]  }
0x3c1: {  	v21 =	vld [tilespmem:s15+$0x0]  }
0x3c2: {  	v22 =	vld [tilespmem:s15+$0x10];
	v17 =	vadd.s32 v4, v17  }
0x3c3: {  	v18 =	vadd.s32 v4, v18  }
0x3c4: {  	v19 =	vadd.s32 v4, v19  }
0x3c5: {  	v23 =	vld [tilespmem:s15+$0x20];
	v20 =	vadd.s32 v4, v20  }
0x3c6: {  	v25 =	vld [tilespmem:s15+$0xFFFFFFC0];
	v26 =	vadd.s32 v4, v21  }
0x3c7: {  	v27 =	vadd.s32 v4, v22;
	v24 =	vld.idx.msk [tilespmem:v17+s1+$0x0], $0xffff  }
0x3c8: {  	v21 =	vld.idx.msk [tilespmem:v18+s1+$0x0], $0xffff  }
0x3c9: {  	v22 =	vld.idx.msk [tilespmem:v19+s1+$0x0], $0xffff  }
0x3ca: {  	v20 =	vld.idx.msk [tilespmem:v20+s1+$0x0], $0xffff  }
0x3cb: {  	v19 =	vld.idx.msk [tilespmem:v26+s1+$0x0], $0xffff  }
0x3cc: {  	s17 =	simm.s32 $0x70C0;
	s16 =	simm.s32 $0x0;
	s15 =	simm.s32 $0x60F0;
	v17 =	vadd.s32 v4, v23;
	v18 =	vadd.s32 v4, v25;
	v23 =	vld.idx.msk [tilespmem:v27+s1+$0x0], $0xffff  }
.LBB2_42:
0x3cd: {  	v25 =	vld [tilespmem:s17+$0x30];
	s16 =	sadd.s32 $0x8, s16;
	[tilespmem:s15+$0x0] =	vst v24  }
0x3ce: {  	v24 =	vld [tilespmem:s17+$0xFFFFFFD0];
	p0 =	slt.u32 s16, $0x78;
	[tilespmem:s15+$0xFFFFFFA0] =	vst v21  }
0x3cf: {  	v21 =	vld [tilespmem:s17+$0xFFFFFFE0];
	[tilespmem:s15+$0xFFFFFFB0] =	vst v22  }
0x3d0: {  	v22 =	vld [tilespmem:s17+$0xFFFFFFF0];
	[tilespmem:s15+$0xFFFFFFC0] =	vst v20  }
0x3d1: {  	v20 =	vld [tilespmem:s17+$0x0];
	[tilespmem:s15+$0xFFFFFFD0] =	vst v19  }
0x3d2: {  	v19 =	vld [tilespmem:s17+$0x10];
	v25 =	vadd.s32 v4, v25;
	[tilespmem:s15+$0xFFFFFFE0] =	vst v23  }
0x3d3: {  	v23 =	vadd.s32 v4, v24;
	v26 =	vld [tilespmem:s17+$0x20]  }
0x3d4: {  	v27 =	vld [tilespmem:s17+$0xFFFFFFC0];
	v28 =	vadd.s32 v4, v21  }
0x3d5: {  	v29 =	vadd.s32 v4, v22;
	v30 =	vld.idx.msk [tilespmem:v18+s1+$0x0], $0xffff  }
0x3d6: {  	v31 =	vadd.s32 v4, v20;
	v32 =	vld.idx.msk [tilespmem:v17+s1+$0x0], $0xffff  }
0x3d7: {  	v33 =	vadd.s32 v4, v19;
	v24 =	vld.idx.msk [tilespmem:v25+s1+$0x0], $0xffff  }
.Ltmp20:
0x3d8: {  	v21 =	vld.idx.msk [tilespmem:v23+s1+$0x0], $0xffff;
	v17 =	vadd.s32 v4, v26;
	(pc) =	sbr.rel @p0 .LBB2_42-.Ltmp20, $4  }
0x3d9: {  	v18 =	vadd.s32 v4, v27;
	v22 =	vld.idx.msk [tilespmem:v28+s1+$0x0], $0xffff  }
0x3da: {  	v20 =	vld.idx.msk [tilespmem:v29+s1+$0x0], $0xffff  }
0x3db: {  	v19 =	vld.idx.msk [tilespmem:v31+s1+$0x0], $0xffff;
	[tilespmem:s15+$0xFFFFFF90] =	vst v30  }
0x3dc: {  	s17 =	sadd.s32 $0x80, s17;
	v23 =	vld.idx.msk [tilespmem:v33+s1+$0x0], $0xffff;
	[tilespmem:s15+$0xFFFFFFF0] =	vst v32;
	s15 =	sadd.s32 $0x100, s15  }
0x3dd: {  	_ =	sdelay $0x2  }
0x3de: {  	[tilespmem:s15+$0x0] =	vst v24  }
0x3df: {  	[tilespmem:s15+$0xFFFFFFA0] =	vst v21;
	v18 =	vld.idx.msk [tilespmem:v18+s1+$0x0], $0xffff  }
0x3e0: {  	v17 =	vld.idx.msk [tilespmem:v17+s1+$0x0], $0xffff;
	[tilespmem:s15+$0xFFFFFFB0] =	vst v22  }
0x3e1: {  	[tilespmem:s15+$0xFFFFFFC0] =	vst v20  }
0x3e2: {  	[tilespmem:s15+$0xFFFFFFD0] =	vst v19  }
0x3e3: {  	[tilespmem:s15+$0xFFFFFFE0] =	vst v23  }
0x3e4: {  	[tilespmem:s15+$0xFFFFFF90] =	vst v18  }
0x3e5: {  	[tilespmem:s15+$0xFFFFFFF0] =	vst v17  }
0x3e6: {  	s15 =	rddreg [dreg:$0x11]  }
0x3e7: {  	[hbm4b:s15+s1] =	stream.linear.scatter [tilespmem:s11], [sflag:$0x3], $0x1000, $0x38;
	[tilespmem:$0x7800] =	vst v63  }
0x3e8: {  	s22 =	rddreg [dreg:$0x8]  }
0x3e9: {  	[tilespmem:s1], [sflag:$0x1] =	stream.linear.gather [hbm4b:s22+s1], $0xC00, $0x38;
	[tilespmem:$0x7800] =	vst v63  }
0x3ea: {  	_ =	swait.ge [sflag:s8], $0xC00  }
0x3eb: {  	[sflag:s8] =	ssyncset.done $0x0  }
0x3ec: {  	[sflag:s8] =	ssyncadd.s32 $0xFFFFF400  }
0x3ed: {  	_ =	swait.ge [sflag:s12], $0x1000  }
0x3ee: {  	[sflag:s12] =	ssyncset.done $0x0  }
0x3ef: {  	s15 =	simm.s32 $0x7040;
	[sflag:s12] =	ssyncadd.s32 $0xFFFFF000  }
0x3f0: {  	v17 =	vld [tilespmem:s15+$0x30]  }
0x3f1: {  	v18 =	vld [tilespmem:s15+$0xFFFFFFD0]  }
0x3f2: {  	v19 =	vld [tilespmem:s15+$0xFFFFFFE0]  }
0x3f3: {  	v20 =	vld [tilespmem:s15+$0xFFFFFFF0]  }
0x3f4: {  	v21 =	vld [tilespmem:s15+$0x0]  }
0x3f5: {  	v22 =	vld [tilespmem:s15+$0x10];
	v17 =	vadd.s32 v5, v17  }
0x3f6: {  	v18 =	vadd.s32 v5, v18  }
0x3f7: {  	v19 =	vadd.s32 v5, v19  }
0x3f8: {  	v23 =	vld [tilespmem:s15+$0x20];
	v20 =	vadd.s32 v5, v20  }
0x3f9: {  	v25 =	vld [tilespmem:s15+$0xFFFFFFC0];
	v26 =	vadd.s32 v5, v21  }
0x3fa: {  	v27 =	vadd.s32 v5, v22;
	v24 =	vld.idx.msk [tilespmem:v17+s1+$0x0], $0xffff  }
0x3fb: {  	v21 =	vld.idx.msk [tilespmem:v18+s1+$0x0], $0xffff  }
0x3fc: {  	v22 =	vld.idx.msk [tilespmem:v19+s1+$0x0], $0xffff  }
0x3fd: {  	v20 =	vld.idx.msk [tilespmem:v20+s1+$0x0], $0xffff  }
0x3fe: {  	v19 =	vld.idx.msk [tilespmem:v26+s1+$0x0], $0xffff  }
0x3ff: {  	s16 =	simm.s32 $0x5040;
	s17 =	simm.s32 $0x0;
	s20 =	simm.s32 $0x70C0;
	v17 =	vadd.s32 v5, v23;
	v18 =	vadd.s32 v5, v25;
	v23 =	vld.idx.msk [tilespmem:v27+s1+$0x0], $0xffff  }
.LBB2_44:
0x400: {  	v25 =	vld [tilespmem:s20+$0x30];
	s17 =	sadd.s32 $0x8, s17;
	[tilespmem:s16+$0x30] =	vst v24  }
0x401: {  	v24 =	vld [tilespmem:s20+$0xFFFFFFD0];
	p0 =	slt.u32 s17, $0x78;
	[tilespmem:s16+$0xFFFFFFD0] =	vst v21  }
0x402: {  	v21 =	vld [tilespmem:s20+$0xFFFFFFE0];
	[tilespmem:s16+$0xFFFFFFE0] =	vst v22  }
0x403: {  	v22 =	vld [tilespmem:s20+$0xFFFFFFF0];
	[tilespmem:s16+$0xFFFFFFF0] =	vst v20  }
0x404: {  	v20 =	vld [tilespmem:s20+$0x0];
	[tilespmem:s16+$0x0] =	vst v19  }
0x405: {  	v19 =	vld [tilespmem:s20+$0x10];
	v25 =	vadd.s32 v5, v25;
	[tilespmem:s16+$0x10] =	vst v23  }
0x406: {  	v23 =	vadd.s32 v5, v24;
	v26 =	vld [tilespmem:s20+$0x20]  }
0x407: {  	v27 =	vld [tilespmem:s20+$0xFFFFFFC0];
	v28 =	vadd.s32 v5, v21  }
0x408: {  	v29 =	vadd.s32 v5, v22;
	v30 =	vld.idx.msk [tilespmem:v18+s1+$0x0], $0xffff  }
0x409: {  	v31 =	vadd.s32 v5, v20;
	v32 =	vld.idx.msk [tilespmem:v17+s1+$0x0], $0xffff  }
0x40a: {  	v33 =	vadd.s32 v5, v19;
	v24 =	vld.idx.msk [tilespmem:v25+s1+$0x0], $0xffff  }
.Ltmp21:
0x40b: {  	v21 =	vld.idx.msk [tilespmem:v23+s1+$0x0], $0xffff;
	v17 =	vadd.s32 v5, v26;
	(pc) =	sbr.rel @p0 .LBB2_44-.Ltmp21, $4  }
0x40c: {  	v18 =	vadd.s32 v5, v27;
	v22 =	vld.idx.msk [tilespmem:v28+s1+$0x0], $0xffff  }
0x40d: {  	v20 =	vld.idx.msk [tilespmem:v29+s1+$0x0], $0xffff  }
0x40e: {  	v19 =	vld.idx.msk [tilespmem:v31+s1+$0x0], $0xffff;
	[tilespmem:s16+$0xFFFFFFC0] =	vst v30  }
0x40f: {  	s20 =	sadd.s32 $0x80, s20;
	v23 =	vld.idx.msk [tilespmem:v33+s1+$0x0], $0xffff;
	[tilespmem:s16+$0x20] =	vst v32;
	s16 =	sadd.s32 $0x100, s16  }
0x410: {  	_ =	sdelay $0x2  }
0x411: {  	[tilespmem:s16+$0x30] =	vst v24  }
0x412: {  	[tilespmem:s16+$0xFFFFFFD0] =	vst v21;
	v18 =	vld.idx.msk [tilespmem:v18+s1+$0x0], $0xffff  }
0x413: {  	v17 =	vld.idx.msk [tilespmem:v17+s1+$0x0], $0xffff;
	[tilespmem:s16+$0xFFFFFFE0] =	vst v22  }
0x414: {  	[tilespmem:s16+$0xFFFFFFF0] =	vst v20  }
0x415: {  	[tilespmem:s16+$0x0] =	vst v19  }
0x416: {  	[tilespmem:s16+$0x10] =	vst v23  }
0x417: {  	[tilespmem:s16+$0xFFFFFFC0] =	vst v18  }
0x418: {  	[tilespmem:s16+$0x20] =	vst v17  }
0x419: {  	v17 =	vld [tilespmem:s15+$0x30]  }
0x41a: {  	v18 =	vld [tilespmem:s15+$0xFFFFFFD0]  }
0x41b: {  	v19 =	vld [tilespmem:s15+$0xFFFFFFE0]  }
0x41c: {  	v20 =	vld [tilespmem:s15+$0xFFFFFFF0]  }
0x41d: {  	v21 =	vld [tilespmem:s15+$0x0]  }
0x41e: {  	v22 =	vld [tilespmem:s15+$0x10];
	v17 =	vadd.s32 v6, v17  }
0x41f: {  	v18 =	vadd.s32 v6, v18  }
0x420: {  	v19 =	vadd.s32 v6, v19  }
0x421: {  	v23 =	vld [tilespmem:s15+$0x20];
	v20 =	vadd.s32 v6, v20  }
0x422: {  	v25 =	vld [tilespmem:s15+$0xFFFFFFC0];
	v26 =	vadd.s32 v6, v21  }
0x423: {  	v27 =	vadd.s32 v6, v22;
	v24 =	vld.idx.msk [tilespmem:v17+s1+$0x0], $0xffff  }
0x424: {  	v21 =	vld.idx.msk [tilespmem:v18+s1+$0x0], $0xffff  }
0x425: {  	v22 =	vld.idx.msk [tilespmem:v19+s1+$0x0], $0xffff  }
0x426: {  	v20 =	vld.idx.msk [tilespmem:v20+s1+$0x0], $0xffff  }
0x427: {  	v19 =	vld.idx.msk [tilespmem:v26+s1+$0x0], $0xffff  }
0x428: {  	s17 =	simm.s32 $0x70C0;
	s16 =	simm.s32 $0x0;
	s15 =	simm.s32 $0x50F0;
	v17 =	vadd.s32 v6, v23;
	v18 =	vadd.s32 v6, v25;
	v23 =	vld.idx.msk [tilespmem:v27+s1+$0x0], $0xffff  }
.LBB2_46:
0x429: {  	v25 =	vld [tilespmem:s17+$0x30];
	s16 =	sadd.s32 $0x8, s16;
	[tilespmem:s15+$0x0] =	vst v24  }
0x42a: {  	v24 =	vld [tilespmem:s17+$0xFFFFFFD0];
	p0 =	slt.u32 s16, $0x78;
	[tilespmem:s15+$0xFFFFFFA0] =	vst v21  }
0x42b: {  	v21 =	vld [tilespmem:s17+$0xFFFFFFE0];
	[tilespmem:s15+$0xFFFFFFB0] =	vst v22  }
0x42c: {  	v22 =	vld [tilespmem:s17+$0xFFFFFFF0];
	[tilespmem:s15+$0xFFFFFFC0] =	vst v20  }
0x42d: {  	v20 =	vld [tilespmem:s17+$0x0];
	[tilespmem:s15+$0xFFFFFFD0] =	vst v19  }
0x42e: {  	v19 =	vld [tilespmem:s17+$0x10];
	v25 =	vadd.s32 v6, v25;
	[tilespmem:s15+$0xFFFFFFE0] =	vst v23  }
0x42f: {  	v23 =	vadd.s32 v6, v24;
	v26 =	vld [tilespmem:s17+$0x20]  }
0x430: {  	v27 =	vld [tilespmem:s17+$0xFFFFFFC0];
	v28 =	vadd.s32 v6, v21  }
0x431: {  	v29 =	vadd.s32 v6, v22;
	v30 =	vld.idx.msk [tilespmem:v18+s1+$0x0], $0xffff  }
0x432: {  	v31 =	vadd.s32 v6, v20;
	v32 =	vld.idx.msk [tilespmem:v17+s1+$0x0], $0xffff  }
0x433: {  	v33 =	vadd.s32 v6, v19;
	v24 =	vld.idx.msk [tilespmem:v25+s1+$0x0], $0xffff  }
.Ltmp22:
0x434: {  	v21 =	vld.idx.msk [tilespmem:v23+s1+$0x0], $0xffff;
	v17 =	vadd.s32 v6, v26;
	(pc) =	sbr.rel @p0 .LBB2_46-.Ltmp22, $4  }
0x435: {  	v18 =	vadd.s32 v6, v27;
	v22 =	vld.idx.msk [tilespmem:v28+s1+$0x0], $0xffff  }
0x436: {  	v20 =	vld.idx.msk [tilespmem:v29+s1+$0x0], $0xffff  }
0x437: {  	v19 =	vld.idx.msk [tilespmem:v31+s1+$0x0], $0xffff;
	[tilespmem:s15+$0xFFFFFF90] =	vst v30  }
0x438: {  	s17 =	sadd.s32 $0x80, s17;
	v23 =	vld.idx.msk [tilespmem:v33+s1+$0x0], $0xffff;
	[tilespmem:s15+$0xFFFFFFF0] =	vst v32;
	s15 =	sadd.s32 $0x100, s15  }
0x439: {  	_ =	sdelay $0x2  }
0x43a: {  	[tilespmem:s15+$0x0] =	vst v24  }
0x43b: {  	[tilespmem:s15+$0xFFFFFFA0] =	vst v21;
	v18 =	vld.idx.msk [tilespmem:v18+s1+$0x0], $0xffff  }
0x43c: {  	v17 =	vld.idx.msk [tilespmem:v17+s1+$0x0], $0xffff;
	[tilespmem:s15+$0xFFFFFFB0] =	vst v22  }
0x43d: {  	[tilespmem:s15+$0xFFFFFFC0] =	vst v20  }
0x43e: {  	[tilespmem:s15+$0xFFFFFFD0] =	vst v19  }
0x43f: {  	[tilespmem:s15+$0xFFFFFFE0] =	vst v23  }
0x440: {  	[tilespmem:s15+$0xFFFFFF90] =	vst v18  }
0x441: {  	[tilespmem:s15+$0xFFFFFFF0] =	vst v17  }
0x442: {  	s15 =	rddreg [dreg:$0x12]  }
0x443: {  	[hbm4b:s15+s1] =	stream.linear.scatter [tilespmem:s9], [sflag:$0x2], $0x1000, $0x38;
	[tilespmem:$0x7800] =	vst v63  }
0x444: {  	_ = 	snop  }
0x445: {  	[tilespmem:s6], [sflag:$0x1] =	stream.linear.gather [hbm4b:s18+s1], $0xC00, $0x38;
	[tilespmem:$0x7800] =	vst v63  }
0x446: {  	_ =	swait.ge [sflag:s8], $0xC00  }
0x447: {  	[sflag:s8] =	ssyncset.done $0x0  }
0x448: {  	[sflag:s8] =	ssyncadd.s32 $0xFFFFF400  }
0x449: {  	_ =	swait.ge [sflag:s13], $0x1000  }
0x44a: {  	[sflag:s13] =	ssyncset.done $0x0  }
0x44b: {  	s15 =	simm.s32 $0x7040;
	[sflag:s13] =	ssyncadd.s32 $0xFFFFF000  }
0x44c: {  	v17 =	vld [tilespmem:s15+$0x30]  }
0x44d: {  	v18 =	vld [tilespmem:s15+$0xFFFFFFD0]  }
0x44e: {  	v19 =	vld [tilespmem:s15+$0xFFFFFFE0]  }
0x44f: {  	v20 =	vld [tilespmem:s15+$0xFFFFFFF0]  }
0x450: {  	v21 =	vld [tilespmem:s15+$0x0]  }
0x451: {  	v22 =	vld [tilespmem:s15+$0x10];
	v17 =	vadd.s32 v7, v17  }
0x452: {  	v18 =	vadd.s32 v7, v18  }
0x453: {  	v19 =	vadd.s32 v7, v19  }
0x454: {  	v23 =	vld [tilespmem:s15+$0x20];
	v20 =	vadd.s32 v7, v20  }
0x455: {  	v25 =	vld [tilespmem:s15+$0xFFFFFFC0];
	v26 =	vadd.s32 v7, v21  }
0x456: {  	v27 =	vadd.s32 v7, v22;
	v24 =	vld.idx.msk [tilespmem:v17+s1+$0x0], $0xffff  }
0x457: {  	v21 =	vld.idx.msk [tilespmem:v18+s1+$0x0], $0xffff  }
0x458: {  	v22 =	vld.idx.msk [tilespmem:v19+s1+$0x0], $0xffff  }
0x459: {  	v20 =	vld.idx.msk [tilespmem:v20+s1+$0x0], $0xffff  }
0x45a: {  	v19 =	vld.idx.msk [tilespmem:v26+s1+$0x0], $0xffff  }
0x45b: {  	s16 =	simm.s32 $0x6070;
	s17 =	simm.s32 $0x0;
	s20 =	simm.s32 $0x70C0;
	v17 =	vadd.s32 v7, v23;
	v18 =	vadd.s32 v7, v25;
	v23 =	vld.idx.msk [tilespmem:v27+s1+$0x0], $0xffff  }
.LBB2_48:
0x45c: {  	v25 =	vld [tilespmem:s20+$0x30];
	s17 =	sadd.s32 $0x8, s17;
	[tilespmem:s16+$0x0] =	vst v24  }
0x45d: {  	v24 =	vld [tilespmem:s20+$0xFFFFFFD0];
	p0 =	slt.u32 s17, $0x78;
	[tilespmem:s16+$0xFFFFFFA0] =	vst v21  }
0x45e: {  	v21 =	vld [tilespmem:s20+$0xFFFFFFE0];
	[tilespmem:s16+$0xFFFFFFB0] =	vst v22  }
0x45f: {  	v22 =	vld [tilespmem:s20+$0xFFFFFFF0];
	[tilespmem:s16+$0xFFFFFFC0] =	vst v20  }
0x460: {  	v20 =	vld [tilespmem:s20+$0x0];
	[tilespmem:s16+$0xFFFFFFD0] =	vst v19  }
0x461: {  	v19 =	vld [tilespmem:s20+$0x10];
	v25 =	vadd.s32 v7, v25;
	[tilespmem:s16+$0xFFFFFFE0] =	vst v23  }
0x462: {  	v23 =	vadd.s32 v7, v24;
	v26 =	vld [tilespmem:s20+$0x20]  }
0x463: {  	v27 =	vld [tilespmem:s20+$0xFFFFFFC0];
	v28 =	vadd.s32 v7, v21  }
0x464: {  	v29 =	vadd.s32 v7, v22;
	v30 =	vld.idx.msk [tilespmem:v18+s1+$0x0], $0xffff  }
0x465: {  	v31 =	vadd.s32 v7, v20;
	v32 =	vld.idx.msk [tilespmem:v17+s1+$0x0], $0xffff  }
0x466: {  	v33 =	vadd.s32 v7, v19;
	v24 =	vld.idx.msk [tilespmem:v25+s1+$0x0], $0xffff  }
.Ltmp23:
0x467: {  	v21 =	vld.idx.msk [tilespmem:v23+s1+$0x0], $0xffff;
	v17 =	vadd.s32 v7, v26;
	(pc) =	sbr.rel @p0 .LBB2_48-.Ltmp23, $4  }
0x468: {  	v18 =	vadd.s32 v7, v27;
	v22 =	vld.idx.msk [tilespmem:v28+s1+$0x0], $0xffff  }
0x469: {  	v20 =	vld.idx.msk [tilespmem:v29+s1+$0x0], $0xffff  }
0x46a: {  	v19 =	vld.idx.msk [tilespmem:v31+s1+$0x0], $0xffff;
	[tilespmem:s16+$0xFFFFFF90] =	vst v30  }
0x46b: {  	s20 =	sadd.s32 $0x80, s20;
	v23 =	vld.idx.msk [tilespmem:v33+s1+$0x0], $0xffff;
	[tilespmem:s16+$0xFFFFFFF0] =	vst v32;
	s16 =	sadd.s32 $0x100, s16  }
0x46c: {  	_ =	sdelay $0x2  }
0x46d: {  	[tilespmem:s16+$0x0] =	vst v24  }
0x46e: {  	[tilespmem:s16+$0xFFFFFFA0] =	vst v21;
	v18 =	vld.idx.msk [tilespmem:v18+s1+$0x0], $0xffff  }
0x46f: {  	v17 =	vld.idx.msk [tilespmem:v17+s1+$0x0], $0xffff;
	[tilespmem:s16+$0xFFFFFFB0] =	vst v22  }
0x470: {  	[tilespmem:s16+$0xFFFFFFC0] =	vst v20  }
0x471: {  	[tilespmem:s16+$0xFFFFFFD0] =	vst v19  }
0x472: {  	[tilespmem:s16+$0xFFFFFFE0] =	vst v23  }
0x473: {  	[tilespmem:s16+$0xFFFFFF90] =	vst v18  }
0x474: {  	[tilespmem:s16+$0xFFFFFFF0] =	vst v17  }
0x475: {  	v17 =	vld [tilespmem:s15+$0x30]  }
0x476: {  	v18 =	vld [tilespmem:s15+$0xFFFFFFD0]  }
0x477: {  	v19 =	vld [tilespmem:s15+$0xFFFFFFE0]  }
0x478: {  	v20 =	vld [tilespmem:s15+$0xFFFFFFF0]  }
0x479: {  	v21 =	vld [tilespmem:s15+$0x0]  }
0x47a: {  	v22 =	vld [tilespmem:s15+$0x10];
	v17 =	vadd.s32 v8, v17  }
0x47b: {  	v18 =	vadd.s32 v8, v18  }
0x47c: {  	v19 =	vadd.s32 v8, v19  }
0x47d: {  	v23 =	vld [tilespmem:s15+$0x20];
	v20 =	vadd.s32 v8, v20  }
0x47e: {  	v25 =	vld [tilespmem:s15+$0xFFFFFFC0];
	v26 =	vadd.s32 v8, v21  }
0x47f: {  	v27 =	vadd.s32 v8, v22;
	v24 =	vld.idx.msk [tilespmem:v17+s1+$0x0], $0xffff  }
0x480: {  	v21 =	vld.idx.msk [tilespmem:v18+s1+$0x0], $0xffff  }
0x481: {  	v22 =	vld.idx.msk [tilespmem:v19+s1+$0x0], $0xffff  }
0x482: {  	v20 =	vld.idx.msk [tilespmem:v20+s1+$0x0], $0xffff  }
0x483: {  	v19 =	vld.idx.msk [tilespmem:v26+s1+$0x0], $0xffff  }
0x484: {  	s17 =	simm.s32 $0x70C0;
	s16 =	simm.s32 $0x0;
	s15 =	simm.s32 $0x60F0;
	v17 =	vadd.s32 v8, v23;
	v18 =	vadd.s32 v8, v25;
	v23 =	vld.idx.msk [tilespmem:v27+s1+$0x0], $0xffff  }
.LBB2_50:
0x485: {  	v25 =	vld [tilespmem:s17+$0x30];
	s16 =	sadd.s32 $0x8, s16;
	[tilespmem:s15+$0x0] =	vst v24  }
0x486: {  	v24 =	vld [tilespmem:s17+$0xFFFFFFD0];
	p0 =	slt.u32 s16, $0x78;
	[tilespmem:s15+$0xFFFFFFA0] =	vst v21  }
0x487: {  	v21 =	vld [tilespmem:s17+$0xFFFFFFE0];
	[tilespmem:s15+$0xFFFFFFB0] =	vst v22  }
0x488: {  	v22 =	vld [tilespmem:s17+$0xFFFFFFF0];
	[tilespmem:s15+$0xFFFFFFC0] =	vst v20  }
0x489: {  	v20 =	vld [tilespmem:s17+$0x0];
	[tilespmem:s15+$0xFFFFFFD0] =	vst v19  }
0x48a: {  	v19 =	vld [tilespmem:s17+$0x10];
	v25 =	vadd.s32 v8, v25;
	[tilespmem:s15+$0xFFFFFFE0] =	vst v23  }
0x48b: {  	v23 =	vadd.s32 v8, v24;
	v26 =	vld [tilespmem:s17+$0x20]  }
0x48c: {  	v27 =	vld [tilespmem:s17+$0xFFFFFFC0];
	v28 =	vadd.s32 v8, v21  }
0x48d: {  	v29 =	vadd.s32 v8, v22;
	v30 =	vld.idx.msk [tilespmem:v18+s1+$0x0], $0xffff  }
0x48e: {  	v31 =	vadd.s32 v8, v20;
	v32 =	vld.idx.msk [tilespmem:v17+s1+$0x0], $0xffff  }
0x48f: {  	v33 =	vadd.s32 v8, v19;
	v24 =	vld.idx.msk [tilespmem:v25+s1+$0x0], $0xffff  }
.Ltmp24:
0x490: {  	v21 =	vld.idx.msk [tilespmem:v23+s1+$0x0], $0xffff;
	v17 =	vadd.s32 v8, v26;
	(pc) =	sbr.rel @p0 .LBB2_50-.Ltmp24, $4  }
0x491: {  	v18 =	vadd.s32 v8, v27;
	v22 =	vld.idx.msk [tilespmem:v28+s1+$0x0], $0xffff  }
0x492: {  	v20 =	vld.idx.msk [tilespmem:v29+s1+$0x0], $0xffff  }
0x493: {  	v19 =	vld.idx.msk [tilespmem:v31+s1+$0x0], $0xffff;
	[tilespmem:s15+$0xFFFFFF90] =	vst v30  }
0x494: {  	s17 =	sadd.s32 $0x80, s17;
	v23 =	vld.idx.msk [tilespmem:v33+s1+$0x0], $0xffff;
	[tilespmem:s15+$0xFFFFFFF0] =	vst v32;
	s15 =	sadd.s32 $0x100, s15  }
0x495: {  	_ =	sdelay $0x2  }
0x496: {  	[tilespmem:s15+$0x0] =	vst v24  }
0x497: {  	[tilespmem:s15+$0xFFFFFFA0] =	vst v21;
	v18 =	vld.idx.msk [tilespmem:v18+s1+$0x0], $0xffff  }
0x498: {  	v17 =	vld.idx.msk [tilespmem:v17+s1+$0x0], $0xffff;
	[tilespmem:s15+$0xFFFFFFB0] =	vst v22  }
0x499: {  	[tilespmem:s15+$0xFFFFFFC0] =	vst v20  }
0x49a: {  	[tilespmem:s15+$0xFFFFFFD0] =	vst v19  }
0x49b: {  	[tilespmem:s15+$0xFFFFFFE0] =	vst v23  }
0x49c: {  	[tilespmem:s15+$0xFFFFFF90] =	vst v18  }
0x49d: {  	[tilespmem:s15+$0xFFFFFFF0] =	vst v17  }
0x49e: {  	s15 =	rddreg [dreg:$0x13]  }
0x49f: {  	[hbm4b:s15+s1] =	stream.linear.scatter [tilespmem:s11], [sflag:$0x3], $0x1000, $0x38;
	[tilespmem:$0x7800] =	vst v63  }
0x4a0: {  	_ = 	snop  }
0x4a1: {  	[tilespmem:s7], [sflag:$0x1] =	stream.linear.gather [hbm4b:s2+s1], $0xC00, $0x38;
	[tilespmem:$0x7800] =	vst v63  }
0x4a2: {  	_ =	swait.ge [sflag:s8], $0xC00  }
0x4a3: {  	[sflag:s8] =	ssyncset.done $0x0  }
0x4a4: {  	[sflag:s8] =	ssyncadd.s32 $0xFFFFF400  }
0x4a5: {  	_ =	swait.ge [sflag:s12], $0x1000  }
0x4a6: {  	[sflag:s12] =	ssyncset.done $0x0  }
0x4a7: {  	s15 =	simm.s32 $0x7040;
	[sflag:s12] =	ssyncadd.s32 $0xFFFFF000  }
0x4a8: {  	v17 =	vld [tilespmem:s15+$0x30]  }
0x4a9: {  	v18 =	vld [tilespmem:s15+$0xFFFFFFD0]  }
0x4aa: {  	v19 =	vld [tilespmem:s15+$0xFFFFFFE0]  }
0x4ab: {  	v20 =	vld [tilespmem:s15+$0xFFFFFFF0]  }
0x4ac: {  	v21 =	vld [tilespmem:s15+$0x0]  }
0x4ad: {  	v22 =	vld [tilespmem:s15+$0x10];
	v17 =	vadd.s32 v9, v17  }
0x4ae: {  	v18 =	vadd.s32 v9, v18  }
0x4af: {  	v19 =	vadd.s32 v9, v19  }
0x4b0: {  	v23 =	vld [tilespmem:s15+$0x20];
	v20 =	vadd.s32 v9, v20  }
0x4b1: {  	v25 =	vld [tilespmem:s15+$0xFFFFFFC0];
	v26 =	vadd.s32 v9, v21  }
0x4b2: {  	v27 =	vadd.s32 v9, v22;
	v24 =	vld.idx.msk [tilespmem:v17+s1+$0x0], $0xffff  }
0x4b3: {  	v21 =	vld.idx.msk [tilespmem:v18+s1+$0x0], $0xffff  }
0x4b4: {  	v22 =	vld.idx.msk [tilespmem:v19+s1+$0x0], $0xffff  }
0x4b5: {  	v20 =	vld.idx.msk [tilespmem:v20+s1+$0x0], $0xffff  }
0x4b6: {  	v19 =	vld.idx.msk [tilespmem:v26+s1+$0x0], $0xffff  }
0x4b7: {  	s16 =	simm.s32 $0x5040;
	s17 =	simm.s32 $0x0;
	s20 =	simm.s32 $0x70C0;
	v17 =	vadd.s32 v9, v23;
	v18 =	vadd.s32 v9, v25;
	v23 =	vld.idx.msk [tilespmem:v27+s1+$0x0], $0xffff  }
.LBB2_52:
0x4b8: {  	v25 =	vld [tilespmem:s20+$0x30];
	s17 =	sadd.s32 $0x8, s17;
	[tilespmem:s16+$0x30] =	vst v24  }
0x4b9: {  	v24 =	vld [tilespmem:s20+$0xFFFFFFD0];
	p0 =	slt.u32 s17, $0x78;
	[tilespmem:s16+$0xFFFFFFD0] =	vst v21  }
0x4ba: {  	v21 =	vld [tilespmem:s20+$0xFFFFFFE0];
	[tilespmem:s16+$0xFFFFFFE0] =	vst v22  }
0x4bb: {  	v22 =	vld [tilespmem:s20+$0xFFFFFFF0];
	[tilespmem:s16+$0xFFFFFFF0] =	vst v20  }
0x4bc: {  	v20 =	vld [tilespmem:s20+$0x0];
	[tilespmem:s16+$0x0] =	vst v19  }
0x4bd: {  	v19 =	vld [tilespmem:s20+$0x10];
	v25 =	vadd.s32 v9, v25;
	[tilespmem:s16+$0x10] =	vst v23  }
0x4be: {  	v23 =	vadd.s32 v9, v24;
	v26 =	vld [tilespmem:s20+$0x20]  }
0x4bf: {  	v27 =	vld [tilespmem:s20+$0xFFFFFFC0];
	v28 =	vadd.s32 v9, v21  }
0x4c0: {  	v29 =	vadd.s32 v9, v22;
	v30 =	vld.idx.msk [tilespmem:v18+s1+$0x0], $0xffff  }
0x4c1: {  	v31 =	vadd.s32 v9, v20;
	v32 =	vld.idx.msk [tilespmem:v17+s1+$0x0], $0xffff  }
0x4c2: {  	v33 =	vadd.s32 v9, v19;
	v24 =	vld.idx.msk [tilespmem:v25+s1+$0x0], $0xffff  }
.Ltmp25:
0x4c3: {  	v21 =	vld.idx.msk [tilespmem:v23+s1+$0x0], $0xffff;
	v17 =	vadd.s32 v9, v26;
	(pc) =	sbr.rel @p0 .LBB2_52-.Ltmp25, $4  }
0x4c4: {  	v18 =	vadd.s32 v9, v27;
	v22 =	vld.idx.msk [tilespmem:v28+s1+$0x0], $0xffff  }
0x4c5: {  	v20 =	vld.idx.msk [tilespmem:v29+s1+$0x0], $0xffff  }
0x4c6: {  	v19 =	vld.idx.msk [tilespmem:v31+s1+$0x0], $0xffff;
	[tilespmem:s16+$0xFFFFFFC0] =	vst v30  }
0x4c7: {  	s20 =	sadd.s32 $0x80, s20;
	v23 =	vld.idx.msk [tilespmem:v33+s1+$0x0], $0xffff;
	[tilespmem:s16+$0x20] =	vst v32;
	s16 =	sadd.s32 $0x100, s16  }
0x4c8: {  	_ =	sdelay $0x2  }
0x4c9: {  	[tilespmem:s16+$0x30] =	vst v24  }
0x4ca: {  	[tilespmem:s16+$0xFFFFFFD0] =	vst v21;
	v18 =	vld.idx.msk [tilespmem:v18+s1+$0x0], $0xffff  }
0x4cb: {  	v17 =	vld.idx.msk [tilespmem:v17+s1+$0x0], $0xffff;
	[tilespmem:s16+$0xFFFFFFE0] =	vst v22  }
0x4cc: {  	[tilespmem:s16+$0xFFFFFFF0] =	vst v20  }
0x4cd: {  	[tilespmem:s16+$0x0] =	vst v19  }
0x4ce: {  	[tilespmem:s16+$0x10] =	vst v23  }
0x4cf: {  	[tilespmem:s16+$0xFFFFFFC0] =	vst v18  }
0x4d0: {  	[tilespmem:s16+$0x20] =	vst v17  }
0x4d1: {  	v17 =	vld [tilespmem:s15+$0x30]  }
0x4d2: {  	v18 =	vld [tilespmem:s15+$0xFFFFFFD0]  }
0x4d3: {  	v19 =	vld [tilespmem:s15+$0xFFFFFFE0]  }
0x4d4: {  	v20 =	vld [tilespmem:s15+$0xFFFFFFF0]  }
0x4d5: {  	v21 =	vld [tilespmem:s15+$0x0]  }
0x4d6: {  	v22 =	vld [tilespmem:s15+$0x10];
	v17 =	vadd.s32 v10, v17  }
0x4d7: {  	v18 =	vadd.s32 v10, v18  }
0x4d8: {  	v19 =	vadd.s32 v10, v19  }
0x4d9: {  	v23 =	vld [tilespmem:s15+$0x20];
	v20 =	vadd.s32 v10, v20  }
0x4da: {  	v25 =	vld [tilespmem:s15+$0xFFFFFFC0];
	v26 =	vadd.s32 v10, v21  }
0x4db: {  	v27 =	vadd.s32 v10, v22;
	v24 =	vld.idx.msk [tilespmem:v17+s1+$0x0], $0xffff  }
0x4dc: {  	v21 =	vld.idx.msk [tilespmem:v18+s1+$0x0], $0xffff  }
0x4dd: {  	v22 =	vld.idx.msk [tilespmem:v19+s1+$0x0], $0xffff  }
0x4de: {  	v20 =	vld.idx.msk [tilespmem:v20+s1+$0x0], $0xffff  }
0x4df: {  	v19 =	vld.idx.msk [tilespmem:v26+s1+$0x0], $0xffff  }
0x4e0: {  	s17 =	simm.s32 $0x70C0;
	s16 =	simm.s32 $0x0;
	s15 =	simm.s32 $0x50F0;
	v17 =	vadd.s32 v10, v23;
	v18 =	vadd.s32 v10, v25;
	v23 =	vld.idx.msk [tilespmem:v27+s1+$0x0], $0xffff  }
.LBB2_54:
0x4e1: {  	v25 =	vld [tilespmem:s17+$0x30];
	s16 =	sadd.s32 $0x8, s16;
	[tilespmem:s15+$0x0] =	vst v24  }
0x4e2: {  	v24 =	vld [tilespmem:s17+$0xFFFFFFD0];
	p0 =	slt.u32 s16, $0x78;
	[tilespmem:s15+$0xFFFFFFA0] =	vst v21  }
0x4e3: {  	v21 =	vld [tilespmem:s17+$0xFFFFFFE0];
	[tilespmem:s15+$0xFFFFFFB0] =	vst v22  }
0x4e4: {  	v22 =	vld [tilespmem:s17+$0xFFFFFFF0];
	[tilespmem:s15+$0xFFFFFFC0] =	vst v20  }
0x4e5: {  	v20 =	vld [tilespmem:s17+$0x0];
	[tilespmem:s15+$0xFFFFFFD0] =	vst v19  }
0x4e6: {  	v19 =	vld [tilespmem:s17+$0x10];
	v25 =	vadd.s32 v10, v25;
	[tilespmem:s15+$0xFFFFFFE0] =	vst v23  }
0x4e7: {  	v23 =	vadd.s32 v10, v24;
	v26 =	vld [tilespmem:s17+$0x20]  }
0x4e8: {  	v27 =	vld [tilespmem:s17+$0xFFFFFFC0];
	v28 =	vadd.s32 v10, v21  }
0x4e9: {  	v29 =	vadd.s32 v10, v22;
	v30 =	vld.idx.msk [tilespmem:v18+s1+$0x0], $0xffff  }
0x4ea: {  	v31 =	vadd.s32 v10, v20;
	v32 =	vld.idx.msk [tilespmem:v17+s1+$0x0], $0xffff  }
0x4eb: {  	v33 =	vadd.s32 v10, v19;
	v24 =	vld.idx.msk [tilespmem:v25+s1+$0x0], $0xffff  }
.Ltmp26:
0x4ec: {  	v21 =	vld.idx.msk [tilespmem:v23+s1+$0x0], $0xffff;
	v17 =	vadd.s32 v10, v26;
	(pc) =	sbr.rel @p0 .LBB2_54-.Ltmp26, $4  }
0x4ed: {  	v18 =	vadd.s32 v10, v27;
	v22 =	vld.idx.msk [tilespmem:v28+s1+$0x0], $0xffff  }
0x4ee: {  	v20 =	vld.idx.msk [tilespmem:v29+s1+$0x0], $0xffff  }
0x4ef: {  	v19 =	vld.idx.msk [tilespmem:v31+s1+$0x0], $0xffff;
	[tilespmem:s15+$0xFFFFFF90] =	vst v30  }
0x4f0: {  	s17 =	sadd.s32 $0x80, s17;
	v23 =	vld.idx.msk [tilespmem:v33+s1+$0x0], $0xffff;
	[tilespmem:s15+$0xFFFFFFF0] =	vst v32;
	s15 =	sadd.s32 $0x100, s15  }
0x4f1: {  	_ =	sdelay $0x2  }
0x4f2: {  	[tilespmem:s15+$0x0] =	vst v24  }
0x4f3: {  	[tilespmem:s15+$0xFFFFFFA0] =	vst v21;
	v18 =	vld.idx.msk [tilespmem:v18+s1+$0x0], $0xffff  }
0x4f4: {  	v17 =	vld.idx.msk [tilespmem:v17+s1+$0x0], $0xffff;
	[tilespmem:s15+$0xFFFFFFB0] =	vst v22  }
0x4f5: {  	[tilespmem:s15+$0xFFFFFFC0] =	vst v20  }
0x4f6: {  	[tilespmem:s15+$0xFFFFFFD0] =	vst v19  }
0x4f7: {  	[tilespmem:s15+$0xFFFFFFE0] =	vst v23  }
0x4f8: {  	[tilespmem:s15+$0xFFFFFF90] =	vst v18  }
0x4f9: {  	[tilespmem:s15+$0xFFFFFFF0] =	vst v17  }
0x4fa: {  	s15 =	rddreg [dreg:$0x14]  }
0x4fb: {  	[hbm4b:s15+s1] =	stream.linear.scatter [tilespmem:s9], [sflag:$0x2], $0x1000, $0x38;
	[tilespmem:$0x7800] =	vst v63  }
0x4fc: {  	_ = 	snop  }
0x4fd: {  	[tilespmem:s10], [sflag:$0x1] =	stream.linear.gather [hbm4b:s3+s1], $0xC00, $0x38;
	[tilespmem:$0x7800] =	vst v63  }
0x4fe: {  	_ =	swait.ge [sflag:s8], $0xC00  }
0x4ff: {  	[sflag:s8] =	ssyncset.done $0x0  }
0x500: {  	[sflag:s8] =	ssyncadd.s32 $0xFFFFF400  }
0x501: {  	_ =	swait.ge [sflag:s13], $0x1000  }
0x502: {  	[sflag:s13] =	ssyncset.done $0x0  }
0x503: {  	s15 =	simm.s32 $0x7040;
	[sflag:s13] =	ssyncadd.s32 $0xFFFFF000  }
0x504: {  	v17 =	vld [tilespmem:s15+$0x30]  }
0x505: {  	v18 =	vld [tilespmem:s15+$0xFFFFFFD0]  }
0x506: {  	v19 =	vld [tilespmem:s15+$0xFFFFFFE0]  }
0x507: {  	v20 =	vld [tilespmem:s15+$0xFFFFFFF0]  }
0x508: {  	v21 =	vld [tilespmem:s15+$0x0]  }
0x509: {  	v22 =	vld [tilespmem:s15+$0x10];
	v17 =	vadd.s32 v11, v17  }
0x50a: {  	v18 =	vadd.s32 v11, v18  }
0x50b: {  	v19 =	vadd.s32 v11, v19  }
0x50c: {  	v23 =	vld [tilespmem:s15+$0x20];
	v20 =	vadd.s32 v11, v20  }
0x50d: {  	v25 =	vld [tilespmem:s15+$0xFFFFFFC0];
	v26 =	vadd.s32 v11, v21  }
0x50e: {  	v27 =	vadd.s32 v11, v22;
	v24 =	vld.idx.msk [tilespmem:v17+s1+$0x0], $0xffff  }
0x50f: {  	v21 =	vld.idx.msk [tilespmem:v18+s1+$0x0], $0xffff  }
0x510: {  	v22 =	vld.idx.msk [tilespmem:v19+s1+$0x0], $0xffff  }
0x511: {  	v20 =	vld.idx.msk [tilespmem:v20+s1+$0x0], $0xffff  }
0x512: {  	v19 =	vld.idx.msk [tilespmem:v26+s1+$0x0], $0xffff  }
0x513: {  	s16 =	simm.s32 $0x6070;
	s17 =	simm.s32 $0x0;
	s20 =	simm.s32 $0x70C0;
	v17 =	vadd.s32 v11, v23;
	v18 =	vadd.s32 v11, v25;
	v23 =	vld.idx.msk [tilespmem:v27+s1+$0x0], $0xffff  }
.LBB2_56:
0x514: {  	v25 =	vld [tilespmem:s20+$0x30];
	s17 =	sadd.s32 $0x8, s17;
	[tilespmem:s16+$0x0] =	vst v24  }
0x515: {  	v24 =	vld [tilespmem:s20+$0xFFFFFFD0];
	p0 =	slt.u32 s17, $0x78;
	[tilespmem:s16+$0xFFFFFFA0] =	vst v21  }
0x516: {  	v21 =	vld [tilespmem:s20+$0xFFFFFFE0];
	[tilespmem:s16+$0xFFFFFFB0] =	vst v22  }
0x517: {  	v22 =	vld [tilespmem:s20+$0xFFFFFFF0];
	[tilespmem:s16+$0xFFFFFFC0] =	vst v20  }
0x518: {  	v20 =	vld [tilespmem:s20+$0x0];
	[tilespmem:s16+$0xFFFFFFD0] =	vst v19  }
0x519: {  	v19 =	vld [tilespmem:s20+$0x10];
	v25 =	vadd.s32 v11, v25;
	[tilespmem:s16+$0xFFFFFFE0] =	vst v23  }
0x51a: {  	v23 =	vadd.s32 v11, v24;
	v26 =	vld [tilespmem:s20+$0x20]  }
0x51b: {  	v27 =	vld [tilespmem:s20+$0xFFFFFFC0];
	v28 =	vadd.s32 v11, v21  }
0x51c: {  	v29 =	vadd.s32 v11, v22;
	v30 =	vld.idx.msk [tilespmem:v18+s1+$0x0], $0xffff  }
0x51d: {  	v31 =	vadd.s32 v11, v20;
	v32 =	vld.idx.msk [tilespmem:v17+s1+$0x0], $0xffff  }
0x51e: {  	v33 =	vadd.s32 v11, v19;
	v24 =	vld.idx.msk [tilespmem:v25+s1+$0x0], $0xffff  }
.Ltmp27:
0x51f: {  	v21 =	vld.idx.msk [tilespmem:v23+s1+$0x0], $0xffff;
	v17 =	vadd.s32 v11, v26;
	(pc) =	sbr.rel @p0 .LBB2_56-.Ltmp27, $4  }
0x520: {  	v18 =	vadd.s32 v11, v27;
	v22 =	vld.idx.msk [tilespmem:v28+s1+$0x0], $0xffff  }
0x521: {  	v20 =	vld.idx.msk [tilespmem:v29+s1+$0x0], $0xffff  }
0x522: {  	v19 =	vld.idx.msk [tilespmem:v31+s1+$0x0], $0xffff;
	[tilespmem:s16+$0xFFFFFF90] =	vst v30  }
0x523: {  	s20 =	sadd.s32 $0x80, s20;
	v23 =	vld.idx.msk [tilespmem:v33+s1+$0x0], $0xffff;
	[tilespmem:s16+$0xFFFFFFF0] =	vst v32;
	s16 =	sadd.s32 $0x100, s16  }
0x524: {  	_ =	sdelay $0x2  }
0x525: {  	[tilespmem:s16+$0x0] =	vst v24  }
0x526: {  	[tilespmem:s16+$0xFFFFFFA0] =	vst v21;
	v18 =	vld.idx.msk [tilespmem:v18+s1+$0x0], $0xffff  }
0x527: {  	v17 =	vld.idx.msk [tilespmem:v17+s1+$0x0], $0xffff;
	[tilespmem:s16+$0xFFFFFFB0] =	vst v22  }
0x528: {  	[tilespmem:s16+$0xFFFFFFC0] =	vst v20  }
0x529: {  	[tilespmem:s16+$0xFFFFFFD0] =	vst v19  }
0x52a: {  	[tilespmem:s16+$0xFFFFFFE0] =	vst v23  }
0x52b: {  	[tilespmem:s16+$0xFFFFFF90] =	vst v18  }
0x52c: {  	[tilespmem:s16+$0xFFFFFFF0] =	vst v17  }
0x52d: {  	v17 =	vld [tilespmem:s15+$0x30]  }
0x52e: {  	v18 =	vld [tilespmem:s15+$0xFFFFFFD0]  }
0x52f: {  	v19 =	vld [tilespmem:s15+$0xFFFFFFE0]  }
0x530: {  	v20 =	vld [tilespmem:s15+$0xFFFFFFF0]  }
0x531: {  	v21 =	vld [tilespmem:s15+$0x0]  }
0x532: {  	v22 =	vld [tilespmem:s15+$0x10];
	v17 =	vadd.s32 v12, v17  }
0x533: {  	v18 =	vadd.s32 v12, v18  }
0x534: {  	v19 =	vadd.s32 v12, v19  }
0x535: {  	v23 =	vld [tilespmem:s15+$0x20];
	v20 =	vadd.s32 v12, v20  }
0x536: {  	v25 =	vld [tilespmem:s15+$0xFFFFFFC0];
	v26 =	vadd.s32 v12, v21  }
0x537: {  	v27 =	vadd.s32 v12, v22;
	v24 =	vld.idx.msk [tilespmem:v17+s1+$0x0], $0xffff  }
0x538: {  	v21 =	vld.idx.msk [tilespmem:v18+s1+$0x0], $0xffff  }
0x539: {  	v22 =	vld.idx.msk [tilespmem:v19+s1+$0x0], $0xffff  }
0x53a: {  	v20 =	vld.idx.msk [tilespmem:v20+s1+$0x0], $0xffff  }
0x53b: {  	v19 =	vld.idx.msk [tilespmem:v26+s1+$0x0], $0xffff  }
0x53c: {  	s17 =	simm.s32 $0x70C0;
	s16 =	simm.s32 $0x0;
	s15 =	simm.s32 $0x60F0;
	v17 =	vadd.s32 v12, v23;
	v18 =	vadd.s32 v12, v25;
	v23 =	vld.idx.msk [tilespmem:v27+s1+$0x0], $0xffff  }
.LBB2_58:
0x53d: {  	v25 =	vld [tilespmem:s17+$0x30];
	s16 =	sadd.s32 $0x8, s16;
	[tilespmem:s15+$0x0] =	vst v24  }
0x53e: {  	v24 =	vld [tilespmem:s17+$0xFFFFFFD0];
	p0 =	slt.u32 s16, $0x78;
	[tilespmem:s15+$0xFFFFFFA0] =	vst v21  }
0x53f: {  	v21 =	vld [tilespmem:s17+$0xFFFFFFE0];
	[tilespmem:s15+$0xFFFFFFB0] =	vst v22  }
0x540: {  	v22 =	vld [tilespmem:s17+$0xFFFFFFF0];
	[tilespmem:s15+$0xFFFFFFC0] =	vst v20  }
0x541: {  	v20 =	vld [tilespmem:s17+$0x0];
	[tilespmem:s15+$0xFFFFFFD0] =	vst v19  }
0x542: {  	v19 =	vld [tilespmem:s17+$0x10];
	v25 =	vadd.s32 v12, v25;
	[tilespmem:s15+$0xFFFFFFE0] =	vst v23  }
0x543: {  	v23 =	vadd.s32 v12, v24;
	v26 =	vld [tilespmem:s17+$0x20]  }
0x544: {  	v27 =	vld [tilespmem:s17+$0xFFFFFFC0];
	v28 =	vadd.s32 v12, v21  }
0x545: {  	v29 =	vadd.s32 v12, v22;
	v30 =	vld.idx.msk [tilespmem:v18+s1+$0x0], $0xffff  }
0x546: {  	v31 =	vadd.s32 v12, v20;
	v32 =	vld.idx.msk [tilespmem:v17+s1+$0x0], $0xffff  }
0x547: {  	v33 =	vadd.s32 v12, v19;
	v24 =	vld.idx.msk [tilespmem:v25+s1+$0x0], $0xffff  }
.Ltmp28:
0x548: {  	v21 =	vld.idx.msk [tilespmem:v23+s1+$0x0], $0xffff;
	v17 =	vadd.s32 v12, v26;
	(pc) =	sbr.rel @p0 .LBB2_58-.Ltmp28, $4  }
0x549: {  	v18 =	vadd.s32 v12, v27;
	v22 =	vld.idx.msk [tilespmem:v28+s1+$0x0], $0xffff  }
0x54a: {  	v20 =	vld.idx.msk [tilespmem:v29+s1+$0x0], $0xffff  }
0x54b: {  	v19 =	vld.idx.msk [tilespmem:v31+s1+$0x0], $0xffff;
	[tilespmem:s15+$0xFFFFFF90] =	vst v30  }
0x54c: {  	s17 =	sadd.s32 $0x80, s17;
	v23 =	vld.idx.msk [tilespmem:v33+s1+$0x0], $0xffff;
	[tilespmem:s15+$0xFFFFFFF0] =	vst v32;
	s15 =	sadd.s32 $0x100, s15  }
0x54d: {  	_ =	sdelay $0x2  }
0x54e: {  	[tilespmem:s15+$0x0] =	vst v24  }
0x54f: {  	[tilespmem:s15+$0xFFFFFFA0] =	vst v21;
	v18 =	vld.idx.msk [tilespmem:v18+s1+$0x0], $0xffff  }
0x550: {  	v17 =	vld.idx.msk [tilespmem:v17+s1+$0x0], $0xffff;
	[tilespmem:s15+$0xFFFFFFB0] =	vst v22  }
0x551: {  	[tilespmem:s15+$0xFFFFFFC0] =	vst v20  }
0x552: {  	[tilespmem:s15+$0xFFFFFFD0] =	vst v19  }
0x553: {  	[tilespmem:s15+$0xFFFFFFE0] =	vst v23  }
0x554: {  	[tilespmem:s15+$0xFFFFFF90] =	vst v18  }
0x555: {  	[tilespmem:s15+$0xFFFFFFF0] =	vst v17  }
0x556: {  	s15 =	rddreg [dreg:$0x15]  }
0x557: {  	[hbm4b:s15+s1] =	stream.linear.scatter [tilespmem:s11], [sflag:$0x3], $0x1000, $0x38;
	[tilespmem:$0x7800] =	vst v63  }
0x558: {  	_ =	swait.ge [sflag:s8], $0xC00  }
0x559: {  	[sflag:s8] =	ssyncset.done $0x0  }
0x55a: {  	[sflag:s8] =	ssyncadd.s32 $0xFFFFF400  }
0x55b: {  	_ =	swait.ge [sflag:s12], $0x1000  }
0x55c: {  	[sflag:s12] =	ssyncset.done $0x0  }
0x55d: {  	s15 =	simm.s32 $0x7040;
	[sflag:s12] =	ssyncadd.s32 $0xFFFFF000  }
0x55e: {  	v17 =	vld [tilespmem:s15+$0x30]  }
0x55f: {  	v18 =	vld [tilespmem:s15+$0xFFFFFFD0]  }
0x560: {  	v19 =	vld [tilespmem:s15+$0xFFFFFFE0]  }
0x561: {  	v20 =	vld [tilespmem:s15+$0xFFFFFFF0]  }
0x562: {  	v21 =	vld [tilespmem:s15+$0x0]  }
0x563: {  	v22 =	vld [tilespmem:s15+$0x10];
	v17 =	vadd.s32 v13, v17  }
0x564: {  	v18 =	vadd.s32 v13, v18  }
0x565: {  	v19 =	vadd.s32 v13, v19  }
0x566: {  	v23 =	vld [tilespmem:s15+$0x20];
	v20 =	vadd.s32 v13, v20  }
0x567: {  	v25 =	vld [tilespmem:s15+$0xFFFFFFC0];
	v26 =	vadd.s32 v13, v21  }
0x568: {  	v27 =	vadd.s32 v13, v22;
	v24 =	vld.idx.msk [tilespmem:v17+s1+$0x0], $0xffff  }
0x569: {  	v21 =	vld.idx.msk [tilespmem:v18+s1+$0x0], $0xffff  }
0x56a: {  	v22 =	vld.idx.msk [tilespmem:v19+s1+$0x0], $0xffff  }
0x56b: {  	v20 =	vld.idx.msk [tilespmem:v20+s1+$0x0], $0xffff  }
0x56c: {  	v19 =	vld.idx.msk [tilespmem:v26+s1+$0x0], $0xffff  }
0x56d: {  	s16 =	simm.s32 $0x5040;
	s17 =	simm.s32 $0x0;
	s20 =	simm.s32 $0x70C0;
	v17 =	vadd.s32 v13, v23;
	v18 =	vadd.s32 v13, v25;
	v23 =	vld.idx.msk [tilespmem:v27+s1+$0x0], $0xffff  }
.LBB2_60:
0x56e: {  	v25 =	vld [tilespmem:s20+$0x30];
	s17 =	sadd.s32 $0x8, s17;
	[tilespmem:s16+$0x30] =	vst v24  }
0x56f: {  	v24 =	vld [tilespmem:s20+$0xFFFFFFD0];
	p0 =	slt.u32 s17, $0x78;
	[tilespmem:s16+$0xFFFFFFD0] =	vst v21  }
0x570: {  	v21 =	vld [tilespmem:s20+$0xFFFFFFE0];
	[tilespmem:s16+$0xFFFFFFE0] =	vst v22  }
0x571: {  	v22 =	vld [tilespmem:s20+$0xFFFFFFF0];
	[tilespmem:s16+$0xFFFFFFF0] =	vst v20  }
0x572: {  	v20 =	vld [tilespmem:s20+$0x0];
	[tilespmem:s16+$0x0] =	vst v19  }
0x573: {  	v19 =	vld [tilespmem:s20+$0x10];
	v25 =	vadd.s32 v13, v25;
	[tilespmem:s16+$0x10] =	vst v23  }
0x574: {  	v23 =	vadd.s32 v13, v24;
	v26 =	vld [tilespmem:s20+$0x20]  }
0x575: {  	v27 =	vld [tilespmem:s20+$0xFFFFFFC0];
	v28 =	vadd.s32 v13, v21  }
0x576: {  	v29 =	vadd.s32 v13, v22;
	v30 =	vld.idx.msk [tilespmem:v18+s1+$0x0], $0xffff  }
0x577: {  	v31 =	vadd.s32 v13, v20;
	v32 =	vld.idx.msk [tilespmem:v17+s1+$0x0], $0xffff  }
0x578: {  	v33 =	vadd.s32 v13, v19;
	v24 =	vld.idx.msk [tilespmem:v25+s1+$0x0], $0xffff  }
.Ltmp29:
0x579: {  	v21 =	vld.idx.msk [tilespmem:v23+s1+$0x0], $0xffff;
	v17 =	vadd.s32 v13, v26;
	(pc) =	sbr.rel @p0 .LBB2_60-.Ltmp29, $4  }
0x57a: {  	v18 =	vadd.s32 v13, v27;
	v22 =	vld.idx.msk [tilespmem:v28+s1+$0x0], $0xffff  }
0x57b: {  	v20 =	vld.idx.msk [tilespmem:v29+s1+$0x0], $0xffff  }
0x57c: {  	v19 =	vld.idx.msk [tilespmem:v31+s1+$0x0], $0xffff;
	[tilespmem:s16+$0xFFFFFFC0] =	vst v30  }
0x57d: {  	s20 =	sadd.s32 $0x80, s20;
	v23 =	vld.idx.msk [tilespmem:v33+s1+$0x0], $0xffff;
	[tilespmem:s16+$0x20] =	vst v32;
	s16 =	sadd.s32 $0x100, s16  }
0x57e: {  	_ =	sdelay $0x2  }
0x57f: {  	[tilespmem:s16+$0x30] =	vst v24  }
0x580: {  	[tilespmem:s16+$0xFFFFFFD0] =	vst v21;
	v18 =	vld.idx.msk [tilespmem:v18+s1+$0x0], $0xffff  }
0x581: {  	v17 =	vld.idx.msk [tilespmem:v17+s1+$0x0], $0xffff;
	[tilespmem:s16+$0xFFFFFFE0] =	vst v22  }
0x582: {  	[tilespmem:s16+$0xFFFFFFF0] =	vst v20  }
0x583: {  	[tilespmem:s16+$0x0] =	vst v19  }
0x584: {  	[tilespmem:s16+$0x10] =	vst v23  }
0x585: {  	[tilespmem:s16+$0xFFFFFFC0] =	vst v18  }
0x586: {  	[tilespmem:s16+$0x20] =	vst v17  }
0x587: {  	v17 =	vld [tilespmem:s15+$0x30]  }
0x588: {  	v18 =	vld [tilespmem:s15+$0xFFFFFFD0]  }
0x589: {  	v19 =	vld [tilespmem:s15+$0xFFFFFFE0]  }
0x58a: {  	v20 =	vld [tilespmem:s15+$0xFFFFFFF0]  }
0x58b: {  	v21 =	vld [tilespmem:s15+$0x0]  }
0x58c: {  	v22 =	vld [tilespmem:s15+$0x10];
	v17 =	vadd.s32 v14, v17  }
0x58d: {  	v18 =	vadd.s32 v14, v18  }
0x58e: {  	v19 =	vadd.s32 v14, v19  }
0x58f: {  	v23 =	vld [tilespmem:s15+$0x20];
	v20 =	vadd.s32 v14, v20  }
0x590: {  	v25 =	vld [tilespmem:s15+$0xFFFFFFC0];
	v26 =	vadd.s32 v14, v21  }
0x591: {  	v27 =	vadd.s32 v14, v22;
	v24 =	vld.idx.msk [tilespmem:v17+s1+$0x0], $0xffff  }
0x592: {  	v21 =	vld.idx.msk [tilespmem:v18+s1+$0x0], $0xffff  }
0x593: {  	v22 =	vld.idx.msk [tilespmem:v19+s1+$0x0], $0xffff  }
0x594: {  	v20 =	vld.idx.msk [tilespmem:v20+s1+$0x0], $0xffff  }
0x595: {  	v19 =	vld.idx.msk [tilespmem:v26+s1+$0x0], $0xffff  }
0x596: {  	s17 =	simm.s32 $0x70C0;
	s16 =	simm.s32 $0x0;
	s15 =	simm.s32 $0x50F0;
	v17 =	vadd.s32 v14, v23;
	v18 =	vadd.s32 v14, v25;
	v23 =	vld.idx.msk [tilespmem:v27+s1+$0x0], $0xffff  }
.LBB2_62:
0x597: {  	v25 =	vld [tilespmem:s17+$0x30];
	s16 =	sadd.s32 $0x8, s16;
	[tilespmem:s15+$0x0] =	vst v24  }
0x598: {  	v24 =	vld [tilespmem:s17+$0xFFFFFFD0];
	p0 =	slt.u32 s16, $0x78;
	[tilespmem:s15+$0xFFFFFFA0] =	vst v21  }
0x599: {  	v21 =	vld [tilespmem:s17+$0xFFFFFFE0];
	[tilespmem:s15+$0xFFFFFFB0] =	vst v22  }
0x59a: {  	v22 =	vld [tilespmem:s17+$0xFFFFFFF0];
	[tilespmem:s15+$0xFFFFFFC0] =	vst v20  }
0x59b: {  	v20 =	vld [tilespmem:s17+$0x0];
	[tilespmem:s15+$0xFFFFFFD0] =	vst v19  }
0x59c: {  	v19 =	vld [tilespmem:s17+$0x10];
	v25 =	vadd.s32 v14, v25;
	[tilespmem:s15+$0xFFFFFFE0] =	vst v23  }
0x59d: {  	v23 =	vadd.s32 v14, v24;
	v26 =	vld [tilespmem:s17+$0x20]  }
0x59e: {  	v27 =	vld [tilespmem:s17+$0xFFFFFFC0];
	v28 =	vadd.s32 v14, v21  }
0x59f: {  	v29 =	vadd.s32 v14, v22;
	v30 =	vld.idx.msk [tilespmem:v18+s1+$0x0], $0xffff  }
0x5a0: {  	v31 =	vadd.s32 v14, v20;
	v32 =	vld.idx.msk [tilespmem:v17+s1+$0x0], $0xffff  }
0x5a1: {  	v33 =	vadd.s32 v14, v19;
	v24 =	vld.idx.msk [tilespmem:v25+s1+$0x0], $0xffff  }
.Ltmp30:
0x5a2: {  	v21 =	vld.idx.msk [tilespmem:v23+s1+$0x0], $0xffff;
	v17 =	vadd.s32 v14, v26;
	(pc) =	sbr.rel @p0 .LBB2_62-.Ltmp30, $4  }
0x5a3: {  	v18 =	vadd.s32 v14, v27;
	v22 =	vld.idx.msk [tilespmem:v28+s1+$0x0], $0xffff  }
0x5a4: {  	v20 =	vld.idx.msk [tilespmem:v29+s1+$0x0], $0xffff  }
0x5a5: {  	v19 =	vld.idx.msk [tilespmem:v31+s1+$0x0], $0xffff;
	[tilespmem:s15+$0xFFFFFF90] =	vst v30  }
0x5a6: {  	s17 =	sadd.s32 $0x80, s17;
	v23 =	vld.idx.msk [tilespmem:v33+s1+$0x0], $0xffff;
	[tilespmem:s15+$0xFFFFFFF0] =	vst v32;
	s15 =	sadd.s32 $0x100, s15  }
0x5a7: {  	_ =	sdelay $0x2  }
0x5a8: {  	[tilespmem:s15+$0x0] =	vst v24  }
0x5a9: {  	[tilespmem:s15+$0xFFFFFFA0] =	vst v21;
	v18 =	vld.idx.msk [tilespmem:v18+s1+$0x0], $0xffff  }
0x5aa: {  	v17 =	vld.idx.msk [tilespmem:v17+s1+$0x0], $0xffff;
	[tilespmem:s15+$0xFFFFFFB0] =	vst v22  }
0x5ab: {  	[tilespmem:s15+$0xFFFFFFC0] =	vst v20  }
0x5ac: {  	[tilespmem:s15+$0xFFFFFFD0] =	vst v19  }
0x5ad: {  	[tilespmem:s15+$0xFFFFFFE0] =	vst v23  }
0x5ae: {  	[tilespmem:s15+$0xFFFFFF90] =	vst v18  }
0x5af: {  	[tilespmem:s15+$0xFFFFFFF0] =	vst v17  }
0x5b0: {  	s15 =	rddreg [dreg:$0x16]  }
0x5b1: {  	[hbm4b:s15+s1] =	stream.linear.scatter [tilespmem:s9], [sflag:$0x2], $0x1000, $0x38;
	[tilespmem:$0x7800] =	vst v63  }
0x5b2: {  	_ =	swait.ge [sflag:s8], $0xC00  }
0x5b3: {  	[sflag:s8] =	ssyncset.done $0x0  }
0x5b4: {  	[sflag:s8] =	ssyncadd.s32 $0xFFFFF400  }
0x5b5: {  	_ =	swait.ge [sflag:s13], $0x1000  }
0x5b6: {  	[sflag:s13] =	ssyncset.done $0x0  }
0x5b7: {  	s15 =	simm.s32 $0x7040;
	[sflag:s13] =	ssyncadd.s32 $0xFFFFF000  }
0x5b8: {  	v17 =	vld [tilespmem:s15+$0x30]  }
0x5b9: {  	v18 =	vld [tilespmem:s15+$0xFFFFFFD0]  }
0x5ba: {  	v19 =	vld [tilespmem:s15+$0xFFFFFFE0]  }
0x5bb: {  	v20 =	vld [tilespmem:s15+$0xFFFFFFF0]  }
0x5bc: {  	v21 =	vld [tilespmem:s15+$0x0]  }
0x5bd: {  	v22 =	vld [tilespmem:s15+$0x10];
	v17 =	vadd.s32 v15, v17  }
0x5be: {  	v18 =	vadd.s32 v15, v18  }
0x5bf: {  	v19 =	vadd.s32 v15, v19  }
0x5c0: {  	v23 =	vld [tilespmem:s15+$0x20];
	v20 =	vadd.s32 v15, v20  }
0x5c1: {  	v25 =	vld [tilespmem:s15+$0xFFFFFFC0];
	v26 =	vadd.s32 v15, v21  }
0x5c2: {  	v27 =	vadd.s32 v15, v22;
	v24 =	vld.idx.msk [tilespmem:v17+s1+$0x0], $0xffff  }
0x5c3: {  	v21 =	vld.idx.msk [tilespmem:v18+s1+$0x0], $0xffff  }
0x5c4: {  	v22 =	vld.idx.msk [tilespmem:v19+s1+$0x0], $0xffff  }
0x5c5: {  	v20 =	vld.idx.msk [tilespmem:v20+s1+$0x0], $0xffff  }
0x5c6: {  	v19 =	vld.idx.msk [tilespmem:v26+s1+$0x0], $0xffff  }
0x5c7: {  	s16 =	simm.s32 $0x6070;
	s17 =	simm.s32 $0x0;
	s20 =	simm.s32 $0x70C0;
	v17 =	vadd.s32 v15, v23;
	v18 =	vadd.s32 v15, v25;
	v23 =	vld.idx.msk [tilespmem:v27+s1+$0x0], $0xffff  }
.LBB2_64:
0x5c8: {  	v25 =	vld [tilespmem:s20+$0x30];
	s17 =	sadd.s32 $0x8, s17;
	[tilespmem:s16+$0x0] =	vst v24  }
0x5c9: {  	v24 =	vld [tilespmem:s20+$0xFFFFFFD0];
	p0 =	slt.u32 s17, $0x78;
	[tilespmem:s16+$0xFFFFFFA0] =	vst v21  }
0x5ca: {  	v21 =	vld [tilespmem:s20+$0xFFFFFFE0];
	[tilespmem:s16+$0xFFFFFFB0] =	vst v22  }
0x5cb: {  	v22 =	vld [tilespmem:s20+$0xFFFFFFF0];
	[tilespmem:s16+$0xFFFFFFC0] =	vst v20  }
0x5cc: {  	v20 =	vld [tilespmem:s20+$0x0];
	[tilespmem:s16+$0xFFFFFFD0] =	vst v19  }
0x5cd: {  	v19 =	vld [tilespmem:s20+$0x10];
	v25 =	vadd.s32 v15, v25;
	[tilespmem:s16+$0xFFFFFFE0] =	vst v23  }
0x5ce: {  	v23 =	vadd.s32 v15, v24;
	v26 =	vld [tilespmem:s20+$0x20]  }
0x5cf: {  	v27 =	vld [tilespmem:s20+$0xFFFFFFC0];
	v28 =	vadd.s32 v15, v21  }
0x5d0: {  	v29 =	vadd.s32 v15, v22;
	v30 =	vld.idx.msk [tilespmem:v18+s1+$0x0], $0xffff  }
0x5d1: {  	v31 =	vadd.s32 v15, v20;
	v32 =	vld.idx.msk [tilespmem:v17+s1+$0x0], $0xffff  }
0x5d2: {  	v33 =	vadd.s32 v15, v19;
	v24 =	vld.idx.msk [tilespmem:v25+s1+$0x0], $0xffff  }
.Ltmp31:
0x5d3: {  	v21 =	vld.idx.msk [tilespmem:v23+s1+$0x0], $0xffff;
	v17 =	vadd.s32 v15, v26;
	(pc) =	sbr.rel @p0 .LBB2_64-.Ltmp31, $4  }
0x5d4: {  	v18 =	vadd.s32 v15, v27;
	v22 =	vld.idx.msk [tilespmem:v28+s1+$0x0], $0xffff  }
0x5d5: {  	v20 =	vld.idx.msk [tilespmem:v29+s1+$0x0], $0xffff  }
0x5d6: {  	v19 =	vld.idx.msk [tilespmem:v31+s1+$0x0], $0xffff;
	[tilespmem:s16+$0xFFFFFF90] =	vst v30  }
0x5d7: {  	s20 =	sadd.s32 $0x80, s20;
	v23 =	vld.idx.msk [tilespmem:v33+s1+$0x0], $0xffff;
	[tilespmem:s16+$0xFFFFFFF0] =	vst v32;
	s16 =	sadd.s32 $0x100, s16  }
0x5d8: {  	_ =	sdelay $0x2  }
0x5d9: {  	[tilespmem:s16+$0x0] =	vst v24  }
0x5da: {  	[tilespmem:s16+$0xFFFFFFA0] =	vst v21;
	v18 =	vld.idx.msk [tilespmem:v18+s1+$0x0], $0xffff  }
0x5db: {  	v17 =	vld.idx.msk [tilespmem:v17+s1+$0x0], $0xffff;
	[tilespmem:s16+$0xFFFFFFB0] =	vst v22  }
0x5dc: {  	[tilespmem:s16+$0xFFFFFFC0] =	vst v20  }
0x5dd: {  	[tilespmem:s16+$0xFFFFFFD0] =	vst v19  }
0x5de: {  	[tilespmem:s16+$0xFFFFFFE0] =	vst v23  }
0x5df: {  	[tilespmem:s16+$0xFFFFFF90] =	vst v18  }
0x5e0: {  	[tilespmem:s16+$0xFFFFFFF0] =	vst v17  }
0x5e1: {  	v17 =	vld [tilespmem:s15+$0x30]  }
0x5e2: {  	v18 =	vld [tilespmem:s15+$0xFFFFFFD0]  }
0x5e3: {  	v19 =	vld [tilespmem:s15+$0xFFFFFFE0]  }
0x5e4: {  	v20 =	vld [tilespmem:s15+$0xFFFFFFF0]  }
0x5e5: {  	v21 =	vld [tilespmem:s15+$0x0]  }
0x5e6: {  	v22 =	vld [tilespmem:s15+$0x10];
	v17 =	vadd.s32 v16, v17  }
0x5e7: {  	v18 =	vadd.s32 v16, v18  }
0x5e8: {  	v19 =	vadd.s32 v16, v19  }
0x5e9: {  	v23 =	vld [tilespmem:s15+$0x20];
	v20 =	vadd.s32 v16, v20  }
0x5ea: {  	v25 =	vld [tilespmem:s15+$0xFFFFFFC0];
	v26 =	vadd.s32 v16, v21  }
0x5eb: {  	v27 =	vadd.s32 v16, v22;
	v24 =	vld.idx.msk [tilespmem:v17+s1+$0x0], $0xffff  }
0x5ec: {  	v21 =	vld.idx.msk [tilespmem:v18+s1+$0x0], $0xffff  }
0x5ed: {  	v22 =	vld.idx.msk [tilespmem:v19+s1+$0x0], $0xffff  }
0x5ee: {  	v20 =	vld.idx.msk [tilespmem:v20+s1+$0x0], $0xffff  }
0x5ef: {  	v19 =	vld.idx.msk [tilespmem:v26+s1+$0x0], $0xffff  }
0x5f0: {  	s17 =	simm.s32 $0x70C0;
	s16 =	simm.s32 $0x0;
	s15 =	simm.s32 $0x60F0;
	v17 =	vadd.s32 v16, v23;
	v18 =	vadd.s32 v16, v25;
	v23 =	vld.idx.msk [tilespmem:v27+s1+$0x0], $0xffff  }
.LBB2_66:
0x5f1: {  	v25 =	vld [tilespmem:s17+$0x30];
	s16 =	sadd.s32 $0x8, s16;
	[tilespmem:s15+$0x0] =	vst v24  }
0x5f2: {  	v24 =	vld [tilespmem:s17+$0xFFFFFFD0];
	p0 =	slt.u32 s16, $0x78;
	[tilespmem:s15+$0xFFFFFFA0] =	vst v21  }
0x5f3: {  	v21 =	vld [tilespmem:s17+$0xFFFFFFE0];
	[tilespmem:s15+$0xFFFFFFB0] =	vst v22  }
0x5f4: {  	v22 =	vld [tilespmem:s17+$0xFFFFFFF0];
	[tilespmem:s15+$0xFFFFFFC0] =	vst v20  }
0x5f5: {  	v20 =	vld [tilespmem:s17+$0x0];
	[tilespmem:s15+$0xFFFFFFD0] =	vst v19  }
0x5f6: {  	v19 =	vld [tilespmem:s17+$0x10];
	v25 =	vadd.s32 v16, v25;
	[tilespmem:s15+$0xFFFFFFE0] =	vst v23  }
0x5f7: {  	v23 =	vadd.s32 v16, v24;
	v26 =	vld [tilespmem:s17+$0x20]  }
0x5f8: {  	v27 =	vld [tilespmem:s17+$0xFFFFFFC0];
	v28 =	vadd.s32 v16, v21  }
0x5f9: {  	v29 =	vadd.s32 v16, v22;
	v30 =	vld.idx.msk [tilespmem:v18+s1+$0x0], $0xffff  }
0x5fa: {  	v31 =	vadd.s32 v16, v20;
	v32 =	vld.idx.msk [tilespmem:v17+s1+$0x0], $0xffff  }
0x5fb: {  	v33 =	vadd.s32 v16, v19;
	v24 =	vld.idx.msk [tilespmem:v25+s1+$0x0], $0xffff  }
.Ltmp32:
0x5fc: {  	v21 =	vld.idx.msk [tilespmem:v23+s1+$0x0], $0xffff;
	v17 =	vadd.s32 v16, v26;
	(pc) =	sbr.rel @p0 .LBB2_66-.Ltmp32, $4  }
0x5fd: {  	v18 =	vadd.s32 v16, v27;
	v22 =	vld.idx.msk [tilespmem:v28+s1+$0x0], $0xffff  }
0x5fe: {  	v20 =	vld.idx.msk [tilespmem:v29+s1+$0x0], $0xffff  }
0x5ff: {  	v19 =	vld.idx.msk [tilespmem:v31+s1+$0x0], $0xffff;
	[tilespmem:s15+$0xFFFFFF90] =	vst v30  }
0x600: {  	s17 =	sadd.s32 $0x80, s17;
	v23 =	vld.idx.msk [tilespmem:v33+s1+$0x0], $0xffff;
	[tilespmem:s15+$0xFFFFFFF0] =	vst v32;
	s15 =	sadd.s32 $0x100, s15  }
0x601: {  	_ =	sdelay $0x2  }
0x602: {  	[tilespmem:s15+$0x0] =	vst v24  }
0x603: {  	[tilespmem:s15+$0xFFFFFFA0] =	vst v21;
	v18 =	vld.idx.msk [tilespmem:v18+s1+$0x0], $0xffff  }
0x604: {  	v17 =	vld.idx.msk [tilespmem:v17+s1+$0x0], $0xffff;
	[tilespmem:s15+$0xFFFFFFB0] =	vst v22  }
0x605: {  	[tilespmem:s15+$0xFFFFFFC0] =	vst v20  }
0x606: {  	[tilespmem:s15+$0xFFFFFFD0] =	vst v19  }
0x607: {  	[tilespmem:s15+$0xFFFFFFE0] =	vst v23  }
0x608: {  	[tilespmem:s15+$0xFFFFFF90] =	vst v18  }
0x609: {  	s14 =	sadd.s32 $0x1, s14;
	[tilespmem:s15+$0xFFFFFFF0] =	vst v17  }
0x60a: {  	[hbm4b:s23+s1] =	stream.linear.scatter [tilespmem:s11], [sflag:$0x3], $0x1000, $0x38;
	[tilespmem:$0x7800] =	vst v63  }
0x60b: {  	p0 =	sne.s32 s14, s4;
	_ =	swait.ge [sflag:s12], $0x1000  }
.Ltmp33:
0x60c: {  	[sflag:s12] =	ssyncset.done $0x0;
	(pc) =	sbr.rel @p0 .LBB2_1-.Ltmp33, $4  }
0x60d: {  	[sflag:s12] =	ssyncadd.s32 $0xFFFFF000  }
0x60e: {  	_ =	swait.ge [sflag:s13], $0x1000  }
0x60f: {  	[sflag:s13] =	ssyncset.done $0x0  }
0x610: {  	[sflag:s13] =	ssyncadd.s32 $0xFFFFF000  }
0x611: {  	_ =	sfence.sel $0x180000  }
0x612: {  	[bflag:$0x0] =	sbarrier.arrive $0xFFFF  }
0x613: {  	_ =	strace $0x90000047  }
0x614: {  	s0 =	stileid.u32;
	[bflag:$0x2] =	sbarrier.arrive $0xFFFF  }
0x615: {  	p0 =	sne.s32 s0, $0x0;
	s0 =	rddreg [dreg:$0x3]  }
0x616: {  	s0 =	sadd.s32 @!p0 $0x100000, s0  }
0x617: {  	[sflag:s0] =	ssyncadd.tile.s32 @!p0 $0x1;
	_ =	shalt  }
.Lfunc_end2:
_tile_overlayer_lowered:
.L_overlay_start_2:
0x618: {  	(tag) =	ssettag $0x2  }
0x619: {  	s0 =	rddreg [dreg:$0x0];
	s2 =	stileid.u32  }
0x61a: {  	s1 =	rddreg [dreg:$0x1];
	p0 =	sne.s32 s2, $0x0  }
0x61b: {  	s3 =	rddreg [dreg:$0x2];
	[bflag:$0x3] =	sbarrier.arrive $0xFFFF;
	s2 =	simm.s32 @!p0 $0x1C04  }
0x61c: {  	[timem:s3], [sflag:s2] =	dma.local @!p0 [hbm:s0], s1  }
0x61d: {  	s0 =	simm.s32 @!p0 $0x4  }
0x61e: {  	_ =	swait.ge @!p0 [sflag:s0], s1  }
0x61f: {  	s1 =	ssub.s32 @!p0 $0x0, s1;
	[sflag:s0] =	ssyncset.done @!p0 $0x0  }
0x620: {  	[sflag:s0] =	ssyncadd.s32 @!p0 s1  }
0x621: {  	[bflag:$0x3] =	sbarrier.arrive $0xFFFF  }
0x622: {  	_ =	shalt  }

</sc_bundles>
